<compile_context>
chip_gen: v7x
topology: tpu7x:2x2x1
jax: 0.10.2.dev20260603
libtpu: 0.0.44.dev20260713+nightly
codegen_flags: <defaults>
</compile_context>

<pallas_src>
import functools

import jax
import jax.numpy as jnp
from jax import lax
from jax.experimental import pallas as pl
from jax.experimental.pallas import tpu as pltpu
from jax.experimental.pallas import tpu_sc as plsc

HEADS = 8
DIM_HEAD = 64
N_POINTS = 8
DIM = 768
INNER = HEADS * DIM_HEAD
GRID = 32
HW = GRID * GRID
B = 4
N = 64
HP = HEADS * N_POINTS


def _gelu_exact(x):
    return 0.5 * x * (1.0 + lax.erf(x * (2.0 ** -0.5)))



def _exact_sel(P, x):
    hi = x.astype(jnp.bfloat16).astype(jnp.float32)
    r1 = x - hi
    mid = r1.astype(jnp.bfloat16).astype(jnp.float32)
    lo = r1 - mid
    d = lambda t: jnp.dot(P, t, preferred_element_type=jnp.float32)
    return d(hi) + (d(mid) + d(lo))


def _stage1(x_ref, xo_ref, ctx_ref, Wv_ref, oW1_ref, ob1_ref, oW2_ref,
            ob2_ref, aW1_ref, ab1_ref, aW2_ref, ab2_ref, vt_ref, idx_ref,
            w_ref):
    b = pl.program_id(0)
    ctx = ctx_ref[0]

    v = jnp.dot(ctx, Wv_ref[...], preferred_element_type=jnp.float32)
    for h in range(HEADS):
        vh = v[:, h * DIM_HEAD:(h + 1) * DIM_HEAD]
        vt_ref[h * HW:(h + 1) * HW, 0:DIM_HEAD] = vh
        vt_ref[h * HW:(h + 1) * HW, DIM_HEAD:2 * DIM_HEAD] = jnp.concatenate(
            [vh[1:], vh[HW - 1:HW]], axis=0)

    x_b = x_ref[0]
    h_aw = _gelu_exact(jnp.dot(x_b, aW1_ref[...],
                               preferred_element_type=jnp.float32)
                       + ab1_ref[...])
    logits = jnp.dot(h_aw, aW2_ref[...],
                     preferred_element_type=jnp.float32) + ab2_ref[...]
    e = jnp.exp(logits)
    ci = lax.broadcasted_iota(jnp.int32, (HP, HP), 0) // N_POINTS
    cj = lax.broadcasted_iota(jnp.int32, (HP, HP), 1) // N_POINTS
    S = (ci == cj).astype(jnp.float32)
    attw = jnp.transpose(
        e / jnp.dot(e, S, preferred_element_type=jnp.float32))

    xo_b = xo_ref[0]
    h_off = _gelu_exact(jnp.dot(xo_b, oW1_ref[...],
                                preferred_element_type=jnp.float32)
                        + ob1_ref[...])
    t2 = jnp.transpose(jnp.tanh(
        jnp.dot(h_off, oW2_ref[...],
                preferred_element_type=jnp.float32) + ob2_ref[...]))
    pi = lax.broadcasted_iota(jnp.int32, (HP, 2 * HP), 0)
    pj = lax.broadcasted_iota(jnp.int32, (HP, 2 * HP), 1)
    gx = _exact_sel((pj == 2 * pi).astype(jnp.float32), t2)
    gy = _exact_sel((pj == 2 * pi + 1).astype(jnp.float32), t2)

    half = (GRID - 1) * 0.5
    ix = (gx + 1.0) * half
    iy = (gy + 1.0) * half
    ix0f = jnp.floor(ix)
    iy0f = jnp.floor(iy)
    wx1 = ix - ix0f
    wx0 = 1.0 - wx1
    wy1 = iy - iy0f
    wy0 = 1.0 - wy1
    ix0 = ix0f.astype(jnp.int32)
    iy0 = iy0f.astype(jnp.int32)
    iy1 = jnp.minimum(iy0 + 1, GRID - 1)

    hrow = lax.broadcasted_iota(jnp.int32, (HP, N), 0) // N_POINTS
    mapbase = (b * HEADS + hrow) * HW

    for c, (cy, cwy) in enumerate(((iy0, wy0), (iy1, wy1))):
        idx_ref[0, c] = mapbase + cy * GRID + ix0
        w_ref[0, c, 0] = attw * cwy * wx0
        w_ref[0, c, 1] = attw * cwy * wx1



def _sc_body(table, idx_hbm, w_hbm, out_hbm, idx_v, w2_v, w_v, G_v, acc_v,
             sem, gsem0, gsem1):
    gsems = (gsem0, gsem1)
    c = lax.axis_index("c")
    s = lax.axis_index("s")
    wid = c * 16 + s
    b = wid // HEADS
    h = wid % HEADS

    stage = []
    for corner in range(2):
        stage.append(pltpu.make_async_copy(
            idx_hbm.at[b, corner, pl.ds(h * N_POINTS, N_POINTS)],
            idx_v.at[pl.ds(corner * N_POINTS, N_POINTS)], sem))
        for y in range(2):
            blk = corner * 2 + y
            stage.append(pltpu.make_async_copy(
                w_hbm.at[b, corner, y, pl.ds(h * N_POINTS, N_POINTS)],
                w2_v.at[pl.ds(blk * N_POINTS, N_POINTS)], sem))
    for cp in stage:
        cp.start()
    for cp in stage:
        cp.wait()
    for j in range(4 * N_POINTS):
        for k in range(4):
            w_v[pl.ds(j * N + k * 16, 16)] = w2_v[j, k * 16:(k + 1) * 16]

    NR = 4
    ROUNDS = 16 // NR

    def fire(r, buf):
        cps = []
        for j in range(NR):
            cps.append(pltpu.make_async_copy(
                table.at[idx_v.at[r * NR + j]],
                G_v.at[pl.ds((buf * NR + j) * N, N)], gsems[buf]))
        for cp in cps:
            cp.start()
        return cps

    pend = fire(0, 0)
    for r in range(ROUNDS):
        nxt = fire(r + 1, (r + 1) % 2) if r + 1 < ROUNDS else None
        for cp in pend:
            cp.wait()
        buf = r % 2

        def nbody(n, _, r=r, buf=buf):
            nvec = jnp.full((16,), n, dtype=jnp.int32)
            accs = [None] * 4
            for j in range(NR):
                jj = r * NR + j
                cnr = jj // N_POINTS
                p = jj % N_POINTS
                wbA = plsc.load_gather(
                    w_v, [nvec + ((cnr * 2 + 0) * N_POINTS + p) * N])
                wbB = plsc.load_gather(
                    w_v, [nvec + ((cnr * 2 + 1) * N_POINTS + p) * N])
                row = (buf * NR + j) * N + n
                for k in range(4):
                    gA = G_v[row, k * 16:(k + 1) * 16]
                    gB = G_v[row, DIM_HEAD + k * 16:DIM_HEAD + (k + 1) * 16]
                    t = wbA * gA + wbB * gB
                    accs[k] = t if accs[k] is None else accs[k] + t
            for k in range(4):
                if r == 0:
                    acc_v[n, k * 16:(k + 1) * 16] = accs[k]
                else:
                    acc_v[n, k * 16:(k + 1) * 16] = (
                        acc_v[n, k * 16:(k + 1) * 16] + accs[k])
            return 0

        lax.fori_loop(0, N, nbody, 0)
        pend = nxt

    pltpu.sync_copy(acc_v, out_hbm.at[b, h])



def _stage3(s_ref, pW_ref, pb_ref, out_ref):
    acc = None
    for h in range(HEADS):
        t = jnp.dot(s_ref[0, h], pW_ref[h * DIM_HEAD:(h + 1) * DIM_HEAD],
                    preferred_element_type=jnp.float32)
        acc = t if acc is None else acc + t
    out_ref[0] = acc + pb_ref[...]



@jax.jit
def kernel(x, context, W_q, W_v, off_W1, off_b1, off_W2, off_b2,
           aw_W1, aw_b1, aw_W2, aw_b2, out_W, out_b):
    x_perm = jnp.transpose(x.reshape(4, 16, 4, DIM), (2, 0, 1, 3)).reshape(
        B, N, DIM)
    full = lambda *s: pl.BlockSpec(s, lambda b: (0,) * len(s))

    vt, idx, w = pl.pallas_call(
        _stage1,
        grid=(B,),
        in_specs=[
            pl.BlockSpec((1, N, DIM), lambda b: (b, 0, 0)),
            pl.BlockSpec((1, N, DIM), lambda b: (b, 0, 0)),
            pl.BlockSpec((1, HW, DIM), lambda b: (b, 0, 0)),
            full(DIM, INNER),
            full(DIM, DIM),
            full(1, DIM),
            full(DIM, 2 * HP),
            full(1, 2 * HP),
            full(DIM, DIM),
            full(1, DIM),
            full(DIM, HP),
            full(1, HP),
        ],
        out_specs=[
            pl.BlockSpec((HEADS * HW, 2 * DIM_HEAD), lambda b: (b, 0)),
            pl.BlockSpec((1, 2, HP, N), lambda b: (b, 0, 0, 0)),
            pl.BlockSpec((1, 2, 2, HP, N), lambda b: (b, 0, 0, 0, 0)),
        ],
        out_shape=[
            jax.ShapeDtypeStruct((B * HEADS * HW, 2 * DIM_HEAD), jnp.float32),
            jax.ShapeDtypeStruct((B, 2, HP, N), jnp.int32),
            jax.ShapeDtypeStruct((B, 2, 2, HP, N), jnp.float32),
        ],
    )(x, x_perm, context, W_v,
      off_W1, off_b1.reshape(1, -1), off_W2, off_b2.reshape(1, -1),
      aw_W1, aw_b1.reshape(1, -1), aw_W2, aw_b2.reshape(1, -1))

    mesh = plsc.VectorSubcoreMesh(core_axis_name="c", subcore_axis_name="s")
    sampled = pl.kernel(
        _sc_body,
        out_type=jax.ShapeDtypeStruct((B, HEADS, N, DIM_HEAD), jnp.float32),
        mesh=mesh,
        compiler_params=pltpu.CompilerParams(needs_layout_passes=False,
                                             use_tc_tiling_on_sc=True),
        scratch_types=[
            pltpu.VMEM((2 * N_POINTS, N), jnp.int32),
            pltpu.VMEM((4 * N_POINTS, N), jnp.float32),
            pltpu.VMEM((4 * N_POINTS * N,), jnp.float32),
            pltpu.VMEM((8 * N, 2 * DIM_HEAD), jnp.float32),
            pltpu.VMEM((N, DIM_HEAD), jnp.float32),
            pltpu.SemaphoreType.DMA,
            pltpu.SemaphoreType.DMA,
            pltpu.SemaphoreType.DMA,
        ],
    )(vt, idx, w)

    out = pl.pallas_call(
        _stage3,
        grid=(B,),
        in_specs=[
            pl.BlockSpec((1, HEADS, N, DIM_HEAD), lambda b: (b, 0, 0, 0)),
            full(INNER, DIM),
            full(1, DIM),
        ],
        out_specs=pl.BlockSpec((1, N, DIM), lambda b: (b, 0, 0)),
        out_shape=jax.ShapeDtypeStruct((B, N, DIM), jnp.float32),
    )(sampled, out_W, out_b.reshape(1, -1))
    return out

# --- scband reference (transcript-rebuilt; emitter-appended) ---
"""Pipeline reference for scband-deformable-cross-attention-36584531427680 (READ-ONLY COPY).

The authoritative reference and input builder live on the scoring server;
editing this copy changes nothing except your own understanding.
"""

import jax, jax.numpy as jnp
import numpy as np

HEADS = 8
DIM_HEAD = 64
N_POINTS = 8
DIM = 768
CTX_DIM = 768
INNER = HEADS * DIM_HEAD


def setup_inputs(seed: int = 0) -> dict:
    key = jax.random.key(seed)
    ks = jax.random.split(key, 14)
    B, N, HW = 4, 64, 1024
    s = 0.02
    return {
        "x": jax.random.normal(ks[0], (B, N, DIM), dtype=jnp.float32),
        "context": jax.random.normal(ks[1], (B, HW, CTX_DIM), dtype=jnp.float32),
        "W_q": jax.random.normal(ks[2], (DIM, INNER), dtype=jnp.float32) * s,
        "W_v": jax.random.normal(ks[3], (CTX_DIM, INNER), dtype=jnp.float32) * s,
        "off_W1": jax.random.normal(ks[4], (DIM, DIM), dtype=jnp.float32) * s,
        "off_b1": jnp.zeros((DIM,), dtype=jnp.float32),
        "off_W2": jax.random.normal(ks[5], (DIM, HEADS * N_POINTS * 2), dtype=jnp.float32) * s,
        "off_b2": jnp.zeros((HEADS * N_POINTS * 2,), dtype=jnp.float32),
        "aw_W1": jax.random.normal(ks[6], (DIM, DIM), dtype=jnp.float32) * s,
        "aw_b1": jnp.zeros((DIM,), dtype=jnp.float32),
        "aw_W2": jax.random.normal(ks[7], (DIM, HEADS * N_POINTS), dtype=jnp.float32) * s,
        "aw_b2": jnp.zeros((HEADS * N_POINTS,), dtype=jnp.float32),
        "out_W": jax.random.normal(ks[8], (INNER, DIM), dtype=jnp.float32) * s,
        "out_b": jnp.zeros((DIM,), dtype=jnp.float32),
    }


def _grid_sample(inp, grid):
    # Faithful port of torch.nn.functional.grid_sample(mode='bilinear',
    # padding_mode='zeros', align_corners=True).
    # inp: (N, C, H, W); grid: (N, Hg, Wg, 2) with xy in [-1, 1].
    N, C, H, W = inp.shape
    gx = grid[..., 0]
    gy = grid[..., 1]
    ix = (gx + 1.0) * 0.5 * (W - 1)
    iy = (gy + 1.0) * 0.5 * (H - 1)
    ix0 = jnp.floor(ix)
    iy0 = jnp.floor(iy)
    ix1 = ix0 + 1.0
    iy1 = iy0 + 1.0
    wx1 = ix - ix0
    wx0 = 1.0 - wx1
    wy1 = iy - iy0
    wy0 = 1.0 - wy1
    bidx = jnp.arange(N)[:, None, None]

    def corner(iyc, ixc, wt):
        valid = (ixc >= 0) & (ixc <= W - 1) & (iyc >= 0) & (iyc <= H - 1)
        ixg = jnp.clip(ixc, 0, W - 1).astype(jnp.int32)
        iyg = jnp.clip(iyc, 0, H - 1).astype(jnp.int32)
        v = inp[bidx, :, iyg, ixg]  # (N, Hg, Wg, C)
        return v * (wt * valid.astype(inp.dtype))[..., None]

    out = (corner(iy0, ix0, wy0 * wx0) + corner(iy0, ix1, wy0 * wx1)
           + corner(iy1, ix0, wy1 * wx0) + corner(iy1, ix1, wy1 * wx1))
    return jnp.transpose(out, (0, 3, 1, 2))  # (N, C, Hg, Wg)


def _forward(x, context, W_q, W_v, off_W1, off_b1, off_W2, off_b2,
             aw_W1, aw_b1, aw_W2, aw_b2, out_W, out_b):
    B, N, _ = x.shape
    ctx_len = context.shape[1]
    H = W = int(ctx_len ** 0.5)

    q = x @ W_q  # computed in the original forward but unused

    v = context @ W_v  # (B, H*W, INNER)
    v = v.reshape(B, H, W, HEADS, DIM_HEAD)
    v = jnp.transpose(v, (0, 3, 1, 2, 4))  # b nh h w dh
    v_for_query = jnp.transpose(v, (0, 1, 4, 2, 3)).reshape(B * HEADS, DIM_HEAD, H, W)

    h_off = jax.nn.gelu(x @ off_W1 + off_b1, approximate=False)
    off = h_off @ off_W2 + off_b2
    off = jnp.tanh(off).reshape(B, N, HEADS, N_POINTS, 2)
    # reference_points are zeros, so sampling_locations == tanh(offsets)
    sampling_grids = off.reshape(B * N * HEADS, N_POINTS, 1, 2)

    h_aw = jax.nn.gelu(x @ aw_W1 + aw_b1, approximate=False)
    attw = (h_aw @ aw_W2 + aw_b2).reshape(B, N, HEADS, N_POINTS)
    attw = jax.nn.softmax(attw, axis=-1)

    samples = []
    for qi in range(N):
        # faithful to the original slicing (layout is (b n h), slice stride B*HEADS)
        g = sampling_grids[qi * B * HEADS:(qi + 1) * B * HEADS]
        s = _grid_sample(v_for_query, g)  # (B*HEADS, DIM_HEAD, N_POINTS, 1)
        samples.append(s[..., 0])
    v_sampled = jnp.stack(samples, axis=1)  # (B*HEADS, N, DIM_HEAD, N_POINTS)
    v_sampled = v_sampled.reshape(B, HEADS, N, DIM_HEAD, N_POINTS)
    v_sampled = jnp.transpose(v_sampled, (0, 2, 1, 4, 3))  # b n h p d

    out = (attw[..., None] * v_sampled).sum(axis=3)  # (B, N, HEADS, DIM_HEAD)
    out = out.reshape(B, N, INNER)
    return out @ out_W + out_b


def reference(x, context, W_q, W_v, off_W1, off_b1, off_W2, off_b2,
              aw_W1, aw_b1, aw_W2, aw_b2, out_W, out_b):
    return _forward(x, context, W_q, W_v, off_W1, off_b1, off_W2, off_b2,
                    aw_W1, aw_b1, aw_W2, aw_b2, out_W, out_b)

if __name__ == "__main__":
    import jax
    _d = setup_inputs()
    print(jax.jit(kernel)(*tuple(_d.values())))

</pallas_src>

<mosaic_0001>
#map = affine_map<(d0, d1) -> (0, 0)>
#map1 = affine_map<(d0, d1) -> (0, 0, 0, 0)>
#map2 = affine_map<(d0, d1) -> (0, 0, 0, 0, 0)>
module attributes {stable_mosaic.version = 14 : i64} {
  func.func @_sc_body(%arg0: i32, %arg1: i32, %arg2: memref<32768x128xf32, #tpu.memory_space<hbm>>, %arg3: memref<4x2x64x64xi32, #tpu.memory_space<hbm>>, %arg4: memref<4x2x2x64x64xf32, #tpu.memory_space<hbm>>, %arg5: memref<4x8x64x64xf32, #tpu.memory_space<hbm>>, %arg6: memref<16x64xi32, #tpu.memory_space<vmem>>, %arg7: memref<32x64xf32, #tpu.memory_space<vmem>>, %arg8: memref<2048xf32, #tpu.memory_space<vmem>>, %arg9: memref<512x128xf32, #tpu.memory_space<vmem>>, %arg10: memref<64x64xf32, #tpu.memory_space<vmem>>, %arg11: memref<!tpu.dma_semaphore, #tpu.memory_space<semaphore_mem>>, %arg12: memref<!tpu.dma_semaphore, #tpu.memory_space<semaphore_mem>>, %arg13: memref<!tpu.dma_semaphore, #tpu.memory_space<semaphore_mem>>) attributes {dimension_semantics = [#tpu.dimension_semantics<core_parallel>, #tpu.dimension_semantics<subcore_parallel>], iteration_bounds = array<i64: 2, 16>, scalar_prefetch = 0 : i64, scratch_operands = 8 : i64, tpu.core_type = #tpu.core_type<sc_vector_subcore>, window_params = [{transform_indices = #map}, {transform_indices = #map1}, {transform_indices = #map2}, {transform_indices = #map1}]} {
    %mul3A = arith.constant 16 : i32
    %mul3A_0 = arith.muli %arg0, %mul3A : i32
    %add3A = arith.addi %mul3A_0, %arg1 : i32
    %jit3A = arith.constant 8 : i32
    %div3A = arith.divsi %add3A, %jit3A : i32
    %sign3A = arith.constant 0 : i32
    %sign3A_1 = arith.cmpi sgt, %add3A, %sign3A : i32
    %sign3A_2 = arith.extui %sign3A_1 : i1 to i32
    %sign3A_3 = arith.constant 0 : i32
    %sign3A_4 = arith.cmpi slt, %add3A, %sign3A_3 : i32
    %sign3A_5 = arith.extui %sign3A_4 : i1 to i32
    %sign3A_6 = arith.subi %sign3A_2, %sign3A_5 : i32
    %sign3A_7 = arith.constant 0 : i32
    %sign3A_8 = arith.cmpi sgt, %jit3A, %sign3A_7 : i32
    %sign3A_9 = arith.extui %sign3A_8 : i1 to i32
    %sign3A_10 = arith.constant 0 : i32
    %sign3A_11 = arith.cmpi slt, %jit3A, %sign3A_10 : i32
    %sign3A_12 = arith.extui %sign3A_11 : i1 to i32
    %sign3A_13 = arith.subi %sign3A_9, %sign3A_12 : i32
    %ne3A = arith.cmpi ne, %sign3A_6, %sign3A_13 : i32
    %rem3A = arith.remsi %add3A, %jit3A : i32
    %ne3A_14 = arith.constant 0 : i32
    %ne3A_15 = arith.cmpi ne, %rem3A, %ne3A_14 : i32
    %and3A = arith.andi %ne3A, %ne3A_15 : i1
    %sub3A = arith.constant 1 : i32
    %sub3A_16 = arith.subi %div3A, %sub3A : i32
    %select_n3A = arith.select %and3A, %sub3A_16, %div3A : i32
    %jit3A_17 = arith.constant 8 : i32
    %eq3A = arith.constant 0 : i32
    %eq3A_18 = arith.cmpi eq, %jit3A_17, %eq3A : i32
    %jit3A_19 = arith.constant 1 : i32
    %select_n3A_20 = arith.select %eq3A_18, %jit3A_19, %jit3A_17 : i32
    %rem3A_21 = arith.remsi %add3A, %select_n3A_20 : i32
    %ne3A_22 = arith.constant 0 : i32
    %ne3A_23 = arith.cmpi ne, %rem3A_21, %ne3A_22 : i32
    %lt3A = arith.constant 0 : i32
    %lt3A_24 = arith.cmpi slt, %rem3A_21, %lt3A : i32
    %lt3A_25 = arith.constant 0 : i32
    %lt3A_26 = arith.cmpi slt, %select_n3A_20, %lt3A_25 : i32
    %ne3A_27 = arith.xori %lt3A_24, %lt3A_26 : i1
    %and3A_28 = arith.andi %ne3A_27, %ne3A_23 : i1
    %add3A_29 = arith.addi %rem3A_21, %select_n3A_20 : i32
    %select_n3A_30 = arith.select %and3A_28, %add3A_29, %rem3A_21 : i32
    %mul3A_31 = arith.constant 8 : i32
    %mul3A_32 = arith.muli %select_n3A_30, %mul3A_31 : i32
    %mul3A_33 = arith.constant 8 : i32
    %mul3A_34 = arith.muli %select_n3A_30, %mul3A_33 : i32
    %mul3A_35 = arith.constant 8 : i32
    %mul3A_36 = arith.muli %select_n3A_30, %mul3A_35 : i32
    %mul3A_37 = arith.constant 8 : i32
    %mul3A_38 = arith.muli %select_n3A_30, %mul3A_37 : i32
    %mul3A_39 = arith.constant 8 : i32
    %mul3A_40 = arith.muli %select_n3A_30, %mul3A_39 : i32
    %mul3A_41 = arith.constant 8 : i32
    %mul3A_42 = arith.muli %select_n3A_30, %mul3A_41 : i32
    %dma_start3A = arith.constant 0 : i32
    %dma_start3A_43 = arith.constant 0 : i32
    %dma_start3A_44 = arith.constant 0 : i32
    %dma_start3A_45 = tpu.memref_slice %arg6[%dma_start3A_43, %dma_start3A_44] : memref<16x64xi32, #tpu.memory_space<vmem>> -> memref<8x64xi32, #tpu.memory_space<vmem>>
    %dma_start3A_46 = arith.constant 0 : i32
    %dma_start3A_47 = tpu.memref_slice %arg3[%select_n3A, %dma_start3A, %mul3A_32, %dma_start3A_46] : memref<4x2x64x64xi32, #tpu.memory_space<hbm>> -> memref<1x1x8x64xi32, #tpu.memory_space<hbm>>
    %dma_start3A_48 = tpu.memref_squeeze %dma_start3A_47 : memref<1x1x8x64xi32, #tpu.memory_space<hbm>> -> memref<8x64xi32, #tpu.memory_space<hbm>>
    %dma_start3A_49 = arith.constant 0 : i32
    %dma_start3A_50 = arith.constant 0 : i32
    %dma_start3A_51 = tpu.memref_slice %arg6[%dma_start3A_49, %dma_start3A_50] : memref<16x64xi32, #tpu.memory_space<vmem>> -> memref<8x64xi32, #tpu.memory_space<vmem>>
    %dma_start3A_52 = arith.constant 0 : i32
    %dma_start3A_53 = tpu.memref_slice %arg3[%select_n3A, %dma_start3A, %mul3A_32, %dma_start3A_52] : memref<4x2x64x64xi32, #tpu.memory_space<hbm>> -> memref<1x1x8x64xi32, #tpu.memory_space<hbm>>
    %dma_start3A_54 = tpu.memref_squeeze %dma_start3A_53 : memref<1x1x8x64xi32, #tpu.memory_space<hbm>> -> memref<8x64xi32, #tpu.memory_space<hbm>>
    tpu.enqueue_dma source(%dma_start3A_54 : memref<8x64xi32, #tpu.memory_space<hbm>>) target(%dma_start3A_51 : memref<8x64xi32, #tpu.memory_space<vmem>>) target_semaphore(%arg11 : memref<!tpu.dma_semaphore, #tpu.memory_space<semaphore_mem>>)
    %dma_start3A_55 = arith.constant 0 : i32
    %dma_start3A_56 = arith.constant 0 : i32
    %dma_start3A_57 = arith.constant 0 : i32
    %dma_start3A_58 = arith.constant 0 : i32
    %dma_start3A_59 = tpu.memref_slice %arg7[%dma_start3A_57, %dma_start3A_58] : memref<32x64xf32, #tpu.memory_space<vmem>> -> memref<8x64xf32, #tpu.memory_space<vmem>>
    %dma_start3A_60 = arith.constant 0 : i32
    %dma_start3A_61 = tpu.memref_slice %arg4[%select_n3A, %dma_start3A_55, %dma_start3A_56, %mul3A_34, %dma_start3A_60] : memref<4x2x2x64x64xf32, #tpu.memory_space<hbm>> -> memref<1x1x1x8x64xf32, #tpu.memory_space<hbm>>
    %dma_start3A_62 = tpu.memref_squeeze %dma_start3A_61 : memref<1x1x1x8x64xf32, #tpu.memory_space<hbm>> -> memref<8x64xf32, #tpu.memory_space<hbm>>
    %dma_start3A_63 = arith.constant 0 : i32
    %dma_start3A_64 = arith.constant 0 : i32
    %dma_start3A_65 = tpu.memref_slice %arg7[%dma_start3A_63, %dma_start3A_64] : memref<32x64xf32, #tpu.memory_space<vmem>> -> memref<8x64xf32, #tpu.memory_space<vmem>>
    %dma_start3A_66 = arith.constant 0 : i32
    %dma_start3A_67 = tpu.memref_slice %arg4[%select_n3A, %dma_start3A_55, %dma_start3A_56, %mul3A_34, %dma_start3A_66] : memref<4x2x2x64x64xf32, #tpu.memory_space<hbm>> -> memref<1x1x1x8x64xf32, #tpu.memory_space<hbm>>
    %dma_start3A_68 = tpu.memref_squeeze %dma_start3A_67 : memref<1x1x1x8x64xf32, #tpu.memory_space<hbm>> -> memref<8x64xf32, #tpu.memory_space<hbm>>
    tpu.enqueue_dma source(%dma_start3A_68 : memref<8x64xf32, #tpu.memory_space<hbm>>) target(%dma_start3A_65 : memref<8x64xf32, #tpu.memory_space<vmem>>) target_semaphore(%arg11 : memref<!tpu.dma_semaphore, #tpu.memory_space<semaphore_mem>>)
    %dma_start3A_69 = arith.constant 0 : i32
    %dma_start3A_70 = arith.constant 1 : i32
    %dma_start3A_71 = arith.constant 8 : i32
    %dma_start3A_72 = arith.constant 0 : i32
    %dma_start3A_73 = tpu.memref_slice %arg7[%dma_start3A_71, %dma_start3A_72] : memref<32x64xf32, #tpu.memory_space<vmem>> -> memref<8x64xf32, #tpu.memory_space<vmem>>
    %dma_start3A_74 = arith.constant 0 : i32
    %dma_start3A_75 = tpu.memref_slice %arg4[%select_n3A, %dma_start3A_69, %dma_start3A_70, %mul3A_36, %dma_start3A_74] : memref<4x2x2x64x64xf32, #tpu.memory_space<hbm>> -> memref<1x1x1x8x64xf32, #tpu.memory_space<hbm>>
    %dma_start3A_76 = tpu.memref_squeeze %dma_start3A_75 : memref<1x1x1x8x64xf32, #tpu.memory_space<hbm>> -> memref<8x64xf32, #tpu.memory_space<hbm>>
    %dma_start3A_77 = arith.constant 8 : i32
    %dma_start3A_78 = arith.constant 0 : i32
    %dma_start3A_79 = tpu.memref_slice %arg7[%dma_start3A_77, %dma_start3A_78] : memref<32x64xf32, #tpu.memory_space<vmem>> -> memref<8x64xf32, #tpu.memory_space<vmem>>
    %dma_start3A_80 = arith.constant 0 : i32
    %dma_start3A_81 = tpu.memref_slice %arg4[%select_n3A, %dma_start3A_69, %dma_start3A_70, %mul3A_36, %dma_start3A_80] : memref<4x2x2x64x64xf32, #tpu.memory_space<hbm>> -> memref<1x1x1x8x64xf32, #tpu.memory_space<hbm>>
    %dma_start3A_82 = tpu.memref_squeeze %dma_start3A_81 : memref<1x1x1x8x64xf32, #tpu.memory_space<hbm>> -> memref<8x64xf32, #tpu.memory_space<hbm>>
    tpu.enqueue_dma source(%dma_start3A_82 : memref<8x64xf32, #tpu.memory_space<hbm>>) target(%dma_start3A_79 : memref<8x64xf32, #tpu.memory_space<vmem>>) target_semaphore(%arg11 : memref<!tpu.dma_semaphore, #tpu.memory_space<semaphore_mem>>)
    %dma_start3A_83 = arith.constant 1 : i32
    %dma_start3A_84 = arith.constant 8 : i32
    %dma_start3A_85 = arith.constant 0 : i32
    %dma_start3A_86 = tpu.memref_slice %arg6[%dma_start3A_84, %dma_start3A_85] : memref<16x64xi32, #tpu.memory_space<vmem>> -> memref<8x64xi32, #tpu.memory_space<vmem>>
    %dma_start3A_87 = arith.constant 0 : i32
    %dma_start3A_88 = tpu.memref_slice %arg3[%select_n3A, %dma_start3A_83, %mul3A_38, %dma_start3A_87] : memref<4x2x64x64xi32, #tpu.memory_space<hbm>> -> memref<1x1x8x64xi32, #tpu.memory_space<hbm>>
    %dma_start3A_89 = tpu.memref_squeeze %dma_start3A_88 : memref<1x1x8x64xi32, #tpu.memory_space<hbm>> -> memref<8x64xi32, #tpu.memory_space<hbm>>
    %dma_start3A_90 = arith.constant 8 : i32
    %dma_start3A_91 = arith.constant 0 : i32
    %dma_start3A_92 = tpu.memref_slice %arg6[%dma_start3A_90, %dma_start3A_91] : memref<16x64xi32, #tpu.memory_space<vmem>> -> memref<8x64xi32, #tpu.memory_space<vmem>>
    %dma_start3A_93 = arith.constant 0 : i32
    %dma_start3A_94 = tpu.memref_slice %arg3[%select_n3A, %dma_start3A_83, %mul3A_38, %dma_start3A_93] : memref<4x2x64x64xi32, #tpu.memory_space<hbm>> -> memref<1x1x8x64xi32, #tpu.memory_space<hbm>>
    %dma_start3A_95 = tpu.memref_squeeze %dma_start3A_94 : memref<1x1x8x64xi32, #tpu.memory_space<hbm>> -> memref<8x64xi32, #tpu.memory_space<hbm>>
    tpu.enqueue_dma source(%dma_start3A_95 : memref<8x64xi32, #tpu.memory_space<hbm>>) target(%dma_start3A_92 : memref<8x64xi32, #tpu.memory_space<vmem>>) target_semaphore(%arg11 : memref<!tpu.dma_semaphore, #tpu.memory_space<semaphore_mem>>)
    %dma_start3A_96 = arith.constant 1 : i32
    %dma_start3A_97 = arith.constant 0 : i32
    %dma_start3A_98 = arith.constant 16 : i32
    %dma_start3A_99 = arith.constant 0 : i32
    %dma_start3A_100 = tpu.memref_slice %arg7[%dma_start3A_98, %dma_start3A_99] : memref<32x64xf32, #tpu.memory_space<vmem>> -> memref<8x64xf32, #tpu.memory_space<vmem>>
    %dma_start3A_101 = arith.constant 0 : i32
    %dma_start3A_102 = tpu.memref_slice %arg4[%select_n3A, %dma_start3A_96, %dma_start3A_97, %mul3A_40, %dma_start3A_101] : memref<4x2x2x64x64xf32, #tpu.memory_space<hbm>> -> memref<1x1x1x8x64xf32, #tpu.memory_space<hbm>>
    %dma_start3A_103 = tpu.memref_squeeze %dma_start3A_102 : memref<1x1x1x8x64xf32, #tpu.memory_space<hbm>> -> memref<8x64xf32, #tpu.memory_space<hbm>>
    %dma_start3A_104 = arith.constant 16 : i32
    %dma_start3A_105 = arith.constant 0 : i32
    %dma_start3A_106 = tpu.memref_slice %arg7[%dma_start3A_104, %dma_start3A_105] : memref<32x64xf32, #tpu.memory_space<vmem>> -> memref<8x64xf32, #tpu.memory_space<vmem>>
    %dma_start3A_107 = arith.constant 0 : i32
    %dma_start3A_108 = tpu.memref_slice %arg4[%select_n3A, %dma_start3A_96, %dma_start3A_97, %mul3A_40, %dma_start3A_107] : memref<4x2x2x64x64xf32, #tpu.memory_space<hbm>> -> memref<1x1x1x8x64xf32, #tpu.memory_space<hbm>>
    %dma_start3A_109 = tpu.memref_squeeze %dma_start3A_108 : memref<1x1x1x8x64xf32, #tpu.memory_space<hbm>> -> memref<8x64xf32, #tpu.memory_space<hbm>>
    tpu.enqueue_dma source(%dma_start3A_109 : memref<8x64xf32, #tpu.memory_space<hbm>>) target(%dma_start3A_106 : memref<8x64xf32, #tpu.memory_space<vmem>>) target_semaphore(%arg11 : memref<!tpu.dma_semaphore, #tpu.memory_space<semaphore_mem>>)
    %dma_start3A_110 = arith.constant 1 : i32
    %dma_start3A_111 = arith.constant 1 : i32
    %dma_start3A_112 = arith.constant 24 : i32
    %dma_start3A_113 = arith.constant 0 : i32
    %dma_start3A_114 = tpu.memref_slice %arg7[%dma_start3A_112, %dma_start3A_113] : memref<32x64xf32, #tpu.memory_space<vmem>> -> memref<8x64xf32, #tpu.memory_space<vmem>>
    %dma_start3A_115 = arith.constant 0 : i32
    %dma_start3A_116 = tpu.memref_slice %arg4[%select_n3A, %dma_start3A_110, %dma_start3A_111, %mul3A_42, %dma_start3A_115] : memref<4x2x2x64x64xf32, #tpu.memory_space<hbm>> -> memref<1x1x1x8x64xf32, #tpu.memory_space<hbm>>
    %dma_start3A_117 = tpu.memref_squeeze %dma_start3A_116 : memref<1x1x1x8x64xf32, #tpu.memory_space<hbm>> -> memref<8x64xf32, #tpu.memory_space<hbm>>
    %dma_start3A_118 = arith.constant 24 : i32
    %dma_start3A_119 = arith.constant 0 : i32
    %dma_start3A_120 = tpu.memref_slice %arg7[%dma_start3A_118, %dma_start3A_119] : memref<32x64xf32, #tpu.memory_space<vmem>> -> memref<8x64xf32, #tpu.memory_space<vmem>>
    %dma_start3A_121 = arith.constant 0 : i32
    %dma_start3A_122 = tpu.memref_slice %arg4[%select_n3A, %dma_start3A_110, %dma_start3A_111, %mul3A_42, %dma_start3A_121] : memref<4x2x2x64x64xf32, #tpu.memory_space<hbm>> -> memref<1x1x1x8x64xf32, #tpu.memory_space<hbm>>
    %dma_start3A_123 = tpu.memref_squeeze %dma_start3A_122 : memref<1x1x1x8x64xf32, #tpu.memory_space<hbm>> -> memref<8x64xf32, #tpu.memory_space<hbm>>
    tpu.enqueue_dma source(%dma_start3A_123 : memref<8x64xf32, #tpu.memory_space<hbm>>) target(%dma_start3A_120 : memref<8x64xf32, #tpu.memory_space<vmem>>) target_semaphore(%arg11 : memref<!tpu.dma_semaphore, #tpu.memory_space<semaphore_mem>>)
    %dma_wait3A = arith.constant 0 : i32
    %dma_wait3A_124 = arith.constant 0 : i32
    %dma_wait3A_125 = arith.constant 0 : i32
    %dma_wait3A_126 = tpu.memref_slice %arg6[%dma_wait3A_124, %dma_wait3A_125] : memref<16x64xi32, #tpu.memory_space<vmem>> -> memref<8x64xi32, #tpu.memory_space<vmem>>
    %dma_wait3A_127 = arith.constant 0 : i32
    %dma_wait3A_128 = tpu.memref_slice %arg3[%select_n3A, %dma_wait3A, %mul3A_32, %dma_wait3A_127] : memref<4x2x64x64xi32, #tpu.memory_space<hbm>> -> memref<1x1x8x64xi32, #tpu.memory_space<hbm>>
    %dma_wait3A_129 = tpu.memref_squeeze %dma_wait3A_128 : memref<1x1x8x64xi32, #tpu.memory_space<hbm>> -> memref<8x64xi32, #tpu.memory_space<hbm>>
    %dma_wait3A_130 = arith.constant 0 : i32
    %dma_wait3A_131 = arith.constant 0 : i32
    %dma_wait3A_132 = tpu.memref_slice %arg6[%dma_wait3A_130, %dma_wait3A_131] : memref<16x64xi32, #tpu.memory_space<vmem>> -> memref<8x64xi32, #tpu.memory_space<vmem>>
    %dma_wait3A_133 = arith.constant 0 : i32
    %dma_wait3A_134 = tpu.memref_slice %arg3[%select_n3A, %dma_wait3A, %mul3A_32, %dma_wait3A_133] : memref<4x2x64x64xi32, #tpu.memory_space<hbm>> -> memref<1x1x8x64xi32, #tpu.memory_space<hbm>>
    %dma_wait3A_135 = tpu.memref_squeeze %dma_wait3A_134 : memref<1x1x8x64xi32, #tpu.memory_space<hbm>> -> memref<8x64xi32, #tpu.memory_space<hbm>>
    tpu.wait_dma2 semaphore(%arg11 : memref<!tpu.dma_semaphore, #tpu.memory_space<semaphore_mem>>) src(%dma_wait3A_135 : memref<8x64xi32, #tpu.memory_space<hbm>>) dst(%dma_wait3A_132 : memref<8x64xi32, #tpu.memory_space<vmem>>)
    %dma_wait3A_136 = arith.constant 0 : i32
    %dma_wait3A_137 = arith.constant 0 : i32
    %dma_wait3A_138 = arith.constant 0 : i32
    %dma_wait3A_139 = arith.constant 0 : i32
    %dma_wait3A_140 = tpu.memref_slice %arg7[%dma_wait3A_138, %dma_wait3A_139] : memref<32x64xf32, #tpu.memory_space<vmem>> -> memref<8x64xf32, #tpu.memory_space<vmem>>
    %dma_wait3A_141 = arith.constant 0 : i32
    %dma_wait3A_142 = tpu.memref_slice %arg4[%select_n3A, %dma_wait3A_136, %dma_wait3A_137, %mul3A_34, %dma_wait3A_141] : memref<4x2x2x64x64xf32, #tpu.memory_space<hbm>> -> memref<1x1x1x8x64xf32, #tpu.memory_space<hbm>>
    %dma_wait3A_143 = tpu.memref_squeeze %dma_wait3A_142 : memref<1x1x1x8x64xf32, #tpu.memory_space<hbm>> -> memref<8x64xf32, #tpu.memory_space<hbm>>
    %dma_wait3A_144 = arith.constant 0 : i32
    %dma_wait3A_145 = arith.constant 0 : i32
    %dma_wait3A_146 = tpu.memref_slice %arg7[%dma_wait3A_144, %dma_wait3A_145] : memref<32x64xf32, #tpu.memory_space<vmem>> -> memref<8x64xf32, #tpu.memory_space<vmem>>
    %dma_wait3A_147 = arith.constant 0 : i32
    %dma_wait3A_148 = tpu.memref_slice %arg4[%select_n3A, %dma_wait3A_136, %dma_wait3A_137, %mul3A_34, %dma_wait3A_147] : memref<4x2x2x64x64xf32, #tpu.memory_space<hbm>> -> memref<1x1x1x8x64xf32, #tpu.memory_space<hbm>>
    %dma_wait3A_149 = tpu.memref_squeeze %dma_wait3A_148 : memref<1x1x1x8x64xf32, #tpu.memory_space<hbm>> -> memref<8x64xf32, #tpu.memory_space<hbm>>
    tpu.wait_dma2 semaphore(%arg11 : memref<!tpu.dma_semaphore, #tpu.memory_space<semaphore_mem>>) src(%dma_wait3A_149 : memref<8x64xf32, #tpu.memory_space<hbm>>) dst(%dma_wait3A_146 : memref<8x64xf32, #tpu.memory_space<vmem>>)
    %dma_wait3A_150 = arith.constant 0 : i32
    %dma_wait3A_151 = arith.constant 1 : i32
    %dma_wait3A_152 = arith.constant 8 : i32
    %dma_wait3A_153 = arith.constant 0 : i32
    %dma_wait3A_154 = tpu.memref_slice %arg7[%dma_wait3A_152, %dma_wait3A_153] : memref<32x64xf32, #tpu.memory_space<vmem>> -> memref<8x64xf32, #tpu.memory_space<vmem>>
    %dma_wait3A_155 = arith.constant 0 : i32
    %dma_wait3A_156 = tpu.memref_slice %arg4[%select_n3A, %dma_wait3A_150, %dma_wait3A_151, %mul3A_36, %dma_wait3A_155] : memref<4x2x2x64x64xf32, #tpu.memory_space<hbm>> -> memref<1x1x1x8x64xf32, #tpu.memory_space<hbm>>
    %dma_wait3A_157 = tpu.memref_squeeze %dma_wait3A_156 : memref<1x1x1x8x64xf32, #tpu.memory_space<hbm>> -> memref<8x64xf32, #tpu.memory_space<hbm>>
    %dma_wait3A_158 = arith.constant 8 : i32
    %dma_wait3A_159 = arith.constant 0 : i32
    %dma_wait3A_160 = tpu.memref_slice %arg7[%dma_wait3A_158, %dma_wait3A_159] : memref<32x64xf32, #tpu.memory_space<vmem>> -> memref<8x64xf32, #tpu.memory_space<vmem>>
    %dma_wait3A_161 = arith.constant 0 : i32
    %dma_wait3A_162 = tpu.memref_slice %arg4[%select_n3A, %dma_wait3A_150, %dma_wait3A_151, %mul3A_36, %dma_wait3A_161] : memref<4x2x2x64x64xf32, #tpu.memory_space<hbm>> -> memref<1x1x1x8x64xf32, #tpu.memory_space<hbm>>
    %dma_wait3A_163 = tpu.memref_squeeze %dma_wait3A_162 : memref<1x1x1x8x64xf32, #tpu.memory_space<hbm>> -> memref<8x64xf32, #tpu.memory_space<hbm>>
    tpu.wait_dma2 semaphore(%arg11 : memref<!tpu.dma_semaphore, #tpu.memory_space<semaphore_mem>>) src(%dma_wait3A_163 : memref<8x64xf32, #tpu.memory_space<hbm>>) dst(%dma_wait3A_160 : memref<8x64xf32, #tpu.memory_space<vmem>>)
    %dma_wait3A_164 = arith.constant 1 : i32
    %dma_wait3A_165 = arith.constant 8 : i32
    %dma_wait3A_166 = arith.constant 0 : i32
    %dma_wait3A_167 = tpu.memref_slice %arg6[%dma_wait3A_165, %dma_wait3A_166] : memref<16x64xi32, #tpu.memory_space<vmem>> -> memref<8x64xi32, #tpu.memory_space<vmem>>
    %dma_wait3A_168 = arith.constant 0 : i32
    %dma_wait3A_169 = tpu.memref_slice %arg3[%select_n3A, %dma_wait3A_164, %mul3A_38, %dma_wait3A_168] : memref<4x2x64x64xi32, #tpu.memory_space<hbm>> -> memref<1x1x8x64xi32, #tpu.memory_space<hbm>>
    %dma_wait3A_170 = tpu.memref_squeeze %dma_wait3A_169 : memref<1x1x8x64xi32, #tpu.memory_space<hbm>> -> memref<8x64xi32, #tpu.memory_space<hbm>>
    %dma_wait3A_171 = arith.constant 8 : i32
    %dma_wait3A_172 = arith.constant 0 : i32
    %dma_wait3A_173 = tpu.memref_slice %arg6[%dma_wait3A_171, %dma_wait3A_172] : memref<16x64xi32, #tpu.memory_space<vmem>> -> memref<8x64xi32, #tpu.memory_space<vmem>>
    %dma_wait3A_174 = arith.constant 0 : i32
    %dma_wait3A_175 = tpu.memref_slice %arg3[%select_n3A, %dma_wait3A_164, %mul3A_38, %dma_wait3A_174] : memref<4x2x64x64xi32, #tpu.memory_space<hbm>> -> memref<1x1x8x64xi32, #tpu.memory_space<hbm>>
    %dma_wait3A_176 = tpu.memref_squeeze %dma_wait3A_175 : memref<1x1x8x64xi32, #tpu.memory_space<hbm>> -> memref<8x64xi32, #tpu.memory_space<hbm>>
    tpu.wait_dma2 semaphore(%arg11 : memref<!tpu.dma_semaphore, #tpu.memory_space<semaphore_mem>>) src(%dma_wait3A_176 : memref<8x64xi32, #tpu.memory_space<hbm>>) dst(%dma_wait3A_173 : memref<8x64xi32, #tpu.memory_space<vmem>>)
    %dma_wait3A_177 = arith.constant 1 : i32
    %dma_wait3A_178 = arith.constant 0 : i32
    %dma_wait3A_179 = arith.constant 16 : i32
    %dma_wait3A_180 = arith.constant 0 : i32
    %dma_wait3A_181 = tpu.memref_slice %arg7[%dma_wait3A_179, %dma_wait3A_180] : memref<32x64xf32, #tpu.memory_space<vmem>> -> memref<8x64xf32, #tpu.memory_space<vmem>>
    %dma_wait3A_182 = arith.constant 0 : i32
    %dma_wait3A_183 = tpu.memref_slice %arg4[%select_n3A, %dma_wait3A_177, %dma_wait3A_178, %mul3A_40, %dma_wait3A_182] : memref<4x2x2x64x64xf32, #tpu.memory_space<hbm>> -> memref<1x1x1x8x64xf32, #tpu.memory_space<hbm>>
    %dma_wait3A_184 = tpu.memref_squeeze %dma_wait3A_183 : memref<1x1x1x8x64xf32, #tpu.memory_space<hbm>> -> memref<8x64xf32, #tpu.memory_space<hbm>>
    %dma_wait3A_185 = arith.constant 16 : i32
    %dma_wait3A_186 = arith.constant 0 : i32
    %dma_wait3A_187 = tpu.memref_slice %arg7[%dma_wait3A_185, %dma_wait3A_186] : memref<32x64xf32, #tpu.memory_space<vmem>> -> memref<8x64xf32, #tpu.memory_space<vmem>>
    %dma_wait3A_188 = arith.constant 0 : i32
    %dma_wait3A_189 = tpu.memref_slice %arg4[%select_n3A, %dma_wait3A_177, %dma_wait3A_178, %mul3A_40, %dma_wait3A_188] : memref<4x2x2x64x64xf32, #tpu.memory_space<hbm>> -> memref<1x1x1x8x64xf32, #tpu.memory_space<hbm>>
    %dma_wait3A_190 = tpu.memref_squeeze %dma_wait3A_189 : memref<1x1x1x8x64xf32, #tpu.memory_space<hbm>> -> memref<8x64xf32, #tpu.memory_space<hbm>>
    tpu.wait_dma2 semaphore(%arg11 : memref<!tpu.dma_semaphore, #tpu.memory_space<semaphore_mem>>) src(%dma_wait3A_190 : memref<8x64xf32, #tpu.memory_space<hbm>>) dst(%dma_wait3A_187 : memref<8x64xf32, #tpu.memory_space<vmem>>)
    %dma_wait3A_191 = arith.constant 1 : i32
    %dma_wait3A_192 = arith.constant 1 : i32
    %dma_wait3A_193 = arith.constant 24 : i32
    %dma_wait3A_194 = arith.constant 0 : i32
    %dma_wait3A_195 = tpu.memref_slice %arg7[%dma_wait3A_193, %dma_wait3A_194] : memref<32x64xf32, #tpu.memory_space<vmem>> -> memref<8x64xf32, #tpu.memory_space<vmem>>
    %dma_wait3A_196 = arith.constant 0 : i32
    %dma_wait3A_197 = tpu.memref_slice %arg4[%select_n3A, %dma_wait3A_191, %dma_wait3A_192, %mul3A_42, %dma_wait3A_196] : memref<4x2x2x64x64xf32, #tpu.memory_space<hbm>> -> memref<1x1x1x8x64xf32, #tpu.memory_space<hbm>>
    %dma_wait3A_198 = tpu.memref_squeeze %dma_wait3A_197 : memref<1x1x1x8x64xf32, #tpu.memory_space<hbm>> -> memref<8x64xf32, #tpu.memory_space<hbm>>
    %dma_wait3A_199 = arith.constant 24 : i32
    %dma_wait3A_200 = arith.constant 0 : i32
    %dma_wait3A_201 = tpu.memref_slice %arg7[%dma_wait3A_199, %dma_wait3A_200] : memref<32x64xf32, #tpu.memory_space<vmem>> -> memref<8x64xf32, #tpu.memory_space<vmem>>
    %dma_wait3A_202 = arith.constant 0 : i32
    %dma_wait3A_203 = tpu.memref_slice %arg4[%select_n3A, %dma_wait3A_191, %dma_wait3A_192, %mul3A_42, %dma_wait3A_202] : memref<4x2x2x64x64xf32, #tpu.memory_space<hbm>> -> memref<1x1x1x8x64xf32, #tpu.memory_space<hbm>>
    %dma_wait3A_204 = tpu.memref_squeeze %dma_wait3A_203 : memref<1x1x1x8x64xf32, #tpu.memory_space<hbm>> -> memref<8x64xf32, #tpu.memory_space<hbm>>
    tpu.wait_dma2 semaphore(%arg11 : memref<!tpu.dma_semaphore, #tpu.memory_space<semaphore_mem>>) src(%dma_wait3A_204 : memref<8x64xf32, #tpu.memory_space<hbm>>) dst(%dma_wait3A_201 : memref<8x64xf32, #tpu.memory_space<vmem>>)
    %get3A = arith.constant 0 : i32
    %get3A_205 = arith.index_cast %get3A : i32 to index
    %get3A_206 = arith.constant 0 : index
    %get3A_207 = tpu.vector_load %arg7[%get3A_205, %get3A_206] {strides = array<i32>} : memref<32x64xf32, #tpu.memory_space<vmem>>, vector<16xf32>,
    %swap3A = arith.constant 0 : index
    %swap3A_208 = tpu.vector_load %arg8[%swap3A] {strides = array<i32>} : memref<2048xf32, #tpu.memory_space<vmem>>, vector<16xf32>,
    tpu.vector_store %arg8[%swap3A], %get3A_207 {strides = array<i32>} : memref<2048xf32, #tpu.memory_space<vmem>>, vector<16xf32>,
    %get3A_209 = arith.constant 0 : i32
    %get3A_210 = arith.index_cast %get3A_209 : i32 to index
    %get3A_211 = arith.constant 16 : index
    %get3A_212 = tpu.vector_load %arg7[%get3A_210, %get3A_211] {strides = array<i32>} : memref<32x64xf32, #tpu.memory_space<vmem>>, vector<16xf32>,
    %swap3A_213 = arith.constant 16 : index
    %swap3A_214 = tpu.vector_load %arg8[%swap3A_213] {strides = array<i32>} : memref<2048xf32, #tpu.memory_space<vmem>>, vector<16xf32>,
    tpu.vector_store %arg8[%swap3A_213], %get3A_212 {strides = array<i32>} : memref<2048xf32, #tpu.memory_space<vmem>>, vector<16xf32>,
    %get3A_215 = arith.constant 0 : i32
    %get3A_216 = arith.index_cast %get3A_215 : i32 to index
    %get3A_217 = arith.constant 32 : index
    %get3A_218 = tpu.vector_load %arg7[%get3A_216, %get3A_217] {strides = array<i32>} : memref<32x64xf32, #tpu.memory_space<vmem>>, vector<16xf32>,
    %swap3A_219 = arith.constant 32 : index
    %swap3A_220 = tpu.vector_load %arg8[%swap3A_219] {strides = array<i32>} : memref<2048xf32, #tpu.memory_space<vmem>>, vector<16xf32>,
    tpu.vector_store %arg8[%swap3A_219], %get3A_218 {strides = array<i32>} : memref<2048xf32, #tpu.memory_space<vmem>>, vector<16xf32>,
    %get3A_221 = arith.constant 0 : i32
    %get3A_222 = arith.index_cast %get3A_221 : i32 to index
    %get3A_223 = arith.constant 48 : index
    %get3A_224 = tpu.vector_load %arg7[%get3A_222, %get3A_223] {strides = array<i32>} : memref<32x64xf32, #tpu.memory_space<vmem>>, vector<16xf32>,
    %swap3A_225 = arith.constant 48 : index
    %swap3A_226 = tpu.vector_load %arg8[%swap3A_225] {strides = array<i32>} : memref<2048xf32, #tpu.memory_space<vmem>>, vector<16xf32>,
    tpu.vector_store %arg8[%swap3A_225], %get3A_224 {strides = array<i32>} : memref<2048xf32, #tpu.memory_space<vmem>>, vector<16xf32>,
    %get3A_227 = arith.constant 1 : i32
    %get3A_228 = arith.index_cast %get3A_227 : i32 to index
    %get3A_229 = arith.constant 0 : index
    %get3A_230 = tpu.vector_load %arg7[%get3A_228, %get3A_229] {strides = array<i32>} : memref<32x64xf32, #tpu.memory_space<vmem>>, vector<16xf32>,
    %swap3A_231 = arith.constant 64 : index
    %swap3A_232 = tpu.vector_load %arg8[%swap3A_231] {strides = array<i32>} : memref<2048xf32, #tpu.memory_space<vmem>>, vector<16xf32>,
    tpu.vector_store %arg8[%swap3A_231], %get3A_230 {strides = array<i32>} : memref<2048xf32, #tpu.memory_space<vmem>>, vector<16xf32>,
    %get3A_233 = arith.constant 1 : i32
    %get3A_234 = arith.index_cast %get3A_233 : i32 to index
    %get3A_235 = arith.constant 16 : index
    %get3A_236 = tpu.vector_load %arg7[%get3A_234, %get3A_235] {strides = array<i32>} : memref<32x64xf32, #tpu.memory_space<vmem>>, vector<16xf32>,
    %swap3A_237 = arith.constant 80 : index
    %swap3A_238 = tpu.vector_load %arg8[%swap3A_237] {strides = array<i32>} : memref<2048xf32, #tpu.memory_space<vmem>>, vector<16xf32>,
    tpu.vector_store %arg8[%swap3A_237], %get3A_236 {strides = array<i32>} : memref<2048xf32, #tpu.memory_space<vmem>>, vector<16xf32>,
    %get3A_239 = arith.constant 1 : i32
    %get3A_240 = arith.index_cast %get3A_239 : i32 to index
    %get3A_241 = arith.constant 32 : index
    %get3A_242 = tpu.vector_load %arg7[%get3A_240, %get3A_241] {strides = array<i32>} : memref<32x64xf32, #tpu.memory_space<vmem>>, vector<16xf32>,
    %swap3A_243 = arith.constant 96 : index
    %swap3A_244 = tpu.vector_load %arg8[%swap3A_243] {strides = array<i32>} : memref<2048xf32, #tpu.memory_space<vmem>>, vector<16xf32>,
    tpu.vector_store %arg8[%swap3A_243], %get3A_242 {strides = array<i32>} : memref<2048xf32, #tpu.memory_space<vmem>>, vector<16xf32>,
    %get3A_245 = arith.constant 1 : i32
    %get3A_246 = arith.index_cast %get3A_245 : i32 to index
    %get3A_247 = arith.constant 48 : index
    %get3A_248 = tpu.vector_load %arg7[%get3A_246, %get3A_247] {strides = array<i32>} : memref<32x64xf32, #tpu.memory_space<vmem>>, vector<16xf32>,
    %swap3A_249 = arith.constant 112 : index
    %swap3A_250 = tpu.vector_load %arg8[%swap3A_249] {strides = array<i32>} : memref<2048xf32, #tpu.memory_space<vmem>>, vector<16xf32>,
    tpu.vector_store %arg8[%swap3A_249], %get3A_248 {strides = array<i32>} : memref<2048xf32, #tpu.memory_space<vmem>>, vector<16xf32>,
    %get3A_251 = arith.constant 2 : i32
    %get3A_252 = arith.index_cast %get3A_251 : i32 to index
    %get3A_253 = arith.constant 0 : index
    %get3A_254 = tpu.vector_load %arg7[%get3A_252, %get3A_253] {strides = array<i32>} : memref<32x64xf32, #tpu.memory_space<vmem>>, vector<16xf32>,
    %swap3A_255 = arith.constant 128 : index
    %swap3A_256 = tpu.vector_load %arg8[%swap3A_255] {strides = array<i32>} : memref<2048xf32, #tpu.memory_space<vmem>>, vector<16xf32>,
    tpu.vector_store %arg8[%swap3A_255], %get3A_254 {strides = array<i32>} : memref<2048xf32, #tpu.memory_space<vmem>>, vector<16xf32>,
    %get3A_257 = arith.constant 2 : i32
    %get3A_258 = arith.index_cast %get3A_257 : i32 to index
    %get3A_259 = arith.constant 16 : index
    %get3A_260 = tpu.vector_load %arg7[%get3A_258, %get3A_259] {strides = array<i32>} : memref<32x64xf32, #tpu.memory_space<vmem>>, vector<16xf32>,
    %swap3A_261 = arith.constant 144 : index
    %swap3A_262 = tpu.vector_load %arg8[%swap3A_261] {strides = array<i32>} : memref<2048xf32, #tpu.memory_space<vmem>>, vector<16xf32>,
    tpu.vector_store %arg8[%swap3A_261], %get3A_260 {strides = array<i32>} : memref<2048xf32, #tpu.memory_space<vmem>>, vector<16xf32>,
    %get3A_263 = arith.constant 2 : i32
    %get3A_264 = arith.index_cast %get3A_263 : i32 to index
    %get3A_265 = arith.constant 32 : index
    %get3A_266 = tpu.vector_load %arg7[%get3A_264, %get3A_265] {strides = array<i32>} : memref<32x64xf32, #tpu.memory_space<vmem>>, vector<16xf32>,
    %swap3A_267 = arith.constant 160 : index
    %swap3A_268 = tpu.vector_load %arg8[%swap3A_267] {strides = array<i32>} : memref<2048xf32, #tpu.memory_space<vmem>>, vector<16xf32>,
    tpu.vector_store %arg8[%swap3A_267], %get3A_266 {strides = array<i32>} : memref<2048xf32, #tpu.memory_space<vmem>>, vector<16xf32>,
    %get3A_269 = arith.constant 2 : i32
    %get3A_270 = arith.index_cast %get3A_269 : i32 to index
    %get3A_271 = arith.constant 48 : index
    %get3A_272 = tpu.vector_load %arg7[%get3A_270, %get3A_271] {strides = array<i32>} : memref<32x64xf32, #tpu.memory_space<vmem>>, vector<16xf32>,
    %swap3A_273 = arith.constant 176 : index
    %swap3A_274 = tpu.vector_load %arg8[%swap3A_273] {strides = array<i32>} : memref<2048xf32, #tpu.memory_space<vmem>>, vector<16xf32>,
    tpu.vector_store %arg8[%swap3A_273], %get3A_272 {strides = array<i32>} : memref<2048xf32, #tpu.memory_space<vmem>>, vector<16xf32>,
    %get3A_275 = arith.constant 3 : i32
    %get3A_276 = arith.index_cast %get3A_275 : i32 to index
    %get3A_277 = arith.constant 0 : index
    %get3A_278 = tpu.vector_load %arg7[%get3A_276, %get3A_277] {strides = array<i32>} : memref<32x64xf32, #tpu.memory_space<vmem>>, vector<16xf32>,
    %swap3A_279 = arith.constant 192 : index
    %swap3A_280 = tpu.vector_load %arg8[%swap3A_279] {strides = array<i32>} : memref<2048xf32, #tpu.memory_space<vmem>>, vector<16xf32>,
    tpu.vector_store %arg8[%swap3A_279], %get3A_278 {strides = array<i32>} : memref<2048xf32, #tpu.memory_space<vmem>>, vector<16xf32>,
    %get3A_281 = arith.constant 3 : i32
    %get3A_282 = arith.index_cast %get3A_281 : i32 to index
    %get3A_283 = arith.constant 16 : index
    %get3A_284 = tpu.vector_load %arg7[%get3A_282, %get3A_283] {strides = array<i32>} : memref<32x64xf32, #tpu.memory_space<vmem>>, vector<16xf32>,
    %swap3A_285 = arith.constant 208 : index
    %swap3A_286 = tpu.vector_load %arg8[%swap3A_285] {strides = array<i32>} : memref<2048xf32, #tpu.memory_space<vmem>>, vector<16xf32>,
    tpu.vector_store %arg8[%swap3A_285], %get3A_284 {strides = array<i32>} : memref<2048xf32, #tpu.memory_space<vmem>>, vector<16xf32>,
    %get3A_287 = arith.constant 3 : i32
    %get3A_288 = arith.index_cast %get3A_287 : i32 to index
    %get3A_289 = arith.constant 32 : index
    %get3A_290 = tpu.vector_load %arg7[%get3A_288, %get3A_289] {strides = array<i32>} : memref<32x64xf32, #tpu.memory_space<vmem>>, vector<16xf32>,
    %swap3A_291 = arith.constant 224 : index
    %swap3A_292 = tpu.vector_load %arg8[%swap3A_291] {strides = array<i32>} : memref<2048xf32, #tpu.memory_space<vmem>>, vector<16xf32>,
    tpu.vector_store %arg8[%swap3A_291], %get3A_290 {strides = array<i32>} : memref<2048xf32, #tpu.memory_space<vmem>>, vector<16xf32>,
    %get3A_293 = arith.constant 3 : i32
    %get3A_294 = arith.index_cast %get3A_293 : i32 to index
    %get3A_295 = arith.constant 48 : index
    %get3A_296 = tpu.vector_load %arg7[%get3A_294, %get3A_295] {strides = array<i32>} : memref<32x64xf32, #tpu.memory_space<vmem>>, vector<16xf32>,
    %swap3A_297 = arith.constant 240 : index
    %swap3A_298 = tpu.vector_load %arg8[%swap3A_297] {strides = array<i32>} : memref<2048xf32, #tpu.memory_space<vmem>>, vector<16xf32>,
    tpu.vector_store %arg8[%swap3A_297], %get3A_296 {strides = array<i32>} : memref<2048xf32, #tpu.memory_space<vmem>>, vector<16xf32>,
    %get3A_299 = arith.constant 4 : i32
    %get3A_300 = arith.index_cast %get3A_299 : i32 to index
    %get3A_301 = arith.constant 0 : index
    %get3A_302 = tpu.vector_load %arg7[%get3A_300, %get3A_301] {strides = array<i32>} : memref<32x64xf32, #tpu.memory_space<vmem>>, vector<16xf32>,
    %swap3A_303 = arith.constant 256 : index
    %swap3A_304 = tpu.vector_load %arg8[%swap3A_303] {strides = array<i32>} : memref<2048xf32, #tpu.memory_space<vmem>>, vector<16xf32>,
    tpu.vector_store %arg8[%swap3A_303], %get3A_302 {strides = array<i32>} : memref<2048xf32, #tpu.memory_space<vmem>>, vector<16xf32>,
    %get3A_305 = arith.constant 4 : i32
    %get3A_306 = arith.index_cast %get3A_305 : i32 to index
    %get3A_307 = arith.constant 16 : index
    %get3A_308 = tpu.vector_load %arg7[%get3A_306, %get3A_307] {strides = array<i32>} : memref<32x64xf32, #tpu.memory_space<vmem>>, vector<16xf32>,
    %swap3A_309 = arith.constant 272 : index
    %swap3A_310 = tpu.vector_load %arg8[%swap3A_309] {strides = array<i32>} : memref<2048xf32, #tpu.memory_space<vmem>>, vector<16xf32>,
    tpu.vector_store %arg8[%swap3A_309], %get3A_308 {strides = array<i32>} : memref<2048xf32, #tpu.memory_space<vmem>>, vector<16xf32>,
    %get3A_311 = arith.constant 4 : i32
    %get3A_312 = arith.index_cast %get3A_311 : i32 to index
    %get3A_313 = arith.constant 32 : index
    %get3A_314 = tpu.vector_load %arg7[%get3A_312, %get3A_313] {strides = array<i32>} : memref<32x64xf32, #tpu.memory_space<vmem>>, vector<16xf32>,
    %swap3A_315 = arith.constant 288 : index
    %swap3A_316 = tpu.vector_load %arg8[%swap3A_315] {strides = array<i32>} : memref<2048xf32, #tpu.memory_space<vmem>>, vector<16xf32>,
    tpu.vector_store %arg8[%swap3A_315], %get3A_314 {strides = array<i32>} : memref<2048xf32, #tpu.memory_space<vmem>>, vector<16xf32>,
    %get3A_317 = arith.constant 4 : i32
    %get3A_318 = arith.index_cast %get3A_317 : i32 to index
    %get3A_319 = arith.constant 48 : index
    %get3A_320 = tpu.vector_load %arg7[%get3A_318, %get3A_319] {strides = array<i32>} : memref<32x64xf32, #tpu.memory_space<vmem>>, vector<16xf32>,
    %swap3A_321 = arith.constant 304 : index
    %swap3A_322 = tpu.vector_load %arg8[%swap3A_321] {strides = array<i32>} : memref<2048xf32, #tpu.memory_space<vmem>>, vector<16xf32>,
    tpu.vector_store %arg8[%swap3A_321], %get3A_320 {strides = array<i32>} : memref<2048xf32, #tpu.memory_space<vmem>>, vector<16xf32>,
    %get3A_323 = arith.constant 5 : i32
    %get3A_324 = arith.index_cast %get3A_323 : i32 to index
    %get3A_325 = arith.constant 0 : index
    %get3A_326 = tpu.vector_load %arg7[%get3A_324, %get3A_325] {strides = array<i32>} : memref<32x64xf32, #tpu.memory_space<vmem>>, vector<16xf32>,
    %swap3A_327 = arith.constant 320 : index
    %swap3A_328 = tpu.vector_load %arg8[%swap3A_327] {strides = array<i32>} : memref<2048xf32, #tpu.memory_space<vmem>>, vector<16xf32>,
    tpu.vector_store %arg8[%swap3A_327], %get3A_326 {strides = array<i32>} : memref<2048xf32, #tpu.memory_space<vmem>>, vector<16xf32>,
    %get3A_329 = arith.constant 5 : i32
    %get3A_330 = arith.index_cast %get3A_329 : i32 to index
    %get3A_331 = arith.constant 16 : index
    %get3A_332 = tpu.vector_load %arg7[%get3A_330, %get3A_331] {strides = array<i32>} : memref<32x64xf32, #tpu.memory_space<vmem>>, vector<16xf32>,
    %swap3A_333 = arith.constant 336 : index
    %swap3A_334 = tpu.vector_load %arg8[%swap3A_333] {strides = array<i32>} : memref<2048xf32, #tpu.memory_space<vmem>>, vector<16xf32>,
    tpu.vector_store %arg8[%swap3A_333], %get3A_332 {strides = array<i32>} : memref<2048xf32, #tpu.memory_space<vmem>>, vector<16xf32>,
    %get3A_335 = arith.constant 5 : i32
    %get3A_336 = arith.index_cast %get3A_335 : i32 to index
    %get3A_337 = arith.constant 32 : index
    %get3A_338 = tpu.vector_load %arg7[%get3A_336, %get3A_337] {strides = array<i32>} : memref<32x64xf32, #tpu.memory_space<vmem>>, vector<16xf32>,
    %swap3A_339 = arith.constant 352 : index
    %swap3A_340 = tpu.vector_load %arg8[%swap3A_339] {strides = array<i32>} : memref<2048xf32, #tpu.memory_space<vmem>>, vector<16xf32>,
    tpu.vector_store %arg8[%swap3A_339], %get3A_338 {strides = array<i32>} : memref<2048xf32, #tpu.memory_space<vmem>>, vector<16xf32>,
    %get3A_341 = arith.constant 5 : i32
    %get3A_342 = arith.index_cast %get3A_341 : i32 to index
    %get3A_343 = arith.constant 48 : index
    %get3A_344 = tpu.vector_load %arg7[%get3A_342, %get3A_343] {strides = array<i32>} : memref<32x64xf32, #tpu.memory_space<vmem>>, vector<16xf32>,
    %swap3A_345 = arith.constant 368 : index
    %swap3A_346 = tpu.vector_load %arg8[%swap3A_345] {strides = array<i32>} : memref<2048xf32, #tpu.memory_space<vmem>>, vector<16xf32>,
    tpu.vector_store %arg8[%swap3A_345], %get3A_344 {strides = array<i32>} : memref<2048xf32, #tpu.memory_space<vmem>>, vector<16xf32>,
    %get3A_347 = arith.constant 6 : i32
    %get3A_348 = arith.index_cast %get3A_347 : i32 to index
    %get3A_349 = arith.constant 0 : index
    %get3A_350 = tpu.vector_load %arg7[%get3A_348, %get3A_349] {strides = array<i32>} : memref<32x64xf32, #tpu.memory_space<vmem>>, vector<16xf32>,
    %swap3A_351 = arith.constant 384 : index
    %swap3A_352 = tpu.vector_load %arg8[%swap3A_351] {strides = array<i32>} : memref<2048xf32, #tpu.memory_space<vmem>>, vector<16xf32>,
    tpu.vector_store %arg8[%swap3A_351], %get3A_350 {strides = array<i32>} : memref<2048xf32, #tpu.memory_space<vmem>>, vector<16xf32>,
    %get3A_353 = arith.constant 6 : i32
    %get3A_354 = arith.index_cast %get3A_353 : i32 to index
    %get3A_355 = arith.constant 16 : index
    %get3A_356 = tpu.vector_load %arg7[%get3A_354, %get3A_355] {strides = array<i32>} : memref<32x64xf32, #tpu.memory_space<vmem>>, vector<16xf32>,
    %swap3A_357 = arith.constant 400 : index
    %swap3A_358 = tpu.vector_load %arg8[%swap3A_357] {strides = array<i32>} : memref<2048xf32, #tpu.memory_space<vmem>>, vector<16xf32>,
    tpu.vector_store %arg8[%swap3A_357], %get3A_356 {strides = array<i32>} : memref<2048xf32, #tpu.memory_space<vmem>>, vector<16xf32>,
    %get3A_359 = arith.constant 6 : i32
    %get3A_360 = arith.index_cast %get3A_359 : i32 to index
    %get3A_361 = arith.constant 32 : index
    %get3A_362 = tpu.vector_load %arg7[%get3A_360, %get3A_361] {strides = array<i32>} : memref<32x64xf32, #tpu.memory_space<vmem>>, vector<16xf32>,
    %swap3A_363 = arith.constant 416 : index
    %swap3A_364 = tpu.vector_load %arg8[%swap3A_363] {strides = array<i32>} : memref<2048xf32, #tpu.memory_space<vmem>>, vector<16xf32>,
    tpu.vector_store %arg8[%swap3A_363], %get3A_362 {strides = array<i32>} : memref<2048xf32, #tpu.memory_space<vmem>>, vector<16xf32>,
    %get3A_365 = arith.constant 6 : i32
    %get3A_366 = arith.index_cast %get3A_365 : i32 to index
    %get3A_367 = arith.constant 48 : index
    %get3A_368 = tpu.vector_load %arg7[%get3A_366, %get3A_367] {strides = array<i32>} : memref<32x64xf32, #tpu.memory_space<vmem>>, vector<16xf32>,
    %swap3A_369 = arith.constant 432 : index
    %swap3A_370 = tpu.vector_load %arg8[%swap3A_369] {strides = array<i32>} : memref<2048xf32, #tpu.memory_space<vmem>>, vector<16xf32>,
    tpu.vector_store %arg8[%swap3A_369], %get3A_368 {strides = array<i32>} : memref<2048xf32, #tpu.memory_space<vmem>>, vector<16xf32>,
    %get3A_371 = arith.constant 7 : i32
    %get3A_372 = arith.index_cast %get3A_371 : i32 to index
    %get3A_373 = arith.constant 0 : index
    %get3A_374 = tpu.vector_load %arg7[%get3A_372, %get3A_373] {strides = array<i32>} : memref<32x64xf32, #tpu.memory_space<vmem>>, vector<16xf32>,
    %swap3A_375 = arith.constant 448 : index
    %swap3A_376 = tpu.vector_load %arg8[%swap3A_375] {strides = array<i32>} : memref<2048xf32, #tpu.memory_space<vmem>>, vector<16xf32>,
    tpu.vector_store %arg8[%swap3A_375], %get3A_374 {strides = array<i32>} : memref<2048xf32, #tpu.memory_space<vmem>>, vector<16xf32>,
    %get3A_377 = arith.constant 7 : i32
    %get3A_378 = arith.index_cast %get3A_377 : i32 to index
    %get3A_379 = arith.constant 16 : index
    %get3A_380 = tpu.vector_load %arg7[%get3A_378, %get3A_379] {strides = array<i32>} : memref<32x64xf32, #tpu.memory_space<vmem>>, vector<16xf32>,
    %swap3A_381 = arith.constant 464 : index
    %swap3A_382 = tpu.vector_load %arg8[%swap3A_381] {strides = array<i32>} : memref<2048xf32, #tpu.memory_space<vmem>>, vector<16xf32>,
    tpu.vector_store %arg8[%swap3A_381], %get3A_380 {strides = array<i32>} : memref<2048xf32, #tpu.memory_space<vmem>>, vector<16xf32>,
    %get3A_383 = arith.constant 7 : i32
    %get3A_384 = arith.index_cast %get3A_383 : i32 to index
    %get3A_385 = arith.constant 32 : index
    %get3A_386 = tpu.vector_load %arg7[%get3A_384, %get3A_385] {strides = array<i32>} : memref<32x64xf32, #tpu.memory_space<vmem>>, vector<16xf32>,
    %swap3A_387 = arith.constant 480 : index
    %swap3A_388 = tpu.vector_load %arg8[%swap3A_387] {strides = array<i32>} : memref<2048xf32, #tpu.memory_space<vmem>>, vector<16xf32>,
    tpu.vector_store %arg8[%swap3A_387], %get3A_386 {strides = array<i32>} : memref<2048xf32, #tpu.memory_space<vmem>>, vector<16xf32>,
    %get3A_389 = arith.constant 7 : i32
    %get3A_390 = arith.index_cast %get3A_389 : i32 to index
    %get3A_391 = arith.constant 48 : index
    %get3A_392 = tpu.vector_load %arg7[%get3A_390, %get3A_391] {strides = array<i32>} : memref<32x64xf32, #tpu.memory_space<vmem>>, vector<16xf32>,
    %swap3A_393 = arith.constant 496 : index
    %swap3A_394 = tpu.vector_load %arg8[%swap3A_393] {strides = array<i32>} : memref<2048xf32, #tpu.memory_space<vmem>>, vector<16xf32>,
    tpu.vector_store %arg8[%swap3A_393], %get3A_392 {strides = array<i32>} : memref<2048xf32, #tpu.memory_space<vmem>>, vector<16xf32>,
    %get3A_395 = arith.constant 8 : i32
    %get3A_396 = arith.index_cast %get3A_395 : i32 to index
    %get3A_397 = arith.constant 0 : index
    %get3A_398 = tpu.vector_load %arg7[%get3A_396, %get3A_397] {strides = array<i32>} : memref<32x64xf32, #tpu.memory_space<vmem>>, vector<16xf32>,
    %swap3A_399 = arith.constant 512 : index
    %swap3A_400 = tpu.vector_load %arg8[%swap3A_399] {strides = array<i32>} : memref<2048xf32, #tpu.memory_space<vmem>>, vector<16xf32>,
    tpu.vector_store %arg8[%swap3A_399], %get3A_398 {strides = array<i32>} : memref<2048xf32, #tpu.memory_space<vmem>>, vector<16xf32>,
    %get3A_401 = arith.constant 8 : i32
    %get3A_402 = arith.index_cast %get3A_401 : i32 to index
    %get3A_403 = arith.constant 16 : index
    %get3A_404 = tpu.vector_load %arg7[%get3A_402, %get3A_403] {strides = array<i32>} : memref<32x64xf32, #tpu.memory_space<vmem>>, vector<16xf32>,
    %swap3A_405 = arith.constant 528 : index
    %swap3A_406 = tpu.vector_load %arg8[%swap3A_405] {strides = array<i32>} : memref<2048xf32, #tpu.memory_space<vmem>>, vector<16xf32>,
    tpu.vector_store %arg8[%swap3A_405], %get3A_404 {strides = array<i32>} : memref<2048xf32, #tpu.memory_space<vmem>>, vector<16xf32>,
    %get3A_407 = arith.constant 8 : i32
    %get3A_408 = arith.index_cast %get3A_407 : i32 to index
    %get3A_409 = arith.constant 32 : index
    %get3A_410 = tpu.vector_load %arg7[%get3A_408, %get3A_409] {strides = array<i32>} : memref<32x64xf32, #tpu.memory_space<vmem>>, vector<16xf32>,
    %swap3A_411 = arith.constant 544 : index
    %swap3A_412 = tpu.vector_load %arg8[%swap3A_411] {strides = array<i32>} : memref<2048xf32, #tpu.memory_space<vmem>>, vector<16xf32>,
    tpu.vector_store %arg8[%swap3A_411], %get3A_410 {strides = array<i32>} : memref<2048xf32, #tpu.memory_space<vmem>>, vector<16xf32>,
    %get3A_413 = arith.constant 8 : i32
    %get3A_414 = arith.index_cast %get3A_413 : i32 to index
    %get3A_415 = arith.constant 48 : index
    %get3A_416 = tpu.vector_load %arg7[%get3A_414, %get3A_415] {strides = array<i32>} : memref<32x64xf32, #tpu.memory_space<vmem>>, vector<16xf32>,
    %swap3A_417 = arith.constant 560 : index
    %swap3A_418 = tpu.vector_load %arg8[%swap3A_417] {strides = array<i32>} : memref<2048xf32, #tpu.memory_space<vmem>>, vector<16xf32>,
    tpu.vector_store %arg8[%swap3A_417], %get3A_416 {strides = array<i32>} : memref<2048xf32, #tpu.memory_space<vmem>>, vector<16xf32>,
    %get3A_419 = arith.constant 9 : i32
    %get3A_420 = arith.index_cast %get3A_419 : i32 to index
    %get3A_421 = arith.constant 0 : index
    %get3A_422 = tpu.vector_load %arg7[%get3A_420, %get3A_421] {strides = array<i32>} : memref<32x64xf32, #tpu.memory_space<vmem>>, vector<16xf32>,
    %swap3A_423 = arith.constant 576 : index
    %swap3A_424 = tpu.vector_load %arg8[%swap3A_423] {strides = array<i32>} : memref<2048xf32, #tpu.memory_space<vmem>>, vector<16xf32>,
    tpu.vector_store %arg8[%swap3A_423], %get3A_422 {strides = array<i32>} : memref<2048xf32, #tpu.memory_space<vmem>>, vector<16xf32>,
    %get3A_425 = arith.constant 9 : i32
    %get3A_426 = arith.index_cast %get3A_425 : i32 to index
    %get3A_427 = arith.constant 16 : index
    %get3A_428 = tpu.vector_load %arg7[%get3A_426, %get3A_427] {strides = array<i32>} : memref<32x64xf32, #tpu.memory_space<vmem>>, vector<16xf32>,
    %swap3A_429 = arith.constant 592 : index
    %swap3A_430 = tpu.vector_load %arg8[%swap3A_429] {strides = array<i32>} : memref<2048xf32, #tpu.memory_space<vmem>>, vector<16xf32>,
    tpu.vector_store %arg8[%swap3A_429], %get3A_428 {strides = array<i32>} : memref<2048xf32, #tpu.memory_space<vmem>>, vector<16xf32>,
    %get3A_431 = arith.constant 9 : i32
    %get3A_432 = arith.index_cast %get3A_431 : i32 to index
    %get3A_433 = arith.constant 32 : index
    %get3A_434 = tpu.vector_load %arg7[%get3A_432, %get3A_433] {strides = array<i32>} : memref<32x64xf32, #tpu.memory_space<vmem>>, vector<16xf32>,
    %swap3A_435 = arith.constant 608 : index
    %swap3A_436 = tpu.vector_load %arg8[%swap3A_435] {strides = array<i32>} : memref<2048xf32, #tpu.memory_space<vmem>>, vector<16xf32>,
    tpu.vector_store %arg8[%swap3A_435], %get3A_434 {strides = array<i32>} : memref<2048xf32, #tpu.memory_space<vmem>>, vector<16xf32>,
    %get3A_437 = arith.constant 9 : i32
    %get3A_438 = arith.index_cast %get3A_437 : i32 to index
    %get3A_439 = arith.constant 48 : index
    %get3A_440 = tpu.vector_load %arg7[%get3A_438, %get3A_439] {strides = array<i32>} : memref<32x64xf32, #tpu.memory_space<vmem>>, vector<16xf32>,
    %swap3A_441 = arith.constant 624 : index
    %swap3A_442 = tpu.vector_load %arg8[%swap3A_441] {strides = array<i32>} : memref<2048xf32, #tpu.memory_space<vmem>>, vector<16xf32>,
    tpu.vector_store %arg8[%swap3A_441], %get3A_440 {strides = array<i32>} : memref<2048xf32, #tpu.memory_space<vmem>>, vector<16xf32>,
    %get3A_443 = arith.constant 10 : i32
    %get3A_444 = arith.index_cast %get3A_443 : i32 to index
    %get3A_445 = arith.constant 0 : index
    %get3A_446 = tpu.vector_load %arg7[%get3A_444, %get3A_445] {strides = array<i32>} : memref<32x64xf32, #tpu.memory_space<vmem>>, vector<16xf32>,
    %swap3A_447 = arith.constant 640 : index
    %swap3A_448 = tpu.vector_load %arg8[%swap3A_447] {strides = array<i32>} : memref<2048xf32, #tpu.memory_space<vmem>>, vector<16xf32>,
    tpu.vector_store %arg8[%swap3A_447], %get3A_446 {strides = array<i32>} : memref<2048xf32, #tpu.memory_space<vmem>>, vector<16xf32>,
    %get3A_449 = arith.constant 10 : i32
    %get3A_450 = arith.index_cast %get3A_449 : i32 to index
    %get3A_451 = arith.constant 16 : index
    %get3A_452 = tpu.vector_load %arg7[%get3A_450, %get3A_451] {strides = array<i32>} : memref<32x64xf32, #tpu.memory_space<vmem>>, vector<16xf32>,
    %swap3A_453 = arith.constant 656 : index
    %swap3A_454 = tpu.vector_load %arg8[%swap3A_453] {strides = array<i32>} : memref<2048xf32, #tpu.memory_space<vmem>>, vector<16xf32>,
    tpu.vector_store %arg8[%swap3A_453], %get3A_452 {strides = array<i32>} : memref<2048xf32, #tpu.memory_space<vmem>>, vector<16xf32>,
    %get3A_455 = arith.constant 10 : i32
    %get3A_456 = arith.index_cast %get3A_455 : i32 to index
    %get3A_457 = arith.constant 32 : index
    %get3A_458 = tpu.vector_load %arg7[%get3A_456, %get3A_457] {strides = array<i32>} : memref<32x64xf32, #tpu.memory_space<vmem>>, vector<16xf32>,
    %swap3A_459 = arith.constant 672 : index
    %swap3A_460 = tpu.vector_load %arg8[%swap3A_459] {strides = array<i32>} : memref<2048xf32, #tpu.memory_space<vmem>>, vector<16xf32>,
    tpu.vector_store %arg8[%swap3A_459], %get3A_458 {strides = array<i32>} : memref<2048xf32, #tpu.memory_space<vmem>>, vector<16xf32>,
    %get3A_461 = arith.constant 10 : i32
    %get3A_462 = arith.index_cast %get3A_461 : i32 to index
    %get3A_463 = arith.constant 48 : index
    %get3A_464 = tpu.vector_load %arg7[%get3A_462, %get3A_463] {strides = array<i32>} : memref<32x64xf32, #tpu.memory_space<vmem>>, vector<16xf32>,
    %swap3A_465 = arith.constant 688 : index
    %swap3A_466 = tpu.vector_load %arg8[%swap3A_465] {strides = array<i32>} : memref<2048xf32, #tpu.memory_space<vmem>>, vector<16xf32>,
    tpu.vector_store %arg8[%swap3A_465], %get3A_464 {strides = array<i32>} : memref<2048xf32, #tpu.memory_space<vmem>>, vector<16xf32>,
    %get3A_467 = arith.constant 11 : i32
    %get3A_468 = arith.index_cast %get3A_467 : i32 to index
    %get3A_469 = arith.constant 0 : index
    %get3A_470 = tpu.vector_load %arg7[%get3A_468, %get3A_469] {strides = array<i32>} : memref<32x64xf32, #tpu.memory_space<vmem>>, vector<16xf32>,
    %swap3A_471 = arith.constant 704 : index
    %swap3A_472 = tpu.vector_load %arg8[%swap3A_471] {strides = array<i32>} : memref<2048xf32, #tpu.memory_space<vmem>>, vector<16xf32>,
    tpu.vector_store %arg8[%swap3A_471], %get3A_470 {strides = array<i32>} : memref<2048xf32, #tpu.memory_space<vmem>>, vector<16xf32>,
    %get3A_473 = arith.constant 11 : i32
    %get3A_474 = arith.index_cast %get3A_473 : i32 to index
    %get3A_475 = arith.constant 16 : index
    %get3A_476 = tpu.vector_load %arg7[%get3A_474, %get3A_475] {strides = array<i32>} : memref<32x64xf32, #tpu.memory_space<vmem>>, vector<16xf32>,
    %swap3A_477 = arith.constant 720 : index
    %swap3A_478 = tpu.vector_load %arg8[%swap3A_477] {strides = array<i32>} : memref<2048xf32, #tpu.memory_space<vmem>>, vector<16xf32>,
    tpu.vector_store %arg8[%swap3A_477], %get3A_476 {strides = array<i32>} : memref<2048xf32, #tpu.memory_space<vmem>>, vector<16xf32>,
    %get3A_479 = arith.constant 11 : i32
    %get3A_480 = arith.index_cast %get3A_479 : i32 to index
    %get3A_481 = arith.constant 32 : index
    %get3A_482 = tpu.vector_load %arg7[%get3A_480, %get3A_481] {strides = array<i32>} : memref<32x64xf32, #tpu.memory_space<vmem>>, vector<16xf32>,
    %swap3A_483 = arith.constant 736 : index
    %swap3A_484 = tpu.vector_load %arg8[%swap3A_483] {strides = array<i32>} : memref<2048xf32, #tpu.memory_space<vmem>>, vector<16xf32>,
    tpu.vector_store %arg8[%swap3A_483], %get3A_482 {strides = array<i32>} : memref<2048xf32, #tpu.memory_space<vmem>>, vector<16xf32>,
    %get3A_485 = arith.constant 11 : i32
    %get3A_486 = arith.index_cast %get3A_485 : i32 to index
    %get3A_487 = arith.constant 48 : index
    %get3A_488 = tpu.vector_load %arg7[%get3A_486, %get3A_487] {strides = array<i32>} : memref<32x64xf32, #tpu.memory_space<vmem>>, vector<16xf32>,
    %swap3A_489 = arith.constant 752 : index
    %swap3A_490 = tpu.vector_load %arg8[%swap3A_489] {strides = array<i32>} : memref<2048xf32, #tpu.memory_space<vmem>>, vector<16xf32>,
    tpu.vector_store %arg8[%swap3A_489], %get3A_488 {strides = array<i32>} : memref<2048xf32, #tpu.memory_space<vmem>>, vector<16xf32>,
    %get3A_491 = arith.constant 12 : i32
    %get3A_492 = arith.index_cast %get3A_491 : i32 to index
    %get3A_493 = arith.constant 0 : index
    %get3A_494 = tpu.vector_load %arg7[%get3A_492, %get3A_493] {strides = array<i32>} : memref<32x64xf32, #tpu.memory_space<vmem>>, vector<16xf32>,
    %swap3A_495 = arith.constant 768 : index
    %swap3A_496 = tpu.vector_load %arg8[%swap3A_495] {strides = array<i32>} : memref<2048xf32, #tpu.memory_space<vmem>>, vector<16xf32>,
    tpu.vector_store %arg8[%swap3A_495], %get3A_494 {strides = array<i32>} : memref<2048xf32, #tpu.memory_space<vmem>>, vector<16xf32>,
    %get3A_497 = arith.constant 12 : i32
    %get3A_498 = arith.index_cast %get3A_497 : i32 to index
    %get3A_499 = arith.constant 16 : index
    %get3A_500 = tpu.vector_load %arg7[%get3A_498, %get3A_499] {strides = array<i32>} : memref<32x64xf32, #tpu.memory_space<vmem>>, vector<16xf32>,
    %swap3A_501 = arith.constant 784 : index
    %swap3A_502 = tpu.vector_load %arg8[%swap3A_501] {strides = array<i32>} : memref<2048xf32, #tpu.memory_space<vmem>>, vector<16xf32>,
    tpu.vector_store %arg8[%swap3A_501], %get3A_500 {strides = array<i32>} : memref<2048xf32, #tpu.memory_space<vmem>>, vector<16xf32>,
    %get3A_503 = arith.constant 12 : i32
    %get3A_504 = arith.index_cast %get3A_503 : i32 to index
    %get3A_505 = arith.constant 32 : index
    %get3A_506 = tpu.vector_load %arg7[%get3A_504, %get3A_505] {strides = array<i32>} : memref<32x64xf32, #tpu.memory_space<vmem>>, vector<16xf32>,
    %swap3A_507 = arith.constant 800 : index
    %swap3A_508 = tpu.vector_load %arg8[%swap3A_507] {strides = array<i32>} : memref<2048xf32, #tpu.memory_space<vmem>>, vector<16xf32>,
    tpu.vector_store %arg8[%swap3A_507], %get3A_506 {strides = array<i32>} : memref<2048xf32, #tpu.memory_space<vmem>>, vector<16xf32>,
    %get3A_509 = arith.constant 12 : i32
    %get3A_510 = arith.index_cast %get3A_509 : i32 to index
    %get3A_511 = arith.constant 48 : index
    %get3A_512 = tpu.vector_load %arg7[%get3A_510, %get3A_511] {strides = array<i32>} : memref<32x64xf32, #tpu.memory_space<vmem>>, vector<16xf32>,
    %swap3A_513 = arith.constant 816 : index
    %swap3A_514 = tpu.vector_load %arg8[%swap3A_513] {strides = array<i32>} : memref<2048xf32, #tpu.memory_space<vmem>>, vector<16xf32>,
    tpu.vector_store %arg8[%swap3A_513], %get3A_512 {strides = array<i32>} : memref<2048xf32, #tpu.memory_space<vmem>>, vector<16xf32>,
    %get3A_515 = arith.constant 13 : i32
    %get3A_516 = arith.index_cast %get3A_515 : i32 to index
    %get3A_517 = arith.constant 0 : index
    %get3A_518 = tpu.vector_load %arg7[%get3A_516, %get3A_517] {strides = array<i32>} : memref<32x64xf32, #tpu.memory_space<vmem>>, vector<16xf32>,
    %swap3A_519 = arith.constant 832 : index
    %swap3A_520 = tpu.vector_load %arg8[%swap3A_519] {strides = array<i32>} : memref<2048xf32, #tpu.memory_space<vmem>>, vector<16xf32>,
    tpu.vector_store %arg8[%swap3A_519], %get3A_518 {strides = array<i32>} : memref<2048xf32, #tpu.memory_space<vmem>>, vector<16xf32>,
    %get3A_521 = arith.constant 13 : i32
    %get3A_522 = arith.index_cast %get3A_521 : i32 to index
    %get3A_523 = arith.constant 16 : index
    %get3A_524 = tpu.vector_load %arg7[%get3A_522, %get3A_523] {strides = array<i32>} : memref<32x64xf32, #tpu.memory_space<vmem>>, vector<16xf32>,
    %swap3A_525 = arith.constant 848 : index
    %swap3A_526 = tpu.vector_load %arg8[%swap3A_525] {strides = array<i32>} : memref<2048xf32, #tpu.memory_space<vmem>>, vector<16xf32>,
    tpu.vector_store %arg8[%swap3A_525], %get3A_524 {strides = array<i32>} : memref<2048xf32, #tpu.memory_space<vmem>>, vector<16xf32>,
    %get3A_527 = arith.constant 13 : i32
    %get3A_528 = arith.index_cast %get3A_527 : i32 to index
    %get3A_529 = arith.constant 32 : index
    %get3A_530 = tpu.vector_load %arg7[%get3A_528, %get3A_529] {strides = array<i32>} : memref<32x64xf32, #tpu.memory_space<vmem>>, vector<16xf32>,
    %swap3A_531 = arith.constant 864 : index
    %swap3A_532 = tpu.vector_load %arg8[%swap3A_531] {strides = array<i32>} : memref<2048xf32, #tpu.memory_space<vmem>>, vector<16xf32>,
    tpu.vector_store %arg8[%swap3A_531], %get3A_530 {strides = array<i32>} : memref<2048xf32, #tpu.memory_space<vmem>>, vector<16xf32>,
    %get3A_533 = arith.constant 13 : i32
    %get3A_534 = arith.index_cast %get3A_533 : i32 to index
    %get3A_535 = arith.constant 48 : index
    %get3A_536 = tpu.vector_load %arg7[%get3A_534, %get3A_535] {strides = array<i32>} : memref<32x64xf32, #tpu.memory_space<vmem>>, vector<16xf32>,
    %swap3A_537 = arith.constant 880 : index
    %swap3A_538 = tpu.vector_load %arg8[%swap3A_537] {strides = array<i32>} : memref<2048xf32, #tpu.memory_space<vmem>>, vector<16xf32>,
    tpu.vector_store %arg8[%swap3A_537], %get3A_536 {strides = array<i32>} : memref<2048xf32, #tpu.memory_space<vmem>>, vector<16xf32>,
    %get3A_539 = arith.constant 14 : i32
    %get3A_540 = arith.index_cast %get3A_539 : i32 to index
    %get3A_541 = arith.constant 0 : index
    %get3A_542 = tpu.vector_load %arg7[%get3A_540, %get3A_541] {strides = array<i32>} : memref<32x64xf32, #tpu.memory_space<vmem>>, vector<16xf32>,
    %swap3A_543 = arith.constant 896 : index
    %swap3A_544 = tpu.vector_load %arg8[%swap3A_543] {strides = array<i32>} : memref<2048xf32, #tpu.memory_space<vmem>>, vector<16xf32>,
    tpu.vector_store %arg8[%swap3A_543], %get3A_542 {strides = array<i32>} : memref<2048xf32, #tpu.memory_space<vmem>>, vector<16xf32>,
    %get3A_545 = arith.constant 14 : i32
    %get3A_546 = arith.index_cast %get3A_545 : i32 to index
    %get3A_547 = arith.constant 16 : index
    %get3A_548 = tpu.vector_load %arg7[%get3A_546, %get3A_547] {strides = array<i32>} : memref<32x64xf32, #tpu.memory_space<vmem>>, vector<16xf32>,
    %swap3A_549 = arith.constant 912 : index
    %swap3A_550 = tpu.vector_load %arg8[%swap3A_549] {strides = array<i32>} : memref<2048xf32, #tpu.memory_space<vmem>>, vector<16xf32>,
    tpu.vector_store %arg8[%swap3A_549], %get3A_548 {strides = array<i32>} : memref<2048xf32, #tpu.memory_space<vmem>>, vector<16xf32>,
    %get3A_551 = arith.constant 14 : i32
    %get3A_552 = arith.index_cast %get3A_551 : i32 to index
    %get3A_553 = arith.constant 32 : index
    %get3A_554 = tpu.vector_load %arg7[%get3A_552, %get3A_553] {strides = array<i32>} : memref<32x64xf32, #tpu.memory_space<vmem>>, vector<16xf32>,
    %swap3A_555 = arith.constant 928 : index
    %swap3A_556 = tpu.vector_load %arg8[%swap3A_555] {strides = array<i32>} : memref<2048xf32, #tpu.memory_space<vmem>>, vector<16xf32>,
    tpu.vector_store %arg8[%swap3A_555], %get3A_554 {strides = array<i32>} : memref<2048xf32, #tpu.memory_space<vmem>>, vector<16xf32>,
    %get3A_557 = arith.constant 14 : i32
    %get3A_558 = arith.index_cast %get3A_557 : i32 to index
    %get3A_559 = arith.constant 48 : index
    %get3A_560 = tpu.vector_load %arg7[%get3A_558, %get3A_559] {strides = array<i32>} : memref<32x64xf32, #tpu.memory_space<vmem>>, vector<16xf32>,
    %swap3A_561 = arith.constant 944 : index
    %swap3A_562 = tpu.vector_load %arg8[%swap3A_561] {strides = array<i32>} : memref<2048xf32, #tpu.memory_space<vmem>>, vector<16xf32>,
    tpu.vector_store %arg8[%swap3A_561], %get3A_560 {strides = array<i32>} : memref<2048xf32, #tpu.memory_space<vmem>>, vector<16xf32>,
    %get3A_563 = arith.constant 15 : i32
    %get3A_564 = arith.index_cast %get3A_563 : i32 to index
    %get3A_565 = arith.constant 0 : index
    %get3A_566 = tpu.vector_load %arg7[%get3A_564, %get3A_565] {strides = array<i32>} : memref<32x64xf32, #tpu.memory_space<vmem>>, vector<16xf32>,
    %swap3A_567 = arith.constant 960 : index
    %swap3A_568 = tpu.vector_load %arg8[%swap3A_567] {strides = array<i32>} : memref<2048xf32, #tpu.memory_space<vmem>>, vector<16xf32>,
    tpu.vector_store %arg8[%swap3A_567], %get3A_566 {strides = array<i32>} : memref<2048xf32, #tpu.memory_space<vmem>>, vector<16xf32>,
    %get3A_569 = arith.constant 15 : i32
    %get3A_570 = arith.index_cast %get3A_569 : i32 to index
    %get3A_571 = arith.constant 16 : index
    %get3A_572 = tpu.vector_load %arg7[%get3A_570, %get3A_571] {strides = array<i32>} : memref<32x64xf32, #tpu.memory_space<vmem>>, vector<16xf32>,
    %swap3A_573 = arith.constant 976 : index
    %swap3A_574 = tpu.vector_load %arg8[%swap3A_573] {strides = array<i32>} : memref<2048xf32, #tpu.memory_space<vmem>>, vector<16xf32>,
    tpu.vector_store %arg8[%swap3A_573], %get3A_572 {strides = array<i32>} : memref<2048xf32, #tpu.memory_space<vmem>>, vector<16xf32>,
    %get3A_575 = arith.constant 15 : i32
    %get3A_576 = arith.index_cast %get3A_575 : i32 to index
    %get3A_577 = arith.constant 32 : index
    %get3A_578 = tpu.vector_load %arg7[%get3A_576, %get3A_577] {strides = array<i32>} : memref<32x64xf32, #tpu.memory_space<vmem>>, vector<16xf32>,
    %swap3A_579 = arith.constant 992 : index
    %swap3A_580 = tpu.vector_load %arg8[%swap3A_579] {strides = array<i32>} : memref<2048xf32, #tpu.memory_space<vmem>>, vector<16xf32>,
    tpu.vector_store %arg8[%swap3A_579], %get3A_578 {strides = array<i32>} : memref<2048xf32, #tpu.memory_space<vmem>>, vector<16xf32>,
    %get3A_581 = arith.constant 15 : i32
    %get3A_582 = arith.index_cast %get3A_581 : i32 to index
    %get3A_583 = arith.constant 48 : index
    %get3A_584 = tpu.vector_load %arg7[%get3A_582, %get3A_583] {strides = array<i32>} : memref<32x64xf32, #tpu.memory_space<vmem>>, vector<16xf32>,
    %swap3A_585 = arith.constant 1008 : index
    %swap3A_586 = tpu.vector_load %arg8[%swap3A_585] {strides = array<i32>} : memref<2048xf32, #tpu.memory_space<vmem>>, vector<16xf32>,
    tpu.vector_store %arg8[%swap3A_585], %get3A_584 {strides = array<i32>} : memref<2048xf32, #tpu.memory_space<vmem>>, vector<16xf32>,
    %get3A_587 = arith.constant 16 : i32
    %get3A_588 = arith.index_cast %get3A_587 : i32 to index
    %get3A_589 = arith.constant 0 : index
    %get3A_590 = tpu.vector_load %arg7[%get3A_588, %get3A_589] {strides = array<i32>} : memref<32x64xf32, #tpu.memory_space<vmem>>, vector<16xf32>,
    %swap3A_591 = arith.constant 1024 : index
    %swap3A_592 = tpu.vector_load %arg8[%swap3A_591] {strides = array<i32>} : memref<2048xf32, #tpu.memory_space<vmem>>, vector<16xf32>,
    tpu.vector_store %arg8[%swap3A_591], %get3A_590 {strides = array<i32>} : memref<2048xf32, #tpu.memory_space<vmem>>, vector<16xf32>,
    %get3A_593 = arith.constant 16 : i32
    %get3A_594 = arith.index_cast %get3A_593 : i32 to index
    %get3A_595 = arith.constant 16 : index
    %get3A_596 = tpu.vector_load %arg7[%get3A_594, %get3A_595] {strides = array<i32>} : memref<32x64xf32, #tpu.memory_space<vmem>>, vector<16xf32>,
    %swap3A_597 = arith.constant 1040 : index
    %swap3A_598 = tpu.vector_load %arg8[%swap3A_597] {strides = array<i32>} : memref<2048xf32, #tpu.memory_space<vmem>>, vector<16xf32>,
    tpu.vector_store %arg8[%swap3A_597], %get3A_596 {strides = array<i32>} : memref<2048xf32, #tpu.memory_space<vmem>>, vector<16xf32>,
    %get3A_599 = arith.constant 16 : i32
    %get3A_600 = arith.index_cast %get3A_599 : i32 to index
    %get3A_601 = arith.constant 32 : index
    %get3A_602 = tpu.vector_load %arg7[%get3A_600, %get3A_601] {strides = array<i32>} : memref<32x64xf32, #tpu.memory_space<vmem>>, vector<16xf32>,
    %swap3A_603 = arith.constant 1056 : index
    %swap3A_604 = tpu.vector_load %arg8[%swap3A_603] {strides = array<i32>} : memref<2048xf32, #tpu.memory_space<vmem>>, vector<16xf32>,
    tpu.vector_store %arg8[%swap3A_603], %get3A_602 {strides = array<i32>} : memref<2048xf32, #tpu.memory_space<vmem>>, vector<16xf32>,
    %get3A_605 = arith.constant 16 : i32
    %get3A_606 = arith.index_cast %get3A_605 : i32 to index
    %get3A_607 = arith.constant 48 : index
    %get3A_608 = tpu.vector_load %arg7[%get3A_606, %get3A_607] {strides = array<i32>} : memref<32x64xf32, #tpu.memory_space<vmem>>, vector<16xf32>,
    %swap3A_609 = arith.constant 1072 : index
    %swap3A_610 = tpu.vector_load %arg8[%swap3A_609] {strides = array<i32>} : memref<2048xf32, #tpu.memory_space<vmem>>, vector<16xf32>,
    tpu.vector_store %arg8[%swap3A_609], %get3A_608 {strides = array<i32>} : memref<2048xf32, #tpu.memory_space<vmem>>, vector<16xf32>,
    %get3A_611 = arith.constant 17 : i32
    %get3A_612 = arith.index_cast %get3A_611 : i32 to index
    %get3A_613 = arith.constant 0 : index
    %get3A_614 = tpu.vector_load %arg7[%get3A_612, %get3A_613] {strides = array<i32>} : memref<32x64xf32, #tpu.memory_space<vmem>>, vector<16xf32>,
    %swap3A_615 = arith.constant 1088 : index
    %swap3A_616 = tpu.vector_load %arg8[%swap3A_615] {strides = array<i32>} : memref<2048xf32, #tpu.memory_space<vmem>>, vector<16xf32>,
    tpu.vector_store %arg8[%swap3A_615], %get3A_614 {strides = array<i32>} : memref<2048xf32, #tpu.memory_space<vmem>>, vector<16xf32>,
    %get3A_617 = arith.constant 17 : i32
    %get3A_618 = arith.index_cast %get3A_617 : i32 to index
    %get3A_619 = arith.constant 16 : index
    %get3A_620 = tpu.vector_load %arg7[%get3A_618, %get3A_619] {strides = array<i32>} : memref<32x64xf32, #tpu.memory_space<vmem>>, vector<16xf32>,
    %swap3A_621 = arith.constant 1104 : index
    %swap3A_622 = tpu.vector_load %arg8[%swap3A_621] {strides = array<i32>} : memref<2048xf32, #tpu.memory_space<vmem>>, vector<16xf32>,
    tpu.vector_store %arg8[%swap3A_621], %get3A_620 {strides = array<i32>} : memref<2048xf32, #tpu.memory_space<vmem>>, vector<16xf32>,
    %get3A_623 = arith.constant 17 : i32
    %get3A_624 = arith.index_cast %get3A_623 : i32 to index
    %get3A_625 = arith.constant 32 : index
    %get3A_626 = tpu.vector_load %arg7[%get3A_624, %get3A_625] {strides = array<i32>} : memref<32x64xf32, #tpu.memory_space<vmem>>, vector<16xf32>,
    %swap3A_627 = arith.constant 1120 : index
    %swap3A_628 = tpu.vector_load %arg8[%swap3A_627] {strides = array<i32>} : memref<2048xf32, #tpu.memory_space<vmem>>, vector<16xf32>,
    tpu.vector_store %arg8[%swap3A_627], %get3A_626 {strides = array<i32>} : memref<2048xf32, #tpu.memory_space<vmem>>, vector<16xf32>,
    %get3A_629 = arith.constant 17 : i32
    %get3A_630 = arith.index_cast %get3A_629 : i32 to index
    %get3A_631 = arith.constant 48 : index
    %get3A_632 = tpu.vector_load %arg7[%get3A_630, %get3A_631] {strides = array<i32>} : memref<32x64xf32, #tpu.memory_space<vmem>>, vector<16xf32>,
    %swap3A_633 = arith.constant 1136 : index
    %swap3A_634 = tpu.vector_load %arg8[%swap3A_633] {strides = array<i32>} : memref<2048xf32, #tpu.memory_space<vmem>>, vector<16xf32>,
    tpu.vector_store %arg8[%swap3A_633], %get3A_632 {strides = array<i32>} : memref<2048xf32, #tpu.memory_space<vmem>>, vector<16xf32>,
    %get3A_635 = arith.constant 18 : i32
    %get3A_636 = arith.index_cast %get3A_635 : i32 to index
    %get3A_637 = arith.constant 0 : index
    %get3A_638 = tpu.vector_load %arg7[%get3A_636, %get3A_637] {strides = array<i32>} : memref<32x64xf32, #tpu.memory_space<vmem>>, vector<16xf32>,
    %swap3A_639 = arith.constant 1152 : index
    %swap3A_640 = tpu.vector_load %arg8[%swap3A_639] {strides = array<i32>} : memref<2048xf32, #tpu.memory_space<vmem>>, vector<16xf32>,
    tpu.vector_store %arg8[%swap3A_639], %get3A_638 {strides = array<i32>} : memref<2048xf32, #tpu.memory_space<vmem>>, vector<16xf32>,
    %get3A_641 = arith.constant 18 : i32
    %get3A_642 = arith.index_cast %get3A_641 : i32 to index
    %get3A_643 = arith.constant 16 : index
    %get3A_644 = tpu.vector_load %arg7[%get3A_642, %get3A_643] {strides = array<i32>} : memref<32x64xf32, #tpu.memory_space<vmem>>, vector<16xf32>,
    %swap3A_645 = arith.constant 1168 : index
    %swap3A_646 = tpu.vector_load %arg8[%swap3A_645] {strides = array<i32>} : memref<2048xf32, #tpu.memory_space<vmem>>, vector<16xf32>,
    tpu.vector_store %arg8[%swap3A_645], %get3A_644 {strides = array<i32>} : memref<2048xf32, #tpu.memory_space<vmem>>, vector<16xf32>,
    %get3A_647 = arith.constant 18 : i32
    %get3A_648 = arith.index_cast %get3A_647 : i32 to index
    %get3A_649 = arith.constant 32 : index
    %get3A_650 = tpu.vector_load %arg7[%get3A_648, %get3A_649] {strides = array<i32>} : memref<32x64xf32, #tpu.memory_space<vmem>>, vector<16xf32>,
    %swap3A_651 = arith.constant 1184 : index
    %swap3A_652 = tpu.vector_load %arg8[%swap3A_651] {strides = array<i32>} : memref<2048xf32, #tpu.memory_space<vmem>>, vector<16xf32>,
    tpu.vector_store %arg8[%swap3A_651], %get3A_650 {strides = array<i32>} : memref<2048xf32, #tpu.memory_space<vmem>>, vector<16xf32>,
    %get3A_653 = arith.constant 18 : i32
    %get3A_654 = arith.index_cast %get3A_653 : i32 to index
    %get3A_655 = arith.constant 48 : index
    %get3A_656 = tpu.vector_load %arg7[%get3A_654, %get3A_655] {strides = array<i32>} : memref<32x64xf32, #tpu.memory_space<vmem>>, vector<16xf32>,
    %swap3A_657 = arith.constant 1200 : index
    %swap3A_658 = tpu.vector_load %arg8[%swap3A_657] {strides = array<i32>} : memref<2048xf32, #tpu.memory_space<vmem>>, vector<16xf32>,
    tpu.vector_store %arg8[%swap3A_657], %get3A_656 {strides = array<i32>} : memref<2048xf32, #tpu.memory_space<vmem>>, vector<16xf32>,
    %get3A_659 = arith.constant 19 : i32
    %get3A_660 = arith.index_cast %get3A_659 : i32 to index
    %get3A_661 = arith.constant 0 : index
    %get3A_662 = tpu.vector_load %arg7[%get3A_660, %get3A_661] {strides = array<i32>} : memref<32x64xf32, #tpu.memory_space<vmem>>, vector<16xf32>,
    %swap3A_663 = arith.constant 1216 : index
    %swap3A_664 = tpu.vector_load %arg8[%swap3A_663] {strides = array<i32>} : memref<2048xf32, #tpu.memory_space<vmem>>, vector<16xf32>,
    tpu.vector_store %arg8[%swap3A_663], %get3A_662 {strides = array<i32>} : memref<2048xf32, #tpu.memory_space<vmem>>, vector<16xf32>,
    %get3A_665 = arith.constant 19 : i32
    %get3A_666 = arith.index_cast %get3A_665 : i32 to index
    %get3A_667 = arith.constant 16 : index
    %get3A_668 = tpu.vector_load %arg7[%get3A_666, %get3A_667] {strides = array<i32>} : memref<32x64xf32, #tpu.memory_space<vmem>>, vector<16xf32>,
    %swap3A_669 = arith.constant 1232 : index
    %swap3A_670 = tpu.vector_load %arg8[%swap3A_669] {strides = array<i32>} : memref<2048xf32, #tpu.memory_space<vmem>>, vector<16xf32>,
    tpu.vector_store %arg8[%swap3A_669], %get3A_668 {strides = array<i32>} : memref<2048xf32, #tpu.memory_space<vmem>>, vector<16xf32>,
    %get3A_671 = arith.constant 19 : i32
    %get3A_672 = arith.index_cast %get3A_671 : i32 to index
    %get3A_673 = arith.constant 32 : index
    %get3A_674 = tpu.vector_load %arg7[%get3A_672, %get3A_673] {strides = array<i32>} : memref<32x64xf32, #tpu.memory_space<vmem>>, vector<16xf32>,
    %swap3A_675 = arith.constant 1248 : index
    %swap3A_676 = tpu.vector_load %arg8[%swap3A_675] {strides = array<i32>} : memref<2048xf32, #tpu.memory_space<vmem>>, vector<16xf32>,
    tpu.vector_store %arg8[%swap3A_675], %get3A_674 {strides = array<i32>} : memref<2048xf32, #tpu.memory_space<vmem>>, vector<16xf32>,
    %get3A_677 = arith.constant 19 : i32
    %get3A_678 = arith.index_cast %get3A_677 : i32 to index
    %get3A_679 = arith.constant 48 : index
    %get3A_680 = tpu.vector_load %arg7[%get3A_678, %get3A_679] {strides = array<i32>} : memref<32x64xf32, #tpu.memory_space<vmem>>, vector<16xf32>,
    %swap3A_681 = arith.constant 1264 : index
    %swap3A_682 = tpu.vector_load %arg8[%swap3A_681] {strides = array<i32>} : memref<2048xf32, #tpu.memory_space<vmem>>, vector<16xf32>,
    tpu.vector_store %arg8[%swap3A_681], %get3A_680 {strides = array<i32>} : memref<2048xf32, #tpu.memory_space<vmem>>, vector<16xf32>,
    %get3A_683 = arith.constant 20 : i32
    %get3A_684 = arith.index_cast %get3A_683 : i32 to index
    %get3A_685 = arith.constant 0 : index
    %get3A_686 = tpu.vector_load %arg7[%get3A_684, %get3A_685] {strides = array<i32>} : memref<32x64xf32, #tpu.memory_space<vmem>>, vector<16xf32>,
    %swap3A_687 = arith.constant 1280 : index
    %swap3A_688 = tpu.vector_load %arg8[%swap3A_687] {strides = array<i32>} : memref<2048xf32, #tpu.memory_space<vmem>>, vector<16xf32>,
    tpu.vector_store %arg8[%swap3A_687], %get3A_686 {strides = array<i32>} : memref<2048xf32, #tpu.memory_space<vmem>>, vector<16xf32>,
    %get3A_689 = arith.constant 20 : i32
    %get3A_690 = arith.index_cast %get3A_689 : i32 to index
    %get3A_691 = arith.constant 16 : index
    %get3A_692 = tpu.vector_load %arg7[%get3A_690, %get3A_691] {strides = array<i32>} : memref<32x64xf32, #tpu.memory_space<vmem>>, vector<16xf32>,
    %swap3A_693 = arith.constant 1296 : index
    %swap3A_694 = tpu.vector_load %arg8[%swap3A_693] {strides = array<i32>} : memref<2048xf32, #tpu.memory_space<vmem>>, vector<16xf32>,
    tpu.vector_store %arg8[%swap3A_693], %get3A_692 {strides = array<i32>} : memref<2048xf32, #tpu.memory_space<vmem>>, vector<16xf32>,
    %get3A_695 = arith.constant 20 : i32
    %get3A_696 = arith.index_cast %get3A_695 : i32 to index
    %get3A_697 = arith.constant 32 : index
    %get3A_698 = tpu.vector_load %arg7[%get3A_696, %get3A_697] {strides = array<i32>} : memref<32x64xf32, #tpu.memory_space<vmem>>, vector<16xf32>,
    %swap3A_699 = arith.constant 1312 : index
    %swap3A_700 = tpu.vector_load %arg8[%swap3A_699] {strides = array<i32>} : memref<2048xf32, #tpu.memory_space<vmem>>, vector<16xf32>,
    tpu.vector_store %arg8[%swap3A_699], %get3A_698 {strides = array<i32>} : memref<2048xf32, #tpu.memory_space<vmem>>, vector<16xf32>,
    %get3A_701 = arith.constant 20 : i32
    %get3A_702 = arith.index_cast %get3A_701 : i32 to index
    %get3A_703 = arith.constant 48 : index
    %get3A_704 = tpu.vector_load %arg7[%get3A_702, %get3A_703] {strides = array<i32>} : memref<32x64xf32, #tpu.memory_space<vmem>>, vector<16xf32>,
    %swap3A_705 = arith.constant 1328 : index
    %swap3A_706 = tpu.vector_load %arg8[%swap3A_705] {strides = array<i32>} : memref<2048xf32, #tpu.memory_space<vmem>>, vector<16xf32>,
    tpu.vector_store %arg8[%swap3A_705], %get3A_704 {strides = array<i32>} : memref<2048xf32, #tpu.memory_space<vmem>>, vector<16xf32>,
    %get3A_707 = arith.constant 21 : i32
    %get3A_708 = arith.index_cast %get3A_707 : i32 to index
    %get3A_709 = arith.constant 0 : index
    %get3A_710 = tpu.vector_load %arg7[%get3A_708, %get3A_709] {strides = array<i32>} : memref<32x64xf32, #tpu.memory_space<vmem>>, vector<16xf32>,
    %swap3A_711 = arith.constant 1344 : index
    %swap3A_712 = tpu.vector_load %arg8[%swap3A_711] {strides = array<i32>} : memref<2048xf32, #tpu.memory_space<vmem>>, vector<16xf32>,
    tpu.vector_store %arg8[%swap3A_711], %get3A_710 {strides = array<i32>} : memref<2048xf32, #tpu.memory_space<vmem>>, vector<16xf32>,
    %get3A_713 = arith.constant 21 : i32
    %get3A_714 = arith.index_cast %get3A_713 : i32 to index
    %get3A_715 = arith.constant 16 : index
    %get3A_716 = tpu.vector_load %arg7[%get3A_714, %get3A_715] {strides = array<i32>} : memref<32x64xf32, #tpu.memory_space<vmem>>, vector<16xf32>,
    %swap3A_717 = arith.constant 1360 : index
    %swap3A_718 = tpu.vector_load %arg8[%swap3A_717] {strides = array<i32>} : memref<2048xf32, #tpu.memory_space<vmem>>, vector<16xf32>,
    tpu.vector_store %arg8[%swap3A_717], %get3A_716 {strides = array<i32>} : memref<2048xf32, #tpu.memory_space<vmem>>, vector<16xf32>,
    %get3A_719 = arith.constant 21 : i32
    %get3A_720 = arith.index_cast %get3A_719 : i32 to index
    %get3A_721 = arith.constant 32 : index
    %get3A_722 = tpu.vector_load %arg7[%get3A_720, %get3A_721] {strides = array<i32>} : memref<32x64xf32, #tpu.memory_space<vmem>>, vector<16xf32>,
    %swap3A_723 = arith.constant 1376 : index
    %swap3A_724 = tpu.vector_load %arg8[%swap3A_723] {strides = array<i32>} : memref<2048xf32, #tpu.memory_space<vmem>>, vector<16xf32>,
    tpu.vector_store %arg8[%swap3A_723], %get3A_722 {strides = array<i32>} : memref<2048xf32, #tpu.memory_space<vmem>>, vector<16xf32>,
    %get3A_725 = arith.constant 21 : i32
    %get3A_726 = arith.index_cast %get3A_725 : i32 to index
    %get3A_727 = arith.constant 48 : index
    %get3A_728 = tpu.vector_load %arg7[%get3A_726, %get3A_727] {strides = array<i32>} : memref<32x64xf32, #tpu.memory_space<vmem>>, vector<16xf32>,
    %swap3A_729 = arith.constant 1392 : index
    %swap3A_730 = tpu.vector_load %arg8[%swap3A_729] {strides = array<i32>} : memref<2048xf32, #tpu.memory_space<vmem>>, vector<16xf32>,
    tpu.vector_store %arg8[%swap3A_729], %get3A_728 {strides = array<i32>} : memref<2048xf32, #tpu.memory_space<vmem>>, vector<16xf32>,
    %get3A_731 = arith.constant 22 : i32
    %get3A_732 = arith.index_cast %get3A_731 : i32 to index
    %get3A_733 = arith.constant 0 : index
    %get3A_734 = tpu.vector_load %arg7[%get3A_732, %get3A_733] {strides = array<i32>} : memref<32x64xf32, #tpu.memory_space<vmem>>, vector<16xf32>,
    %swap3A_735 = arith.constant 1408 : index
    %swap3A_736 = tpu.vector_load %arg8[%swap3A_735] {strides = array<i32>} : memref<2048xf32, #tpu.memory_space<vmem>>, vector<16xf32>,
    tpu.vector_store %arg8[%swap3A_735], %get3A_734 {strides = array<i32>} : memref<2048xf32, #tpu.memory_space<vmem>>, vector<16xf32>,
    %get3A_737 = arith.constant 22 : i32
    %get3A_738 = arith.index_cast %get3A_737 : i32 to index
    %get3A_739 = arith.constant 16 : index
    %get3A_740 = tpu.vector_load %arg7[%get3A_738, %get3A_739] {strides = array<i32>} : memref<32x64xf32, #tpu.memory_space<vmem>>, vector<16xf32>,
    %swap3A_741 = arith.constant 1424 : index
    %swap3A_742 = tpu.vector_load %arg8[%swap3A_741] {strides = array<i32>} : memref<2048xf32, #tpu.memory_space<vmem>>, vector<16xf32>,
    tpu.vector_store %arg8[%swap3A_741], %get3A_740 {strides = array<i32>} : memref<2048xf32, #tpu.memory_space<vmem>>, vector<16xf32>,
    %get3A_743 = arith.constant 22 : i32
    %get3A_744 = arith.index_cast %get3A_743 : i32 to index
    %get3A_745 = arith.constant 32 : index
    %get3A_746 = tpu.vector_load %arg7[%get3A_744, %get3A_745] {strides = array<i32>} : memref<32x64xf32, #tpu.memory_space<vmem>>, vector<16xf32>,
    %swap3A_747 = arith.constant 1440 : index
    %swap3A_748 = tpu.vector_load %arg8[%swap3A_747] {strides = array<i32>} : memref<2048xf32, #tpu.memory_space<vmem>>, vector<16xf32>,
    tpu.vector_store %arg8[%swap3A_747], %get3A_746 {strides = array<i32>} : memref<2048xf32, #tpu.memory_space<vmem>>, vector<16xf32>,
    %get3A_749 = arith.constant 22 : i32
    %get3A_750 = arith.index_cast %get3A_749 : i32 to index
    %get3A_751 = arith.constant 48 : index
    %get3A_752 = tpu.vector_load %arg7[%get3A_750, %get3A_751] {strides = array<i32>} : memref<32x64xf32, #tpu.memory_space<vmem>>, vector<16xf32>,
    %swap3A_753 = arith.constant 1456 : index
    %swap3A_754 = tpu.vector_load %arg8[%swap3A_753] {strides = array<i32>} : memref<2048xf32, #tpu.memory_space<vmem>>, vector<16xf32>,
    tpu.vector_store %arg8[%swap3A_753], %get3A_752 {strides = array<i32>} : memref<2048xf32, #tpu.memory_space<vmem>>, vector<16xf32>,
    %get3A_755 = arith.constant 23 : i32
    %get3A_756 = arith.index_cast %get3A_755 : i32 to index
    %get3A_757 = arith.constant 0 : index
    %get3A_758 = tpu.vector_load %arg7[%get3A_756, %get3A_757] {strides = array<i32>} : memref<32x64xf32, #tpu.memory_space<vmem>>, vector<16xf32>,
    %swap3A_759 = arith.constant 1472 : index
    %swap3A_760 = tpu.vector_load %arg8[%swap3A_759] {strides = array<i32>} : memref<2048xf32, #tpu.memory_space<vmem>>, vector<16xf32>,
    tpu.vector_store %arg8[%swap3A_759], %get3A_758 {strides = array<i32>} : memref<2048xf32, #tpu.memory_space<vmem>>, vector<16xf32>,
    %get3A_761 = arith.constant 23 : i32
    %get3A_762 = arith.index_cast %get3A_761 : i32 to index
    %get3A_763 = arith.constant 16 : index
    %get3A_764 = tpu.vector_load %arg7[%get3A_762, %get3A_763] {strides = array<i32>} : memref<32x64xf32, #tpu.memory_space<vmem>>, vector<16xf32>,
    %swap3A_765 = arith.constant 1488 : index
    %swap3A_766 = tpu.vector_load %arg8[%swap3A_765] {strides = array<i32>} : memref<2048xf32, #tpu.memory_space<vmem>>, vector<16xf32>,
    tpu.vector_store %arg8[%swap3A_765], %get3A_764 {strides = array<i32>} : memref<2048xf32, #tpu.memory_space<vmem>>, vector<16xf32>,
    %get3A_767 = arith.constant 23 : i32
    %get3A_768 = arith.index_cast %get3A_767 : i32 to index
    %get3A_769 = arith.constant 32 : index
    %get3A_770 = tpu.vector_load %arg7[%get3A_768, %get3A_769] {strides = array<i32>} : memref<32x64xf32, #tpu.memory_space<vmem>>, vector<16xf32>,
    %swap3A_771 = arith.constant 1504 : index
    %swap3A_772 = tpu.vector_load %arg8[%swap3A_771] {strides = array<i32>} : memref<2048xf32, #tpu.memory_space<vmem>>, vector<16xf32>,
    tpu.vector_store %arg8[%swap3A_771], %get3A_770 {strides = array<i32>} : memref<2048xf32, #tpu.memory_space<vmem>>, vector<16xf32>,
    %get3A_773 = arith.constant 23 : i32
    %get3A_774 = arith.index_cast %get3A_773 : i32 to index
    %get3A_775 = arith.constant 48 : index
    %get3A_776 = tpu.vector_load %arg7[%get3A_774, %get3A_775] {strides = array<i32>} : memref<32x64xf32, #tpu.memory_space<vmem>>, vector<16xf32>,
    %swap3A_777 = arith.constant 1520 : index
    %swap3A_778 = tpu.vector_load %arg8[%swap3A_777] {strides = array<i32>} : memref<2048xf32, #tpu.memory_space<vmem>>, vector<16xf32>,
    tpu.vector_store %arg8[%swap3A_777], %get3A_776 {strides = array<i32>} : memref<2048xf32, #tpu.memory_space<vmem>>, vector<16xf32>,
    %get3A_779 = arith.constant 24 : i32
    %get3A_780 = arith.index_cast %get3A_779 : i32 to index
    %get3A_781 = arith.constant 0 : index
    %get3A_782 = tpu.vector_load %arg7[%get3A_780, %get3A_781] {strides = array<i32>} : memref<32x64xf32, #tpu.memory_space<vmem>>, vector<16xf32>,
    %swap3A_783 = arith.constant 1536 : index
    %swap3A_784 = tpu.vector_load %arg8[%swap3A_783] {strides = array<i32>} : memref<2048xf32, #tpu.memory_space<vmem>>, vector<16xf32>,
    tpu.vector_store %arg8[%swap3A_783], %get3A_782 {strides = array<i32>} : memref<2048xf32, #tpu.memory_space<vmem>>, vector<16xf32>,
    %get3A_785 = arith.constant 24 : i32
    %get3A_786 = arith.index_cast %get3A_785 : i32 to index
    %get3A_787 = arith.constant 16 : index
    %get3A_788 = tpu.vector_load %arg7[%get3A_786, %get3A_787] {strides = array<i32>} : memref<32x64xf32, #tpu.memory_space<vmem>>, vector<16xf32>,
    %swap3A_789 = arith.constant 1552 : index
    %swap3A_790 = tpu.vector_load %arg8[%swap3A_789] {strides = array<i32>} : memref<2048xf32, #tpu.memory_space<vmem>>, vector<16xf32>,
    tpu.vector_store %arg8[%swap3A_789], %get3A_788 {strides = array<i32>} : memref<2048xf32, #tpu.memory_space<vmem>>, vector<16xf32>,
    %get3A_791 = arith.constant 24 : i32
    %get3A_792 = arith.index_cast %get3A_791 : i32 to index
    %get3A_793 = arith.constant 32 : index
    %get3A_794 = tpu.vector_load %arg7[%get3A_792, %get3A_793] {strides = array<i32>} : memref<32x64xf32, #tpu.memory_space<vmem>>, vector<16xf32>,
    %swap3A_795 = arith.constant 1568 : index
    %swap3A_796 = tpu.vector_load %arg8[%swap3A_795] {strides = array<i32>} : memref<2048xf32, #tpu.memory_space<vmem>>, vector<16xf32>,
    tpu.vector_store %arg8[%swap3A_795], %get3A_794 {strides = array<i32>} : memref<2048xf32, #tpu.memory_space<vmem>>, vector<16xf32>,
    %get3A_797 = arith.constant 24 : i32
    %get3A_798 = arith.index_cast %get3A_797 : i32 to index
    %get3A_799 = arith.constant 48 : index
    %get3A_800 = tpu.vector_load %arg7[%get3A_798, %get3A_799] {strides = array<i32>} : memref<32x64xf32, #tpu.memory_space<vmem>>, vector<16xf32>,
    %swap3A_801 = arith.constant 1584 : index
    %swap3A_802 = tpu.vector_load %arg8[%swap3A_801] {strides = array<i32>} : memref<2048xf32, #tpu.memory_space<vmem>>, vector<16xf32>,
    tpu.vector_store %arg8[%swap3A_801], %get3A_800 {strides = array<i32>} : memref<2048xf32, #tpu.memory_space<vmem>>, vector<16xf32>,
    %get3A_803 = arith.constant 25 : i32
    %get3A_804 = arith.index_cast %get3A_803 : i32 to index
    %get3A_805 = arith.constant 0 : index
    %get3A_806 = tpu.vector_load %arg7[%get3A_804, %get3A_805] {strides = array<i32>} : memref<32x64xf32, #tpu.memory_space<vmem>>, vector<16xf32>,
    %swap3A_807 = arith.constant 1600 : index
    %swap3A_808 = tpu.vector_load %arg8[%swap3A_807] {strides = array<i32>} : memref<2048xf32, #tpu.memory_space<vmem>>, vector<16xf32>,
    tpu.vector_store %arg8[%swap3A_807], %get3A_806 {strides = array<i32>} : memref<2048xf32, #tpu.memory_space<vmem>>, vector<16xf32>,
    %get3A_809 = arith.constant 25 : i32
    %get3A_810 = arith.index_cast %get3A_809 : i32 to index
    %get3A_811 = arith.constant 16 : index
    %get3A_812 = tpu.vector_load %arg7[%get3A_810, %get3A_811] {strides = array<i32>} : memref<32x64xf32, #tpu.memory_space<vmem>>, vector<16xf32>,
    %swap3A_813 = arith.constant 1616 : index
    %swap3A_814 = tpu.vector_load %arg8[%swap3A_813] {strides = array<i32>} : memref<2048xf32, #tpu.memory_space<vmem>>, vector<16xf32>,
    tpu.vector_store %arg8[%swap3A_813], %get3A_812 {strides = array<i32>} : memref<2048xf32, #tpu.memory_space<vmem>>, vector<16xf32>,
    %get3A_815 = arith.constant 25 : i32
    %get3A_816 = arith.index_cast %get3A_815 : i32 to index
    %get3A_817 = arith.constant 32 : index
    %get3A_818 = tpu.vector_load %arg7[%get3A_816, %get3A_817] {strides = array<i32>} : memref<32x64xf32, #tpu.memory_space<vmem>>, vector<16xf32>,
    %swap3A_819 = arith.constant 1632 : index
    %swap3A_820 = tpu.vector_load %arg8[%swap3A_819] {strides = array<i32>} : memref<2048xf32, #tpu.memory_space<vmem>>, vector<16xf32>,
    tpu.vector_store %arg8[%swap3A_819], %get3A_818 {strides = array<i32>} : memref<2048xf32, #tpu.memory_space<vmem>>, vector<16xf32>,
    %get3A_821 = arith.constant 25 : i32
    %get3A_822 = arith.index_cast %get3A_821 : i32 to index
    %get3A_823 = arith.constant 48 : index
    %get3A_824 = tpu.vector_load %arg7[%get3A_822, %get3A_823] {strides = array<i32>} : memref<32x64xf32, #tpu.memory_space<vmem>>, vector<16xf32>,
    %swap3A_825 = arith.constant 1648 : index
    %swap3A_826 = tpu.vector_load %arg8[%swap3A_825] {strides = array<i32>} : memref<2048xf32, #tpu.memory_space<vmem>>, vector<16xf32>,
    tpu.vector_store %arg8[%swap3A_825], %get3A_824 {strides = array<i32>} : memref<2048xf32, #tpu.memory_space<vmem>>, vector<16xf32>,
    %get3A_827 = arith.constant 26 : i32
    %get3A_828 = arith.index_cast %get3A_827 : i32 to index
    %get3A_829 = arith.constant 0 : index
    %get3A_830 = tpu.vector_load %arg7[%get3A_828, %get3A_829] {strides = array<i32>} : memref<32x64xf32, #tpu.memory_space<vmem>>, vector<16xf32>,
    %swap3A_831 = arith.constant 1664 : index
    %swap3A_832 = tpu.vector_load %arg8[%swap3A_831] {strides = array<i32>} : memref<2048xf32, #tpu.memory_space<vmem>>, vector<16xf32>,
    tpu.vector_store %arg8[%swap3A_831], %get3A_830 {strides = array<i32>} : memref<2048xf32, #tpu.memory_space<vmem>>, vector<16xf32>,
    %get3A_833 = arith.constant 26 : i32
    %get3A_834 = arith.index_cast %get3A_833 : i32 to index
    %get3A_835 = arith.constant 16 : index
    %get3A_836 = tpu.vector_load %arg7[%get3A_834, %get3A_835] {strides = array<i32>} : memref<32x64xf32, #tpu.memory_space<vmem>>, vector<16xf32>,
    %swap3A_837 = arith.constant 1680 : index
    %swap3A_838 = tpu.vector_load %arg8[%swap3A_837] {strides = array<i32>} : memref<2048xf32, #tpu.memory_space<vmem>>, vector<16xf32>,
    tpu.vector_store %arg8[%swap3A_837], %get3A_836 {strides = array<i32>} : memref<2048xf32, #tpu.memory_space<vmem>>, vector<16xf32>,
    %get3A_839 = arith.constant 26 : i32
    %get3A_840 = arith.index_cast %get3A_839 : i32 to index
    %get3A_841 = arith.constant 32 : index
    %get3A_842 = tpu.vector_load %arg7[%get3A_840, %get3A_841] {strides = array<i32>} : memref<32x64xf32, #tpu.memory_space<vmem>>, vector<16xf32>,
    %swap3A_843 = arith.constant 1696 : index
    %swap3A_844 = tpu.vector_load %arg8[%swap3A_843] {strides = array<i32>} : memref<2048xf32, #tpu.memory_space<vmem>>, vector<16xf32>,
    tpu.vector_store %arg8[%swap3A_843], %get3A_842 {strides = array<i32>} : memref<2048xf32, #tpu.memory_space<vmem>>, vector<16xf32>,
    %get3A_845 = arith.constant 26 : i32
    %get3A_846 = arith.index_cast %get3A_845 : i32 to index
    %get3A_847 = arith.constant 48 : index
    %get3A_848 = tpu.vector_load %arg7[%get3A_846, %get3A_847] {strides = array<i32>} : memref<32x64xf32, #tpu.memory_space<vmem>>, vector<16xf32>,
    %swap3A_849 = arith.constant 1712 : index
    %swap3A_850 = tpu.vector_load %arg8[%swap3A_849] {strides = array<i32>} : memref<2048xf32, #tpu.memory_space<vmem>>, vector<16xf32>,
    tpu.vector_store %arg8[%swap3A_849], %get3A_848 {strides = array<i32>} : memref<2048xf32, #tpu.memory_space<vmem>>, vector<16xf32>,
    %get3A_851 = arith.constant 27 : i32
    %get3A_852 = arith.index_cast %get3A_851 : i32 to index
    %get3A_853 = arith.constant 0 : index
    %get3A_854 = tpu.vector_load %arg7[%get3A_852, %get3A_853] {strides = array<i32>} : memref<32x64xf32, #tpu.memory_space<vmem>>, vector<16xf32>,
    %swap3A_855 = arith.constant 1728 : index
    %swap3A_856 = tpu.vector_load %arg8[%swap3A_855] {strides = array<i32>} : memref<2048xf32, #tpu.memory_space<vmem>>, vector<16xf32>,
    tpu.vector_store %arg8[%swap3A_855], %get3A_854 {strides = array<i32>} : memref<2048xf32, #tpu.memory_space<vmem>>, vector<16xf32>,
    %get3A_857 = arith.constant 27 : i32
    %get3A_858 = arith.index_cast %get3A_857 : i32 to index
    %get3A_859 = arith.constant 16 : index
    %get3A_860 = tpu.vector_load %arg7[%get3A_858, %get3A_859] {strides = array<i32>} : memref<32x64xf32, #tpu.memory_space<vmem>>, vector<16xf32>,
    %swap3A_861 = arith.constant 1744 : index
    %swap3A_862 = tpu.vector_load %arg8[%swap3A_861] {strides = array<i32>} : memref<2048xf32, #tpu.memory_space<vmem>>, vector<16xf32>,
    tpu.vector_store %arg8[%swap3A_861], %get3A_860 {strides = array<i32>} : memref<2048xf32, #tpu.memory_space<vmem>>, vector<16xf32>,
    %get3A_863 = arith.constant 27 : i32
    %get3A_864 = arith.index_cast %get3A_863 : i32 to index
    %get3A_865 = arith.constant 32 : index
    %get3A_866 = tpu.vector_load %arg7[%get3A_864, %get3A_865] {strides = array<i32>} : memref<32x64xf32, #tpu.memory_space<vmem>>, vector<16xf32>,
    %swap3A_867 = arith.constant 1760 : index
    %swap3A_868 = tpu.vector_load %arg8[%swap3A_867] {strides = array<i32>} : memref<2048xf32, #tpu.memory_space<vmem>>, vector<16xf32>,
    tpu.vector_store %arg8[%swap3A_867], %get3A_866 {strides = array<i32>} : memref<2048xf32, #tpu.memory_space<vmem>>, vector<16xf32>,
    %get3A_869 = arith.constant 27 : i32
    %get3A_870 = arith.index_cast %get3A_869 : i32 to index
    %get3A_871 = arith.constant 48 : index
    %get3A_872 = tpu.vector_load %arg7[%get3A_870, %get3A_871] {strides = array<i32>} : memref<32x64xf32, #tpu.memory_space<vmem>>, vector<16xf32>,
    %swap3A_873 = arith.constant 1776 : index
    %swap3A_874 = tpu.vector_load %arg8[%swap3A_873] {strides = array<i32>} : memref<2048xf32, #tpu.memory_space<vmem>>, vector<16xf32>,
    tpu.vector_store %arg8[%swap3A_873], %get3A_872 {strides = array<i32>} : memref<2048xf32, #tpu.memory_space<vmem>>, vector<16xf32>,
    %get3A_875 = arith.constant 28 : i32
    %get3A_876 = arith.index_cast %get3A_875 : i32 to index
    %get3A_877 = arith.constant 0 : index
    %get3A_878 = tpu.vector_load %arg7[%get3A_876, %get3A_877] {strides = array<i32>} : memref<32x64xf32, #tpu.memory_space<vmem>>, vector<16xf32>,
    %swap3A_879 = arith.constant 1792 : index
    %swap3A_880 = tpu.vector_load %arg8[%swap3A_879] {strides = array<i32>} : memref<2048xf32, #tpu.memory_space<vmem>>, vector<16xf32>,
    tpu.vector_store %arg8[%swap3A_879], %get3A_878 {strides = array<i32>} : memref<2048xf32, #tpu.memory_space<vmem>>, vector<16xf32>,
    %get3A_881 = arith.constant 28 : i32
    %get3A_882 = arith.index_cast %get3A_881 : i32 to index
    %get3A_883 = arith.constant 16 : index
    %get3A_884 = tpu.vector_load %arg7[%get3A_882, %get3A_883] {strides = array<i32>} : memref<32x64xf32, #tpu.memory_space<vmem>>, vector<16xf32>,
    %swap3A_885 = arith.constant 1808 : index
    %swap3A_886 = tpu.vector_load %arg8[%swap3A_885] {strides = array<i32>} : memref<2048xf32, #tpu.memory_space<vmem>>, vector<16xf32>,
    tpu.vector_store %arg8[%swap3A_885], %get3A_884 {strides = array<i32>} : memref<2048xf32, #tpu.memory_space<vmem>>, vector<16xf32>,
    %get3A_887 = arith.constant 28 : i32
    %get3A_888 = arith.index_cast %get3A_887 : i32 to index
    %get3A_889 = arith.constant 32 : index
    %get3A_890 = tpu.vector_load %arg7[%get3A_888, %get3A_889] {strides = array<i32>} : memref<32x64xf32, #tpu.memory_space<vmem>>, vector<16xf32>,
    %swap3A_891 = arith.constant 1824 : index
    %swap3A_892 = tpu.vector_load %arg8[%swap3A_891] {strides = array<i32>} : memref<2048xf32, #tpu.memory_space<vmem>>, vector<16xf32>,
    tpu.vector_store %arg8[%swap3A_891], %get3A_890 {strides = array<i32>} : memref<2048xf32, #tpu.memory_space<vmem>>, vector<16xf32>,
    %get3A_893 = arith.constant 28 : i32
    %get3A_894 = arith.index_cast %get3A_893 : i32 to index
    %get3A_895 = arith.constant 48 : index
    %get3A_896 = tpu.vector_load %arg7[%get3A_894, %get3A_895] {strides = array<i32>} : memref<32x64xf32, #tpu.memory_space<vmem>>, vector<16xf32>,
    %swap3A_897 = arith.constant 1840 : index
    %swap3A_898 = tpu.vector_load %arg8[%swap3A_897] {strides = array<i32>} : memref<2048xf32, #tpu.memory_space<vmem>>, vector<16xf32>,
    tpu.vector_store %arg8[%swap3A_897], %get3A_896 {strides = array<i32>} : memref<2048xf32, #tpu.memory_space<vmem>>, vector<16xf32>,
    %get3A_899 = arith.constant 29 : i32
    %get3A_900 = arith.index_cast %get3A_899 : i32 to index
    %get3A_901 = arith.constant 0 : index
    %get3A_902 = tpu.vector_load %arg7[%get3A_900, %get3A_901] {strides = array<i32>} : memref<32x64xf32, #tpu.memory_space<vmem>>, vector<16xf32>,
    %swap3A_903 = arith.constant 1856 : index
    %swap3A_904 = tpu.vector_load %arg8[%swap3A_903] {strides = array<i32>} : memref<2048xf32, #tpu.memory_space<vmem>>, vector<16xf32>,
    tpu.vector_store %arg8[%swap3A_903], %get3A_902 {strides = array<i32>} : memref<2048xf32, #tpu.memory_space<vmem>>, vector<16xf32>,
    %get3A_905 = arith.constant 29 : i32
    %get3A_906 = arith.index_cast %get3A_905 : i32 to index
    %get3A_907 = arith.constant 16 : index
    %get3A_908 = tpu.vector_load %arg7[%get3A_906, %get3A_907] {strides = array<i32>} : memref<32x64xf32, #tpu.memory_space<vmem>>, vector<16xf32>,
    %swap3A_909 = arith.constant 1872 : index
    %swap3A_910 = tpu.vector_load %arg8[%swap3A_909] {strides = array<i32>} : memref<2048xf32, #tpu.memory_space<vmem>>, vector<16xf32>,
    tpu.vector_store %arg8[%swap3A_909], %get3A_908 {strides = array<i32>} : memref<2048xf32, #tpu.memory_space<vmem>>, vector<16xf32>,
    %get3A_911 = arith.constant 29 : i32
    %get3A_912 = arith.index_cast %get3A_911 : i32 to index
    %get3A_913 = arith.constant 32 : index
    %get3A_914 = tpu.vector_load %arg7[%get3A_912, %get3A_913] {strides = array<i32>} : memref<32x64xf32, #tpu.memory_space<vmem>>, vector<16xf32>,
    %swap3A_915 = arith.constant 1888 : index
    %swap3A_916 = tpu.vector_load %arg8[%swap3A_915] {strides = array<i32>} : memref<2048xf32, #tpu.memory_space<vmem>>, vector<16xf32>,
    tpu.vector_store %arg8[%swap3A_915], %get3A_914 {strides = array<i32>} : memref<2048xf32, #tpu.memory_space<vmem>>, vector<16xf32>,
    %get3A_917 = arith.constant 29 : i32
    %get3A_918 = arith.index_cast %get3A_917 : i32 to index
    %get3A_919 = arith.constant 48 : index
    %get3A_920 = tpu.vector_load %arg7[%get3A_918, %get3A_919] {strides = array<i32>} : memref<32x64xf32, #tpu.memory_space<vmem>>, vector<16xf32>,
    %swap3A_921 = arith.constant 1904 : index
    %swap3A_922 = tpu.vector_load %arg8[%swap3A_921] {strides = array<i32>} : memref<2048xf32, #tpu.memory_space<vmem>>, vector<16xf32>,
    tpu.vector_store %arg8[%swap3A_921], %get3A_920 {strides = array<i32>} : memref<2048xf32, #tpu.memory_space<vmem>>, vector<16xf32>,
    %get3A_923 = arith.constant 30 : i32
    %get3A_924 = arith.index_cast %get3A_923 : i32 to index
    %get3A_925 = arith.constant 0 : index
    %get3A_926 = tpu.vector_load %arg7[%get3A_924, %get3A_925] {strides = array<i32>} : memref<32x64xf32, #tpu.memory_space<vmem>>, vector<16xf32>,
    %swap3A_927 = arith.constant 1920 : index
    %swap3A_928 = tpu.vector_load %arg8[%swap3A_927] {strides = array<i32>} : memref<2048xf32, #tpu.memory_space<vmem>>, vector<16xf32>,
    tpu.vector_store %arg8[%swap3A_927], %get3A_926 {strides = array<i32>} : memref<2048xf32, #tpu.memory_space<vmem>>, vector<16xf32>,
    %get3A_929 = arith.constant 30 : i32
    %get3A_930 = arith.index_cast %get3A_929 : i32 to index
    %get3A_931 = arith.constant 16 : index
    %get3A_932 = tpu.vector_load %arg7[%get3A_930, %get3A_931] {strides = array<i32>} : memref<32x64xf32, #tpu.memory_space<vmem>>, vector<16xf32>,
    %swap3A_933 = arith.constant 1936 : index
    %swap3A_934 = tpu.vector_load %arg8[%swap3A_933] {strides = array<i32>} : memref<2048xf32, #tpu.memory_space<vmem>>, vector<16xf32>,
    tpu.vector_store %arg8[%swap3A_933], %get3A_932 {strides = array<i32>} : memref<2048xf32, #tpu.memory_space<vmem>>, vector<16xf32>,
    %get3A_935 = arith.constant 30 : i32
    %get3A_936 = arith.index_cast %get3A_935 : i32 to index
    %get3A_937 = arith.constant 32 : index
    %get3A_938 = tpu.vector_load %arg7[%get3A_936, %get3A_937] {strides = array<i32>} : memref<32x64xf32, #tpu.memory_space<vmem>>, vector<16xf32>,
    %swap3A_939 = arith.constant 1952 : index
    %swap3A_940 = tpu.vector_load %arg8[%swap3A_939] {strides = array<i32>} : memref<2048xf32, #tpu.memory_space<vmem>>, vector<16xf32>,
    tpu.vector_store %arg8[%swap3A_939], %get3A_938 {strides = array<i32>} : memref<2048xf32, #tpu.memory_space<vmem>>, vector<16xf32>,
    %get3A_941 = arith.constant 30 : i32
    %get3A_942 = arith.index_cast %get3A_941 : i32 to index
    %get3A_943 = arith.constant 48 : index
    %get3A_944 = tpu.vector_load %arg7[%get3A_942, %get3A_943] {strides = array<i32>} : memref<32x64xf32, #tpu.memory_space<vmem>>, vector<16xf32>,
    %swap3A_945 = arith.constant 1968 : index
    %swap3A_946 = tpu.vector_load %arg8[%swap3A_945] {strides = array<i32>} : memref<2048xf32, #tpu.memory_space<vmem>>, vector<16xf32>,
    tpu.vector_store %arg8[%swap3A_945], %get3A_944 {strides = array<i32>} : memref<2048xf32, #tpu.memory_space<vmem>>, vector<16xf32>,
    %get3A_947 = arith.constant 31 : i32
    %get3A_948 = arith.index_cast %get3A_947 : i32 to index
    %get3A_949 = arith.constant 0 : index
    %get3A_950 = tpu.vector_load %arg7[%get3A_948, %get3A_949] {strides = array<i32>} : memref<32x64xf32, #tpu.memory_space<vmem>>, vector<16xf32>,
    %swap3A_951 = arith.constant 1984 : index
    %swap3A_952 = tpu.vector_load %arg8[%swap3A_951] {strides = array<i32>} : memref<2048xf32, #tpu.memory_space<vmem>>, vector<16xf32>,
    tpu.vector_store %arg8[%swap3A_951], %get3A_950 {strides = array<i32>} : memref<2048xf32, #tpu.memory_space<vmem>>, vector<16xf32>,
    %get3A_953 = arith.constant 31 : i32
    %get3A_954 = arith.index_cast %get3A_953 : i32 to index
    %get3A_955 = arith.constant 16 : index
    %get3A_956 = tpu.vector_load %arg7[%get3A_954, %get3A_955] {strides = array<i32>} : memref<32x64xf32, #tpu.memory_space<vmem>>, vector<16xf32>,
    %swap3A_957 = arith.constant 2000 : index
    %swap3A_958 = tpu.vector_load %arg8[%swap3A_957] {strides = array<i32>} : memref<2048xf32, #tpu.memory_space<vmem>>, vector<16xf32>,
    tpu.vector_store %arg8[%swap3A_957], %get3A_956 {strides = array<i32>} : memref<2048xf32, #tpu.memory_space<vmem>>, vector<16xf32>,
    %get3A_959 = arith.constant 31 : i32
    %get3A_960 = arith.index_cast %get3A_959 : i32 to index
    %get3A_961 = arith.constant 32 : index
    %get3A_962 = tpu.vector_load %arg7[%get3A_960, %get3A_961] {strides = array<i32>} : memref<32x64xf32, #tpu.memory_space<vmem>>, vector<16xf32>,
    %swap3A_963 = arith.constant 2016 : index
    %swap3A_964 = tpu.vector_load %arg8[%swap3A_963] {strides = array<i32>} : memref<2048xf32, #tpu.memory_space<vmem>>, vector<16xf32>,
    tpu.vector_store %arg8[%swap3A_963], %get3A_962 {strides = array<i32>} : memref<2048xf32, #tpu.memory_space<vmem>>, vector<16xf32>,
    %get3A_965 = arith.constant 31 : i32
    %get3A_966 = arith.index_cast %get3A_965 : i32 to index
    %get3A_967 = arith.constant 48 : index
    %get3A_968 = tpu.vector_load %arg7[%get3A_966, %get3A_967] {strides = array<i32>} : memref<32x64xf32, #tpu.memory_space<vmem>>, vector<16xf32>,
    %swap3A_969 = arith.constant 2032 : index
    %swap3A_970 = tpu.vector_load %arg8[%swap3A_969] {strides = array<i32>} : memref<2048xf32, #tpu.memory_space<vmem>>, vector<16xf32>,
    tpu.vector_store %arg8[%swap3A_969], %get3A_968 {strides = array<i32>} : memref<2048xf32, #tpu.memory_space<vmem>>, vector<16xf32>,
    %dma_start3A_971 = arith.constant 0 : i32
    %dma_start3A_972 = arith.constant 0 : i32
    %dma_start3A_973 = arith.constant 0 : i32
    %dma_start3A_974 = tpu.memref_slice %arg9[%dma_start3A_972, %dma_start3A_973] : memref<512x128xf32, #tpu.memory_space<vmem>> -> memref<64x128xf32, #tpu.memory_space<vmem>>
    %dma_start3A_975 = arith.constant 0 : i32
    %dma_start3A_976 = tpu.memref_slice %arg6[%dma_start3A_971, %dma_start3A_975] : memref<16x64xi32, #tpu.memory_space<vmem>> -> memref<1x64xi32, #tpu.memory_space<vmem>>
    %dma_start3A_977 = tpu.memref_squeeze %dma_start3A_976 : memref<1x64xi32, #tpu.memory_space<vmem>> -> memref<64xi32, #tpu.memory_space<vmem>>
    %dma_start3A_978 = arith.constant 0 : i32
    %dma_start3A_979 = arith.constant 0 : i32
    %dma_start3A_980 = tpu.memref_slice %arg2[%dma_start3A_978, %dma_start3A_979] : memref<32768x128xf32, #tpu.memory_space<hbm>> -> memref<32768x128xf32, #tpu.memory_space<hbm>>
    tpu.enqueue_indirect_dma source(%dma_start3A_980 : memref<32768x128xf32, #tpu.memory_space<hbm>>) target(%dma_start3A_974 : memref<64x128xf32, #tpu.memory_space<vmem>>) offsets(%dma_start3A_977 : memref<64xi32, #tpu.memory_space<vmem>>) semaphore(%arg12 : memref<!tpu.dma_semaphore, #tpu.memory_space<semaphore_mem>>)
    %dma_start3A_981 = arith.constant 1 : i32
    %dma_start3A_982 = arith.constant 64 : i32
    %dma_start3A_983 = arith.constant 0 : i32
    %dma_start3A_984 = tpu.memref_slice %arg9[%dma_start3A_982, %dma_start3A_983] : memref<512x128xf32, #tpu.memory_space<vmem>> -> memref<64x128xf32, #tpu.memory_space<vmem>>
    %dma_start3A_985 = arith.constant 0 : i32
    %dma_start3A_986 = tpu.memref_slice %arg6[%dma_start3A_981, %dma_start3A_985] : memref<16x64xi32, #tpu.memory_space<vmem>> -> memref<1x64xi32, #tpu.memory_space<vmem>>
    %dma_start3A_987 = tpu.memref_squeeze %dma_start3A_986 : memref<1x64xi32, #tpu.memory_space<vmem>> -> memref<64xi32, #tpu.memory_space<vmem>>
    %dma_start3A_988 = arith.constant 0 : i32
    %dma_start3A_989 = arith.constant 0 : i32
    %dma_start3A_990 = tpu.memref_slice %arg2[%dma_start3A_988, %dma_start3A_989] : memref<32768x128xf32, #tpu.memory_space<hbm>> -> memref<32768x128xf32, #tpu.memory_space<hbm>>
    tpu.enqueue_indirect_dma source(%dma_start3A_990 : memref<32768x128xf32, #tpu.memory_space<hbm>>) target(%dma_start3A_984 : memref<64x128xf32, #tpu.memory_space<vmem>>) offsets(%dma_start3A_987 : memref<64xi32, #tpu.memory_space<vmem>>) semaphore(%arg12 : memref<!tpu.dma_semaphore, #tpu.memory_space<semaphore_mem>>)
    %dma_start3A_991 = arith.constant 2 : i32
    %dma_start3A_992 = arith.constant 128 : i32
    %dma_start3A_993 = arith.constant 0 : i32
    %dma_start3A_994 = tpu.memref_slice %arg9[%dma_start3A_992, %dma_start3A_993] : memref<512x128xf32, #tpu.memory_space<vmem>> -> memref<64x128xf32, #tpu.memory_space<vmem>>
    %dma_start3A_995 = arith.constant 0 : i32
    %dma_start3A_996 = tpu.memref_slice %arg6[%dma_start3A_991, %dma_start3A_995] : memref<16x64xi32, #tpu.memory_space<vmem>> -> memref<1x64xi32, #tpu.memory_space<vmem>>
    %dma_start3A_997 = tpu.memref_squeeze %dma_start3A_996 : memref<1x64xi32, #tpu.memory_space<vmem>> -> memref<64xi32, #tpu.memory_space<vmem>>
    %dma_start3A_998 = arith.constant 0 : i32
    %dma_start3A_999 = arith.constant 0 : i32
    %dma_start3A_1000 = tpu.memref_slice %arg2[%dma_start3A_998, %dma_start3A_999] : memref<32768x128xf32, #tpu.memory_space<hbm>> -> memref<32768x128xf32, #tpu.memory_space<hbm>>
    tpu.enqueue_indirect_dma source(%dma_start3A_1000 : memref<32768x128xf32, #tpu.memory_space<hbm>>) target(%dma_start3A_994 : memref<64x128xf32, #tpu.memory_space<vmem>>) offsets(%dma_start3A_997 : memref<64xi32, #tpu.memory_space<vmem>>) semaphore(%arg12 : memref<!tpu.dma_semaphore, #tpu.memory_space<semaphore_mem>>)
    %dma_start3A_1001 = arith.constant 3 : i32
    %dma_start3A_1002 = arith.constant 192 : i32
    %dma_start3A_1003 = arith.constant 0 : i32
    %dma_start3A_1004 = tpu.memref_slice %arg9[%dma_start3A_1002, %dma_start3A_1003] : memref<512x128xf32, #tpu.memory_space<vmem>> -> memref<64x128xf32, #tpu.memory_space<vmem>>
    %dma_start3A_1005 = arith.constant 0 : i32
    %dma_start3A_1006 = tpu.memref_slice %arg6[%dma_start3A_1001, %dma_start3A_1005] : memref<16x64xi32, #tpu.memory_space<vmem>> -> memref<1x64xi32, #tpu.memory_space<vmem>>
    %dma_start3A_1007 = tpu.memref_squeeze %dma_start3A_1006 : memref<1x64xi32, #tpu.memory_space<vmem>> -> memref<64xi32, #tpu.memory_space<vmem>>
    %dma_start3A_1008 = arith.constant 0 : i32
    %dma_start3A_1009 = arith.constant 0 : i32
    %dma_start3A_1010 = tpu.memref_slice %arg2[%dma_start3A_1008, %dma_start3A_1009] : memref<32768x128xf32, #tpu.memory_space<hbm>> -> memref<32768x128xf32, #tpu.memory_space<hbm>>
    tpu.enqueue_indirect_dma source(%dma_start3A_1010 : memref<32768x128xf32, #tpu.memory_space<hbm>>) target(%dma_start3A_1004 : memref<64x128xf32, #tpu.memory_space<vmem>>) offsets(%dma_start3A_1007 : memref<64xi32, #tpu.memory_space<vmem>>) semaphore(%arg12 : memref<!tpu.dma_semaphore, #tpu.memory_space<semaphore_mem>>)
    %dma_start3A_1011 = arith.constant 4 : i32
    %dma_start3A_1012 = arith.constant 256 : i32
    %dma_start3A_1013 = arith.constant 0 : i32
    %dma_start3A_1014 = tpu.memref_slice %arg9[%dma_start3A_1012, %dma_start3A_1013] : memref<512x128xf32, #tpu.memory_space<vmem>> -> memref<64x128xf32, #tpu.memory_space<vmem>>
    %dma_start3A_1015 = arith.constant 0 : i32
    %dma_start3A_1016 = tpu.memref_slice %arg6[%dma_start3A_1011, %dma_start3A_1015] : memref<16x64xi32, #tpu.memory_space<vmem>> -> memref<1x64xi32, #tpu.memory_space<vmem>>
    %dma_start3A_1017 = tpu.memref_squeeze %dma_start3A_1016 : memref<1x64xi32, #tpu.memory_space<vmem>> -> memref<64xi32, #tpu.memory_space<vmem>>
    %dma_start3A_1018 = arith.constant 0 : i32
    %dma_start3A_1019 = arith.constant 0 : i32
    %dma_start3A_1020 = tpu.memref_slice %arg2[%dma_start3A_1018, %dma_start3A_1019] : memref<32768x128xf32, #tpu.memory_space<hbm>> -> memref<32768x128xf32, #tpu.memory_space<hbm>>
    tpu.enqueue_indirect_dma source(%dma_start3A_1020 : memref<32768x128xf32, #tpu.memory_space<hbm>>) target(%dma_start3A_1014 : memref<64x128xf32, #tpu.memory_space<vmem>>) offsets(%dma_start3A_1017 : memref<64xi32, #tpu.memory_space<vmem>>) semaphore(%arg13 : memref<!tpu.dma_semaphore, #tpu.memory_space<semaphore_mem>>)
    %dma_start3A_1021 = arith.constant 5 : i32
    %dma_start3A_1022 = arith.constant 320 : i32
    %dma_start3A_1023 = arith.constant 0 : i32
    %dma_start3A_1024 = tpu.memref_slice %arg9[%dma_start3A_1022, %dma_start3A_1023] : memref<512x128xf32, #tpu.memory_space<vmem>> -> memref<64x128xf32, #tpu.memory_space<vmem>>
    %dma_start3A_1025 = arith.constant 0 : i32
    %dma_start3A_1026 = tpu.memref_slice %arg6[%dma_start3A_1021, %dma_start3A_1025] : memref<16x64xi32, #tpu.memory_space<vmem>> -> memref<1x64xi32, #tpu.memory_space<vmem>>
    %dma_start3A_1027 = tpu.memref_squeeze %dma_start3A_1026 : memref<1x64xi32, #tpu.memory_space<vmem>> -> memref<64xi32, #tpu.memory_space<vmem>>
    %dma_start3A_1028 = arith.constant 0 : i32
    %dma_start3A_1029 = arith.constant 0 : i32
    %dma_start3A_1030 = tpu.memref_slice %arg2[%dma_start3A_1028, %dma_start3A_1029] : memref<32768x128xf32, #tpu.memory_space<hbm>> -> memref<32768x128xf32, #tpu.memory_space<hbm>>
    tpu.enqueue_indirect_dma source(%dma_start3A_1030 : memref<32768x128xf32, #tpu.memory_space<hbm>>) target(%dma_start3A_1024 : memref<64x128xf32, #tpu.memory_space<vmem>>) offsets(%dma_start3A_1027 : memref<64xi32, #tpu.memory_space<vmem>>) semaphore(%arg13 : memref<!tpu.dma_semaphore, #tpu.memory_space<semaphore_mem>>)
    %dma_start3A_1031 = arith.constant 6 : i32
    %dma_start3A_1032 = arith.constant 384 : i32
    %dma_start3A_1033 = arith.constant 0 : i32
    %dma_start3A_1034 = tpu.memref_slice %arg9[%dma_start3A_1032, %dma_start3A_1033] : memref<512x128xf32, #tpu.memory_space<vmem>> -> memref<64x128xf32, #tpu.memory_space<vmem>>
    %dma_start3A_1035 = arith.constant 0 : i32
    %dma_start3A_1036 = tpu.memref_slice %arg6[%dma_start3A_1031, %dma_start3A_1035] : memref<16x64xi32, #tpu.memory_space<vmem>> -> memref<1x64xi32, #tpu.memory_space<vmem>>
    %dma_start3A_1037 = tpu.memref_squeeze %dma_start3A_1036 : memref<1x64xi32, #tpu.memory_space<vmem>> -> memref<64xi32, #tpu.memory_space<vmem>>
    %dma_start3A_1038 = arith.constant 0 : i32
    %dma_start3A_1039 = arith.constant 0 : i32
    %dma_start3A_1040 = tpu.memref_slice %arg2[%dma_start3A_1038, %dma_start3A_1039] : memref<32768x128xf32, #tpu.memory_space<hbm>> -> memref<32768x128xf32, #tpu.memory_space<hbm>>
    tpu.enqueue_indirect_dma source(%dma_start3A_1040 : memref<32768x128xf32, #tpu.memory_space<hbm>>) target(%dma_start3A_1034 : memref<64x128xf32, #tpu.memory_space<vmem>>) offsets(%dma_start3A_1037 : memref<64xi32, #tpu.memory_space<vmem>>) semaphore(%arg13 : memref<!tpu.dma_semaphore, #tpu.memory_space<semaphore_mem>>)
    %dma_start3A_1041 = arith.constant 7 : i32
    %dma_start3A_1042 = arith.constant 448 : i32
    %dma_start3A_1043 = arith.constant 0 : i32
    %dma_start3A_1044 = tpu.memref_slice %arg9[%dma_start3A_1042, %dma_start3A_1043] : memref<512x128xf32, #tpu.memory_space<vmem>> -> memref<64x128xf32, #tpu.memory_space<vmem>>
    %dma_start3A_1045 = arith.constant 0 : i32
    %dma_start3A_1046 = tpu.memref_slice %arg6[%dma_start3A_1041, %dma_start3A_1045] : memref<16x64xi32, #tpu.memory_space<vmem>> -> memref<1x64xi32, #tpu.memory_space<vmem>>
    %dma_start3A_1047 = tpu.memref_squeeze %dma_start3A_1046 : memref<1x64xi32, #tpu.memory_space<vmem>> -> memref<64xi32, #tpu.memory_space<vmem>>
    %dma_start3A_1048 = arith.constant 0 : i32
    %dma_start3A_1049 = arith.constant 0 : i32
    %dma_start3A_1050 = tpu.memref_slice %arg2[%dma_start3A_1048, %dma_start3A_1049] : memref<32768x128xf32, #tpu.memory_space<hbm>> -> memref<32768x128xf32, #tpu.memory_space<hbm>>
    tpu.enqueue_indirect_dma source(%dma_start3A_1050 : memref<32768x128xf32, #tpu.memory_space<hbm>>) target(%dma_start3A_1044 : memref<64x128xf32, #tpu.memory_space<vmem>>) offsets(%dma_start3A_1047 : memref<64xi32, #tpu.memory_space<vmem>>) semaphore(%arg13 : memref<!tpu.dma_semaphore, #tpu.memory_space<semaphore_mem>>)
    %dma_wait3A_1051 = arith.constant 0 : i32
    %dma_wait3A_1052 = arith.constant 0 : i32
    %dma_wait3A_1053 = arith.constant 0 : i32
    %dma_wait3A_1054 = tpu.memref_slice %arg9[%dma_wait3A_1052, %dma_wait3A_1053] : memref<512x128xf32, #tpu.memory_space<vmem>> -> memref<64x128xf32, #tpu.memory_space<vmem>>
    %dma_wait3A_1055 = arith.constant 0 : i32
    %dma_wait3A_1056 = tpu.memref_slice %arg6[%dma_wait3A_1051, %dma_wait3A_1055] : memref<16x64xi32, #tpu.memory_space<vmem>> -> memref<1x64xi32, #tpu.memory_space<vmem>>
    %dma_wait3A_1057 = tpu.memref_squeeze %dma_wait3A_1056 : memref<1x64xi32, #tpu.memory_space<vmem>> -> memref<64xi32, #tpu.memory_space<vmem>>
    %dma_wait3A_1058 = arith.constant 0 : i32
    %dma_wait3A_1059 = arith.constant 0 : i32
    %dma_wait3A_1060 = tpu.memref_slice %arg2[%dma_wait3A_1058, %dma_wait3A_1059] : memref<32768x128xf32, #tpu.memory_space<hbm>> -> memref<32768x128xf32, #tpu.memory_space<hbm>>
    tpu.wait_indirect_dma semaphore(%arg12 : memref<!tpu.dma_semaphore, #tpu.memory_space<semaphore_mem>>) src(%dma_wait3A_1060 : memref<32768x128xf32, #tpu.memory_space<hbm>>) dst(%dma_wait3A_1054 : memref<64x128xf32, #tpu.memory_space<vmem>>)
    %dma_wait3A_1061 = arith.constant 1 : i32
    %dma_wait3A_1062 = arith.constant 64 : i32
    %dma_wait3A_1063 = arith.constant 0 : i32
    %dma_wait3A_1064 = tpu.memref_slice %arg9[%dma_wait3A_1062, %dma_wait3A_1063] : memref<512x128xf32, #tpu.memory_space<vmem>> -> memref<64x128xf32, #tpu.memory_space<vmem>>
    %dma_wait3A_1065 = arith.constant 0 : i32
    %dma_wait3A_1066 = tpu.memref_slice %arg6[%dma_wait3A_1061, %dma_wait3A_1065] : memref<16x64xi32, #tpu.memory_space<vmem>> -> memref<1x64xi32, #tpu.memory_space<vmem>>
    %dma_wait3A_1067 = tpu.memref_squeeze %dma_wait3A_1066 : memref<1x64xi32, #tpu.memory_space<vmem>> -> memref<64xi32, #tpu.memory_space<vmem>>
    %dma_wait3A_1068 = arith.constant 0 : i32
    %dma_wait3A_1069 = arith.constant 0 : i32
    %dma_wait3A_1070 = tpu.memref_slice %arg2[%dma_wait3A_1068, %dma_wait3A_1069] : memref<32768x128xf32, #tpu.memory_space<hbm>> -> memref<32768x128xf32, #tpu.memory_space<hbm>>
    tpu.wait_indirect_dma semaphore(%arg12 : memref<!tpu.dma_semaphore, #tpu.memory_space<semaphore_mem>>) src(%dma_wait3A_1070 : memref<32768x128xf32, #tpu.memory_space<hbm>>) dst(%dma_wait3A_1064 : memref<64x128xf32, #tpu.memory_space<vmem>>)
    %dma_wait3A_1071 = arith.constant 2 : i32
    %dma_wait3A_1072 = arith.constant 128 : i32
    %dma_wait3A_1073 = arith.constant 0 : i32
    %dma_wait3A_1074 = tpu.memref_slice %arg9[%dma_wait3A_1072, %dma_wait3A_1073] : memref<512x128xf32, #tpu.memory_space<vmem>> -> memref<64x128xf32, #tpu.memory_space<vmem>>
    %dma_wait3A_1075 = arith.constant 0 : i32
    %dma_wait3A_1076 = tpu.memref_slice %arg6[%dma_wait3A_1071, %dma_wait3A_1075] : memref<16x64xi32, #tpu.memory_space<vmem>> -> memref<1x64xi32, #tpu.memory_space<vmem>>
    %dma_wait3A_1077 = tpu.memref_squeeze %dma_wait3A_1076 : memref<1x64xi32, #tpu.memory_space<vmem>> -> memref<64xi32, #tpu.memory_space<vmem>>
    %dma_wait3A_1078 = arith.constant 0 : i32
    %dma_wait3A_1079 = arith.constant 0 : i32
    %dma_wait3A_1080 = tpu.memref_slice %arg2[%dma_wait3A_1078, %dma_wait3A_1079] : memref<32768x128xf32, #tpu.memory_space<hbm>> -> memref<32768x128xf32, #tpu.memory_space<hbm>>
    tpu.wait_indirect_dma semaphore(%arg12 : memref<!tpu.dma_semaphore, #tpu.memory_space<semaphore_mem>>) src(%dma_wait3A_1080 : memref<32768x128xf32, #tpu.memory_space<hbm>>) dst(%dma_wait3A_1074 : memref<64x128xf32, #tpu.memory_space<vmem>>)
    %dma_wait3A_1081 = arith.constant 3 : i32
    %dma_wait3A_1082 = arith.constant 192 : i32
    %dma_wait3A_1083 = arith.constant 0 : i32
    %dma_wait3A_1084 = tpu.memref_slice %arg9[%dma_wait3A_1082, %dma_wait3A_1083] : memref<512x128xf32, #tpu.memory_space<vmem>> -> memref<64x128xf32, #tpu.memory_space<vmem>>
    %dma_wait3A_1085 = arith.constant 0 : i32
    %dma_wait3A_1086 = tpu.memref_slice %arg6[%dma_wait3A_1081, %dma_wait3A_1085] : memref<16x64xi32, #tpu.memory_space<vmem>> -> memref<1x64xi32, #tpu.memory_space<vmem>>
    %dma_wait3A_1087 = tpu.memref_squeeze %dma_wait3A_1086 : memref<1x64xi32, #tpu.memory_space<vmem>> -> memref<64xi32, #tpu.memory_space<vmem>>
    %dma_wait3A_1088 = arith.constant 0 : i32
    %dma_wait3A_1089 = arith.constant 0 : i32
    %dma_wait3A_1090 = tpu.memref_slice %arg2[%dma_wait3A_1088, %dma_wait3A_1089] : memref<32768x128xf32, #tpu.memory_space<hbm>> -> memref<32768x128xf32, #tpu.memory_space<hbm>>
    tpu.wait_indirect_dma semaphore(%arg12 : memref<!tpu.dma_semaphore, #tpu.memory_space<semaphore_mem>>) src(%dma_wait3A_1090 : memref<32768x128xf32, #tpu.memory_space<hbm>>) dst(%dma_wait3A_1084 : memref<64x128xf32, #tpu.memory_space<vmem>>)
    %scan3A = arith.constant 0 : i32
    %scan3A_1091 = arith.constant 0 : i32
    %scan3A_1092 = arith.constant 64 : i32
    %scan3A_1093 = arith.addi %scan3A_1091, %scan3A_1092 : i32
    %scan3A_1094 = arith.constant 1 : i32
    %scan3A_1095 = scf.for %scan3A_1318 = %scan3A_1091 to %scan3A_1093 step %scan3A_1094 iter_args(%scan3A_1319 = %scan3A) -> (i32)  : i32 {
      %broadcast_in_dim3A = vector.broadcast %scan3A_1318 : i32 to vector<16xi32>
      %add3A_1320 = arith.constant 0 : i32
      %add3A_1321 = vector.broadcast %add3A_1320 : i32 to vector<16xi32>
      %add3A_1322 = arith.addi %broadcast_in_dim3A, %add3A_1321 : vector<16xi32>
      %gather3A = tpu.vector_load_idx %arg8[%add3A_1322] : memref<2048xf32, #tpu.memory_space<vmem>>[vector<16xi32>], vector<16xf32>,
      %add3A_1323 = arith.constant 512 : i32
      %add3A_1324 = vector.broadcast %add3A_1323 : i32 to vector<16xi32>
      %add3A_1325 = arith.addi %broadcast_in_dim3A, %add3A_1324 : vector<16xi32>
      %gather3A_1326 = tpu.vector_load_idx %arg8[%add3A_1325] : memref<2048xf32, #tpu.memory_space<vmem>>[vector<16xi32>], vector<16xf32>,
      %add3A_1327 = arith.constant 0 : i32
      %add3A_1328 = arith.addi %add3A_1327, %scan3A_1318 : i32
      %get3A_1329 = arith.index_cast %add3A_1328 : i32 to index
      %get3A_1330 = arith.constant 0 : index
      %get3A_1331 = tpu.vector_load %arg9[%get3A_1329, %get3A_1330] {strides = array<i32>} : memref<512x128xf32, #tpu.memory_space<vmem>>, vector<16xf32>,
      %get3A_1332 = arith.index_cast %add3A_1328 : i32 to index
      %get3A_1333 = arith.constant 64 : index
      %get3A_1334 = tpu.vector_load %arg9[%get3A_1332, %get3A_1333] {strides = array<i32>} : memref<512x128xf32, #tpu.memory_space<vmem>>, vector<16xf32>,
      %mul3A_1335 = arith.mulf %gather3A, %get3A_1331 : vector<16xf32>
      %mul3A_1336 = arith.mulf %gather3A_1326, %get3A_1334 : vector<16xf32>
      %add3A_1337 = arith.addf %mul3A_1335, %mul3A_1336 : vector<16xf32>
      %get3A_1338 = arith.index_cast %add3A_1328 : i32 to index
      %get3A_1339 = arith.constant 16 : index
      %get3A_1340 = tpu.vector_load %arg9[%get3A_1338, %get3A_1339] {strides = array<i32>} : memref<512x128xf32, #tpu.memory_space<vmem>>, vector<16xf32>,
      %get3A_1341 = arith.index_cast %add3A_1328 : i32 to index
      %get3A_1342 = arith.constant 80 : index
      %get3A_1343 = tpu.vector_load %arg9[%get3A_1341, %get3A_1342] {strides = array<i32>} : memref<512x128xf32, #tpu.memory_space<vmem>>, vector<16xf32>,
      %mul3A_1344 = arith.mulf %gather3A, %get3A_1340 : vector<16xf32>
      %mul3A_1345 = arith.mulf %gather3A_1326, %get3A_1343 : vector<16xf32>
      %add3A_1346 = arith.addf %mul3A_1344, %mul3A_1345 : vector<16xf32>
      %get3A_1347 = arith.index_cast %add3A_1328 : i32 to index
      %get3A_1348 = arith.constant 32 : index
      %get3A_1349 = tpu.vector_load %arg9[%get3A_1347, %get3A_1348] {strides = array<i32>} : memref<512x128xf32, #tpu.memory_space<vmem>>, vector<16xf32>,
      %get3A_1350 = arith.index_cast %add3A_1328 : i32 to index
      %get3A_1351 = arith.constant 96 : index
      %get3A_1352 = tpu.vector_load %arg9[%get3A_1350, %get3A_1351] {strides = array<i32>} : memref<512x128xf32, #tpu.memory_space<vmem>>, vector<16xf32>,
      %mul3A_1353 = arith.mulf %gather3A, %get3A_1349 : vector<16xf32>
      %mul3A_1354 = arith.mulf %gather3A_1326, %get3A_1352 : vector<16xf32>
      %add3A_1355 = arith.addf %mul3A_1353, %mul3A_1354 : vector<16xf32>
      %get3A_1356 = arith.index_cast %add3A_1328 : i32 to index
      %get3A_1357 = arith.constant 48 : index
      %get3A_1358 = tpu.vector_load %arg9[%get3A_1356, %get3A_1357] {strides = array<i32>} : memref<512x128xf32, #tpu.memory_space<vmem>>, vector<16xf32>,
      %get3A_1359 = arith.index_cast %add3A_1328 : i32 to index
      %get3A_1360 = arith.constant 112 : index
      %get3A_1361 = tpu.vector_load %arg9[%get3A_1359, %get3A_1360] {strides = array<i32>} : memref<512x128xf32, #tpu.memory_space<vmem>>, vector<16xf32>,
      %mul3A_1362 = arith.mulf %gather3A, %get3A_1358 : vector<16xf32>
      %mul3A_1363 = arith.mulf %gather3A_1326, %get3A_1361 : vector<16xf32>
      %add3A_1364 = arith.addf %mul3A_1362, %mul3A_1363 : vector<16xf32>
      %add3A_1365 = arith.constant 64 : i32
      %add3A_1366 = vector.broadcast %add3A_1365 : i32 to vector<16xi32>
      %add3A_1367 = arith.addi %broadcast_in_dim3A, %add3A_1366 : vector<16xi32>
      %gather3A_1368 = tpu.vector_load_idx %arg8[%add3A_1367] : memref<2048xf32, #tpu.memory_space<vmem>>[vector<16xi32>], vector<16xf32>,
      %add3A_1369 = arith.constant 576 : i32
      %add3A_1370 = vector.broadcast %add3A_1369 : i32 to vector<16xi32>
      %add3A_1371 = arith.addi %broadcast_in_dim3A, %add3A_1370 : vector<16xi32>
      %gather3A_1372 = tpu.vector_load_idx %arg8[%add3A_1371] : memref<2048xf32, #tpu.memory_space<vmem>>[vector<16xi32>], vector<16xf32>,
      %add3A_1373 = arith.constant 64 : i32
      %add3A_1374 = arith.addi %add3A_1373, %scan3A_1318 : i32
      %get3A_1375 = arith.index_cast %add3A_1374 : i32 to index
      %get3A_1376 = arith.constant 0 : index
      %get3A_1377 = tpu.vector_load %arg9[%get3A_1375, %get3A_1376] {strides = array<i32>} : memref<512x128xf32, #tpu.memory_space<vmem>>, vector<16xf32>,
      %get3A_1378 = arith.index_cast %add3A_1374 : i32 to index
      %get3A_1379 = arith.constant 64 : index
      %get3A_1380 = tpu.vector_load %arg9[%get3A_1378, %get3A_1379] {strides = array<i32>} : memref<512x128xf32, #tpu.memory_space<vmem>>, vector<16xf32>,
      %mul3A_1381 = arith.mulf %gather3A_1368, %get3A_1377 : vector<16xf32>
      %mul3A_1382 = arith.mulf %gather3A_1372, %get3A_1380 : vector<16xf32>
      %add3A_1383 = arith.addf %mul3A_1381, %mul3A_1382 : vector<16xf32>
      %add3A_1384 = arith.addf %add3A_1337, %add3A_1383 : vector<16xf32>
      %get3A_1385 = arith.index_cast %add3A_1374 : i32 to index
      %get3A_1386 = arith.constant 16 : index
      %get3A_1387 = tpu.vector_load %arg9[%get3A_1385, %get3A_1386] {strides = array<i32>} : memref<512x128xf32, #tpu.memory_space<vmem>>, vector<16xf32>,
      %get3A_1388 = arith.index_cast %add3A_1374 : i32 to index
      %get3A_1389 = arith.constant 80 : index
      %get3A_1390 = tpu.vector_load %arg9[%get3A_1388, %get3A_1389] {strides = array<i32>} : memref<512x128xf32, #tpu.memory_space<vmem>>, vector<16xf32>,
      %mul3A_1391 = arith.mulf %gather3A_1368, %get3A_1387 : vector<16xf32>
      %mul3A_1392 = arith.mulf %gather3A_1372, %get3A_1390 : vector<16xf32>
      %add3A_1393 = arith.addf %mul3A_1391, %mul3A_1392 : vector<16xf32>
      %add3A_1394 = arith.addf %add3A_1346, %add3A_1393 : vector<16xf32>
      %get3A_1395 = arith.index_cast %add3A_1374 : i32 to index
      %get3A_1396 = arith.constant 32 : index
      %get3A_1397 = tpu.vector_load %arg9[%get3A_1395, %get3A_1396] {strides = array<i32>} : memref<512x128xf32, #tpu.memory_space<vmem>>, vector<16xf32>,
      %get3A_1398 = arith.index_cast %add3A_1374 : i32 to index
      %get3A_1399 = arith.constant 96 : index
      %get3A_1400 = tpu.vector_load %arg9[%get3A_1398, %get3A_1399] {strides = array<i32>} : memref<512x128xf32, #tpu.memory_space<vmem>>, vector<16xf32>,
      %mul3A_1401 = arith.mulf %gather3A_1368, %get3A_1397 : vector<16xf32>
      %mul3A_1402 = arith.mulf %gather3A_1372, %get3A_1400 : vector<16xf32>
      %add3A_1403 = arith.addf %mul3A_1401, %mul3A_1402 : vector<16xf32>
      %add3A_1404 = arith.addf %add3A_1355, %add3A_1403 : vector<16xf32>
      %get3A_1405 = arith.index_cast %add3A_1374 : i32 to index
      %get3A_1406 = arith.constant 48 : index
      %get3A_1407 = tpu.vector_load %arg9[%get3A_1405, %get3A_1406] {strides = array<i32>} : memref<512x128xf32, #tpu.memory_space<vmem>>, vector<16xf32>,
      %get3A_1408 = arith.index_cast %add3A_1374 : i32 to index
      %get3A_1409 = arith.constant 112 : index
      %get3A_1410 = tpu.vector_load %arg9[%get3A_1408, %get3A_1409] {strides = array<i32>} : memref<512x128xf32, #tpu.memory_space<vmem>>, vector<16xf32>,
      %mul3A_1411 = arith.mulf %gather3A_1368, %get3A_1407 : vector<16xf32>
      %mul3A_1412 = arith.mulf %gather3A_1372, %get3A_1410 : vector<16xf32>
      %add3A_1413 = arith.addf %mul3A_1411, %mul3A_1412 : vector<16xf32>
      %add3A_1414 = arith.addf %add3A_1364, %add3A_1413 : vector<16xf32>
      %add3A_1415 = arith.constant 128 : i32
      %add3A_1416 = vector.broadcast %add3A_1415 : i32 to vector<16xi32>
      %add3A_1417 = arith.addi %broadcast_in_dim3A, %add3A_1416 : vector<16xi32>
      %gather3A_1418 = tpu.vector_load_idx %arg8[%add3A_1417] : memref<2048xf32, #tpu.memory_space<vmem>>[vector<16xi32>], vector<16xf32>,
      %add3A_1419 = arith.constant 640 : i32
      %add3A_1420 = vector.broadcast %add3A_1419 : i32 to vector<16xi32>
      %add3A_1421 = arith.addi %broadcast_in_dim3A, %add3A_1420 : vector<16xi32>
      %gather3A_1422 = tpu.vector_load_idx %arg8[%add3A_1421] : memref<2048xf32, #tpu.memory_space<vmem>>[vector<16xi32>], vector<16xf32>,
      %add3A_1423 = arith.constant 128 : i32
      %add3A_1424 = arith.addi %add3A_1423, %scan3A_1318 : i32
      %get3A_1425 = arith.index_cast %add3A_1424 : i32 to index
      %get3A_1426 = arith.constant 0 : index
      %get3A_1427 = tpu.vector_load %arg9[%get3A_1425, %get3A_1426] {strides = array<i32>} : memref<512x128xf32, #tpu.memory_space<vmem>>, vector<16xf32>,
      %get3A_1428 = arith.index_cast %add3A_1424 : i32 to index
      %get3A_1429 = arith.constant 64 : index
      %get3A_1430 = tpu.vector_load %arg9[%get3A_1428, %get3A_1429] {strides = array<i32>} : memref<512x128xf32, #tpu.memory_space<vmem>>, vector<16xf32>,
      %mul3A_1431 = arith.mulf %gather3A_1418, %get3A_1427 : vector<16xf32>
      %mul3A_1432 = arith.mulf %gather3A_1422, %get3A_1430 : vector<16xf32>
      %add3A_1433 = arith.addf %mul3A_1431, %mul3A_1432 : vector<16xf32>
      %add3A_1434 = arith.addf %add3A_1384, %add3A_1433 : vector<16xf32>
      %get3A_1435 = arith.index_cast %add3A_1424 : i32 to index
      %get3A_1436 = arith.constant 16 : index
      %get3A_1437 = tpu.vector_load %arg9[%get3A_1435, %get3A_1436] {strides = array<i32>} : memref<512x128xf32, #tpu.memory_space<vmem>>, vector<16xf32>,
      %get3A_1438 = arith.index_cast %add3A_1424 : i32 to index
      %get3A_1439 = arith.constant 80 : index
      %get3A_1440 = tpu.vector_load %arg9[%get3A_1438, %get3A_1439] {strides = array<i32>} : memref<512x128xf32, #tpu.memory_space<vmem>>, vector<16xf32>,
      %mul3A_1441 = arith.mulf %gather3A_1418, %get3A_1437 : vector<16xf32>
      %mul3A_1442 = arith.mulf %gather3A_1422, %get3A_1440 : vector<16xf32>
      %add3A_1443 = arith.addf %mul3A_1441, %mul3A_1442 : vector<16xf32>
      %add3A_1444 = arith.addf %add3A_1394, %add3A_1443 : vector<16xf32>
      %get3A_1445 = arith.index_cast %add3A_1424 : i32 to index
      %get3A_1446 = arith.constant 32 : index
      %get3A_1447 = tpu.vector_load %arg9[%get3A_1445, %get3A_1446] {strides = array<i32>} : memref<512x128xf32, #tpu.memory_space<vmem>>, vector<16xf32>,
      %get3A_1448 = arith.index_cast %add3A_1424 : i32 to index
      %get3A_1449 = arith.constant 96 : index
      %get3A_1450 = tpu.vector_load %arg9[%get3A_1448, %get3A_1449] {strides = array<i32>} : memref<512x128xf32, #tpu.memory_space<vmem>>, vector<16xf32>,
      %mul3A_1451 = arith.mulf %gather3A_1418, %get3A_1447 : vector<16xf32>
      %mul3A_1452 = arith.mulf %gather3A_1422, %get3A_1450 : vector<16xf32>
      %add3A_1453 = arith.addf %mul3A_1451, %mul3A_1452 : vector<16xf32>
      %add3A_1454 = arith.addf %add3A_1404, %add3A_1453 : vector<16xf32>
      %get3A_1455 = arith.index_cast %add3A_1424 : i32 to index
      %get3A_1456 = arith.constant 48 : index
      %get3A_1457 = tpu.vector_load %arg9[%get3A_1455, %get3A_1456] {strides = array<i32>} : memref<512x128xf32, #tpu.memory_space<vmem>>, vector<16xf32>,
      %get3A_1458 = arith.index_cast %add3A_1424 : i32 to index
      %get3A_1459 = arith.constant 112 : index
      %get3A_1460 = tpu.vector_load %arg9[%get3A_1458, %get3A_1459] {strides = array<i32>} : memref<512x128xf32, #tpu.memory_space<vmem>>, vector<16xf32>,
      %mul3A_1461 = arith.mulf %gather3A_1418, %get3A_1457 : vector<16xf32>
      %mul3A_1462 = arith.mulf %gather3A_1422, %get3A_1460 : vector<16xf32>
      %add3A_1463 = arith.addf %mul3A_1461, %mul3A_1462 : vector<16xf32>
      %add3A_1464 = arith.addf %add3A_1414, %add3A_1463 : vector<16xf32>
      %add3A_1465 = arith.constant 192 : i32
      %add3A_1466 = vector.broadcast %add3A_1465 : i32 to vector<16xi32>
      %add3A_1467 = arith.addi %broadcast_in_dim3A, %add3A_1466 : vector<16xi32>
      %gather3A_1468 = tpu.vector_load_idx %arg8[%add3A_1467] : memref<2048xf32, #tpu.memory_space<vmem>>[vector<16xi32>], vector<16xf32>,
      %add3A_1469 = arith.constant 704 : i32
      %add3A_1470 = vector.broadcast %add3A_1469 : i32 to vector<16xi32>
      %add3A_1471 = arith.addi %broadcast_in_dim3A, %add3A_1470 : vector<16xi32>
      %gather3A_1472 = tpu.vector_load_idx %arg8[%add3A_1471] : memref<2048xf32, #tpu.memory_space<vmem>>[vector<16xi32>], vector<16xf32>,
      %add3A_1473 = arith.constant 192 : i32
      %add3A_1474 = arith.addi %add3A_1473, %scan3A_1318 : i32
      %get3A_1475 = arith.index_cast %add3A_1474 : i32 to index
      %get3A_1476 = arith.constant 0 : index
      %get3A_1477 = tpu.vector_load %arg9[%get3A_1475, %get3A_1476] {strides = array<i32>} : memref<512x128xf32, #tpu.memory_space<vmem>>, vector<16xf32>,
      %get3A_1478 = arith.index_cast %add3A_1474 : i32 to index
      %get3A_1479 = arith.constant 64 : index
      %get3A_1480 = tpu.vector_load %arg9[%get3A_1478, %get3A_1479] {strides = array<i32>} : memref<512x128xf32, #tpu.memory_space<vmem>>, vector<16xf32>,
      %mul3A_1481 = arith.mulf %gather3A_1468, %get3A_1477 : vector<16xf32>
      %mul3A_1482 = arith.mulf %gather3A_1472, %get3A_1480 : vector<16xf32>
      %add3A_1483 = arith.addf %mul3A_1481, %mul3A_1482 : vector<16xf32>
      %add3A_1484 = arith.addf %add3A_1434, %add3A_1483 : vector<16xf32>
      %get3A_1485 = arith.index_cast %add3A_1474 : i32 to index
      %get3A_1486 = arith.constant 16 : index
      %get3A_1487 = tpu.vector_load %arg9[%get3A_1485, %get3A_1486] {strides = array<i32>} : memref<512x128xf32, #tpu.memory_space<vmem>>, vector<16xf32>,
      %get3A_1488 = arith.index_cast %add3A_1474 : i32 to index
      %get3A_1489 = arith.constant 80 : index
      %get3A_1490 = tpu.vector_load %arg9[%get3A_1488, %get3A_1489] {strides = array<i32>} : memref<512x128xf32, #tpu.memory_space<vmem>>, vector<16xf32>,
      %mul3A_1491 = arith.mulf %gather3A_1468, %get3A_1487 : vector<16xf32>
      %mul3A_1492 = arith.mulf %gather3A_1472, %get3A_1490 : vector<16xf32>
      %add3A_1493 = arith.addf %mul3A_1491, %mul3A_1492 : vector<16xf32>
      %add3A_1494 = arith.addf %add3A_1444, %add3A_1493 : vector<16xf32>
      %get3A_1495 = arith.index_cast %add3A_1474 : i32 to index
      %get3A_1496 = arith.constant 32 : index
      %get3A_1497 = tpu.vector_load %arg9[%get3A_1495, %get3A_1496] {strides = array<i32>} : memref<512x128xf32, #tpu.memory_space<vmem>>, vector<16xf32>,
      %get3A_1498 = arith.index_cast %add3A_1474 : i32 to index
      %get3A_1499 = arith.constant 96 : index
      %get3A_1500 = tpu.vector_load %arg9[%get3A_1498, %get3A_1499] {strides = array<i32>} : memref<512x128xf32, #tpu.memory_space<vmem>>, vector<16xf32>,
      %mul3A_1501 = arith.mulf %gather3A_1468, %get3A_1497 : vector<16xf32>
      %mul3A_1502 = arith.mulf %gather3A_1472, %get3A_1500 : vector<16xf32>
      %add3A_1503 = arith.addf %mul3A_1501, %mul3A_1502 : vector<16xf32>
      %add3A_1504 = arith.addf %add3A_1454, %add3A_1503 : vector<16xf32>
      %get3A_1505 = arith.index_cast %add3A_1474 : i32 to index
      %get3A_1506 = arith.constant 48 : index
      %get3A_1507 = tpu.vector_load %arg9[%get3A_1505, %get3A_1506] {strides = array<i32>} : memref<512x128xf32, #tpu.memory_space<vmem>>, vector<16xf32>,
      %get3A_1508 = arith.index_cast %add3A_1474 : i32 to index
      %get3A_1509 = arith.constant 112 : index
      %get3A_1510 = tpu.vector_load %arg9[%get3A_1508, %get3A_1509] {strides = array<i32>} : memref<512x128xf32, #tpu.memory_space<vmem>>, vector<16xf32>,
      %mul3A_1511 = arith.mulf %gather3A_1468, %get3A_1507 : vector<16xf32>
      %mul3A_1512 = arith.mulf %gather3A_1472, %get3A_1510 : vector<16xf32>
      %add3A_1513 = arith.addf %mul3A_1511, %mul3A_1512 : vector<16xf32>
      %add3A_1514 = arith.addf %add3A_1464, %add3A_1513 : vector<16xf32>
      %swap3A_1515 = arith.index_cast %scan3A_1318 : i32 to index
      %swap3A_1516 = arith.constant 0 : index
      %swap3A_1517 = tpu.vector_load %arg10[%swap3A_1515, %swap3A_1516] {strides = array<i32>} : memref<64x64xf32, #tpu.memory_space<vmem>>, vector<16xf32>,
      tpu.vector_store %arg10[%swap3A_1515, %swap3A_1516], %add3A_1484 {strides = array<i32>} : memref<64x64xf32, #tpu.memory_space<vmem>>, vector<16xf32>,
      %swap3A_1518 = arith.index_cast %scan3A_1318 : i32 to index
      %swap3A_1519 = arith.constant 16 : index
      %swap3A_1520 = tpu.vector_load %arg10[%swap3A_1518, %swap3A_1519] {strides = array<i32>} : memref<64x64xf32, #tpu.memory_space<vmem>>, vector<16xf32>,
      tpu.vector_store %arg10[%swap3A_1518, %swap3A_1519], %add3A_1494 {strides = array<i32>} : memref<64x64xf32, #tpu.memory_space<vmem>>, vector<16xf32>,
      %swap3A_1521 = arith.index_cast %scan3A_1318 : i32 to index
      %swap3A_1522 = arith.constant 32 : index
      %swap3A_1523 = tpu.vector_load %arg10[%swap3A_1521, %swap3A_1522] {strides = array<i32>} : memref<64x64xf32, #tpu.memory_space<vmem>>, vector<16xf32>,
      tpu.vector_store %arg10[%swap3A_1521, %swap3A_1522], %add3A_1504 {strides = array<i32>} : memref<64x64xf32, #tpu.memory_space<vmem>>, vector<16xf32>,
      %swap3A_1524 = arith.index_cast %scan3A_1318 : i32 to index
      %swap3A_1525 = arith.constant 48 : index
      %swap3A_1526 = tpu.vector_load %arg10[%swap3A_1524, %swap3A_1525] {strides = array<i32>} : memref<64x64xf32, #tpu.memory_space<vmem>>, vector<16xf32>,
      tpu.vector_store %arg10[%swap3A_1524, %swap3A_1525], %add3A_1514 {strides = array<i32>} : memref<64x64xf32, #tpu.memory_space<vmem>>, vector<16xf32>,
      %scan3A_1527 = arith.constant 0 : i32
      scf.yield %scan3A_1527 : i32
    }
    %scan3A_1096 = arith.constant 64 : i32
    %dma_start3A_1097 = arith.constant 8 : i32
    %dma_start3A_1098 = arith.constant 0 : i32
    %dma_start3A_1099 = arith.constant 0 : i32
    %dma_start3A_1100 = tpu.memref_slice %arg9[%dma_start3A_1098, %dma_start3A_1099] : memref<512x128xf32, #tpu.memory_space<vmem>> -> memref<64x128xf32, #tpu.memory_space<vmem>>
    %dma_start3A_1101 = arith.constant 0 : i32
    %dma_start3A_1102 = tpu.memref_slice %arg6[%dma_start3A_1097, %dma_start3A_1101] : memref<16x64xi32, #tpu.memory_space<vmem>> -> memref<1x64xi32, #tpu.memory_space<vmem>>
    %dma_start3A_1103 = tpu.memref_squeeze %dma_start3A_1102 : memref<1x64xi32, #tpu.memory_space<vmem>> -> memref<64xi32, #tpu.memory_space<vmem>>
    %dma_start3A_1104 = arith.constant 0 : i32
    %dma_start3A_1105 = arith.constant 0 : i32
    %dma_start3A_1106 = tpu.memref_slice %arg2[%dma_start3A_1104, %dma_start3A_1105] : memref<32768x128xf32, #tpu.memory_space<hbm>> -> memref<32768x128xf32, #tpu.memory_space<hbm>>
    tpu.enqueue_indirect_dma source(%dma_start3A_1106 : memref<32768x128xf32, #tpu.memory_space<hbm>>) target(%dma_start3A_1100 : memref<64x128xf32, #tpu.memory_space<vmem>>) offsets(%dma_start3A_1103 : memref<64xi32, #tpu.memory_space<vmem>>) semaphore(%arg12 : memref<!tpu.dma_semaphore, #tpu.memory_space<semaphore_mem>>)
    %dma_start3A_1107 = arith.constant 9 : i32
    %dma_start3A_1108 = arith.constant 64 : i32
    %dma_start3A_1109 = arith.constant 0 : i32
    %dma_start3A_1110 = tpu.memref_slice %arg9[%dma_start3A_1108, %dma_start3A_1109] : memref<512x128xf32, #tpu.memory_space<vmem>> -> memref<64x128xf32, #tpu.memory_space<vmem>>
    %dma_start3A_1111 = arith.constant 0 : i32
    %dma_start3A_1112 = tpu.memref_slice %arg6[%dma_start3A_1107, %dma_start3A_1111] : memref<16x64xi32, #tpu.memory_space<vmem>> -> memref<1x64xi32, #tpu.memory_space<vmem>>
    %dma_start3A_1113 = tpu.memref_squeeze %dma_start3A_1112 : memref<1x64xi32, #tpu.memory_space<vmem>> -> memref<64xi32, #tpu.memory_space<vmem>>
    %dma_start3A_1114 = arith.constant 0 : i32
    %dma_start3A_1115 = arith.constant 0 : i32
    %dma_start3A_1116 = tpu.memref_slice %arg2[%dma_start3A_1114, %dma_start3A_1115] : memref<32768x128xf32, #tpu.memory_space<hbm>> -> memref<32768x128xf32, #tpu.memory_space<hbm>>
    tpu.enqueue_indirect_dma source(%dma_start3A_1116 : memref<32768x128xf32, #tpu.memory_space<hbm>>) target(%dma_start3A_1110 : memref<64x128xf32, #tpu.memory_space<vmem>>) offsets(%dma_start3A_1113 : memref<64xi32, #tpu.memory_space<vmem>>) semaphore(%arg12 : memref<!tpu.dma_semaphore, #tpu.memory_space<semaphore_mem>>)
    %dma_start3A_1117 = arith.constant 10 : i32
    %dma_start3A_1118 = arith.constant 128 : i32
    %dma_start3A_1119 = arith.constant 0 : i32
    %dma_start3A_1120 = tpu.memref_slice %arg9[%dma_start3A_1118, %dma_start3A_1119] : memref<512x128xf32, #tpu.memory_space<vmem>> -> memref<64x128xf32, #tpu.memory_space<vmem>>
    %dma_start3A_1121 = arith.constant 0 : i32
    %dma_start3A_1122 = tpu.memref_slice %arg6[%dma_start3A_1117, %dma_start3A_1121] : memref<16x64xi32, #tpu.memory_space<vmem>> -> memref<1x64xi32, #tpu.memory_space<vmem>>
    %dma_start3A_1123 = tpu.memref_squeeze %dma_start3A_1122 : memref<1x64xi32, #tpu.memory_space<vmem>> -> memref<64xi32, #tpu.memory_space<vmem>>
    %dma_start3A_1124 = arith.constant 0 : i32
    %dma_start3A_1125 = arith.constant 0 : i32
    %dma_start3A_1126 = tpu.memref_slice %arg2[%dma_start3A_1124, %dma_start3A_1125] : memref<32768x128xf32, #tpu.memory_space<hbm>> -> memref<32768x128xf32, #tpu.memory_space<hbm>>
    tpu.enqueue_indirect_dma source(%dma_start3A_1126 : memref<32768x128xf32, #tpu.memory_space<hbm>>) target(%dma_start3A_1120 : memref<64x128xf32, #tpu.memory_space<vmem>>) offsets(%dma_start3A_1123 : memref<64xi32, #tpu.memory_space<vmem>>) semaphore(%arg12 : memref<!tpu.dma_semaphore, #tpu.memory_space<semaphore_mem>>)
    %dma_start3A_1127 = arith.constant 11 : i32
    %dma_start3A_1128 = arith.constant 192 : i32
    %dma_start3A_1129 = arith.constant 0 : i32
    %dma_start3A_1130 = tpu.memref_slice %arg9[%dma_start3A_1128, %dma_start3A_1129] : memref<512x128xf32, #tpu.memory_space<vmem>> -> memref<64x128xf32, #tpu.memory_space<vmem>>
    %dma_start3A_1131 = arith.constant 0 : i32
    %dma_start3A_1132 = tpu.memref_slice %arg6[%dma_start3A_1127, %dma_start3A_1131] : memref<16x64xi32, #tpu.memory_space<vmem>> -> memref<1x64xi32, #tpu.memory_space<vmem>>
    %dma_start3A_1133 = tpu.memref_squeeze %dma_start3A_1132 : memref<1x64xi32, #tpu.memory_space<vmem>> -> memref<64xi32, #tpu.memory_space<vmem>>
    %dma_start3A_1134 = arith.constant 0 : i32
    %dma_start3A_1135 = arith.constant 0 : i32
    %dma_start3A_1136 = tpu.memref_slice %arg2[%dma_start3A_1134, %dma_start3A_1135] : memref<32768x128xf32, #tpu.memory_space<hbm>> -> memref<32768x128xf32, #tpu.memory_space<hbm>>
    tpu.enqueue_indirect_dma source(%dma_start3A_1136 : memref<32768x128xf32, #tpu.memory_space<hbm>>) target(%dma_start3A_1130 : memref<64x128xf32, #tpu.memory_space<vmem>>) offsets(%dma_start3A_1133 : memref<64xi32, #tpu.memory_space<vmem>>) semaphore(%arg12 : memref<!tpu.dma_semaphore, #tpu.memory_space<semaphore_mem>>)
    %dma_wait3A_1137 = arith.constant 4 : i32
    %dma_wait3A_1138 = arith.constant 256 : i32
    %dma_wait3A_1139 = arith.constant 0 : i32
    %dma_wait3A_1140 = tpu.memref_slice %arg9[%dma_wait3A_1138, %dma_wait3A_1139] : memref<512x128xf32, #tpu.memory_space<vmem>> -> memref<64x128xf32, #tpu.memory_space<vmem>>
    %dma_wait3A_1141 = arith.constant 0 : i32
    %dma_wait3A_1142 = tpu.memref_slice %arg6[%dma_wait3A_1137, %dma_wait3A_1141] : memref<16x64xi32, #tpu.memory_space<vmem>> -> memref<1x64xi32, #tpu.memory_space<vmem>>
    %dma_wait3A_1143 = tpu.memref_squeeze %dma_wait3A_1142 : memref<1x64xi32, #tpu.memory_space<vmem>> -> memref<64xi32, #tpu.memory_space<vmem>>
    %dma_wait3A_1144 = arith.constant 0 : i32
    %dma_wait3A_1145 = arith.constant 0 : i32
    %dma_wait3A_1146 = tpu.memref_slice %arg2[%dma_wait3A_1144, %dma_wait3A_1145] : memref<32768x128xf32, #tpu.memory_space<hbm>> -> memref<32768x128xf32, #tpu.memory_space<hbm>>
    tpu.wait_indirect_dma semaphore(%arg13 : memref<!tpu.dma_semaphore, #tpu.memory_space<semaphore_mem>>) src(%dma_wait3A_1146 : memref<32768x128xf32, #tpu.memory_space<hbm>>) dst(%dma_wait3A_1140 : memref<64x128xf32, #tpu.memory_space<vmem>>)
    %dma_wait3A_1147 = arith.constant 5 : i32
    %dma_wait3A_1148 = arith.constant 320 : i32
    %dma_wait3A_1149 = arith.constant 0 : i32
    %dma_wait3A_1150 = tpu.memref_slice %arg9[%dma_wait3A_1148, %dma_wait3A_1149] : memref<512x128xf32, #tpu.memory_space<vmem>> -> memref<64x128xf32, #tpu.memory_space<vmem>>
    %dma_wait3A_1151 = arith.constant 0 : i32
    %dma_wait3A_1152 = tpu.memref_slice %arg6[%dma_wait3A_1147, %dma_wait3A_1151] : memref<16x64xi32, #tpu.memory_space<vmem>> -> memref<1x64xi32, #tpu.memory_space<vmem>>
    %dma_wait3A_1153 = tpu.memref_squeeze %dma_wait3A_1152 : memref<1x64xi32, #tpu.memory_space<vmem>> -> memref<64xi32, #tpu.memory_space<vmem>>
    %dma_wait3A_1154 = arith.constant 0 : i32
    %dma_wait3A_1155 = arith.constant 0 : i32
    %dma_wait3A_1156 = tpu.memref_slice %arg2[%dma_wait3A_1154, %dma_wait3A_1155] : memref<32768x128xf32, #tpu.memory_space<hbm>> -> memref<32768x128xf32, #tpu.memory_space<hbm>>
    tpu.wait_indirect_dma semaphore(%arg13 : memref<!tpu.dma_semaphore, #tpu.memory_space<semaphore_mem>>) src(%dma_wait3A_1156 : memref<32768x128xf32, #tpu.memory_space<hbm>>) dst(%dma_wait3A_1150 : memref<64x128xf32, #tpu.memory_space<vmem>>)
    %dma_wait3A_1157 = arith.constant 6 : i32
    %dma_wait3A_1158 = arith.constant 384 : i32
    %dma_wait3A_1159 = arith.constant 0 : i32
    %dma_wait3A_1160 = tpu.memref_slice %arg9[%dma_wait3A_1158, %dma_wait3A_1159] : memref<512x128xf32, #tpu.memory_space<vmem>> -> memref<64x128xf32, #tpu.memory_space<vmem>>
    %dma_wait3A_1161 = arith.constant 0 : i32
    %dma_wait3A_1162 = tpu.memref_slice %arg6[%dma_wait3A_1157, %dma_wait3A_1161] : memref<16x64xi32, #tpu.memory_space<vmem>> -> memref<1x64xi32, #tpu.memory_space<vmem>>
    %dma_wait3A_1163 = tpu.memref_squeeze %dma_wait3A_1162 : memref<1x64xi32, #tpu.memory_space<vmem>> -> memref<64xi32, #tpu.memory_space<vmem>>
    %dma_wait3A_1164 = arith.constant 0 : i32
    %dma_wait3A_1165 = arith.constant 0 : i32
    %dma_wait3A_1166 = tpu.memref_slice %arg2[%dma_wait3A_1164, %dma_wait3A_1165] : memref<32768x128xf32, #tpu.memory_space<hbm>> -> memref<32768x128xf32, #tpu.memory_space<hbm>>
    tpu.wait_indirect_dma semaphore(%arg13 : memref<!tpu.dma_semaphore, #tpu.memory_space<semaphore_mem>>) src(%dma_wait3A_1166 : memref<32768x128xf32, #tpu.memory_space<hbm>>) dst(%dma_wait3A_1160 : memref<64x128xf32, #tpu.memory_space<vmem>>)
    %dma_wait3A_1167 = arith.constant 7 : i32
    %dma_wait3A_1168 = arith.constant 448 : i32
    %dma_wait3A_1169 = arith.constant 0 : i32
    %dma_wait3A_1170 = tpu.memref_slice %arg9[%dma_wait3A_1168, %dma_wait3A_1169] : memref<512x128xf32, #tpu.memory_space<vmem>> -> memref<64x128xf32, #tpu.memory_space<vmem>>
    %dma_wait3A_1171 = arith.constant 0 : i32
    %dma_wait3A_1172 = tpu.memref_slice %arg6[%dma_wait3A_1167, %dma_wait3A_1171] : memref<16x64xi32, #tpu.memory_space<vmem>> -> memref<1x64xi32, #tpu.memory_space<vmem>>
    %dma_wait3A_1173 = tpu.memref_squeeze %dma_wait3A_1172 : memref<1x64xi32, #tpu.memory_space<vmem>> -> memref<64xi32, #tpu.memory_space<vmem>>
    %dma_wait3A_1174 = arith.constant 0 : i32
    %dma_wait3A_1175 = arith.constant 0 : i32
    %dma_wait3A_1176 = tpu.memref_slice %arg2[%dma_wait3A_1174, %dma_wait3A_1175] : memref<32768x128xf32, #tpu.memory_space<hbm>> -> memref<32768x128xf32, #tpu.memory_space<hbm>>
    tpu.wait_indirect_dma semaphore(%arg13 : memref<!tpu.dma_semaphore, #tpu.memory_space<semaphore_mem>>) src(%dma_wait3A_1176 : memref<32768x128xf32, #tpu.memory_space<hbm>>) dst(%dma_wait3A_1170 : memref<64x128xf32, #tpu.memory_space<vmem>>)
    %scan3A_1177 = arith.constant 0 : i32
    %scan3A_1178 = arith.constant 0 : i32
    %scan3A_1179 = arith.constant 64 : i32
    %scan3A_1180 = arith.addi %scan3A_1178, %scan3A_1179 : i32
    %scan3A_1181 = arith.constant 1 : i32
    %scan3A_1182 = scf.for %scan3A_1318 = %scan3A_1178 to %scan3A_1180 step %scan3A_1181 iter_args(%scan3A_1319 = %scan3A_1177) -> (i32)  : i32 {
      %broadcast_in_dim3A = vector.broadcast %scan3A_1318 : i32 to vector<16xi32>
      %add3A_1320 = arith.constant 256 : i32
      %add3A_1321 = vector.broadcast %add3A_1320 : i32 to vector<16xi32>
      %add3A_1322 = arith.addi %broadcast_in_dim3A, %add3A_1321 : vector<16xi32>
      %gather3A = tpu.vector_load_idx %arg8[%add3A_1322] : memref<2048xf32, #tpu.memory_space<vmem>>[vector<16xi32>], vector<16xf32>,
      %add3A_1323 = arith.constant 768 : i32
      %add3A_1324 = vector.broadcast %add3A_1323 : i32 to vector<16xi32>
      %add3A_1325 = arith.addi %broadcast_in_dim3A, %add3A_1324 : vector<16xi32>
      %gather3A_1326 = tpu.vector_load_idx %arg8[%add3A_1325] : memref<2048xf32, #tpu.memory_space<vmem>>[vector<16xi32>], vector<16xf32>,
      %add3A_1327 = arith.constant 256 : i32
      %add3A_1328 = arith.addi %add3A_1327, %scan3A_1318 : i32
      %get3A_1329 = arith.index_cast %add3A_1328 : i32 to index
      %get3A_1330 = arith.constant 0 : index
      %get3A_1331 = tpu.vector_load %arg9[%get3A_1329, %get3A_1330] {strides = array<i32>} : memref<512x128xf32, #tpu.memory_space<vmem>>, vector<16xf32>,
      %get3A_1332 = arith.index_cast %add3A_1328 : i32 to index
      %get3A_1333 = arith.constant 64 : index
      %get3A_1334 = tpu.vector_load %arg9[%get3A_1332, %get3A_1333] {strides = array<i32>} : memref<512x128xf32, #tpu.memory_space<vmem>>, vector<16xf32>,
      %mul3A_1335 = arith.mulf %gather3A, %get3A_1331 : vector<16xf32>
      %mul3A_1336 = arith.mulf %gather3A_1326, %get3A_1334 : vector<16xf32>
      %add3A_1337 = arith.addf %mul3A_1335, %mul3A_1336 : vector<16xf32>
      %get3A_1338 = arith.index_cast %add3A_1328 : i32 to index
      %get3A_1339 = arith.constant 16 : index
      %get3A_1340 = tpu.vector_load %arg9[%get3A_1338, %get3A_1339] {strides = array<i32>} : memref<512x128xf32, #tpu.memory_space<vmem>>, vector<16xf32>,
      %get3A_1341 = arith.index_cast %add3A_1328 : i32 to index
      %get3A_1342 = arith.constant 80 : index
      %get3A_1343 = tpu.vector_load %arg9[%get3A_1341, %get3A_1342] {strides = array<i32>} : memref<512x128xf32, #tpu.memory_space<vmem>>, vector<16xf32>,
      %mul3A_1344 = arith.mulf %gather3A, %get3A_1340 : vector<16xf32>
      %mul3A_1345 = arith.mulf %gather3A_1326, %get3A_1343 : vector<16xf32>
      %add3A_1346 = arith.addf %mul3A_1344, %mul3A_1345 : vector<16xf32>
      %get3A_1347 = arith.index_cast %add3A_1328 : i32 to index
      %get3A_1348 = arith.constant 32 : index
      %get3A_1349 = tpu.vector_load %arg9[%get3A_1347, %get3A_1348] {strides = array<i32>} : memref<512x128xf32, #tpu.memory_space<vmem>>, vector<16xf32>,
      %get3A_1350 = arith.index_cast %add3A_1328 : i32 to index
      %get3A_1351 = arith.constant 96 : index
      %get3A_1352 = tpu.vector_load %arg9[%get3A_1350, %get3A_1351] {strides = array<i32>} : memref<512x128xf32, #tpu.memory_space<vmem>>, vector<16xf32>,
      %mul3A_1353 = arith.mulf %gather3A, %get3A_1349 : vector<16xf32>
      %mul3A_1354 = arith.mulf %gather3A_1326, %get3A_1352 : vector<16xf32>
      %add3A_1355 = arith.addf %mul3A_1353, %mul3A_1354 : vector<16xf32>
      %get3A_1356 = arith.index_cast %add3A_1328 : i32 to index
      %get3A_1357 = arith.constant 48 : index
      %get3A_1358 = tpu.vector_load %arg9[%get3A_1356, %get3A_1357] {strides = array<i32>} : memref<512x128xf32, #tpu.memory_space<vmem>>, vector<16xf32>,
      %get3A_1359 = arith.index_cast %add3A_1328 : i32 to index
      %get3A_1360 = arith.constant 112 : index
      %get3A_1361 = tpu.vector_load %arg9[%get3A_1359, %get3A_1360] {strides = array<i32>} : memref<512x128xf32, #tpu.memory_space<vmem>>, vector<16xf32>,
      %mul3A_1362 = arith.mulf %gather3A, %get3A_1358 : vector<16xf32>
      %mul3A_1363 = arith.mulf %gather3A_1326, %get3A_1361 : vector<16xf32>
      %add3A_1364 = arith.addf %mul3A_1362, %mul3A_1363 : vector<16xf32>
      %add3A_1365 = arith.constant 320 : i32
      %add3A_1366 = vector.broadcast %add3A_1365 : i32 to vector<16xi32>
      %add3A_1367 = arith.addi %broadcast_in_dim3A, %add3A_1366 : vector<16xi32>
      %gather3A_1368 = tpu.vector_load_idx %arg8[%add3A_1367] : memref<2048xf32, #tpu.memory_space<vmem>>[vector<16xi32>], vector<16xf32>,
      %add3A_1369 = arith.constant 832 : i32
      %add3A_1370 = vector.broadcast %add3A_1369 : i32 to vector<16xi32>
      %add3A_1371 = arith.addi %broadcast_in_dim3A, %add3A_1370 : vector<16xi32>
      %gather3A_1372 = tpu.vector_load_idx %arg8[%add3A_1371] : memref<2048xf32, #tpu.memory_space<vmem>>[vector<16xi32>], vector<16xf32>,
      %add3A_1373 = arith.constant 320 : i32
      %add3A_1374 = arith.addi %add3A_1373, %scan3A_1318 : i32
      %get3A_1375 = arith.index_cast %add3A_1374 : i32 to index
      %get3A_1376 = arith.constant 0 : index
      %get3A_1377 = tpu.vector_load %arg9[%get3A_1375, %get3A_1376] {strides = array<i32>} : memref<512x128xf32, #tpu.memory_space<vmem>>, vector<16xf32>,
      %get3A_1378 = arith.index_cast %add3A_1374 : i32 to index
      %get3A_1379 = arith.constant 64 : index
      %get3A_1380 = tpu.vector_load %arg9[%get3A_1378, %get3A_1379] {strides = array<i32>} : memref<512x128xf32, #tpu.memory_space<vmem>>, vector<16xf32>,
      %mul3A_1381 = arith.mulf %gather3A_1368, %get3A_1377 : vector<16xf32>
      %mul3A_1382 = arith.mulf %gather3A_1372, %get3A_1380 : vector<16xf32>
      %add3A_1383 = arith.addf %mul3A_1381, %mul3A_1382 : vector<16xf32>
      %add3A_1384 = arith.addf %add3A_1337, %add3A_1383 : vector<16xf32>
      %get3A_1385 = arith.index_cast %add3A_1374 : i32 to index
      %get3A_1386 = arith.constant 16 : index
      %get3A_1387 = tpu.vector_load %arg9[%get3A_1385, %get3A_1386] {strides = array<i32>} : memref<512x128xf32, #tpu.memory_space<vmem>>, vector<16xf32>,
      %get3A_1388 = arith.index_cast %add3A_1374 : i32 to index
      %get3A_1389 = arith.constant 80 : index
      %get3A_1390 = tpu.vector_load %arg9[%get3A_1388, %get3A_1389] {strides = array<i32>} : memref<512x128xf32, #tpu.memory_space<vmem>>, vector<16xf32>,
      %mul3A_1391 = arith.mulf %gather3A_1368, %get3A_1387 : vector<16xf32>
      %mul3A_1392 = arith.mulf %gather3A_1372, %get3A_1390 : vector<16xf32>
      %add3A_1393 = arith.addf %mul3A_1391, %mul3A_1392 : vector<16xf32>
      %add3A_1394 = arith.addf %add3A_1346, %add3A_1393 : vector<16xf32>
      %get3A_1395 = arith.index_cast %add3A_1374 : i32 to index
      %get3A_1396 = arith.constant 32 : index
      %get3A_1397 = tpu.vector_load %arg9[%get3A_1395, %get3A_1396] {strides = array<i32>} : memref<512x128xf32, #tpu.memory_space<vmem>>, vector<16xf32>,
      %get3A_1398 = arith.index_cast %add3A_1374 : i32 to index
      %get3A_1399 = arith.constant 96 : index
      %get3A_1400 = tpu.vector_load %arg9[%get3A_1398, %get3A_1399] {strides = array<i32>} : memref<512x128xf32, #tpu.memory_space<vmem>>, vector<16xf32>,
      %mul3A_1401 = arith.mulf %gather3A_1368, %get3A_1397 : vector<16xf32>
      %mul3A_1402 = arith.mulf %gather3A_1372, %get3A_1400 : vector<16xf32>
      %add3A_1403 = arith.addf %mul3A_1401, %mul3A_1402 : vector<16xf32>
      %add3A_1404 = arith.addf %add3A_1355, %add3A_1403 : vector<16xf32>
      %get3A_1405 = arith.index_cast %add3A_1374 : i32 to index
      %get3A_1406 = arith.constant 48 : index
      %get3A_1407 = tpu.vector_load %arg9[%get3A_1405, %get3A_1406] {strides = array<i32>} : memref<512x128xf32, #tpu.memory_space<vmem>>, vector<16xf32>,
      %get3A_1408 = arith.index_cast %add3A_1374 : i32 to index
      %get3A_1409 = arith.constant 112 : index
      %get3A_1410 = tpu.vector_load %arg9[%get3A_1408, %get3A_1409] {strides = array<i32>} : memref<512x128xf32, #tpu.memory_space<vmem>>, vector<16xf32>,
      %mul3A_1411 = arith.mulf %gather3A_1368, %get3A_1407 : vector<16xf32>
      %mul3A_1412 = arith.mulf %gather3A_1372, %get3A_1410 : vector<16xf32>
      %add3A_1413 = arith.addf %mul3A_1411, %mul3A_1412 : vector<16xf32>
      %add3A_1414 = arith.addf %add3A_1364, %add3A_1413 : vector<16xf32>
      %add3A_1415 = arith.constant 384 : i32
      %add3A_1416 = vector.broadcast %add3A_1415 : i32 to vector<16xi32>
      %add3A_1417 = arith.addi %broadcast_in_dim3A, %add3A_1416 : vector<16xi32>
      %gather3A_1418 = tpu.vector_load_idx %arg8[%add3A_1417] : memref<2048xf32, #tpu.memory_space<vmem>>[vector<16xi32>], vector<16xf32>,
      %add3A_1419 = arith.constant 896 : i32
      %add3A_1420 = vector.broadcast %add3A_1419 : i32 to vector<16xi32>
      %add3A_1421 = arith.addi %broadcast_in_dim3A, %add3A_1420 : vector<16xi32>
      %gather3A_1422 = tpu.vector_load_idx %arg8[%add3A_1421] : memref<2048xf32, #tpu.memory_space<vmem>>[vector<16xi32>], vector<16xf32>,
      %add3A_1423 = arith.constant 384 : i32
      %add3A_1424 = arith.addi %add3A_1423, %scan3A_1318 : i32
      %get3A_1425 = arith.index_cast %add3A_1424 : i32 to index
      %get3A_1426 = arith.constant 0 : index
      %get3A_1427 = tpu.vector_load %arg9[%get3A_1425, %get3A_1426] {strides = array<i32>} : memref<512x128xf32, #tpu.memory_space<vmem>>, vector<16xf32>,
      %get3A_1428 = arith.index_cast %add3A_1424 : i32 to index
      %get3A_1429 = arith.constant 64 : index
      %get3A_1430 = tpu.vector_load %arg9[%get3A_1428, %get3A_1429] {strides = array<i32>} : memref<512x128xf32, #tpu.memory_space<vmem>>, vector<16xf32>,
      %mul3A_1431 = arith.mulf %gather3A_1418, %get3A_1427 : vector<16xf32>
      %mul3A_1432 = arith.mulf %gather3A_1422, %get3A_1430 : vector<16xf32>
      %add3A_1433 = arith.addf %mul3A_1431, %mul3A_1432 : vector<16xf32>
      %add3A_1434 = arith.addf %add3A_1384, %add3A_1433 : vector<16xf32>
      %get3A_1435 = arith.index_cast %add3A_1424 : i32 to index
      %get3A_1436 = arith.constant 16 : index
      %get3A_1437 = tpu.vector_load %arg9[%get3A_1435, %get3A_1436] {strides = array<i32>} : memref<512x128xf32, #tpu.memory_space<vmem>>, vector<16xf32>,
      %get3A_1438 = arith.index_cast %add3A_1424 : i32 to index
      %get3A_1439 = arith.constant 80 : index
      %get3A_1440 = tpu.vector_load %arg9[%get3A_1438, %get3A_1439] {strides = array<i32>} : memref<512x128xf32, #tpu.memory_space<vmem>>, vector<16xf32>,
      %mul3A_1441 = arith.mulf %gather3A_1418, %get3A_1437 : vector<16xf32>
      %mul3A_1442 = arith.mulf %gather3A_1422, %get3A_1440 : vector<16xf32>
      %add3A_1443 = arith.addf %mul3A_1441, %mul3A_1442 : vector<16xf32>
      %add3A_1444 = arith.addf %add3A_1394, %add3A_1443 : vector<16xf32>
      %get3A_1445 = arith.index_cast %add3A_1424 : i32 to index
      %get3A_1446 = arith.constant 32 : index
      %get3A_1447 = tpu.vector_load %arg9[%get3A_1445, %get3A_1446] {strides = array<i32>} : memref<512x128xf32, #tpu.memory_space<vmem>>, vector<16xf32>,
      %get3A_1448 = arith.index_cast %add3A_1424 : i32 to index
      %get3A_1449 = arith.constant 96 : index
      %get3A_1450 = tpu.vector_load %arg9[%get3A_1448, %get3A_1449] {strides = array<i32>} : memref<512x128xf32, #tpu.memory_space<vmem>>, vector<16xf32>,
      %mul3A_1451 = arith.mulf %gather3A_1418, %get3A_1447 : vector<16xf32>
      %mul3A_1452 = arith.mulf %gather3A_1422, %get3A_1450 : vector<16xf32>
      %add3A_1453 = arith.addf %mul3A_1451, %mul3A_1452 : vector<16xf32>
      %add3A_1454 = arith.addf %add3A_1404, %add3A_1453 : vector<16xf32>
      %get3A_1455 = arith.index_cast %add3A_1424 : i32 to index
      %get3A_1456 = arith.constant 48 : index
      %get3A_1457 = tpu.vector_load %arg9[%get3A_1455, %get3A_1456] {strides = array<i32>} : memref<512x128xf32, #tpu.memory_space<vmem>>, vector<16xf32>,
      %get3A_1458 = arith.index_cast %add3A_1424 : i32 to index
      %get3A_1459 = arith.constant 112 : index
      %get3A_1460 = tpu.vector_load %arg9[%get3A_1458, %get3A_1459] {strides = array<i32>} : memref<512x128xf32, #tpu.memory_space<vmem>>, vector<16xf32>,
      %mul3A_1461 = arith.mulf %gather3A_1418, %get3A_1457 : vector<16xf32>
      %mul3A_1462 = arith.mulf %gather3A_1422, %get3A_1460 : vector<16xf32>
      %add3A_1463 = arith.addf %mul3A_1461, %mul3A_1462 : vector<16xf32>
      %add3A_1464 = arith.addf %add3A_1414, %add3A_1463 : vector<16xf32>
      %add3A_1465 = arith.constant 448 : i32
      %add3A_1466 = vector.broadcast %add3A_1465 : i32 to vector<16xi32>
      %add3A_1467 = arith.addi %broadcast_in_dim3A, %add3A_1466 : vector<16xi32>
      %gather3A_1468 = tpu.vector_load_idx %arg8[%add3A_1467] : memref<2048xf32, #tpu.memory_space<vmem>>[vector<16xi32>], vector<16xf32>,
      %add3A_1469 = arith.constant 960 : i32
      %add3A_1470 = vector.broadcast %add3A_1469 : i32 to vector<16xi32>
      %add3A_1471 = arith.addi %broadcast_in_dim3A, %add3A_1470 : vector<16xi32>
      %gather3A_1472 = tpu.vector_load_idx %arg8[%add3A_1471] : memref<2048xf32, #tpu.memory_space<vmem>>[vector<16xi32>], vector<16xf32>,
      %add3A_1473 = arith.constant 448 : i32
      %add3A_1474 = arith.addi %add3A_1473, %scan3A_1318 : i32
      %get3A_1475 = arith.index_cast %add3A_1474 : i32 to index
      %get3A_1476 = arith.constant 0 : index
      %get3A_1477 = tpu.vector_load %arg9[%get3A_1475, %get3A_1476] {strides = array<i32>} : memref<512x128xf32, #tpu.memory_space<vmem>>, vector<16xf32>,
      %get3A_1478 = arith.index_cast %add3A_1474 : i32 to index
      %get3A_1479 = arith.constant 64 : index
      %get3A_1480 = tpu.vector_load %arg9[%get3A_1478, %get3A_1479] {strides = array<i32>} : memref<512x128xf32, #tpu.memory_space<vmem>>, vector<16xf32>,
      %mul3A_1481 = arith.mulf %gather3A_1468, %get3A_1477 : vector<16xf32>
      %mul3A_1482 = arith.mulf %gather3A_1472, %get3A_1480 : vector<16xf32>
      %add3A_1483 = arith.addf %mul3A_1481, %mul3A_1482 : vector<16xf32>
      %add3A_1484 = arith.addf %add3A_1434, %add3A_1483 : vector<16xf32>
      %get3A_1485 = arith.index_cast %add3A_1474 : i32 to index
      %get3A_1486 = arith.constant 16 : index
      %get3A_1487 = tpu.vector_load %arg9[%get3A_1485, %get3A_1486] {strides = array<i32>} : memref<512x128xf32, #tpu.memory_space<vmem>>, vector<16xf32>,
      %get3A_1488 = arith.index_cast %add3A_1474 : i32 to index
      %get3A_1489 = arith.constant 80 : index
      %get3A_1490 = tpu.vector_load %arg9[%get3A_1488, %get3A_1489] {strides = array<i32>} : memref<512x128xf32, #tpu.memory_space<vmem>>, vector<16xf32>,
      %mul3A_1491 = arith.mulf %gather3A_1468, %get3A_1487 : vector<16xf32>
      %mul3A_1492 = arith.mulf %gather3A_1472, %get3A_1490 : vector<16xf32>
      %add3A_1493 = arith.addf %mul3A_1491, %mul3A_1492 : vector<16xf32>
      %add3A_1494 = arith.addf %add3A_1444, %add3A_1493 : vector<16xf32>
      %get3A_1495 = arith.index_cast %add3A_1474 : i32 to index
      %get3A_1496 = arith.constant 32 : index
      %get3A_1497 = tpu.vector_load %arg9[%get3A_1495, %get3A_1496] {strides = array<i32>} : memref<512x128xf32, #tpu.memory_space<vmem>>, vector<16xf32>,
      %get3A_1498 = arith.index_cast %add3A_1474 : i32 to index
      %get3A_1499 = arith.constant 96 : index
      %get3A_1500 = tpu.vector_load %arg9[%get3A_1498, %get3A_1499] {strides = array<i32>} : memref<512x128xf32, #tpu.memory_space<vmem>>, vector<16xf32>,
      %mul3A_1501 = arith.mulf %gather3A_1468, %get3A_1497 : vector<16xf32>
      %mul3A_1502 = arith.mulf %gather3A_1472, %get3A_1500 : vector<16xf32>
      %add3A_1503 = arith.addf %mul3A_1501, %mul3A_1502 : vector<16xf32>
      %add3A_1504 = arith.addf %add3A_1454, %add3A_1503 : vector<16xf32>
      %get3A_1505 = arith.index_cast %add3A_1474 : i32 to index
      %get3A_1506 = arith.constant 48 : index
      %get3A_1507 = tpu.vector_load %arg9[%get3A_1505, %get3A_1506] {strides = array<i32>} : memref<512x128xf32, #tpu.memory_space<vmem>>, vector<16xf32>,
      %get3A_1508 = arith.index_cast %add3A_1474 : i32 to index
      %get3A_1509 = arith.constant 112 : index
      %get3A_1510 = tpu.vector_load %arg9[%get3A_1508, %get3A_1509] {strides = array<i32>} : memref<512x128xf32, #tpu.memory_space<vmem>>, vector<16xf32>,
      %mul3A_1511 = arith.mulf %gather3A_1468, %get3A_1507 : vector<16xf32>
      %mul3A_1512 = arith.mulf %gather3A_1472, %get3A_1510 : vector<16xf32>
      %add3A_1513 = arith.addf %mul3A_1511, %mul3A_1512 : vector<16xf32>
      %add3A_1514 = arith.addf %add3A_1464, %add3A_1513 : vector<16xf32>
      %get3A_1515 = arith.index_cast %scan3A_1318 : i32 to index
      %get3A_1516 = arith.constant 0 : index
      %get3A_1517 = tpu.vector_load %arg10[%get3A_1515, %get3A_1516] {strides = array<i32>} : memref<64x64xf32, #tpu.memory_space<vmem>>, vector<16xf32>,
      %add3A_1518 = arith.addf %get3A_1517, %add3A_1484 : vector<16xf32>
      %swap3A_1519 = arith.index_cast %scan3A_1318 : i32 to index
      %swap3A_1520 = arith.constant 0 : index
      %swap3A_1521 = tpu.vector_load %arg10[%swap3A_1519, %swap3A_1520] {strides = array<i32>} : memref<64x64xf32, #tpu.memory_space<vmem>>, vector<16xf32>,
      tpu.vector_store %arg10[%swap3A_1519, %swap3A_1520], %add3A_1518 {strides = array<i32>} : memref<64x64xf32, #tpu.memory_space<vmem>>, vector<16xf32>,
      %get3A_1522 = arith.index_cast %scan3A_1318 : i32 to index
      %get3A_1523 = arith.constant 16 : index
      %get3A_1524 = tpu.vector_load %arg10[%get3A_1522, %get3A_1523] {strides = array<i32>} : memref<64x64xf32, #tpu.memory_space<vmem>>, vector<16xf32>,
      %add3A_1525 = arith.addf %get3A_1524, %add3A_1494 : vector<16xf32>
      %swap3A_1526 = arith.index_cast %scan3A_1318 : i32 to index
      %swap3A_1527 = arith.constant 16 : index
      %swap3A_1528 = tpu.vector_load %arg10[%swap3A_1526, %swap3A_1527] {strides = array<i32>} : memref<64x64xf32, #tpu.memory_space<vmem>>, vector<16xf32>,
      tpu.vector_store %arg10[%swap3A_1526, %swap3A_1527], %add3A_1525 {strides = array<i32>} : memref<64x64xf32, #tpu.memory_space<vmem>>, vector<16xf32>,
      %get3A_1529 = arith.index_cast %scan3A_1318 : i32 to index
      %get3A_1530 = arith.constant 32 : index
      %get3A_1531 = tpu.vector_load %arg10[%get3A_1529, %get3A_1530] {strides = array<i32>} : memref<64x64xf32, #tpu.memory_space<vmem>>, vector<16xf32>,
      %add3A_1532 = arith.addf %get3A_1531, %add3A_1504 : vector<16xf32>
      %swap3A_1533 = arith.index_cast %scan3A_1318 : i32 to index
      %swap3A_1534 = arith.constant 32 : index
      %swap3A_1535 = tpu.vector_load %arg10[%swap3A_1533, %swap3A_1534] {strides = array<i32>} : memref<64x64xf32, #tpu.memory_space<vmem>>, vector<16xf32>,
      tpu.vector_store %arg10[%swap3A_1533, %swap3A_1534], %add3A_1532 {strides = array<i32>} : memref<64x64xf32, #tpu.memory_space<vmem>>, vector<16xf32>,
      %get3A_1536 = arith.index_cast %scan3A_1318 : i32 to index
      %get3A_1537 = arith.constant 48 : index
      %get3A_1538 = tpu.vector_load %arg10[%get3A_1536, %get3A_1537] {strides = array<i32>} : memref<64x64xf32, #tpu.memory_space<vmem>>, vector<16xf32>,
      %add3A_1539 = arith.addf %get3A_1538, %add3A_1514 : vector<16xf32>
      %swap3A_1540 = arith.index_cast %scan3A_1318 : i32 to index
      %swap3A_1541 = arith.constant 48 : index
      %swap3A_1542 = tpu.vector_load %arg10[%swap3A_1540, %swap3A_1541] {strides = array<i32>} : memref<64x64xf32, #tpu.memory_space<vmem>>, vector<16xf32>,
      tpu.vector_store %arg10[%swap3A_1540, %swap3A_1541], %add3A_1539 {strides = array<i32>} : memref<64x64xf32, #tpu.memory_space<vmem>>, vector<16xf32>,
      %scan3A_1543 = arith.constant 0 : i32
      scf.yield %scan3A_1543 : i32
    }
    %scan3A_1183 = arith.constant 64 : i32
    %dma_start3A_1184 = arith.constant 12 : i32
    %dma_start3A_1185 = arith.constant 256 : i32
    %dma_start3A_1186 = arith.constant 0 : i32
    %dma_start3A_1187 = tpu.memref_slice %arg9[%dma_start3A_1185, %dma_start3A_1186] : memref<512x128xf32, #tpu.memory_space<vmem>> -> memref<64x128xf32, #tpu.memory_space<vmem>>
    %dma_start3A_1188 = arith.constant 0 : i32
    %dma_start3A_1189 = tpu.memref_slice %arg6[%dma_start3A_1184, %dma_start3A_1188] : memref<16x64xi32, #tpu.memory_space<vmem>> -> memref<1x64xi32, #tpu.memory_space<vmem>>
    %dma_start3A_1190 = tpu.memref_squeeze %dma_start3A_1189 : memref<1x64xi32, #tpu.memory_space<vmem>> -> memref<64xi32, #tpu.memory_space<vmem>>
    %dma_start3A_1191 = arith.constant 0 : i32
    %dma_start3A_1192 = arith.constant 0 : i32
    %dma_start3A_1193 = tpu.memref_slice %arg2[%dma_start3A_1191, %dma_start3A_1192] : memref<32768x128xf32, #tpu.memory_space<hbm>> -> memref<32768x128xf32, #tpu.memory_space<hbm>>
    tpu.enqueue_indirect_dma source(%dma_start3A_1193 : memref<32768x128xf32, #tpu.memory_space<hbm>>) target(%dma_start3A_1187 : memref<64x128xf32, #tpu.memory_space<vmem>>) offsets(%dma_start3A_1190 : memref<64xi32, #tpu.memory_space<vmem>>) semaphore(%arg13 : memref<!tpu.dma_semaphore, #tpu.memory_space<semaphore_mem>>)
    %dma_start3A_1194 = arith.constant 13 : i32
    %dma_start3A_1195 = arith.constant 320 : i32
    %dma_start3A_1196 = arith.constant 0 : i32
    %dma_start3A_1197 = tpu.memref_slice %arg9[%dma_start3A_1195, %dma_start3A_1196] : memref<512x128xf32, #tpu.memory_space<vmem>> -> memref<64x128xf32, #tpu.memory_space<vmem>>
    %dma_start3A_1198 = arith.constant 0 : i32
    %dma_start3A_1199 = tpu.memref_slice %arg6[%dma_start3A_1194, %dma_start3A_1198] : memref<16x64xi32, #tpu.memory_space<vmem>> -> memref<1x64xi32, #tpu.memory_space<vmem>>
    %dma_start3A_1200 = tpu.memref_squeeze %dma_start3A_1199 : memref<1x64xi32, #tpu.memory_space<vmem>> -> memref<64xi32, #tpu.memory_space<vmem>>
    %dma_start3A_1201 = arith.constant 0 : i32
    %dma_start3A_1202 = arith.constant 0 : i32
    %dma_start3A_1203 = tpu.memref_slice %arg2[%dma_start3A_1201, %dma_start3A_1202] : memref<32768x128xf32, #tpu.memory_space<hbm>> -> memref<32768x128xf32, #tpu.memory_space<hbm>>
    tpu.enqueue_indirect_dma source(%dma_start3A_1203 : memref<32768x128xf32, #tpu.memory_space<hbm>>) target(%dma_start3A_1197 : memref<64x128xf32, #tpu.memory_space<vmem>>) offsets(%dma_start3A_1200 : memref<64xi32, #tpu.memory_space<vmem>>) semaphore(%arg13 : memref<!tpu.dma_semaphore, #tpu.memory_space<semaphore_mem>>)
    %dma_start3A_1204 = arith.constant 14 : i32
    %dma_start3A_1205 = arith.constant 384 : i32
    %dma_start3A_1206 = arith.constant 0 : i32
    %dma_start3A_1207 = tpu.memref_slice %arg9[%dma_start3A_1205, %dma_start3A_1206] : memref<512x128xf32, #tpu.memory_space<vmem>> -> memref<64x128xf32, #tpu.memory_space<vmem>>
    %dma_start3A_1208 = arith.constant 0 : i32
    %dma_start3A_1209 = tpu.memref_slice %arg6[%dma_start3A_1204, %dma_start3A_1208] : memref<16x64xi32, #tpu.memory_space<vmem>> -> memref<1x64xi32, #tpu.memory_space<vmem>>
    %dma_start3A_1210 = tpu.memref_squeeze %dma_start3A_1209 : memref<1x64xi32, #tpu.memory_space<vmem>> -> memref<64xi32, #tpu.memory_space<vmem>>
    %dma_start3A_1211 = arith.constant 0 : i32
    %dma_start3A_1212 = arith.constant 0 : i32
    %dma_start3A_1213 = tpu.memref_slice %arg2[%dma_start3A_1211, %dma_start3A_1212] : memref<32768x128xf32, #tpu.memory_space<hbm>> -> memref<32768x128xf32, #tpu.memory_space<hbm>>
    tpu.enqueue_indirect_dma source(%dma_start3A_1213 : memref<32768x128xf32, #tpu.memory_space<hbm>>) target(%dma_start3A_1207 : memref<64x128xf32, #tpu.memory_space<vmem>>) offsets(%dma_start3A_1210 : memref<64xi32, #tpu.memory_space<vmem>>) semaphore(%arg13 : memref<!tpu.dma_semaphore, #tpu.memory_space<semaphore_mem>>)
    %dma_start3A_1214 = arith.constant 15 : i32
    %dma_start3A_1215 = arith.constant 448 : i32
    %dma_start3A_1216 = arith.constant 0 : i32
    %dma_start3A_1217 = tpu.memref_slice %arg9[%dma_start3A_1215, %dma_start3A_1216] : memref<512x128xf32, #tpu.memory_space<vmem>> -> memref<64x128xf32, #tpu.memory_space<vmem>>
    %dma_start3A_1218 = arith.constant 0 : i32
    %dma_start3A_1219 = tpu.memref_slice %arg6[%dma_start3A_1214, %dma_start3A_1218] : memref<16x64xi32, #tpu.memory_space<vmem>> -> memref<1x64xi32, #tpu.memory_space<vmem>>
    %dma_start3A_1220 = tpu.memref_squeeze %dma_start3A_1219 : memref<1x64xi32, #tpu.memory_space<vmem>> -> memref<64xi32, #tpu.memory_space<vmem>>
    %dma_start3A_1221 = arith.constant 0 : i32
    %dma_start3A_1222 = arith.constant 0 : i32
    %dma_start3A_1223 = tpu.memref_slice %arg2[%dma_start3A_1221, %dma_start3A_1222] : memref<32768x128xf32, #tpu.memory_space<hbm>> -> memref<32768x128xf32, #tpu.memory_space<hbm>>
    tpu.enqueue_indirect_dma source(%dma_start3A_1223 : memref<32768x128xf32, #tpu.memory_space<hbm>>) target(%dma_start3A_1217 : memref<64x128xf32, #tpu.memory_space<vmem>>) offsets(%dma_start3A_1220 : memref<64xi32, #tpu.memory_space<vmem>>) semaphore(%arg13 : memref<!tpu.dma_semaphore, #tpu.memory_space<semaphore_mem>>)
    %dma_wait3A_1224 = arith.constant 8 : i32
    %dma_wait3A_1225 = arith.constant 0 : i32
    %dma_wait3A_1226 = arith.constant 0 : i32
    %dma_wait3A_1227 = tpu.memref_slice %arg9[%dma_wait3A_1225, %dma_wait3A_1226] : memref<512x128xf32, #tpu.memory_space<vmem>> -> memref<64x128xf32, #tpu.memory_space<vmem>>
    %dma_wait3A_1228 = arith.constant 0 : i32
    %dma_wait3A_1229 = tpu.memref_slice %arg6[%dma_wait3A_1224, %dma_wait3A_1228] : memref<16x64xi32, #tpu.memory_space<vmem>> -> memref<1x64xi32, #tpu.memory_space<vmem>>
    %dma_wait3A_1230 = tpu.memref_squeeze %dma_wait3A_1229 : memref<1x64xi32, #tpu.memory_space<vmem>> -> memref<64xi32, #tpu.memory_space<vmem>>
    %dma_wait3A_1231 = arith.constant 0 : i32
    %dma_wait3A_1232 = arith.constant 0 : i32
    %dma_wait3A_1233 = tpu.memref_slice %arg2[%dma_wait3A_1231, %dma_wait3A_1232] : memref<32768x128xf32, #tpu.memory_space<hbm>> -> memref<32768x128xf32, #tpu.memory_space<hbm>>
    tpu.wait_indirect_dma semaphore(%arg12 : memref<!tpu.dma_semaphore, #tpu.memory_space<semaphore_mem>>) src(%dma_wait3A_1233 : memref<32768x128xf32, #tpu.memory_space<hbm>>) dst(%dma_wait3A_1227 : memref<64x128xf32, #tpu.memory_space<vmem>>)
    %dma_wait3A_1234 = arith.constant 9 : i32
    %dma_wait3A_1235 = arith.constant 64 : i32
    %dma_wait3A_1236 = arith.constant 0 : i32
    %dma_wait3A_1237 = tpu.memref_slice %arg9[%dma_wait3A_1235, %dma_wait3A_1236] : memref<512x128xf32, #tpu.memory_space<vmem>> -> memref<64x128xf32, #tpu.memory_space<vmem>>
    %dma_wait3A_1238 = arith.constant 0 : i32
    %dma_wait3A_1239 = tpu.memref_slice %arg6[%dma_wait3A_1234, %dma_wait3A_1238] : memref<16x64xi32, #tpu.memory_space<vmem>> -> memref<1x64xi32, #tpu.memory_space<vmem>>
    %dma_wait3A_1240 = tpu.memref_squeeze %dma_wait3A_1239 : memref<1x64xi32, #tpu.memory_space<vmem>> -> memref<64xi32, #tpu.memory_space<vmem>>
    %dma_wait3A_1241 = arith.constant 0 : i32
    %dma_wait3A_1242 = arith.constant 0 : i32
    %dma_wait3A_1243 = tpu.memref_slice %arg2[%dma_wait3A_1241, %dma_wait3A_1242] : memref<32768x128xf32, #tpu.memory_space<hbm>> -> memref<32768x128xf32, #tpu.memory_space<hbm>>
    tpu.wait_indirect_dma semaphore(%arg12 : memref<!tpu.dma_semaphore, #tpu.memory_space<semaphore_mem>>) src(%dma_wait3A_1243 : memref<32768x128xf32, #tpu.memory_space<hbm>>) dst(%dma_wait3A_1237 : memref<64x128xf32, #tpu.memory_space<vmem>>)
    %dma_wait3A_1244 = arith.constant 10 : i32
    %dma_wait3A_1245 = arith.constant 128 : i32
    %dma_wait3A_1246 = arith.constant 0 : i32
    %dma_wait3A_1247 = tpu.memref_slice %arg9[%dma_wait3A_1245, %dma_wait3A_1246] : memref<512x128xf32, #tpu.memory_space<vmem>> -> memref<64x128xf32, #tpu.memory_space<vmem>>
    %dma_wait3A_1248 = arith.constant 0 : i32
    %dma_wait3A_1249 = tpu.memref_slice %arg6[%dma_wait3A_1244, %dma_wait3A_1248] : memref<16x64xi32, #tpu.memory_space<vmem>> -> memref<1x64xi32, #tpu.memory_space<vmem>>
    %dma_wait3A_1250 = tpu.memref_squeeze %dma_wait3A_1249 : memref<1x64xi32, #tpu.memory_space<vmem>> -> memref<64xi32, #tpu.memory_space<vmem>>
    %dma_wait3A_1251 = arith.constant 0 : i32
    %dma_wait3A_1252 = arith.constant 0 : i32
    %dma_wait3A_1253 = tpu.memref_slice %arg2[%dma_wait3A_1251, %dma_wait3A_1252] : memref<32768x128xf32, #tpu.memory_space<hbm>> -> memref<32768x128xf32, #tpu.memory_space<hbm>>
    tpu.wait_indirect_dma semaphore(%arg12 : memref<!tpu.dma_semaphore, #tpu.memory_space<semaphore_mem>>) src(%dma_wait3A_1253 : memref<32768x128xf32, #tpu.memory_space<hbm>>) dst(%dma_wait3A_1247 : memref<64x128xf32, #tpu.memory_space<vmem>>)
    %dma_wait3A_1254 = arith.constant 11 : i32
    %dma_wait3A_1255 = arith.constant 192 : i32
    %dma_wait3A_1256 = arith.constant 0 : i32
    %dma_wait3A_1257 = tpu.memref_slice %arg9[%dma_wait3A_1255, %dma_wait3A_1256] : memref<512x128xf32, #tpu.memory_space<vmem>> -> memref<64x128xf32, #tpu.memory_space<vmem>>
    %dma_wait3A_1258 = arith.constant 0 : i32
    %dma_wait3A_1259 = tpu.memref_slice %arg6[%dma_wait3A_1254, %dma_wait3A_1258] : memref<16x64xi32, #tpu.memory_space<vmem>> -> memref<1x64xi32, #tpu.memory_space<vmem>>
    %dma_wait3A_1260 = tpu.memref_squeeze %dma_wait3A_1259 : memref<1x64xi32, #tpu.memory_space<vmem>> -> memref<64xi32, #tpu.memory_space<vmem>>
    %dma_wait3A_1261 = arith.constant 0 : i32
    %dma_wait3A_1262 = arith.constant 0 : i32
    %dma_wait3A_1263 = tpu.memref_slice %arg2[%dma_wait3A_1261, %dma_wait3A_1262] : memref<32768x128xf32, #tpu.memory_space<hbm>> -> memref<32768x128xf32, #tpu.memory_space<hbm>>
    tpu.wait_indirect_dma semaphore(%arg12 : memref<!tpu.dma_semaphore, #tpu.memory_space<semaphore_mem>>) src(%dma_wait3A_1263 : memref<32768x128xf32, #tpu.memory_space<hbm>>) dst(%dma_wait3A_1257 : memref<64x128xf32, #tpu.memory_space<vmem>>)
    %scan3A_1264 = arith.constant 0 : i32
    %scan3A_1265 = arith.constant 0 : i32
    %scan3A_1266 = arith.constant 64 : i32
    %scan3A_1267 = arith.addi %scan3A_1265, %scan3A_1266 : i32
    %scan3A_1268 = arith.constant 1 : i32
    %scan3A_1269 = scf.for %scan3A_1318 = %scan3A_1265 to %scan3A_1267 step %scan3A_1268 iter_args(%scan3A_1319 = %scan3A_1264) -> (i32)  : i32 {
      %broadcast_in_dim3A = vector.broadcast %scan3A_1318 : i32 to vector<16xi32>
      %add3A_1320 = arith.constant 1024 : i32
      %add3A_1321 = vector.broadcast %add3A_1320 : i32 to vector<16xi32>
      %add3A_1322 = arith.addi %broadcast_in_dim3A, %add3A_1321 : vector<16xi32>
      %gather3A = tpu.vector_load_idx %arg8[%add3A_1322] : memref<2048xf32, #tpu.memory_space<vmem>>[vector<16xi32>], vector<16xf32>,
      %add3A_1323 = arith.constant 1536 : i32
      %add3A_1324 = vector.broadcast %add3A_1323 : i32 to vector<16xi32>
      %add3A_1325 = arith.addi %broadcast_in_dim3A, %add3A_1324 : vector<16xi32>
      %gather3A_1326 = tpu.vector_load_idx %arg8[%add3A_1325] : memref<2048xf32, #tpu.memory_space<vmem>>[vector<16xi32>], vector<16xf32>,
      %add3A_1327 = arith.constant 0 : i32
      %add3A_1328 = arith.addi %add3A_1327, %scan3A_1318 : i32
      %get3A_1329 = arith.index_cast %add3A_1328 : i32 to index
      %get3A_1330 = arith.constant 0 : index
      %get3A_1331 = tpu.vector_load %arg9[%get3A_1329, %get3A_1330] {strides = array<i32>} : memref<512x128xf32, #tpu.memory_space<vmem>>, vector<16xf32>,
      %get3A_1332 = arith.index_cast %add3A_1328 : i32 to index
      %get3A_1333 = arith.constant 64 : index
      %get3A_1334 = tpu.vector_load %arg9[%get3A_1332, %get3A_1333] {strides = array<i32>} : memref<512x128xf32, #tpu.memory_space<vmem>>, vector<16xf32>,
      %mul3A_1335 = arith.mulf %gather3A, %get3A_1331 : vector<16xf32>
      %mul3A_1336 = arith.mulf %gather3A_1326, %get3A_1334 : vector<16xf32>
      %add3A_1337 = arith.addf %mul3A_1335, %mul3A_1336 : vector<16xf32>
      %get3A_1338 = arith.index_cast %add3A_1328 : i32 to index
      %get3A_1339 = arith.constant 16 : index
      %get3A_1340 = tpu.vector_load %arg9[%get3A_1338, %get3A_1339] {strides = array<i32>} : memref<512x128xf32, #tpu.memory_space<vmem>>, vector<16xf32>,
      %get3A_1341 = arith.index_cast %add3A_1328 : i32 to index
      %get3A_1342 = arith.constant 80 : index
      %get3A_1343 = tpu.vector_load %arg9[%get3A_1341, %get3A_1342] {strides = array<i32>} : memref<512x128xf32, #tpu.memory_space<vmem>>, vector<16xf32>,
      %mul3A_1344 = arith.mulf %gather3A, %get3A_1340 : vector<16xf32>
      %mul3A_1345 = arith.mulf %gather3A_1326, %get3A_1343 : vector<16xf32>
      %add3A_1346 = arith.addf %mul3A_1344, %mul3A_1345 : vector<16xf32>
      %get3A_1347 = arith.index_cast %add3A_1328 : i32 to index
      %get3A_1348 = arith.constant 32 : index
      %get3A_1349 = tpu.vector_load %arg9[%get3A_1347, %get3A_1348] {strides = array<i32>} : memref<512x128xf32, #tpu.memory_space<vmem>>, vector<16xf32>,
      %get3A_1350 = arith.index_cast %add3A_1328 : i32 to index
      %get3A_1351 = arith.constant 96 : index
      %get3A_1352 = tpu.vector_load %arg9[%get3A_1350, %get3A_1351] {strides = array<i32>} : memref<512x128xf32, #tpu.memory_space<vmem>>, vector<16xf32>,
      %mul3A_1353 = arith.mulf %gather3A, %get3A_1349 : vector<16xf32>
      %mul3A_1354 = arith.mulf %gather3A_1326, %get3A_1352 : vector<16xf32>
      %add3A_1355 = arith.addf %mul3A_1353, %mul3A_1354 : vector<16xf32>
      %get3A_1356 = arith.index_cast %add3A_1328 : i32 to index
      %get3A_1357 = arith.constant 48 : index
      %get3A_1358 = tpu.vector_load %arg9[%get3A_1356, %get3A_1357] {strides = array<i32>} : memref<512x128xf32, #tpu.memory_space<vmem>>, vector<16xf32>,
      %get3A_1359 = arith.index_cast %add3A_1328 : i32 to index
      %get3A_1360 = arith.constant 112 : index
      %get3A_1361 = tpu.vector_load %arg9[%get3A_1359, %get3A_1360] {strides = array<i32>} : memref<512x128xf32, #tpu.memory_space<vmem>>, vector<16xf32>,
      %mul3A_1362 = arith.mulf %gather3A, %get3A_1358 : vector<16xf32>
      %mul3A_1363 = arith.mulf %gather3A_1326, %get3A_1361 : vector<16xf32>
      %add3A_1364 = arith.addf %mul3A_1362, %mul3A_1363 : vector<16xf32>
      %add3A_1365 = arith.constant 1088 : i32
      %add3A_1366 = vector.broadcast %add3A_1365 : i32 to vector<16xi32>
      %add3A_1367 = arith.addi %broadcast_in_dim3A, %add3A_1366 : vector<16xi32>
      %gather3A_1368 = tpu.vector_load_idx %arg8[%add3A_1367] : memref<2048xf32, #tpu.memory_space<vmem>>[vector<16xi32>], vector<16xf32>,
      %add3A_1369 = arith.constant 1600 : i32
      %add3A_1370 = vector.broadcast %add3A_1369 : i32 to vector<16xi32>
      %add3A_1371 = arith.addi %broadcast_in_dim3A, %add3A_1370 : vector<16xi32>
      %gather3A_1372 = tpu.vector_load_idx %arg8[%add3A_1371] : memref<2048xf32, #tpu.memory_space<vmem>>[vector<16xi32>], vector<16xf32>,
      %add3A_1373 = arith.constant 64 : i32
      %add3A_1374 = arith.addi %add3A_1373, %scan3A_1318 : i32
      %get3A_1375 = arith.index_cast %add3A_1374 : i32 to index
      %get3A_1376 = arith.constant 0 : index
      %get3A_1377 = tpu.vector_load %arg9[%get3A_1375, %get3A_1376] {strides = array<i32>} : memref<512x128xf32, #tpu.memory_space<vmem>>, vector<16xf32>,
      %get3A_1378 = arith.index_cast %add3A_1374 : i32 to index
      %get3A_1379 = arith.constant 64 : index
      %get3A_1380 = tpu.vector_load %arg9[%get3A_1378, %get3A_1379] {strides = array<i32>} : memref<512x128xf32, #tpu.memory_space<vmem>>, vector<16xf32>,
      %mul3A_1381 = arith.mulf %gather3A_1368, %get3A_1377 : vector<16xf32>
      %mul3A_1382 = arith.mulf %gather3A_1372, %get3A_1380 : vector<16xf32>
      %add3A_1383 = arith.addf %mul3A_1381, %mul3A_1382 : vector<16xf32>
      %add3A_1384 = arith.addf %add3A_1337, %add3A_1383 : vector<16xf32>
      %get3A_1385 = arith.index_cast %add3A_1374 : i32 to index
      %get3A_1386 = arith.constant 16 : index
      %get3A_1387 = tpu.vector_load %arg9[%get3A_1385, %get3A_1386] {strides = array<i32>} : memref<512x128xf32, #tpu.memory_space<vmem>>, vector<16xf32>,
      %get3A_1388 = arith.index_cast %add3A_1374 : i32 to index
      %get3A_1389 = arith.constant 80 : index
      %get3A_1390 = tpu.vector_load %arg9[%get3A_1388, %get3A_1389] {strides = array<i32>} : memref<512x128xf32, #tpu.memory_space<vmem>>, vector<16xf32>,
      %mul3A_1391 = arith.mulf %gather3A_1368, %get3A_1387 : vector<16xf32>
      %mul3A_1392 = arith.mulf %gather3A_1372, %get3A_1390 : vector<16xf32>
      %add3A_1393 = arith.addf %mul3A_1391, %mul3A_1392 : vector<16xf32>
      %add3A_1394 = arith.addf %add3A_1346, %add3A_1393 : vector<16xf32>
      %get3A_1395 = arith.index_cast %add3A_1374 : i32 to index
      %get3A_1396 = arith.constant 32 : index
      %get3A_1397 = tpu.vector_load %arg9[%get3A_1395, %get3A_1396] {strides = array<i32>} : memref<512x128xf32, #tpu.memory_space<vmem>>, vector<16xf32>,
      %get3A_1398 = arith.index_cast %add3A_1374 : i32 to index
      %get3A_1399 = arith.constant 96 : index
      %get3A_1400 = tpu.vector_load %arg9[%get3A_1398, %get3A_1399] {strides = array<i32>} : memref<512x128xf32, #tpu.memory_space<vmem>>, vector<16xf32>,
      %mul3A_1401 = arith.mulf %gather3A_1368, %get3A_1397 : vector<16xf32>
      %mul3A_1402 = arith.mulf %gather3A_1372, %get3A_1400 : vector<16xf32>
      %add3A_1403 = arith.addf %mul3A_1401, %mul3A_1402 : vector<16xf32>
      %add3A_1404 = arith.addf %add3A_1355, %add3A_1403 : vector<16xf32>
      %get3A_1405 = arith.index_cast %add3A_1374 : i32 to index
      %get3A_1406 = arith.constant 48 : index
      %get3A_1407 = tpu.vector_load %arg9[%get3A_1405, %get3A_1406] {strides = array<i32>} : memref<512x128xf32, #tpu.memory_space<vmem>>, vector<16xf32>,
      %get3A_1408 = arith.index_cast %add3A_1374 : i32 to index
      %get3A_1409 = arith.constant 112 : index
      %get3A_1410 = tpu.vector_load %arg9[%get3A_1408, %get3A_1409] {strides = array<i32>} : memref<512x128xf32, #tpu.memory_space<vmem>>, vector<16xf32>,
      %mul3A_1411 = arith.mulf %gather3A_1368, %get3A_1407 : vector<16xf32>
      %mul3A_1412 = arith.mulf %gather3A_1372, %get3A_1410 : vector<16xf32>
      %add3A_1413 = arith.addf %mul3A_1411, %mul3A_1412 : vector<16xf32>
      %add3A_1414 = arith.addf %add3A_1364, %add3A_1413 : vector<16xf32>
      %add3A_1415 = arith.constant 1152 : i32
      %add3A_1416 = vector.broadcast %add3A_1415 : i32 to vector<16xi32>
      %add3A_1417 = arith.addi %broadcast_in_dim3A, %add3A_1416 : vector<16xi32>
      %gather3A_1418 = tpu.vector_load_idx %arg8[%add3A_1417] : memref<2048xf32, #tpu.memory_space<vmem>>[vector<16xi32>], vector<16xf32>,
      %add3A_1419 = arith.constant 1664 : i32
      %add3A_1420 = vector.broadcast %add3A_1419 : i32 to vector<16xi32>
      %add3A_1421 = arith.addi %broadcast_in_dim3A, %add3A_1420 : vector<16xi32>
      %gather3A_1422 = tpu.vector_load_idx %arg8[%add3A_1421] : memref<2048xf32, #tpu.memory_space<vmem>>[vector<16xi32>], vector<16xf32>,
      %add3A_1423 = arith.constant 128 : i32
      %add3A_1424 = arith.addi %add3A_1423, %scan3A_1318 : i32
      %get3A_1425 = arith.index_cast %add3A_1424 : i32 to index
      %get3A_1426 = arith.constant 0 : index
      %get3A_1427 = tpu.vector_load %arg9[%get3A_1425, %get3A_1426] {strides = array<i32>} : memref<512x128xf32, #tpu.memory_space<vmem>>, vector<16xf32>,
      %get3A_1428 = arith.index_cast %add3A_1424 : i32 to index
      %get3A_1429 = arith.constant 64 : index
      %get3A_1430 = tpu.vector_load %arg9[%get3A_1428, %get3A_1429] {strides = array<i32>} : memref<512x128xf32, #tpu.memory_space<vmem>>, vector<16xf32>,
      %mul3A_1431 = arith.mulf %gather3A_1418, %get3A_1427 : vector<16xf32>
      %mul3A_1432 = arith.mulf %gather3A_1422, %get3A_1430 : vector<16xf32>
      %add3A_1433 = arith.addf %mul3A_1431, %mul3A_1432 : vector<16xf32>
      %add3A_1434 = arith.addf %add3A_1384, %add3A_1433 : vector<16xf32>
      %get3A_1435 = arith.index_cast %add3A_1424 : i32 to index
      %get3A_1436 = arith.constant 16 : index
      %get3A_1437 = tpu.vector_load %arg9[%get3A_1435, %get3A_1436] {strides = array<i32>} : memref<512x128xf32, #tpu.memory_space<vmem>>, vector<16xf32>,
      %get3A_1438 = arith.index_cast %add3A_1424 : i32 to index
      %get3A_1439 = arith.constant 80 : index
      %get3A_1440 = tpu.vector_load %arg9[%get3A_1438, %get3A_1439] {strides = array<i32>} : memref<512x128xf32, #tpu.memory_space<vmem>>, vector<16xf32>,
      %mul3A_1441 = arith.mulf %gather3A_1418, %get3A_1437 : vector<16xf32>
      %mul3A_1442 = arith.mulf %gather3A_1422, %get3A_1440 : vector<16xf32>
      %add3A_1443 = arith.addf %mul3A_1441, %mul3A_1442 : vector<16xf32>
      %add3A_1444 = arith.addf %add3A_1394, %add3A_1443 : vector<16xf32>
      %get3A_1445 = arith.index_cast %add3A_1424 : i32 to index
      %get3A_1446 = arith.constant 32 : index
      %get3A_1447 = tpu.vector_load %arg9[%get3A_1445, %get3A_1446] {strides = array<i32>} : memref<512x128xf32, #tpu.memory_space<vmem>>, vector<16xf32>,
      %get3A_1448 = arith.index_cast %add3A_1424 : i32 to index
      %get3A_1449 = arith.constant 96 : index
      %get3A_1450 = tpu.vector_load %arg9[%get3A_1448, %get3A_1449] {strides = array<i32>} : memref<512x128xf32, #tpu.memory_space<vmem>>, vector<16xf32>,
      %mul3A_1451 = arith.mulf %gather3A_1418, %get3A_1447 : vector<16xf32>
      %mul3A_1452 = arith.mulf %gather3A_1422, %get3A_1450 : vector<16xf32>
      %add3A_1453 = arith.addf %mul3A_1451, %mul3A_1452 : vector<16xf32>
      %add3A_1454 = arith.addf %add3A_1404, %add3A_1453 : vector<16xf32>
      %get3A_1455 = arith.index_cast %add3A_1424 : i32 to index
      %get3A_1456 = arith.constant 48 : index
      %get3A_1457 = tpu.vector_load %arg9[%get3A_1455, %get3A_1456] {strides = array<i32>} : memref<512x128xf32, #tpu.memory_space<vmem>>, vector<16xf32>,
      %get3A_1458 = arith.index_cast %add3A_1424 : i32 to index
      %get3A_1459 = arith.constant 112 : index
      %get3A_1460 = tpu.vector_load %arg9[%get3A_1458, %get3A_1459] {strides = array<i32>} : memref<512x128xf32, #tpu.memory_space<vmem>>, vector<16xf32>,
      %mul3A_1461 = arith.mulf %gather3A_1418, %get3A_1457 : vector<16xf32>
      %mul3A_1462 = arith.mulf %gather3A_1422, %get3A_1460 : vector<16xf32>
      %add3A_1463 = arith.addf %mul3A_1461, %mul3A_1462 : vector<16xf32>
      %add3A_1464 = arith.addf %add3A_1414, %add3A_1463 : vector<16xf32>
      %add3A_1465 = arith.constant 1216 : i32
      %add3A_1466 = vector.broadcast %add3A_1465 : i32 to vector<16xi32>
      %add3A_1467 = arith.addi %broadcast_in_dim3A, %add3A_1466 : vector<16xi32>
      %gather3A_1468 = tpu.vector_load_idx %arg8[%add3A_1467] : memref<2048xf32, #tpu.memory_space<vmem>>[vector<16xi32>], vector<16xf32>,
      %add3A_1469 = arith.constant 1728 : i32
      %add3A_1470 = vector.broadcast %add3A_1469 : i32 to vector<16xi32>
      %add3A_1471 = arith.addi %broadcast_in_dim3A, %add3A_1470 : vector<16xi32>
      %gather3A_1472 = tpu.vector_load_idx %arg8[%add3A_1471] : memref<2048xf32, #tpu.memory_space<vmem>>[vector<16xi32>], vector<16xf32>,
      %add3A_1473 = arith.constant 192 : i32
      %add3A_1474 = arith.addi %add3A_1473, %scan3A_1318 : i32
      %get3A_1475 = arith.index_cast %add3A_1474 : i32 to index
      %get3A_1476 = arith.constant 0 : index
      %get3A_1477 = tpu.vector_load %arg9[%get3A_1475, %get3A_1476] {strides = array<i32>} : memref<512x128xf32, #tpu.memory_space<vmem>>, vector<16xf32>,
      %get3A_1478 = arith.index_cast %add3A_1474 : i32 to index
      %get3A_1479 = arith.constant 64 : index
      %get3A_1480 = tpu.vector_load %arg9[%get3A_1478, %get3A_1479] {strides = array<i32>} : memref<512x128xf32, #tpu.memory_space<vmem>>, vector<16xf32>,
      %mul3A_1481 = arith.mulf %gather3A_1468, %get3A_1477 : vector<16xf32>
      %mul3A_1482 = arith.mulf %gather3A_1472, %get3A_1480 : vector<16xf32>
      %add3A_1483 = arith.addf %mul3A_1481, %mul3A_1482 : vector<16xf32>
      %add3A_1484 = arith.addf %add3A_1434, %add3A_1483 : vector<16xf32>
      %get3A_1485 = arith.index_cast %add3A_1474 : i32 to index
      %get3A_1486 = arith.constant 16 : index
      %get3A_1487 = tpu.vector_load %arg9[%get3A_1485, %get3A_1486] {strides = array<i32>} : memref<512x128xf32, #tpu.memory_space<vmem>>, vector<16xf32>,
      %get3A_1488 = arith.index_cast %add3A_1474 : i32 to index
      %get3A_1489 = arith.constant 80 : index
      %get3A_1490 = tpu.vector_load %arg9[%get3A_1488, %get3A_1489] {strides = array<i32>} : memref<512x128xf32, #tpu.memory_space<vmem>>, vector<16xf32>,
      %mul3A_1491 = arith.mulf %gather3A_1468, %get3A_1487 : vector<16xf32>
      %mul3A_1492 = arith.mulf %gather3A_1472, %get3A_1490 : vector<16xf32>
      %add3A_1493 = arith.addf %mul3A_1491, %mul3A_1492 : vector<16xf32>
      %add3A_1494 = arith.addf %add3A_1444, %add3A_1493 : vector<16xf32>
      %get3A_1495 = arith.index_cast %add3A_1474 : i32 to index
      %get3A_1496 = arith.constant 32 : index
      %get3A_1497 = tpu.vector_load %arg9[%get3A_1495, %get3A_1496] {strides = array<i32>} : memref<512x128xf32, #tpu.memory_space<vmem>>, vector<16xf32>,
      %get3A_1498 = arith.index_cast %add3A_1474 : i32 to index
      %get3A_1499 = arith.constant 96 : index
      %get3A_1500 = tpu.vector_load %arg9[%get3A_1498, %get3A_1499] {strides = array<i32>} : memref<512x128xf32, #tpu.memory_space<vmem>>, vector<16xf32>,
      %mul3A_1501 = arith.mulf %gather3A_1468, %get3A_1497 : vector<16xf32>
      %mul3A_1502 = arith.mulf %gather3A_1472, %get3A_1500 : vector<16xf32>
      %add3A_1503 = arith.addf %mul3A_1501, %mul3A_1502 : vector<16xf32>
      %add3A_1504 = arith.addf %add3A_1454, %add3A_1503 : vector<16xf32>
      %get3A_1505 = arith.index_cast %add3A_1474 : i32 to index
      %get3A_1506 = arith.constant 48 : index
      %get3A_1507 = tpu.vector_load %arg9[%get3A_1505, %get3A_1506] {strides = array<i32>} : memref<512x128xf32, #tpu.memory_space<vmem>>, vector<16xf32>,
      %get3A_1508 = arith.index_cast %add3A_1474 : i32 to index
      %get3A_1509 = arith.constant 112 : index
      %get3A_1510 = tpu.vector_load %arg9[%get3A_1508, %get3A_1509] {strides = array<i32>} : memref<512x128xf32, #tpu.memory_space<vmem>>, vector<16xf32>,
      %mul3A_1511 = arith.mulf %gather3A_1468, %get3A_1507 : vector<16xf32>
      %mul3A_1512 = arith.mulf %gather3A_1472, %get3A_1510 : vector<16xf32>
      %add3A_1513 = arith.addf %mul3A_1511, %mul3A_1512 : vector<16xf32>
      %add3A_1514 = arith.addf %add3A_1464, %add3A_1513 : vector<16xf32>
      %get3A_1515 = arith.index_cast %scan3A_1318 : i32 to index
      %get3A_1516 = arith.constant 0 : index
      %get3A_1517 = tpu.vector_load %arg10[%get3A_1515, %get3A_1516] {strides = array<i32>} : memref<64x64xf32, #tpu.memory_space<vmem>>, vector<16xf32>,
      %add3A_1518 = arith.addf %get3A_1517, %add3A_1484 : vector<16xf32>
      %swap3A_1519 = arith.index_cast %scan3A_1318 : i32 to index
      %swap3A_1520 = arith.constant 0 : index
      %swap3A_1521 = tpu.vector_load %arg10[%swap3A_1519, %swap3A_1520] {strides = array<i32>} : memref<64x64xf32, #tpu.memory_space<vmem>>, vector<16xf32>,
      tpu.vector_store %arg10[%swap3A_1519, %swap3A_1520], %add3A_1518 {strides = array<i32>} : memref<64x64xf32, #tpu.memory_space<vmem>>, vector<16xf32>,
      %get3A_1522 = arith.index_cast %scan3A_1318 : i32 to index
      %get3A_1523 = arith.constant 16 : index
      %get3A_1524 = tpu.vector_load %arg10[%get3A_1522, %get3A_1523] {strides = array<i32>} : memref<64x64xf32, #tpu.memory_space<vmem>>, vector<16xf32>,
      %add3A_1525 = arith.addf %get3A_1524, %add3A_1494 : vector<16xf32>
      %swap3A_1526 = arith.index_cast %scan3A_1318 : i32 to index
      %swap3A_1527 = arith.constant 16 : index
      %swap3A_1528 = tpu.vector_load %arg10[%swap3A_1526, %swap3A_1527] {strides = array<i32>} : memref<64x64xf32, #tpu.memory_space<vmem>>, vector<16xf32>,
      tpu.vector_store %arg10[%swap3A_1526, %swap3A_1527], %add3A_1525 {strides = array<i32>} : memref<64x64xf32, #tpu.memory_space<vmem>>, vector<16xf32>,
      %get3A_1529 = arith.index_cast %scan3A_1318 : i32 to index
      %get3A_1530 = arith.constant 32 : index
      %get3A_1531 = tpu.vector_load %arg10[%get3A_1529, %get3A_1530] {strides = array<i32>} : memref<64x64xf32, #tpu.memory_space<vmem>>, vector<16xf32>,
      %add3A_1532 = arith.addf %get3A_1531, %add3A_1504 : vector<16xf32>
      %swap3A_1533 = arith.index_cast %scan3A_1318 : i32 to index
      %swap3A_1534 = arith.constant 32 : index
      %swap3A_1535 = tpu.vector_load %arg10[%swap3A_1533, %swap3A_1534] {strides = array<i32>} : memref<64x64xf32, #tpu.memory_space<vmem>>, vector<16xf32>,
      tpu.vector_store %arg10[%swap3A_1533, %swap3A_1534], %add3A_1532 {strides = array<i32>} : memref<64x64xf32, #tpu.memory_space<vmem>>, vector<16xf32>,
      %get3A_1536 = arith.index_cast %scan3A_1318 : i32 to index
      %get3A_1537 = arith.constant 48 : index
      %get3A_1538 = tpu.vector_load %arg10[%get3A_1536, %get3A_1537] {strides = array<i32>} : memref<64x64xf32, #tpu.memory_space<vmem>>, vector<16xf32>,
      %add3A_1539 = arith.addf %get3A_1538, %add3A_1514 : vector<16xf32>
      %swap3A_1540 = arith.index_cast %scan3A_1318 : i32 to index
      %swap3A_1541 = arith.constant 48 : index
      %swap3A_1542 = tpu.vector_load %arg10[%swap3A_1540, %swap3A_1541] {strides = array<i32>} : memref<64x64xf32, #tpu.memory_space<vmem>>, vector<16xf32>,
      tpu.vector_store %arg10[%swap3A_1540, %swap3A_1541], %add3A_1539 {strides = array<i32>} : memref<64x64xf32, #tpu.memory_space<vmem>>, vector<16xf32>,
      %scan3A_1543 = arith.constant 0 : i32
      scf.yield %scan3A_1543 : i32
    }
    %scan3A_1270 = arith.constant 64 : i32
    %dma_wait3A_1271 = arith.constant 12 : i32
    %dma_wait3A_1272 = arith.constant 256 : i32
    %dma_wait3A_1273 = arith.constant 0 : i32
    %dma_wait3A_1274 = tpu.memref_slice %arg9[%dma_wait3A_1272, %dma_wait3A_1273] : memref<512x128xf32, #tpu.memory_space<vmem>> -> memref<64x128xf32, #tpu.memory_space<vmem>>
    %dma_wait3A_1275 = arith.constant 0 : i32
    %dma_wait3A_1276 = tpu.memref_slice %arg6[%dma_wait3A_1271, %dma_wait3A_1275] : memref<16x64xi32, #tpu.memory_space<vmem>> -> memref<1x64xi32, #tpu.memory_space<vmem>>
    %dma_wait3A_1277 = tpu.memref_squeeze %dma_wait3A_1276 : memref<1x64xi32, #tpu.memory_space<vmem>> -> memref<64xi32, #tpu.memory_space<vmem>>
    %dma_wait3A_1278 = arith.constant 0 : i32
    %dma_wait3A_1279 = arith.constant 0 : i32
    %dma_wait3A_1280 = tpu.memref_slice %arg2[%dma_wait3A_1278, %dma_wait3A_1279] : memref<32768x128xf32, #tpu.memory_space<hbm>> -> memref<32768x128xf32, #tpu.memory_space<hbm>>
    tpu.wait_indirect_dma semaphore(%arg13 : memref<!tpu.dma_semaphore, #tpu.memory_space<semaphore_mem>>) src(%dma_wait3A_1280 : memref<32768x128xf32, #tpu.memory_space<hbm>>) dst(%dma_wait3A_1274 : memref<64x128xf32, #tpu.memory_space<vmem>>)
    %dma_wait3A_1281 = arith.constant 13 : i32
    %dma_wait3A_1282 = arith.constant 320 : i32
    %dma_wait3A_1283 = arith.constant 0 : i32
    %dma_wait3A_1284 = tpu.memref_slice %arg9[%dma_wait3A_1282, %dma_wait3A_1283] : memref<512x128xf32, #tpu.memory_space<vmem>> -> memref<64x128xf32, #tpu.memory_space<vmem>>
    %dma_wait3A_1285 = arith.constant 0 : i32
    %dma_wait3A_1286 = tpu.memref_slice %arg6[%dma_wait3A_1281, %dma_wait3A_1285] : memref<16x64xi32, #tpu.memory_space<vmem>> -> memref<1x64xi32, #tpu.memory_space<vmem>>
    %dma_wait3A_1287 = tpu.memref_squeeze %dma_wait3A_1286 : memref<1x64xi32, #tpu.memory_space<vmem>> -> memref<64xi32, #tpu.memory_space<vmem>>
    %dma_wait3A_1288 = arith.constant 0 : i32
    %dma_wait3A_1289 = arith.constant 0 : i32
    %dma_wait3A_1290 = tpu.memref_slice %arg2[%dma_wait3A_1288, %dma_wait3A_1289] : memref<32768x128xf32, #tpu.memory_space<hbm>> -> memref<32768x128xf32, #tpu.memory_space<hbm>>
    tpu.wait_indirect_dma semaphore(%arg13 : memref<!tpu.dma_semaphore, #tpu.memory_space<semaphore_mem>>) src(%dma_wait3A_1290 : memref<32768x128xf32, #tpu.memory_space<hbm>>) dst(%dma_wait3A_1284 : memref<64x128xf32, #tpu.memory_space<vmem>>)
    %dma_wait3A_1291 = arith.constant 14 : i32
    %dma_wait3A_1292 = arith.constant 384 : i32
    %dma_wait3A_1293 = arith.constant 0 : i32
    %dma_wait3A_1294 = tpu.memref_slice %arg9[%dma_wait3A_1292, %dma_wait3A_1293] : memref<512x128xf32, #tpu.memory_space<vmem>> -> memref<64x128xf32, #tpu.memory_space<vmem>>
    %dma_wait3A_1295 = arith.constant 0 : i32
    %dma_wait3A_1296 = tpu.memref_slice %arg6[%dma_wait3A_1291, %dma_wait3A_1295] : memref<16x64xi32, #tpu.memory_space<vmem>> -> memref<1x64xi32, #tpu.memory_space<vmem>>
    %dma_wait3A_1297 = tpu.memref_squeeze %dma_wait3A_1296 : memref<1x64xi32, #tpu.memory_space<vmem>> -> memref<64xi32, #tpu.memory_space<vmem>>
    %dma_wait3A_1298 = arith.constant 0 : i32
    %dma_wait3A_1299 = arith.constant 0 : i32
    %dma_wait3A_1300 = tpu.memref_slice %arg2[%dma_wait3A_1298, %dma_wait3A_1299] : memref<32768x128xf32, #tpu.memory_space<hbm>> -> memref<32768x128xf32, #tpu.memory_space<hbm>>
    tpu.wait_indirect_dma semaphore(%arg13 : memref<!tpu.dma_semaphore, #tpu.memory_space<semaphore_mem>>) src(%dma_wait3A_1300 : memref<32768x128xf32, #tpu.memory_space<hbm>>) dst(%dma_wait3A_1294 : memref<64x128xf32, #tpu.memory_space<vmem>>)
    %dma_wait3A_1301 = arith.constant 15 : i32
    %dma_wait3A_1302 = arith.constant 448 : i32
    %dma_wait3A_1303 = arith.constant 0 : i32
    %dma_wait3A_1304 = tpu.memref_slice %arg9[%dma_wait3A_1302, %dma_wait3A_1303] : memref<512x128xf32, #tpu.memory_space<vmem>> -> memref<64x128xf32, #tpu.memory_space<vmem>>
    %dma_wait3A_1305 = arith.constant 0 : i32
    %dma_wait3A_1306 = tpu.memref_slice %arg6[%dma_wait3A_1301, %dma_wait3A_1305] : memref<16x64xi32, #tpu.memory_space<vmem>> -> memref<1x64xi32, #tpu.memory_space<vmem>>
    %dma_wait3A_1307 = tpu.memref_squeeze %dma_wait3A_1306 : memref<1x64xi32, #tpu.memory_space<vmem>> -> memref<64xi32, #tpu.memory_space<vmem>>
    %dma_wait3A_1308 = arith.constant 0 : i32
    %dma_wait3A_1309 = arith.constant 0 : i32
    %dma_wait3A_1310 = tpu.memref_slice %arg2[%dma_wait3A_1308, %dma_wait3A_1309] : memref<32768x128xf32, #tpu.memory_space<hbm>> -> memref<32768x128xf32, #tpu.memory_space<hbm>>
    tpu.wait_indirect_dma semaphore(%arg13 : memref<!tpu.dma_semaphore, #tpu.memory_space<semaphore_mem>>) src(%dma_wait3A_1310 : memref<32768x128xf32, #tpu.memory_space<hbm>>) dst(%dma_wait3A_1304 : memref<64x128xf32, #tpu.memory_space<vmem>>)
    %scan3A_1311 = arith.constant 0 : i32
    %scan3A_1312 = arith.constant 0 : i32
    %scan3A_1313 = arith.constant 64 : i32
    %scan3A_1314 = arith.addi %scan3A_1312, %scan3A_1313 : i32
    %scan3A_1315 = arith.constant 1 : i32
    %scan3A_1316 = scf.for %scan3A_1318 = %scan3A_1312 to %scan3A_1314 step %scan3A_1315 iter_args(%scan3A_1319 = %scan3A_1311) -> (i32)  : i32 {
      %broadcast_in_dim3A = vector.broadcast %scan3A_1318 : i32 to vector<16xi32>
      %add3A_1320 = arith.constant 1280 : i32
      %add3A_1321 = vector.broadcast %add3A_1320 : i32 to vector<16xi32>
      %add3A_1322 = arith.addi %broadcast_in_dim3A, %add3A_1321 : vector<16xi32>
      %gather3A = tpu.vector_load_idx %arg8[%add3A_1322] : memref<2048xf32, #tpu.memory_space<vmem>>[vector<16xi32>], vector<16xf32>,
      %add3A_1323 = arith.constant 1792 : i32
      %add3A_1324 = vector.broadcast %add3A_1323 : i32 to vector<16xi32>
      %add3A_1325 = arith.addi %broadcast_in_dim3A, %add3A_1324 : vector<16xi32>
      %gather3A_1326 = tpu.vector_load_idx %arg8[%add3A_1325] : memref<2048xf32, #tpu.memory_space<vmem>>[vector<16xi32>], vector<16xf32>,
      %add3A_1327 = arith.constant 256 : i32
      %add3A_1328 = arith.addi %add3A_1327, %scan3A_1318 : i32
      %get3A_1329 = arith.index_cast %add3A_1328 : i32 to index
      %get3A_1330 = arith.constant 0 : index
      %get3A_1331 = tpu.vector_load %arg9[%get3A_1329, %get3A_1330] {strides = array<i32>} : memref<512x128xf32, #tpu.memory_space<vmem>>, vector<16xf32>,
      %get3A_1332 = arith.index_cast %add3A_1328 : i32 to index
      %get3A_1333 = arith.constant 64 : index
      %get3A_1334 = tpu.vector_load %arg9[%get3A_1332, %get3A_1333] {strides = array<i32>} : memref<512x128xf32, #tpu.memory_space<vmem>>, vector<16xf32>,
      %mul3A_1335 = arith.mulf %gather3A, %get3A_1331 : vector<16xf32>
      %mul3A_1336 = arith.mulf %gather3A_1326, %get3A_1334 : vector<16xf32>
      %add3A_1337 = arith.addf %mul3A_1335, %mul3A_1336 : vector<16xf32>
      %get3A_1338 = arith.index_cast %add3A_1328 : i32 to index
      %get3A_1339 = arith.constant 16 : index
      %get3A_1340 = tpu.vector_load %arg9[%get3A_1338, %get3A_1339] {strides = array<i32>} : memref<512x128xf32, #tpu.memory_space<vmem>>, vector<16xf32>,
      %get3A_1341 = arith.index_cast %add3A_1328 : i32 to index
      %get3A_1342 = arith.constant 80 : index
      %get3A_1343 = tpu.vector_load %arg9[%get3A_1341, %get3A_1342] {strides = array<i32>} : memref<512x128xf32, #tpu.memory_space<vmem>>, vector<16xf32>,
      %mul3A_1344 = arith.mulf %gather3A, %get3A_1340 : vector<16xf32>
      %mul3A_1345 = arith.mulf %gather3A_1326, %get3A_1343 : vector<16xf32>
      %add3A_1346 = arith.addf %mul3A_1344, %mul3A_1345 : vector<16xf32>
      %get3A_1347 = arith.index_cast %add3A_1328 : i32 to index
      %get3A_1348 = arith.constant 32 : index
      %get3A_1349 = tpu.vector_load %arg9[%get3A_1347, %get3A_1348] {strides = array<i32>} : memref<512x128xf32, #tpu.memory_space<vmem>>, vector<16xf32>,
      %get3A_1350 = arith.index_cast %add3A_1328 : i32 to index
      %get3A_1351 = arith.constant 96 : index
      %get3A_1352 = tpu.vector_load %arg9[%get3A_1350, %get3A_1351] {strides = array<i32>} : memref<512x128xf32, #tpu.memory_space<vmem>>, vector<16xf32>,
      %mul3A_1353 = arith.mulf %gather3A, %get3A_1349 : vector<16xf32>
      %mul3A_1354 = arith.mulf %gather3A_1326, %get3A_1352 : vector<16xf32>
      %add3A_1355 = arith.addf %mul3A_1353, %mul3A_1354 : vector<16xf32>
      %get3A_1356 = arith.index_cast %add3A_1328 : i32 to index
      %get3A_1357 = arith.constant 48 : index
      %get3A_1358 = tpu.vector_load %arg9[%get3A_1356, %get3A_1357] {strides = array<i32>} : memref<512x128xf32, #tpu.memory_space<vmem>>, vector<16xf32>,
      %get3A_1359 = arith.index_cast %add3A_1328 : i32 to index
      %get3A_1360 = arith.constant 112 : index
      %get3A_1361 = tpu.vector_load %arg9[%get3A_1359, %get3A_1360] {strides = array<i32>} : memref<512x128xf32, #tpu.memory_space<vmem>>, vector<16xf32>,
      %mul3A_1362 = arith.mulf %gather3A, %get3A_1358 : vector<16xf32>
      %mul3A_1363 = arith.mulf %gather3A_1326, %get3A_1361 : vector<16xf32>
      %add3A_1364 = arith.addf %mul3A_1362, %mul3A_1363 : vector<16xf32>
      %add3A_1365 = arith.constant 1344 : i32
      %add3A_1366 = vector.broadcast %add3A_1365 : i32 to vector<16xi32>
      %add3A_1367 = arith.addi %broadcast_in_dim3A, %add3A_1366 : vector<16xi32>
      %gather3A_1368 = tpu.vector_load_idx %arg8[%add3A_1367] : memref<2048xf32, #tpu.memory_space<vmem>>[vector<16xi32>], vector<16xf32>,
      %add3A_1369 = arith.constant 1856 : i32
      %add3A_1370 = vector.broadcast %add3A_1369 : i32 to vector<16xi32>
      %add3A_1371 = arith.addi %broadcast_in_dim3A, %add3A_1370 : vector<16xi32>
      %gather3A_1372 = tpu.vector_load_idx %arg8[%add3A_1371] : memref<2048xf32, #tpu.memory_space<vmem>>[vector<16xi32>], vector<16xf32>,
      %add3A_1373 = arith.constant 320 : i32
      %add3A_1374 = arith.addi %add3A_1373, %scan3A_1318 : i32
      %get3A_1375 = arith.index_cast %add3A_1374 : i32 to index
      %get3A_1376 = arith.constant 0 : index
      %get3A_1377 = tpu.vector_load %arg9[%get3A_1375, %get3A_1376] {strides = array<i32>} : memref<512x128xf32, #tpu.memory_space<vmem>>, vector<16xf32>,
      %get3A_1378 = arith.index_cast %add3A_1374 : i32 to index
      %get3A_1379 = arith.constant 64 : index
      %get3A_1380 = tpu.vector_load %arg9[%get3A_1378, %get3A_1379] {strides = array<i32>} : memref<512x128xf32, #tpu.memory_space<vmem>>, vector<16xf32>,
      %mul3A_1381 = arith.mulf %gather3A_1368, %get3A_1377 : vector<16xf32>
      %mul3A_1382 = arith.mulf %gather3A_1372, %get3A_1380 : vector<16xf32>
      %add3A_1383 = arith.addf %mul3A_1381, %mul3A_1382 : vector<16xf32>
      %add3A_1384 = arith.addf %add3A_1337, %add3A_1383 : vector<16xf32>
      %get3A_1385 = arith.index_cast %add3A_1374 : i32 to index
      %get3A_1386 = arith.constant 16 : index
      %get3A_1387 = tpu.vector_load %arg9[%get3A_1385, %get3A_1386] {strides = array<i32>} : memref<512x128xf32, #tpu.memory_space<vmem>>, vector<16xf32>,
      %get3A_1388 = arith.index_cast %add3A_1374 : i32 to index
      %get3A_1389 = arith.constant 80 : index
      %get3A_1390 = tpu.vector_load %arg9[%get3A_1388, %get3A_1389] {strides = array<i32>} : memref<512x128xf32, #tpu.memory_space<vmem>>, vector<16xf32>,
      %mul3A_1391 = arith.mulf %gather3A_1368, %get3A_1387 : vector<16xf32>
      %mul3A_1392 = arith.mulf %gather3A_1372, %get3A_1390 : vector<16xf32>
      %add3A_1393 = arith.addf %mul3A_1391, %mul3A_1392 : vector<16xf32>
      %add3A_1394 = arith.addf %add3A_1346, %add3A_1393 : vector<16xf32>
      %get3A_1395 = arith.index_cast %add3A_1374 : i32 to index
      %get3A_1396 = arith.constant 32 : index
      %get3A_1397 = tpu.vector_load %arg9[%get3A_1395, %get3A_1396] {strides = array<i32>} : memref<512x128xf32, #tpu.memory_space<vmem>>, vector<16xf32>,
      %get3A_1398 = arith.index_cast %add3A_1374 : i32 to index
      %get3A_1399 = arith.constant 96 : index
      %get3A_1400 = tpu.vector_load %arg9[%get3A_1398, %get3A_1399] {strides = array<i32>} : memref<512x128xf32, #tpu.memory_space<vmem>>, vector<16xf32>,
      %mul3A_1401 = arith.mulf %gather3A_1368, %get3A_1397 : vector<16xf32>
      %mul3A_1402 = arith.mulf %gather3A_1372, %get3A_1400 : vector<16xf32>
      %add3A_1403 = arith.addf %mul3A_1401, %mul3A_1402 : vector<16xf32>
      %add3A_1404 = arith.addf %add3A_1355, %add3A_1403 : vector<16xf32>
      %get3A_1405 = arith.index_cast %add3A_1374 : i32 to index
      %get3A_1406 = arith.constant 48 : index
      %get3A_1407 = tpu.vector_load %arg9[%get3A_1405, %get3A_1406] {strides = array<i32>} : memref<512x128xf32, #tpu.memory_space<vmem>>, vector<16xf32>,
      %get3A_1408 = arith.index_cast %add3A_1374 : i32 to index
      %get3A_1409 = arith.constant 112 : index
      %get3A_1410 = tpu.vector_load %arg9[%get3A_1408, %get3A_1409] {strides = array<i32>} : memref<512x128xf32, #tpu.memory_space<vmem>>, vector<16xf32>,
      %mul3A_1411 = arith.mulf %gather3A_1368, %get3A_1407 : vector<16xf32>
      %mul3A_1412 = arith.mulf %gather3A_1372, %get3A_1410 : vector<16xf32>
      %add3A_1413 = arith.addf %mul3A_1411, %mul3A_1412 : vector<16xf32>
      %add3A_1414 = arith.addf %add3A_1364, %add3A_1413 : vector<16xf32>
      %add3A_1415 = arith.constant 1408 : i32
      %add3A_1416 = vector.broadcast %add3A_1415 : i32 to vector<16xi32>
      %add3A_1417 = arith.addi %broadcast_in_dim3A, %add3A_1416 : vector<16xi32>
      %gather3A_1418 = tpu.vector_load_idx %arg8[%add3A_1417] : memref<2048xf32, #tpu.memory_space<vmem>>[vector<16xi32>], vector<16xf32>,
      %add3A_1419 = arith.constant 1920 : i32
      %add3A_1420 = vector.broadcast %add3A_1419 : i32 to vector<16xi32>
      %add3A_1421 = arith.addi %broadcast_in_dim3A, %add3A_1420 : vector<16xi32>
      %gather3A_1422 = tpu.vector_load_idx %arg8[%add3A_1421] : memref<2048xf32, #tpu.memory_space<vmem>>[vector<16xi32>], vector<16xf32>,
      %add3A_1423 = arith.constant 384 : i32
      %add3A_1424 = arith.addi %add3A_1423, %scan3A_1318 : i32
      %get3A_1425 = arith.index_cast %add3A_1424 : i32 to index
      %get3A_1426 = arith.constant 0 : index
      %get3A_1427 = tpu.vector_load %arg9[%get3A_1425, %get3A_1426] {strides = array<i32>} : memref<512x128xf32, #tpu.memory_space<vmem>>, vector<16xf32>,
      %get3A_1428 = arith.index_cast %add3A_1424 : i32 to index
      %get3A_1429 = arith.constant 64 : index
      %get3A_1430 = tpu.vector_load %arg9[%get3A_1428, %get3A_1429] {strides = array<i32>} : memref<512x128xf32, #tpu.memory_space<vmem>>, vector<16xf32>,
      %mul3A_1431 = arith.mulf %gather3A_1418, %get3A_1427 : vector<16xf32>
      %mul3A_1432 = arith.mulf %gather3A_1422, %get3A_1430 : vector<16xf32>
      %add3A_1433 = arith.addf %mul3A_1431, %mul3A_1432 : vector<16xf32>
      %add3A_1434 = arith.addf %add3A_1384, %add3A_1433 : vector<16xf32>
      %get3A_1435 = arith.index_cast %add3A_1424 : i32 to index
      %get3A_1436 = arith.constant 16 : index
      %get3A_1437 = tpu.vector_load %arg9[%get3A_1435, %get3A_1436] {strides = array<i32>} : memref<512x128xf32, #tpu.memory_space<vmem>>, vector<16xf32>,
      %get3A_1438 = arith.index_cast %add3A_1424 : i32 to index
      %get3A_1439 = arith.constant 80 : index
      %get3A_1440 = tpu.vector_load %arg9[%get3A_1438, %get3A_1439] {strides = array<i32>} : memref<512x128xf32, #tpu.memory_space<vmem>>, vector<16xf32>,
      %mul3A_1441 = arith.mulf %gather3A_1418, %get3A_1437 : vector<16xf32>
      %mul3A_1442 = arith.mulf %gather3A_1422, %get3A_1440 : vector<16xf32>
      %add3A_1443 = arith.addf %mul3A_1441, %mul3A_1442 : vector<16xf32>
      %add3A_1444 = arith.addf %add3A_1394, %add3A_1443 : vector<16xf32>
      %get3A_1445 = arith.index_cast %add3A_1424 : i32 to index
      %get3A_1446 = arith.constant 32 : index
      %get3A_1447 = tpu.vector_load %arg9[%get3A_1445, %get3A_1446] {strides = array<i32>} : memref<512x128xf32, #tpu.memory_space<vmem>>, vector<16xf32>,
      %get3A_1448 = arith.index_cast %add3A_1424 : i32 to index
      %get3A_1449 = arith.constant 96 : index
      %get3A_1450 = tpu.vector_load %arg9[%get3A_1448, %get3A_1449] {strides = array<i32>} : memref<512x128xf32, #tpu.memory_space<vmem>>, vector<16xf32>,
      %mul3A_1451 = arith.mulf %gather3A_1418, %get3A_1447 : vector<16xf32>
      %mul3A_1452 = arith.mulf %gather3A_1422, %get3A_1450 : vector<16xf32>
      %add3A_1453 = arith.addf %mul3A_1451, %mul3A_1452 : vector<16xf32>
      %add3A_1454 = arith.addf %add3A_1404, %add3A_1453 : vector<16xf32>
      %get3A_1455 = arith.index_cast %add3A_1424 : i32 to index
      %get3A_1456 = arith.constant 48 : index
      %get3A_1457 = tpu.vector_load %arg9[%get3A_1455, %get3A_1456] {strides = array<i32>} : memref<512x128xf32, #tpu.memory_space<vmem>>, vector<16xf32>,
      %get3A_1458 = arith.index_cast %add3A_1424 : i32 to index
      %get3A_1459 = arith.constant 112 : index
      %get3A_1460 = tpu.vector_load %arg9[%get3A_1458, %get3A_1459] {strides = array<i32>} : memref<512x128xf32, #tpu.memory_space<vmem>>, vector<16xf32>,
      %mul3A_1461 = arith.mulf %gather3A_1418, %get3A_1457 : vector<16xf32>
      %mul3A_1462 = arith.mulf %gather3A_1422, %get3A_1460 : vector<16xf32>
      %add3A_1463 = arith.addf %mul3A_1461, %mul3A_1462 : vector<16xf32>
      %add3A_1464 = arith.addf %add3A_1414, %add3A_1463 : vector<16xf32>
      %add3A_1465 = arith.constant 1472 : i32
      %add3A_1466 = vector.broadcast %add3A_1465 : i32 to vector<16xi32>
      %add3A_1467 = arith.addi %broadcast_in_dim3A, %add3A_1466 : vector<16xi32>
      %gather3A_1468 = tpu.vector_load_idx %arg8[%add3A_1467] : memref<2048xf32, #tpu.memory_space<vmem>>[vector<16xi32>], vector<16xf32>,
      %add3A_1469 = arith.constant 1984 : i32
      %add3A_1470 = vector.broadcast %add3A_1469 : i32 to vector<16xi32>
      %add3A_1471 = arith.addi %broadcast_in_dim3A, %add3A_1470 : vector<16xi32>
      %gather3A_1472 = tpu.vector_load_idx %arg8[%add3A_1471] : memref<2048xf32, #tpu.memory_space<vmem>>[vector<16xi32>], vector<16xf32>,
      %add3A_1473 = arith.constant 448 : i32
      %add3A_1474 = arith.addi %add3A_1473, %scan3A_1318 : i32
      %get3A_1475 = arith.index_cast %add3A_1474 : i32 to index
      %get3A_1476 = arith.constant 0 : index
      %get3A_1477 = tpu.vector_load %arg9[%get3A_1475, %get3A_1476] {strides = array<i32>} : memref<512x128xf32, #tpu.memory_space<vmem>>, vector<16xf32>,
      %get3A_1478 = arith.index_cast %add3A_1474 : i32 to index
      %get3A_1479 = arith.constant 64 : index
      %get3A_1480 = tpu.vector_load %arg9[%get3A_1478, %get3A_1479] {strides = array<i32>} : memref<512x128xf32, #tpu.memory_space<vmem>>, vector<16xf32>,
      %mul3A_1481 = arith.mulf %gather3A_1468, %get3A_1477 : vector<16xf32>
      %mul3A_1482 = arith.mulf %gather3A_1472, %get3A_1480 : vector<16xf32>
      %add3A_1483 = arith.addf %mul3A_1481, %mul3A_1482 : vector<16xf32>
      %add3A_1484 = arith.addf %add3A_1434, %add3A_1483 : vector<16xf32>
      %get3A_1485 = arith.index_cast %add3A_1474 : i32 to index
      %get3A_1486 = arith.constant 16 : index
      %get3A_1487 = tpu.vector_load %arg9[%get3A_1485, %get3A_1486] {strides = array<i32>} : memref<512x128xf32, #tpu.memory_space<vmem>>, vector<16xf32>,
      %get3A_1488 = arith.index_cast %add3A_1474 : i32 to index
      %get3A_1489 = arith.constant 80 : index
      %get3A_1490 = tpu.vector_load %arg9[%get3A_1488, %get3A_1489] {strides = array<i32>} : memref<512x128xf32, #tpu.memory_space<vmem>>, vector<16xf32>,
      %mul3A_1491 = arith.mulf %gather3A_1468, %get3A_1487 : vector<16xf32>
      %mul3A_1492 = arith.mulf %gather3A_1472, %get3A_1490 : vector<16xf32>
      %add3A_1493 = arith.addf %mul3A_1491, %mul3A_1492 : vector<16xf32>
      %add3A_1494 = arith.addf %add3A_1444, %add3A_1493 : vector<16xf32>
      %get3A_1495 = arith.index_cast %add3A_1474 : i32 to index
      %get3A_1496 = arith.constant 32 : index
      %get3A_1497 = tpu.vector_load %arg9[%get3A_1495, %get3A_1496] {strides = array<i32>} : memref<512x128xf32, #tpu.memory_space<vmem>>, vector<16xf32>,
      %get3A_1498 = arith.index_cast %add3A_1474 : i32 to index
      %get3A_1499 = arith.constant 96 : index
      %get3A_1500 = tpu.vector_load %arg9[%get3A_1498, %get3A_1499] {strides = array<i32>} : memref<512x128xf32, #tpu.memory_space<vmem>>, vector<16xf32>,
      %mul3A_1501 = arith.mulf %gather3A_1468, %get3A_1497 : vector<16xf32>
      %mul3A_1502 = arith.mulf %gather3A_1472, %get3A_1500 : vector<16xf32>
      %add3A_1503 = arith.addf %mul3A_1501, %mul3A_1502 : vector<16xf32>
      %add3A_1504 = arith.addf %add3A_1454, %add3A_1503 : vector<16xf32>
      %get3A_1505 = arith.index_cast %add3A_1474 : i32 to index
      %get3A_1506 = arith.constant 48 : index
      %get3A_1507 = tpu.vector_load %arg9[%get3A_1505, %get3A_1506] {strides = array<i32>} : memref<512x128xf32, #tpu.memory_space<vmem>>, vector<16xf32>,
      %get3A_1508 = arith.index_cast %add3A_1474 : i32 to index
      %get3A_1509 = arith.constant 112 : index
      %get3A_1510 = tpu.vector_load %arg9[%get3A_1508, %get3A_1509] {strides = array<i32>} : memref<512x128xf32, #tpu.memory_space<vmem>>, vector<16xf32>,
      %mul3A_1511 = arith.mulf %gather3A_1468, %get3A_1507 : vector<16xf32>
      %mul3A_1512 = arith.mulf %gather3A_1472, %get3A_1510 : vector<16xf32>
      %add3A_1513 = arith.addf %mul3A_1511, %mul3A_1512 : vector<16xf32>
      %add3A_1514 = arith.addf %add3A_1464, %add3A_1513 : vector<16xf32>
      %get3A_1515 = arith.index_cast %scan3A_1318 : i32 to index
      %get3A_1516 = arith.constant 0 : index
      %get3A_1517 = tpu.vector_load %arg10[%get3A_1515, %get3A_1516] {strides = array<i32>} : memref<64x64xf32, #tpu.memory_space<vmem>>, vector<16xf32>,
      %add3A_1518 = arith.addf %get3A_1517, %add3A_1484 : vector<16xf32>
      %swap3A_1519 = arith.index_cast %scan3A_1318 : i32 to index
      %swap3A_1520 = arith.constant 0 : index
      %swap3A_1521 = tpu.vector_load %arg10[%swap3A_1519, %swap3A_1520] {strides = array<i32>} : memref<64x64xf32, #tpu.memory_space<vmem>>, vector<16xf32>,
      tpu.vector_store %arg10[%swap3A_1519, %swap3A_1520], %add3A_1518 {strides = array<i32>} : memref<64x64xf32, #tpu.memory_space<vmem>>, vector<16xf32>,
      %get3A_1522 = arith.index_cast %scan3A_1318 : i32 to index
      %get3A_1523 = arith.constant 16 : index
      %get3A_1524 = tpu.vector_load %arg10[%get3A_1522, %get3A_1523] {strides = array<i32>} : memref<64x64xf32, #tpu.memory_space<vmem>>, vector<16xf32>,
      %add3A_1525 = arith.addf %get3A_1524, %add3A_1494 : vector<16xf32>
      %swap3A_1526 = arith.index_cast %scan3A_1318 : i32 to index
      %swap3A_1527 = arith.constant 16 : index
      %swap3A_1528 = tpu.vector_load %arg10[%swap3A_1526, %swap3A_1527] {strides = array<i32>} : memref<64x64xf32, #tpu.memory_space<vmem>>, vector<16xf32>,
      tpu.vector_store %arg10[%swap3A_1526, %swap3A_1527], %add3A_1525 {strides = array<i32>} : memref<64x64xf32, #tpu.memory_space<vmem>>, vector<16xf32>,
      %get3A_1529 = arith.index_cast %scan3A_1318 : i32 to index
      %get3A_1530 = arith.constant 32 : index
      %get3A_1531 = tpu.vector_load %arg10[%get3A_1529, %get3A_1530] {strides = array<i32>} : memref<64x64xf32, #tpu.memory_space<vmem>>, vector<16xf32>,
      %add3A_1532 = arith.addf %get3A_1531, %add3A_1504 : vector<16xf32>
      %swap3A_1533 = arith.index_cast %scan3A_1318 : i32 to index
      %swap3A_1534 = arith.constant 32 : index
      %swap3A_1535 = tpu.vector_load %arg10[%swap3A_1533, %swap3A_1534] {strides = array<i32>} : memref<64x64xf32, #tpu.memory_space<vmem>>, vector<16xf32>,
      tpu.vector_store %arg10[%swap3A_1533, %swap3A_1534], %add3A_1532 {strides = array<i32>} : memref<64x64xf32, #tpu.memory_space<vmem>>, vector<16xf32>,
      %get3A_1536 = arith.index_cast %scan3A_1318 : i32 to index
      %get3A_1537 = arith.constant 48 : index
      %get3A_1538 = tpu.vector_load %arg10[%get3A_1536, %get3A_1537] {strides = array<i32>} : memref<64x64xf32, #tpu.memory_space<vmem>>, vector<16xf32>,
      %add3A_1539 = arith.addf %get3A_1538, %add3A_1514 : vector<16xf32>
      %swap3A_1540 = arith.index_cast %scan3A_1318 : i32 to index
      %swap3A_1541 = arith.constant 48 : index
      %swap3A_1542 = tpu.vector_load %arg10[%swap3A_1540, %swap3A_1541] {strides = array<i32>} : memref<64x64xf32, #tpu.memory_space<vmem>>, vector<16xf32>,
      tpu.vector_store %arg10[%swap3A_1540, %swap3A_1541], %add3A_1539 {strides = array<i32>} : memref<64x64xf32, #tpu.memory_space<vmem>>, vector<16xf32>,
      %scan3A_1543 = arith.constant 0 : i32
      scf.yield %scan3A_1543 : i32
    }
    %scan3A_1317 = arith.constant 64 : i32
    "tpu.region"() ({
      %run_scoped3A = tpu.sem_alloc : memref<!tpu.dma_semaphore, #tpu.memory_space<semaphore_mem>>
      %dma_start3A_1318 = arith.constant 0 : i32
      %dma_start3A_1319 = arith.constant 0 : i32
      %dma_start3A_1320 = tpu.memref_slice %arg5[%select_n3A, %select_n3A_30, %dma_start3A_1318, %dma_start3A_1319] : memref<4x8x64x64xf32, #tpu.memory_space<hbm>> -> memref<1x1x64x64xf32, #tpu.memory_space<hbm>>
      %dma_start3A_1321 = tpu.memref_squeeze %dma_start3A_1320 : memref<1x1x64x64xf32, #tpu.memory_space<hbm>> -> memref<64x64xf32, #tpu.memory_space<hbm>>
      %dma_start3A_1322 = arith.constant 0 : i32
      %dma_start3A_1323 = arith.constant 0 : i32
      %dma_start3A_1324 = tpu.memref_slice %arg5[%select_n3A, %select_n3A_30, %dma_start3A_1322, %dma_start3A_1323] : memref<4x8x64x64xf32, #tpu.memory_space<hbm>> -> memref<1x1x64x64xf32, #tpu.memory_space<hbm>>
      %dma_start3A_1325 = tpu.memref_squeeze %dma_start3A_1324 : memref<1x1x64x64xf32, #tpu.memory_space<hbm>> -> memref<64x64xf32, #tpu.memory_space<hbm>>
      tpu.enqueue_dma source(%arg10 : memref<64x64xf32, #tpu.memory_space<vmem>>) target(%dma_start3A_1325 : memref<64x64xf32, #tpu.memory_space<hbm>>) target_semaphore(%run_scoped3A : memref<!tpu.dma_semaphore, #tpu.memory_space<semaphore_mem>>)
      %dma_wait3A_1326 = arith.constant 0 : i32
      %dma_wait3A_1327 = arith.constant 0 : i32
      %dma_wait3A_1328 = tpu.memref_slice %arg5[%select_n3A, %select_n3A_30, %dma_wait3A_1326, %dma_wait3A_1327] : memref<4x8x64x64xf32, #tpu.memory_space<hbm>> -> memref<1x1x64x64xf32, #tpu.memory_space<hbm>>
      %dma_wait3A_1329 = tpu.memref_squeeze %dma_wait3A_1328 : memref<1x1x64x64xf32, #tpu.memory_space<hbm>> -> memref<64x64xf32, #tpu.memory_space<hbm>>
      %dma_wait3A_1330 = arith.constant 0 : i32
      %dma_wait3A_1331 = arith.constant 0 : i32
      %dma_wait3A_1332 = tpu.memref_slice %arg5[%select_n3A, %select_n3A_30, %dma_wait3A_1330, %dma_wait3A_1331] : memref<4x8x64x64xf32, #tpu.memory_space<hbm>> -> memref<1x1x64x64xf32, #tpu.memory_space<hbm>>
      %dma_wait3A_1333 = tpu.memref_squeeze %dma_wait3A_1332 : memref<1x1x64x64xf32, #tpu.memory_space<hbm>> -> memref<64x64xf32, #tpu.memory_space<hbm>>
      tpu.wait_dma2 semaphore(%run_scoped3A : memref<!tpu.dma_semaphore, #tpu.memory_space<semaphore_mem>>) src(%arg10 : memref<64x64xf32, #tpu.memory_space<vmem>>) dst(%dma_wait3A_1333 : memref<64x64xf32, #tpu.memory_space<hbm>>)
      tpu.yield
    }) : () -> ()
    return
  }
}

module attributes {stable_mosaic.version = 14 : i64} {
  func.func @_stage1(%arg0: i32, %arg1: memref<1x64x768xf32, #tpu.memory_space<vmem>>, %arg2: memref<1x64x768xf32, #tpu.memory_space<vmem>>, %arg3: memref<1x1024x768xf32, #tpu.memory_space<vmem>>, %arg4: memref<768x512xf32, #tpu.memory_space<vmem>>, %arg5: memref<768x768xf32, #tpu.memory_space<vmem>>, %arg6: memref<1x768xf32, #tpu.memory_space<vmem>>, %arg7: memref<768x128xf32, #tpu.memory_space<vmem>>, %arg8: memref<1x128xf32, #tpu.memory_space<vmem>>, %arg9: memref<768x768xf32, #tpu.memory_space<vmem>>, %arg10: memref<1x768xf32, #tpu.memory_space<vmem>>, %arg11: memref<768x64xf32, #tpu.memory_space<vmem>>, %arg12: memref<1x64xf32, #tpu.memory_space<vmem>>, %arg13: memref<8192x128xf32, #tpu.memory_space<vmem>>, %arg14: memref<1x2x64x64xi32, #tpu.memory_space<vmem>>, %arg15: memref<1x2x2x64x64xf32, #tpu.memory_space<vmem>>) attributes {dimension_semantics = [#tpu.dimension_semantics<arbitrary>], iteration_bounds = array<i64: 4>, scalar_prefetch = 0 : i64, scratch_operands = 0 : i64, tpu.core_type = #tpu.core_type<tc>, window_params = [{transform_indices = @transform_0, window_bounds = array<i64: 1, 64, 768>}, {transform_indices = @transform_1, window_bounds = array<i64: 1, 64, 768>}, {transform_indices = @transform_2, window_bounds = array<i64: 1, 1024, 768>}, {pipeline_mode = #tpu.pipeline_mode<synchronous>, transform_indices = @transform_3, window_bounds = array<i64: 768, 512>}, {pipeline_mode = #tpu.pipeline_mode<synchronous>, transform_indices = @transform_4, window_bounds = array<i64: 768, 768>}, {pipeline_mode = #tpu.pipeline_mode<synchronous>, transform_indices = @transform_5, window_bounds = array<i64: 1, 768>}, {pipeline_mode = #tpu.pipeline_mode<synchronous>, transform_indices = @transform_6, window_bounds = array<i64: 768, 128>}, {pipeline_mode = #tpu.pipeline_mode<synchronous>, transform_indices = @transform_7, window_bounds = array<i64: 1, 128>}, {pipeline_mode = #tpu.pipeline_mode<synchronous>, transform_indices = @transform_8, window_bounds = array<i64: 768, 768>}, {pipeline_mode = #tpu.pipeline_mode<synchronous>, transform_indices = @transform_9, window_bounds = array<i64: 1, 768>}, {pipeline_mode = #tpu.pipeline_mode<synchronous>, transform_indices = @transform_10, window_bounds = array<i64: 768, 64>}, {pipeline_mode = #tpu.pipeline_mode<synchronous>, transform_indices = @transform_11, window_bounds = array<i64: 1, 64>}, {transform_indices = @transform_12, window_bounds = array<i64: 8192, 128>}, {transform_indices = @transform_13, window_bounds = array<i64: 1, 2, 64, 64>}, {transform_indices = @transform_14, window_bounds = array<i64: 1, 2, 2, 64, 64>}]} {
    %get3A = arith.constant 0 : index
    %get3A_0 = arith.constant 0 : index
    %get3A_1 = arith.constant 0 : index
    %get3A_2 = vector.load %arg3[%get3A, %get3A_0, %get3A_1] : memref<1x1024x768xf32, #tpu.memory_space<vmem>>, vector<1x1024x768xf32>
    %get3A_3 = vector.shape_cast %get3A_2 : vector<1x1024x768xf32> to vector<1024x768xf32>
    %get3A_4 = arith.constant 0 : index
    %get3A_5 = arith.constant 0 : index
    %get3A_6 = vector.load %arg4[%get3A_4, %get3A_5] : memref<768x512xf32, #tpu.memory_space<vmem>>, vector<768x512xf32>
    %dot_general3A = arith.constant dense<0.000000e+00> : vector<1024x512xf32>
    %dot_general3A_7 = tpu.matmul %get3A_3, %get3A_6, %dot_general3A {dimension_numbers = #tpu.dot_dimension_numbers<[1], [0], [0], [1], [0, 0, 1, 1], [], []>, transpose_lhs_hint = false} : vector<1024x768xf32>, vector<768x512xf32>, vector<1024x512xf32> -> vector<1024x512xf32>
    %slice3A = vector.extract_strided_slice %dot_general3A_7 {offsets = [0, 0], sizes = [1024, 64], strides = [1, 1]} : vector<1024x512xf32> to vector<1024x64xf32>
    %swap3A = arith.constant 0 : index
    %swap3A_8 = arith.constant 0 : index
    %swap3A_9 = vector.load %arg13[%swap3A, %swap3A_8] : memref<8192x128xf32, #tpu.memory_space<vmem>>, vector<1024x64xf32>
    tpu.vector_store %arg13[%swap3A, %swap3A_8], %slice3A {strides = array<i32>} : memref<8192x128xf32, #tpu.memory_space<vmem>>, vector<1024x64xf32>,
    %slice3A_10 = vector.extract_strided_slice %slice3A {offsets = [1, 0], sizes = [1023, 64], strides = [1, 1]} : vector<1024x64xf32> to vector<1023x64xf32>
    %slice3A_11 = vector.extract_strided_slice %slice3A {offsets = [1023, 0], sizes = [1, 64], strides = [1, 1]} : vector<1024x64xf32> to vector<1x64xf32>
    %concatenate3A = tpu.concatenate %slice3A_10, %slice3A_11 in 0 : vector<1023x64xf32>, vector<1x64xf32> -> vector<1024x64xf32>
    %swap3A_12 = arith.constant 0 : index
    %swap3A_13 = arith.constant 64 : index
    %swap3A_14 = vector.load %arg13[%swap3A_12, %swap3A_13] : memref<8192x128xf32, #tpu.memory_space<vmem>>, vector<1024x64xf32>
    tpu.vector_store %arg13[%swap3A_12, %swap3A_13], %concatenate3A {strides = array<i32>} : memref<8192x128xf32, #tpu.memory_space<vmem>>, vector<1024x64xf32>,
    %slice3A_15 = vector.extract_strided_slice %dot_general3A_7 {offsets = [0, 64], sizes = [1024, 64], strides = [1, 1]} : vector<1024x512xf32> to vector<1024x64xf32>
    %swap3A_16 = arith.constant 1024 : index
    %swap3A_17 = arith.constant 0 : index
    %swap3A_18 = vector.load %arg13[%swap3A_16, %swap3A_17] : memref<8192x128xf32, #tpu.memory_space<vmem>>, vector<1024x64xf32>
    tpu.vector_store %arg13[%swap3A_16, %swap3A_17], %slice3A_15 {strides = array<i32>} : memref<8192x128xf32, #tpu.memory_space<vmem>>, vector<1024x64xf32>,
    %slice3A_19 = vector.extract_strided_slice %slice3A_15 {offsets = [1, 0], sizes = [1023, 64], strides = [1, 1]} : vector<1024x64xf32> to vector<1023x64xf32>
    %slice3A_20 = vector.extract_strided_slice %slice3A_15 {offsets = [1023, 0], sizes = [1, 64], strides = [1, 1]} : vector<1024x64xf32> to vector<1x64xf32>
    %concatenate3A_21 = tpu.concatenate %slice3A_19, %slice3A_20 in 0 : vector<1023x64xf32>, vector<1x64xf32> -> vector<1024x64xf32>
    %swap3A_22 = arith.constant 1024 : index
    %swap3A_23 = arith.constant 64 : index
    %swap3A_24 = vector.load %arg13[%swap3A_22, %swap3A_23] : memref<8192x128xf32, #tpu.memory_space<vmem>>, vector<1024x64xf32>
    tpu.vector_store %arg13[%swap3A_22, %swap3A_23], %concatenate3A_21 {strides = array<i32>} : memref<8192x128xf32, #tpu.memory_space<vmem>>, vector<1024x64xf32>,
    %slice3A_25 = vector.extract_strided_slice %dot_general3A_7 {offsets = [0, 128], sizes = [1024, 64], strides = [1, 1]} : vector<1024x512xf32> to vector<1024x64xf32>
    %swap3A_26 = arith.constant 2048 : index
    %swap3A_27 = arith.constant 0 : index
    %swap3A_28 = vector.load %arg13[%swap3A_26, %swap3A_27] : memref<8192x128xf32, #tpu.memory_space<vmem>>, vector<1024x64xf32>
    tpu.vector_store %arg13[%swap3A_26, %swap3A_27], %slice3A_25 {strides = array<i32>} : memref<8192x128xf32, #tpu.memory_space<vmem>>, vector<1024x64xf32>,
    %slice3A_29 = vector.extract_strided_slice %slice3A_25 {offsets = [1, 0], sizes = [1023, 64], strides = [1, 1]} : vector<1024x64xf32> to vector<1023x64xf32>
    %slice3A_30 = vector.extract_strided_slice %slice3A_25 {offsets = [1023, 0], sizes = [1, 64], strides = [1, 1]} : vector<1024x64xf32> to vector<1x64xf32>
    %concatenate3A_31 = tpu.concatenate %slice3A_29, %slice3A_30 in 0 : vector<1023x64xf32>, vector<1x64xf32> -> vector<1024x64xf32>
    %swap3A_32 = arith.constant 2048 : index
    %swap3A_33 = arith.constant 64 : index
    %swap3A_34 = vector.load %arg13[%swap3A_32, %swap3A_33] : memref<8192x128xf32, #tpu.memory_space<vmem>>, vector<1024x64xf32>
    tpu.vector_store %arg13[%swap3A_32, %swap3A_33], %concatenate3A_31 {strides = array<i32>} : memref<8192x128xf32, #tpu.memory_space<vmem>>, vector<1024x64xf32>,
    %slice3A_35 = vector.extract_strided_slice %dot_general3A_7 {offsets = [0, 192], sizes = [1024, 64], strides = [1, 1]} : vector<1024x512xf32> to vector<1024x64xf32>
    %swap3A_36 = arith.constant 3072 : index
    %swap3A_37 = arith.constant 0 : index
    %swap3A_38 = vector.load %arg13[%swap3A_36, %swap3A_37] : memref<8192x128xf32, #tpu.memory_space<vmem>>, vector<1024x64xf32>
    tpu.vector_store %arg13[%swap3A_36, %swap3A_37], %slice3A_35 {strides = array<i32>} : memref<8192x128xf32, #tpu.memory_space<vmem>>, vector<1024x64xf32>,
    %slice3A_39 = vector.extract_strided_slice %slice3A_35 {offsets = [1, 0], sizes = [1023, 64], strides = [1, 1]} : vector<1024x64xf32> to vector<1023x64xf32>
    %slice3A_40 = vector.extract_strided_slice %slice3A_35 {offsets = [1023, 0], sizes = [1, 64], strides = [1, 1]} : vector<1024x64xf32> to vector<1x64xf32>
    %concatenate3A_41 = tpu.concatenate %slice3A_39, %slice3A_40 in 0 : vector<1023x64xf32>, vector<1x64xf32> -> vector<1024x64xf32>
    %swap3A_42 = arith.constant 3072 : index
    %swap3A_43 = arith.constant 64 : index
    %swap3A_44 = vector.load %arg13[%swap3A_42, %swap3A_43] : memref<8192x128xf32, #tpu.memory_space<vmem>>, vector<1024x64xf32>
    tpu.vector_store %arg13[%swap3A_42, %swap3A_43], %concatenate3A_41 {strides = array<i32>} : memref<8192x128xf32, #tpu.memory_space<vmem>>, vector<1024x64xf32>,
    %slice3A_45 = vector.extract_strided_slice %dot_general3A_7 {offsets = [0, 256], sizes = [1024, 64], strides = [1, 1]} : vector<1024x512xf32> to vector<1024x64xf32>
    %swap3A_46 = arith.constant 4096 : index
    %swap3A_47 = arith.constant 0 : index
    %swap3A_48 = vector.load %arg13[%swap3A_46, %swap3A_47] : memref<8192x128xf32, #tpu.memory_space<vmem>>, vector<1024x64xf32>
    tpu.vector_store %arg13[%swap3A_46, %swap3A_47], %slice3A_45 {strides = array<i32>} : memref<8192x128xf32, #tpu.memory_space<vmem>>, vector<1024x64xf32>,
    %slice3A_49 = vector.extract_strided_slice %slice3A_45 {offsets = [1, 0], sizes = [1023, 64], strides = [1, 1]} : vector<1024x64xf32> to vector<1023x64xf32>
    %slice3A_50 = vector.extract_strided_slice %slice3A_45 {offsets = [1023, 0], sizes = [1, 64], strides = [1, 1]} : vector<1024x64xf32> to vector<1x64xf32>
    %concatenate3A_51 = tpu.concatenate %slice3A_49, %slice3A_50 in 0 : vector<1023x64xf32>, vector<1x64xf32> -> vector<1024x64xf32>
    %swap3A_52 = arith.constant 4096 : index
    %swap3A_53 = arith.constant 64 : index
    %swap3A_54 = vector.load %arg13[%swap3A_52, %swap3A_53] : memref<8192x128xf32, #tpu.memory_space<vmem>>, vector<1024x64xf32>
    tpu.vector_store %arg13[%swap3A_52, %swap3A_53], %concatenate3A_51 {strides = array<i32>} : memref<8192x128xf32, #tpu.memory_space<vmem>>, vector<1024x64xf32>,
    %slice3A_55 = vector.extract_strided_slice %dot_general3A_7 {offsets = [0, 320], sizes = [1024, 64], strides = [1, 1]} : vector<1024x512xf32> to vector<1024x64xf32>
    %swap3A_56 = arith.constant 5120 : index
    %swap3A_57 = arith.constant 0 : index
    %swap3A_58 = vector.load %arg13[%swap3A_56, %swap3A_57] : memref<8192x128xf32, #tpu.memory_space<vmem>>, vector<1024x64xf32>
    tpu.vector_store %arg13[%swap3A_56, %swap3A_57], %slice3A_55 {strides = array<i32>} : memref<8192x128xf32, #tpu.memory_space<vmem>>, vector<1024x64xf32>,
    %slice3A_59 = vector.extract_strided_slice %slice3A_55 {offsets = [1, 0], sizes = [1023, 64], strides = [1, 1]} : vector<1024x64xf32> to vector<1023x64xf32>
    %slice3A_60 = vector.extract_strided_slice %slice3A_55 {offsets = [1023, 0], sizes = [1, 64], strides = [1, 1]} : vector<1024x64xf32> to vector<1x64xf32>
    %concatenate3A_61 = tpu.concatenate %slice3A_59, %slice3A_60 in 0 : vector<1023x64xf32>, vector<1x64xf32> -> vector<1024x64xf32>
    %swap3A_62 = arith.constant 5120 : index
    %swap3A_63 = arith.constant 64 : index
    %swap3A_64 = vector.load %arg13[%swap3A_62, %swap3A_63] : memref<8192x128xf32, #tpu.memory_space<vmem>>, vector<1024x64xf32>
    tpu.vector_store %arg13[%swap3A_62, %swap3A_63], %concatenate3A_61 {strides = array<i32>} : memref<8192x128xf32, #tpu.memory_space<vmem>>, vector<1024x64xf32>,
    %slice3A_65 = vector.extract_strided_slice %dot_general3A_7 {offsets = [0, 384], sizes = [1024, 64], strides = [1, 1]} : vector<1024x512xf32> to vector<1024x64xf32>
    %swap3A_66 = arith.constant 6144 : index
    %swap3A_67 = arith.constant 0 : index
    %swap3A_68 = vector.load %arg13[%swap3A_66, %swap3A_67] : memref<8192x128xf32, #tpu.memory_space<vmem>>, vector<1024x64xf32>
    tpu.vector_store %arg13[%swap3A_66, %swap3A_67], %slice3A_65 {strides = array<i32>} : memref<8192x128xf32, #tpu.memory_space<vmem>>, vector<1024x64xf32>,
    %slice3A_69 = vector.extract_strided_slice %slice3A_65 {offsets = [1, 0], sizes = [1023, 64], strides = [1, 1]} : vector<1024x64xf32> to vector<1023x64xf32>
    %slice3A_70 = vector.extract_strided_slice %slice3A_65 {offsets = [1023, 0], sizes = [1, 64], strides = [1, 1]} : vector<1024x64xf32> to vector<1x64xf32>
    %concatenate3A_71 = tpu.concatenate %slice3A_69, %slice3A_70 in 0 : vector<1023x64xf32>, vector<1x64xf32> -> vector<1024x64xf32>
    %swap3A_72 = arith.constant 6144 : index
    %swap3A_73 = arith.constant 64 : index
    %swap3A_74 = vector.load %arg13[%swap3A_72, %swap3A_73] : memref<8192x128xf32, #tpu.memory_space<vmem>>, vector<1024x64xf32>
    tpu.vector_store %arg13[%swap3A_72, %swap3A_73], %concatenate3A_71 {strides = array<i32>} : memref<8192x128xf32, #tpu.memory_space<vmem>>, vector<1024x64xf32>,
    %slice3A_75 = vector.extract_strided_slice %dot_general3A_7 {offsets = [0, 448], sizes = [1024, 64], strides = [1, 1]} : vector<1024x512xf32> to vector<1024x64xf32>
    %swap3A_76 = arith.constant 7168 : index
    %swap3A_77 = arith.constant 0 : index
    %swap3A_78 = vector.load %arg13[%swap3A_76, %swap3A_77] : memref<8192x128xf32, #tpu.memory_space<vmem>>, vector<1024x64xf32>
    tpu.vector_store %arg13[%swap3A_76, %swap3A_77], %slice3A_75 {strides = array<i32>} : memref<8192x128xf32, #tpu.memory_space<vmem>>, vector<1024x64xf32>,
    %slice3A_79 = vector.extract_strided_slice %slice3A_75 {offsets = [1, 0], sizes = [1023, 64], strides = [1, 1]} : vector<1024x64xf32> to vector<1023x64xf32>
    %slice3A_80 = vector.extract_strided_slice %slice3A_75 {offsets = [1023, 0], sizes = [1, 64], strides = [1, 1]} : vector<1024x64xf32> to vector<1x64xf32>
    %concatenate3A_81 = tpu.concatenate %slice3A_79, %slice3A_80 in 0 : vector<1023x64xf32>, vector<1x64xf32> -> vector<1024x64xf32>
    %swap3A_82 = arith.constant 7168 : index
    %swap3A_83 = arith.constant 64 : index
    %swap3A_84 = vector.load %arg13[%swap3A_82, %swap3A_83] : memref<8192x128xf32, #tpu.memory_space<vmem>>, vector<1024x64xf32>
    tpu.vector_store %arg13[%swap3A_82, %swap3A_83], %concatenate3A_81 {strides = array<i32>} : memref<8192x128xf32, #tpu.memory_space<vmem>>, vector<1024x64xf32>,
    %get3A_85 = arith.constant 0 : index
    %get3A_86 = arith.constant 0 : index
    %get3A_87 = arith.constant 0 : index
    %get3A_88 = vector.load %arg1[%get3A_85, %get3A_86, %get3A_87] : memref<1x64x768xf32, #tpu.memory_space<vmem>>, vector<1x64x768xf32>
    %get3A_89 = vector.shape_cast %get3A_88 : vector<1x64x768xf32> to vector<64x768xf32>
    %get3A_90 = arith.constant 0 : index
    %get3A_91 = arith.constant 0 : index
    %get3A_92 = vector.load %arg9[%get3A_90, %get3A_91] : memref<768x768xf32, #tpu.memory_space<vmem>>, vector<768x768xf32>
    %dot_general3A_93 = arith.constant dense<0.000000e+00> : vector<64x768xf32>
    %dot_general3A_94 = tpu.matmul %get3A_89, %get3A_92, %dot_general3A_93 {dimension_numbers = #tpu.dot_dimension_numbers<[1], [0], [0], [1], [0, 0, 1, 1], [], []>, transpose_lhs_hint = false} : vector<64x768xf32>, vector<768x768xf32>, vector<64x768xf32> -> vector<64x768xf32>
    %get3A_95 = arith.constant 0 : index
    %get3A_96 = arith.constant 0 : index
    %get3A_97 = vector.load %arg10[%get3A_95, %get3A_96] : memref<1x768xf32, #tpu.memory_space<vmem>>, vector<1x768xf32>
    %add3A = vector.broadcast %get3A_97 : vector<1x768xf32> to vector<64x768xf32>
    %add3A_98 = arith.addf %dot_general3A_94, %add3A : vector<64x768xf32>
    %mul3A = arith.constant 5.000000e-01 : f32
    %mul3A_99 = vector.broadcast %mul3A : f32 to vector<64x768xf32>
    %mul3A_100 = arith.mulf %mul3A_99, %add3A_98 : vector<64x768xf32>
    %mul3A_101 = arith.constant 0.707106769 : f32
    %mul3A_102 = vector.broadcast %mul3A_101 : f32 to vector<64x768xf32>
    %mul3A_103 = arith.mulf %add3A_98, %mul3A_102 : vector<64x768xf32>
    %erf3A = math.erf %mul3A_103 : vector<64x768xf32>
    %add3A_104 = arith.constant 1.000000e+00 : f32
    %add3A_105 = vector.broadcast %add3A_104 : f32 to vector<64x768xf32>
    %add3A_106 = arith.addf %add3A_105, %erf3A : vector<64x768xf32>
    %mul3A_107 = arith.mulf %mul3A_100, %add3A_106 : vector<64x768xf32>
    %get3A_108 = arith.constant 0 : index
    %get3A_109 = arith.constant 0 : index
    %get3A_110 = vector.load %arg11[%get3A_108, %get3A_109] : memref<768x64xf32, #tpu.memory_space<vmem>>, vector<768x64xf32>
    %dot_general3A_111 = arith.constant dense<0.000000e+00> : vector<64x64xf32>
    %dot_general3A_112 = tpu.matmul %mul3A_107, %get3A_110, %dot_general3A_111 {dimension_numbers = #tpu.dot_dimension_numbers<[1], [0], [0], [1], [0, 0, 1, 1], [], []>, transpose_lhs_hint = false} : vector<64x768xf32>, vector<768x64xf32>, vector<64x64xf32> -> vector<64x64xf32>
    %get3A_113 = arith.constant 0 : index
    %get3A_114 = arith.constant 0 : index
    %get3A_115 = vector.load %arg12[%get3A_113, %get3A_114] : memref<1x64xf32, #tpu.memory_space<vmem>>, vector<1x64xf32>
    %add3A_116 = vector.broadcast %get3A_115 : vector<1x64xf32> to vector<64x64xf32>
    %add3A_117 = arith.addf %dot_general3A_112, %add3A_116 : vector<64x64xf32>
    %exp3A = math.exp %add3A_117 : vector<64x64xf32>
    %iota3A = tpu.iota {dimensions = array<i32: 0>} : vector<64x64xi32>
    %jit3A = arith.constant 8 : i32
    %div3A = vector.broadcast %jit3A : i32 to vector<64x64xi32>
    %div3A_118 = arith.divsi %iota3A, %div3A : vector<64x64xi32>
    %sign3A = arith.constant 0 : i32
    %sign3A_119 = vector.broadcast %sign3A : i32 to vector<64x64xi32>
    %sign3A_120 = arith.cmpi sgt, %iota3A, %sign3A_119 : vector<64x64xi32>
    %sign3A_121 = arith.extui %sign3A_120 : vector<64x64xi1> to vector<64x64xi32>
    %sign3A_122 = arith.constant 0 : i32
    %sign3A_123 = vector.broadcast %sign3A_122 : i32 to vector<64x64xi32>
    %sign3A_124 = arith.cmpi slt, %iota3A, %sign3A_123 : vector<64x64xi32>
    %sign3A_125 = arith.extui %sign3A_124 : vector<64x64xi1> to vector<64x64xi32>
    %sign3A_126 = arith.subi %sign3A_121, %sign3A_125 : vector<64x64xi32>
    %sign3A_127 = arith.constant 0 : i32
    %sign3A_128 = arith.cmpi sgt, %jit3A, %sign3A_127 : i32
    %sign3A_129 = arith.extui %sign3A_128 : i1 to i32
    %sign3A_130 = arith.constant 0 : i32
    %sign3A_131 = arith.cmpi slt, %jit3A, %sign3A_130 : i32
    %sign3A_132 = arith.extui %sign3A_131 : i1 to i32
    %sign3A_133 = arith.subi %sign3A_129, %sign3A_132 : i32
    %ne3A = vector.broadcast %sign3A_133 : i32 to vector<64x64xi32>
    %ne3A_134 = arith.cmpi ne, %sign3A_126, %ne3A : vector<64x64xi32>
    %rem3A = vector.broadcast %jit3A : i32 to vector<64x64xi32>
    %rem3A_135 = arith.remsi %iota3A, %rem3A : vector<64x64xi32>
    %ne3A_136 = arith.constant 0 : i32
    %ne3A_137 = vector.broadcast %ne3A_136 : i32 to vector<64x64xi32>
    %ne3A_138 = arith.cmpi ne, %rem3A_135, %ne3A_137 : vector<64x64xi32>
    %and3A = arith.andi %ne3A_134, %ne3A_138 : vector<64x64xi1>
    %sub3A = arith.constant 1 : i32
    %sub3A_139 = vector.broadcast %sub3A : i32 to vector<64x64xi32>
    %sub3A_140 = arith.subi %div3A_118, %sub3A_139 : vector<64x64xi32>
    %select_n3A = arith.select %and3A, %sub3A_140, %div3A_118 : vector<64x64xi1>, vector<64x64xi32>
    %iota3A_141 = tpu.iota {dimensions = array<i32: 1>} : vector<64x64xi32>
    %jit3A_142 = arith.constant 8 : i32
    %div3A_143 = vector.broadcast %jit3A_142 : i32 to vector<64x64xi32>
    %div3A_144 = arith.divsi %iota3A_141, %div3A_143 : vector<64x64xi32>
    %sign3A_145 = arith.constant 0 : i32
    %sign3A_146 = vector.broadcast %sign3A_145 : i32 to vector<64x64xi32>
    %sign3A_147 = arith.cmpi sgt, %iota3A_141, %sign3A_146 : vector<64x64xi32>
    %sign3A_148 = arith.extui %sign3A_147 : vector<64x64xi1> to vector<64x64xi32>
    %sign3A_149 = arith.constant 0 : i32
    %sign3A_150 = vector.broadcast %sign3A_149 : i32 to vector<64x64xi32>
    %sign3A_151 = arith.cmpi slt, %iota3A_141, %sign3A_150 : vector<64x64xi32>
    %sign3A_152 = arith.extui %sign3A_151 : vector<64x64xi1> to vector<64x64xi32>
    %sign3A_153 = arith.subi %sign3A_148, %sign3A_152 : vector<64x64xi32>
    %sign3A_154 = arith.constant 0 : i32
    %sign3A_155 = arith.cmpi sgt, %jit3A_142, %sign3A_154 : i32
    %sign3A_156 = arith.extui %sign3A_155 : i1 to i32
    %sign3A_157 = arith.constant 0 : i32
    %sign3A_158 = arith.cmpi slt, %jit3A_142, %sign3A_157 : i32
    %sign3A_159 = arith.extui %sign3A_158 : i1 to i32
    %sign3A_160 = arith.subi %sign3A_156, %sign3A_159 : i32
    %ne3A_161 = vector.broadcast %sign3A_160 : i32 to vector<64x64xi32>
    %ne3A_162 = arith.cmpi ne, %sign3A_153, %ne3A_161 : vector<64x64xi32>
    %rem3A_163 = vector.broadcast %jit3A_142 : i32 to vector<64x64xi32>
    %rem3A_164 = arith.remsi %iota3A_141, %rem3A_163 : vector<64x64xi32>
    %ne3A_165 = arith.constant 0 : i32
    %ne3A_166 = vector.broadcast %ne3A_165 : i32 to vector<64x64xi32>
    %ne3A_167 = arith.cmpi ne, %rem3A_164, %ne3A_166 : vector<64x64xi32>
    %and3A_168 = arith.andi %ne3A_162, %ne3A_167 : vector<64x64xi1>
    %sub3A_169 = arith.constant 1 : i32
    %sub3A_170 = vector.broadcast %sub3A_169 : i32 to vector<64x64xi32>
    %sub3A_171 = arith.subi %div3A_144, %sub3A_170 : vector<64x64xi32>
    %select_n3A_172 = arith.select %and3A_168, %sub3A_171, %div3A_144 : vector<64x64xi1>, vector<64x64xi32>
    %eq3A = arith.cmpi eq, %select_n3A, %select_n3A_172 : vector<64x64xi32>
    %convert_element_type3A = arith.extui %eq3A : vector<64x64xi1> to vector<64x64xi32>
    %convert_element_type3A_173 = arith.sitofp %convert_element_type3A : vector<64x64xi32> to vector<64x64xf32>
    %dot_general3A_174 = arith.constant dense<0.000000e+00> : vector<64x64xf32>
    %dot_general3A_175 = tpu.matmul %exp3A, %convert_element_type3A_173, %dot_general3A_174 {dimension_numbers = #tpu.dot_dimension_numbers<[1], [0], [0], [1], [0, 0, 1, 1], [], []>, transpose_lhs_hint = false} : vector<64x64xf32>, vector<64x64xf32>, vector<64x64xf32> -> vector<64x64xf32>
    %div3A_176 = arith.divf %exp3A, %dot_general3A_175 : vector<64x64xf32>
    %transpose3A = tpu.transpose %div3A_176, [1, 0] : vector<64x64xf32> -> vector<64x64xf32>
    %get3A_177 = arith.constant 0 : index
    %get3A_178 = arith.constant 0 : index
    %get3A_179 = arith.constant 0 : index
    %get3A_180 = vector.load %arg2[%get3A_177, %get3A_178, %get3A_179] : memref<1x64x768xf32, #tpu.memory_space<vmem>>, vector<1x64x768xf32>
    %get3A_181 = vector.shape_cast %get3A_180 : vector<1x64x768xf32> to vector<64x768xf32>
    %get3A_182 = arith.constant 0 : index
    %get3A_183 = arith.constant 0 : index
    %get3A_184 = vector.load %arg5[%get3A_182, %get3A_183] : memref<768x768xf32, #tpu.memory_space<vmem>>, vector<768x768xf32>
    %dot_general3A_185 = arith.constant dense<0.000000e+00> : vector<64x768xf32>
    %dot_general3A_186 = tpu.matmul %get3A_181, %get3A_184, %dot_general3A_185 {dimension_numbers = #tpu.dot_dimension_numbers<[1], [0], [0], [1], [0, 0, 1, 1], [], []>, transpose_lhs_hint = false} : vector<64x768xf32>, vector<768x768xf32>, vector<64x768xf32> -> vector<64x768xf32>
    %get3A_187 = arith.constant 0 : index
    %get3A_188 = arith.constant 0 : index
    %get3A_189 = vector.load %arg6[%get3A_187, %get3A_188] : memref<1x768xf32, #tpu.memory_space<vmem>>, vector<1x768xf32>
    %add3A_190 = vector.broadcast %get3A_189 : vector<1x768xf32> to vector<64x768xf32>
    %add3A_191 = arith.addf %dot_general3A_186, %add3A_190 : vector<64x768xf32>
    %mul3A_192 = arith.constant 5.000000e-01 : f32
    %mul3A_193 = vector.broadcast %mul3A_192 : f32 to vector<64x768xf32>
    %mul3A_194 = arith.mulf %mul3A_193, %add3A_191 : vector<64x768xf32>
    %mul3A_195 = arith.constant 0.707106769 : f32
    %mul3A_196 = vector.broadcast %mul3A_195 : f32 to vector<64x768xf32>
    %mul3A_197 = arith.mulf %add3A_191, %mul3A_196 : vector<64x768xf32>
    %erf3A_198 = math.erf %mul3A_197 : vector<64x768xf32>
    %add3A_199 = arith.constant 1.000000e+00 : f32
    %add3A_200 = vector.broadcast %add3A_199 : f32 to vector<64x768xf32>
    %add3A_201 = arith.addf %add3A_200, %erf3A_198 : vector<64x768xf32>
    %mul3A_202 = arith.mulf %mul3A_194, %add3A_201 : vector<64x768xf32>
    %get3A_203 = arith.constant 0 : index
    %get3A_204 = arith.constant 0 : index
    %get3A_205 = vector.load %arg7[%get3A_203, %get3A_204] : memref<768x128xf32, #tpu.memory_space<vmem>>, vector<768x128xf32>
    %dot_general3A_206 = arith.constant dense<0.000000e+00> : vector<64x128xf32>
    %dot_general3A_207 = tpu.matmul %mul3A_202, %get3A_205, %dot_general3A_206 {dimension_numbers = #tpu.dot_dimension_numbers<[1], [0], [0], [1], [0, 0, 1, 1], [], []>, transpose_lhs_hint = false} : vector<64x768xf32>, vector<768x128xf32>, vector<64x128xf32> -> vector<64x128xf32>
    %get3A_208 = arith.constant 0 : index
    %get3A_209 = arith.constant 0 : index
    %get3A_210 = vector.load %arg8[%get3A_208, %get3A_209] : memref<1x128xf32, #tpu.memory_space<vmem>>, vector<1x128xf32>
    %add3A_211 = vector.broadcast %get3A_210 : vector<1x128xf32> to vector<64x128xf32>
    %add3A_212 = arith.addf %dot_general3A_207, %add3A_211 : vector<64x128xf32>
    %tanh3A = math.tanh %add3A_212 : vector<64x128xf32>
    %transpose3A_213 = tpu.transpose %tanh3A, [1, 0] : vector<64x128xf32> -> vector<128x64xf32>
    %iota3A_214 = tpu.iota {dimensions = array<i32: 0>} : vector<64x128xi32>
    %iota3A_215 = tpu.iota {dimensions = array<i32: 1>} : vector<64x128xi32>
    %mul3A_216 = arith.constant 2 : i32
    %mul3A_217 = vector.broadcast %mul3A_216 : i32 to vector<64x128xi32>
    %mul3A_218 = arith.muli %mul3A_217, %iota3A_214 : vector<64x128xi32>
    %eq3A_219 = arith.cmpi eq, %iota3A_215, %mul3A_218 : vector<64x128xi32>
    %convert_element_type3A_220 = arith.extui %eq3A_219 : vector<64x128xi1> to vector<64x128xi32>
    %convert_element_type3A_221 = arith.sitofp %convert_element_type3A_220 : vector<64x128xi32> to vector<64x128xf32>
    %convert_element_type3A_222 = arith.truncf %transpose3A_213 : vector<128x64xf32> to vector<128x64xbf16>
    %convert_element_type3A_223 = arith.extf %convert_element_type3A_222 : vector<128x64xbf16> to vector<128x64xf32>
    %sub3A_224 = arith.subf %transpose3A_213, %convert_element_type3A_223 : vector<128x64xf32>
    %convert_element_type3A_225 = arith.truncf %sub3A_224 : vector<128x64xf32> to vector<128x64xbf16>
    %convert_element_type3A_226 = arith.extf %convert_element_type3A_225 : vector<128x64xbf16> to vector<128x64xf32>
    %sub3A_227 = arith.subf %sub3A_224, %convert_element_type3A_226 : vector<128x64xf32>
    %dot_general3A_228 = arith.constant dense<0.000000e+00> : vector<64x64xf32>
    %dot_general3A_229 = tpu.matmul %convert_element_type3A_221, %convert_element_type3A_223, %dot_general3A_228 {dimension_numbers = #tpu.dot_dimension_numbers<[1], [0], [0], [1], [0, 0, 1, 1], [], []>, transpose_lhs_hint = false} : vector<64x128xf32>, vector<128x64xf32>, vector<64x64xf32> -> vector<64x64xf32>
    %dot_general3A_230 = arith.constant dense<0.000000e+00> : vector<64x64xf32>
    %dot_general3A_231 = tpu.matmul %convert_element_type3A_221, %convert_element_type3A_226, %dot_general3A_230 {dimension_numbers = #tpu.dot_dimension_numbers<[1], [0], [0], [1], [0, 0, 1, 1], [], []>, transpose_lhs_hint = false} : vector<64x128xf32>, vector<128x64xf32>, vector<64x64xf32> -> vector<64x64xf32>
    %dot_general3A_232 = arith.constant dense<0.000000e+00> : vector<64x64xf32>
    %dot_general3A_233 = tpu.matmul %convert_element_type3A_221, %sub3A_227, %dot_general3A_232 {dimension_numbers = #tpu.dot_dimension_numbers<[1], [0], [0], [1], [0, 0, 1, 1], [], []>, transpose_lhs_hint = false} : vector<64x128xf32>, vector<128x64xf32>, vector<64x64xf32> -> vector<64x64xf32>
    %add3A_234 = arith.addf %dot_general3A_231, %dot_general3A_233 : vector<64x64xf32>
    %add3A_235 = arith.addf %dot_general3A_229, %add3A_234 : vector<64x64xf32>
    %mul3A_236 = arith.constant 2 : i32
    %mul3A_237 = vector.broadcast %mul3A_236 : i32 to vector<64x128xi32>
    %mul3A_238 = arith.muli %mul3A_237, %iota3A_214 : vector<64x128xi32>
    %add3A_239 = arith.constant 1 : i32
    %add3A_240 = vector.broadcast %add3A_239 : i32 to vector<64x128xi32>
    %add3A_241 = arith.addi %mul3A_238, %add3A_240 : vector<64x128xi32>
    %eq3A_242 = arith.cmpi eq, %iota3A_215, %add3A_241 : vector<64x128xi32>
    %convert_element_type3A_243 = arith.extui %eq3A_242 : vector<64x128xi1> to vector<64x128xi32>
    %convert_element_type3A_244 = arith.sitofp %convert_element_type3A_243 : vector<64x128xi32> to vector<64x128xf32>
    %convert_element_type3A_245 = arith.truncf %transpose3A_213 : vector<128x64xf32> to vector<128x64xbf16>
    %convert_element_type3A_246 = arith.extf %convert_element_type3A_245 : vector<128x64xbf16> to vector<128x64xf32>
    %sub3A_247 = arith.subf %transpose3A_213, %convert_element_type3A_246 : vector<128x64xf32>
    %convert_element_type3A_248 = arith.truncf %sub3A_247 : vector<128x64xf32> to vector<128x64xbf16>
    %convert_element_type3A_249 = arith.extf %convert_element_type3A_248 : vector<128x64xbf16> to vector<128x64xf32>
    %sub3A_250 = arith.subf %sub3A_247, %convert_element_type3A_249 : vector<128x64xf32>
    %dot_general3A_251 = arith.constant dense<0.000000e+00> : vector<64x64xf32>
    %dot_general3A_252 = tpu.matmul %convert_element_type3A_244, %convert_element_type3A_246, %dot_general3A_251 {dimension_numbers = #tpu.dot_dimension_numbers<[1], [0], [0], [1], [0, 0, 1, 1], [], []>, transpose_lhs_hint = false} : vector<64x128xf32>, vector<128x64xf32>, vector<64x64xf32> -> vector<64x64xf32>
    %dot_general3A_253 = arith.constant dense<0.000000e+00> : vector<64x64xf32>
    %dot_general3A_254 = tpu.matmul %convert_element_type3A_244, %convert_element_type3A_249, %dot_general3A_253 {dimension_numbers = #tpu.dot_dimension_numbers<[1], [0], [0], [1], [0, 0, 1, 1], [], []>, transpose_lhs_hint = false} : vector<64x128xf32>, vector<128x64xf32>, vector<64x64xf32> -> vector<64x64xf32>
    %dot_general3A_255 = arith.constant dense<0.000000e+00> : vector<64x64xf32>
    %dot_general3A_256 = tpu.matmul %convert_element_type3A_244, %sub3A_250, %dot_general3A_255 {dimension_numbers = #tpu.dot_dimension_numbers<[1], [0], [0], [1], [0, 0, 1, 1], [], []>, transpose_lhs_hint = false} : vector<64x128xf32>, vector<128x64xf32>, vector<64x64xf32> -> vector<64x64xf32>
    %add3A_257 = arith.addf %dot_general3A_254, %dot_general3A_256 : vector<64x64xf32>
    %add3A_258 = arith.addf %dot_general3A_252, %add3A_257 : vector<64x64xf32>
    %add3A_259 = arith.constant 1.000000e+00 : f32
    %add3A_260 = vector.broadcast %add3A_259 : f32 to vector<64x64xf32>
    %add3A_261 = arith.addf %add3A_235, %add3A_260 : vector<64x64xf32>
    %mul3A_262 = arith.constant 1.550000e+01 : f32
    %mul3A_263 = vector.broadcast %mul3A_262 : f32 to vector<64x64xf32>
    %mul3A_264 = arith.mulf %add3A_261, %mul3A_263 : vector<64x64xf32>
    %add3A_265 = arith.constant 1.000000e+00 : f32
    %add3A_266 = vector.broadcast %add3A_265 : f32 to vector<64x64xf32>
    %add3A_267 = arith.addf %add3A_258, %add3A_266 : vector<64x64xf32>
    %mul3A_268 = arith.constant 1.550000e+01 : f32
    %mul3A_269 = vector.broadcast %mul3A_268 : f32 to vector<64x64xf32>
    %mul3A_270 = arith.mulf %add3A_267, %mul3A_269 : vector<64x64xf32>
    %floor3A = math.floor %mul3A_264 : vector<64x64xf32>
    %floor3A_271 = math.floor %mul3A_270 : vector<64x64xf32>
    %sub3A_272 = arith.subf %mul3A_264, %floor3A : vector<64x64xf32>
    %sub3A_273 = arith.constant 1.000000e+00 : f32
    %sub3A_274 = vector.broadcast %sub3A_273 : f32 to vector<64x64xf32>
    %sub3A_275 = arith.subf %sub3A_274, %sub3A_272 : vector<64x64xf32>
    %sub3A_276 = arith.subf %mul3A_270, %floor3A_271 : vector<64x64xf32>
    %sub3A_277 = arith.constant 1.000000e+00 : f32
    %sub3A_278 = vector.broadcast %sub3A_277 : f32 to vector<64x64xf32>
    %sub3A_279 = arith.subf %sub3A_278, %sub3A_276 : vector<64x64xf32>
    %convert_element_type3A_280 = arith.fptosi %floor3A : vector<64x64xf32> to vector<64x64xi32>
    %convert_element_type3A_281 = arith.fptosi %floor3A_271 : vector<64x64xf32> to vector<64x64xi32>
    %add3A_282 = arith.constant 1 : i32
    %add3A_283 = vector.broadcast %add3A_282 : i32 to vector<64x64xi32>
    %add3A_284 = arith.addi %convert_element_type3A_281, %add3A_283 : vector<64x64xi32>
    %min3A = arith.constant 31 : i32
    %min3A_285 = vector.broadcast %min3A : i32 to vector<64x64xi32>
    %min3A_286 = arith.minsi %add3A_284, %min3A_285 : vector<64x64xi32>
    %iota3A_287 = tpu.iota {dimensions = array<i32: 0>} : vector<64x64xi32>
    %jit3A_288 = arith.constant 8 : i32
    %div3A_289 = vector.broadcast %jit3A_288 : i32 to vector<64x64xi32>
    %div3A_290 = arith.divsi %iota3A_287, %div3A_289 : vector<64x64xi32>
    %sign3A_291 = arith.constant 0 : i32
    %sign3A_292 = vector.broadcast %sign3A_291 : i32 to vector<64x64xi32>
    %sign3A_293 = arith.cmpi sgt, %iota3A_287, %sign3A_292 : vector<64x64xi32>
    %sign3A_294 = arith.extui %sign3A_293 : vector<64x64xi1> to vector<64x64xi32>
    %sign3A_295 = arith.constant 0 : i32
    %sign3A_296 = vector.broadcast %sign3A_295 : i32 to vector<64x64xi32>
    %sign3A_297 = arith.cmpi slt, %iota3A_287, %sign3A_296 : vector<64x64xi32>
    %sign3A_298 = arith.extui %sign3A_297 : vector<64x64xi1> to vector<64x64xi32>
    %sign3A_299 = arith.subi %sign3A_294, %sign3A_298 : vector<64x64xi32>
    %sign3A_300 = arith.constant 0 : i32
    %sign3A_301 = arith.cmpi sgt, %jit3A_288, %sign3A_300 : i32
    %sign3A_302 = arith.extui %sign3A_301 : i1 to i32
    %sign3A_303 = arith.constant 0 : i32
    %sign3A_304 = arith.cmpi slt, %jit3A_288, %sign3A_303 : i32
    %sign3A_305 = arith.extui %sign3A_304 : i1 to i32
    %sign3A_306 = arith.subi %sign3A_302, %sign3A_305 : i32
    %ne3A_307 = vector.broadcast %sign3A_306 : i32 to vector<64x64xi32>
    %ne3A_308 = arith.cmpi ne, %sign3A_299, %ne3A_307 : vector<64x64xi32>
    %rem3A_309 = vector.broadcast %jit3A_288 : i32 to vector<64x64xi32>
    %rem3A_310 = arith.remsi %iota3A_287, %rem3A_309 : vector<64x64xi32>
    %ne3A_311 = arith.constant 0 : i32
    %ne3A_312 = vector.broadcast %ne3A_311 : i32 to vector<64x64xi32>
    %ne3A_313 = arith.cmpi ne, %rem3A_310, %ne3A_312 : vector<64x64xi32>
    %and3A_314 = arith.andi %ne3A_308, %ne3A_313 : vector<64x64xi1>
    %sub3A_315 = arith.constant 1 : i32
    %sub3A_316 = vector.broadcast %sub3A_315 : i32 to vector<64x64xi32>
    %sub3A_317 = arith.subi %div3A_290, %sub3A_316 : vector<64x64xi32>
    %select_n3A_318 = arith.select %and3A_314, %sub3A_317, %div3A_290 : vector<64x64xi1>, vector<64x64xi32>
    %mul3A_319 = arith.constant 8 : i32
    %mul3A_320 = arith.muli %arg0, %mul3A_319 : i32
    %add3A_321 = vector.broadcast %mul3A_320 : i32 to vector<64x64xi32>
    %add3A_322 = arith.addi %add3A_321, %select_n3A_318 : vector<64x64xi32>
    %mul3A_323 = arith.constant 1024 : i32
    %mul3A_324 = vector.broadcast %mul3A_323 : i32 to vector<64x64xi32>
    %mul3A_325 = arith.muli %add3A_322, %mul3A_324 : vector<64x64xi32>
    %mul3A_326 = arith.constant 32 : i32
    %mul3A_327 = vector.broadcast %mul3A_326 : i32 to vector<64x64xi32>
    %mul3A_328 = arith.muli %convert_element_type3A_281, %mul3A_327 : vector<64x64xi32>
    %add3A_329 = arith.addi %mul3A_325, %mul3A_328 : vector<64x64xi32>
    %add3A_330 = arith.addi %add3A_329, %convert_element_type3A_280 : vector<64x64xi32>
    %swap3A_331 = arith.constant 0 : index
    %swap3A_332 = arith.constant 0 : index
    %swap3A_333 = arith.constant 0 : index
    %swap3A_334 = arith.constant 0 : index
    %swap3A_335 = vector.load %arg14[%swap3A_331, %swap3A_332, %swap3A_333, %swap3A_334] : memref<1x2x64x64xi32, #tpu.memory_space<vmem>>, vector<1x1x64x64xi32>
    %swap3A_336 = vector.shape_cast %swap3A_335 : vector<1x1x64x64xi32> to vector<64x64xi32>
    %swap3A_337 = vector.shape_cast %add3A_330 : vector<64x64xi32> to vector<1x1x64x64xi32>
    tpu.vector_store %arg14[%swap3A_331, %swap3A_332, %swap3A_333, %swap3A_334], %swap3A_337 {strides = array<i32>} : memref<1x2x64x64xi32, #tpu.memory_space<vmem>>, vector<1x1x64x64xi32>,
    %mul3A_338 = arith.mulf %transpose3A, %sub3A_279 : vector<64x64xf32>
    %mul3A_339 = arith.mulf %mul3A_338, %sub3A_275 : vector<64x64xf32>
    %swap3A_340 = arith.constant 0 : index
    %swap3A_341 = arith.constant 0 : index
    %swap3A_342 = arith.constant 0 : index
    %swap3A_343 = arith.constant 0 : index
    %swap3A_344 = arith.constant 0 : index
    %swap3A_345 = vector.load %arg15[%swap3A_340, %swap3A_341, %swap3A_342, %swap3A_343, %swap3A_344] : memref<1x2x2x64x64xf32, #tpu.memory_space<vmem>>, vector<1x1x1x64x64xf32>
    %swap3A_346 = vector.shape_cast %swap3A_345 : vector<1x1x1x64x64xf32> to vector<64x64xf32>
    %swap3A_347 = vector.shape_cast %mul3A_339 : vector<64x64xf32> to vector<1x1x1x64x64xf32>
    tpu.vector_store %arg15[%swap3A_340, %swap3A_341, %swap3A_342, %swap3A_343, %swap3A_344], %swap3A_347 {strides = array<i32>} : memref<1x2x2x64x64xf32, #tpu.memory_space<vmem>>, vector<1x1x1x64x64xf32>,
    %mul3A_348 = arith.mulf %transpose3A, %sub3A_279 : vector<64x64xf32>
    %mul3A_349 = arith.mulf %mul3A_348, %sub3A_272 : vector<64x64xf32>
    %swap3A_350 = arith.constant 0 : index
    %swap3A_351 = arith.constant 0 : index
    %swap3A_352 = arith.constant 1 : index
    %swap3A_353 = arith.constant 0 : index
    %swap3A_354 = arith.constant 0 : index
    %swap3A_355 = vector.load %arg15[%swap3A_350, %swap3A_351, %swap3A_352, %swap3A_353, %swap3A_354] : memref<1x2x2x64x64xf32, #tpu.memory_space<vmem>>, vector<1x1x1x64x64xf32>
    %swap3A_356 = vector.shape_cast %swap3A_355 : vector<1x1x1x64x64xf32> to vector<64x64xf32>
    %swap3A_357 = vector.shape_cast %mul3A_349 : vector<64x64xf32> to vector<1x1x1x64x64xf32>
    tpu.vector_store %arg15[%swap3A_350, %swap3A_351, %swap3A_352, %swap3A_353, %swap3A_354], %swap3A_357 {strides = array<i32>} : memref<1x2x2x64x64xf32, #tpu.memory_space<vmem>>, vector<1x1x1x64x64xf32>,
    %mul3A_358 = arith.constant 32 : i32
    %mul3A_359 = vector.broadcast %mul3A_358 : i32 to vector<64x64xi32>
    %mul3A_360 = arith.muli %min3A_286, %mul3A_359 : vector<64x64xi32>
    %add3A_361 = arith.addi %mul3A_325, %mul3A_360 : vector<64x64xi32>
    %add3A_362 = arith.addi %add3A_361, %convert_element_type3A_280 : vector<64x64xi32>
    %swap3A_363 = arith.constant 0 : index
    %swap3A_364 = arith.constant 1 : index
    %swap3A_365 = arith.constant 0 : index
    %swap3A_366 = arith.constant 0 : index
    %swap3A_367 = vector.load %arg14[%swap3A_363, %swap3A_364, %swap3A_365, %swap3A_366] : memref<1x2x64x64xi32, #tpu.memory_space<vmem>>, vector<1x1x64x64xi32>
    %swap3A_368 = vector.shape_cast %swap3A_367 : vector<1x1x64x64xi32> to vector<64x64xi32>
    %swap3A_369 = vector.shape_cast %add3A_362 : vector<64x64xi32> to vector<1x1x64x64xi32>
    tpu.vector_store %arg14[%swap3A_363, %swap3A_364, %swap3A_365, %swap3A_366], %swap3A_369 {strides = array<i32>} : memref<1x2x64x64xi32, #tpu.memory_space<vmem>>, vector<1x1x64x64xi32>,
    %mul3A_370 = arith.mulf %transpose3A, %sub3A_276 : vector<64x64xf32>
    %mul3A_371 = arith.mulf %mul3A_370, %sub3A_275 : vector<64x64xf32>
    %swap3A_372 = arith.constant 0 : index
    %swap3A_373 = arith.constant 1 : index
    %swap3A_374 = arith.constant 0 : index
    %swap3A_375 = arith.constant 0 : index
    %swap3A_376 = arith.constant 0 : index
    %swap3A_377 = vector.load %arg15[%swap3A_372, %swap3A_373, %swap3A_374, %swap3A_375, %swap3A_376] : memref<1x2x2x64x64xf32, #tpu.memory_space<vmem>>, vector<1x1x1x64x64xf32>
    %swap3A_378 = vector.shape_cast %swap3A_377 : vector<1x1x1x64x64xf32> to vector<64x64xf32>
    %swap3A_379 = vector.shape_cast %mul3A_371 : vector<64x64xf32> to vector<1x1x1x64x64xf32>
    tpu.vector_store %arg15[%swap3A_372, %swap3A_373, %swap3A_374, %swap3A_375, %swap3A_376], %swap3A_379 {strides = array<i32>} : memref<1x2x2x64x64xf32, #tpu.memory_space<vmem>>, vector<1x1x1x64x64xf32>,
    %mul3A_380 = arith.mulf %transpose3A, %sub3A_276 : vector<64x64xf32>
    %mul3A_381 = arith.mulf %mul3A_380, %sub3A_272 : vector<64x64xf32>
    %swap3A_382 = arith.constant 0 : index
    %swap3A_383 = arith.constant 1 : index
    %swap3A_384 = arith.constant 1 : index
    %swap3A_385 = arith.constant 0 : index
    %swap3A_386 = arith.constant 0 : index
    %swap3A_387 = vector.load %arg15[%swap3A_382, %swap3A_383, %swap3A_384, %swap3A_385, %swap3A_386] : memref<1x2x2x64x64xf32, #tpu.memory_space<vmem>>, vector<1x1x1x64x64xf32>
    %swap3A_388 = vector.shape_cast %swap3A_387 : vector<1x1x1x64x64xf32> to vector<64x64xf32>
    %swap3A_389 = vector.shape_cast %mul3A_381 : vector<64x64xf32> to vector<1x1x1x64x64xf32>
    tpu.vector_store %arg15[%swap3A_382, %swap3A_383, %swap3A_384, %swap3A_385, %swap3A_386], %swap3A_389 {strides = array<i32>} : memref<1x2x2x64x64xf32, #tpu.memory_space<vmem>>, vector<1x1x1x64x64xf32>,
    return
  }
  func.func @transform_0(%arg0: i32) -> (i32, i32, i32) {
    %c0_i32 = arith.constant 0 : i32
    %c0_i32_0 = arith.constant 0 : i32
    %c0_i32_1 = arith.constant 0 : i32
    return %arg0, %c0_i32, %c0_i32_0 : i32, i32, i32
  }
  func.func @transform_1(%arg0: i32) -> (i32, i32, i32) {
    %c0_i32 = arith.constant 0 : i32
    %c0_i32_0 = arith.constant 0 : i32
    %c0_i32_1 = arith.constant 0 : i32
    return %arg0, %c0_i32, %c0_i32_0 : i32, i32, i32
  }
  func.func @transform_2(%arg0: i32) -> (i32, i32, i32) {
    %c0_i32 = arith.constant 0 : i32
    %c0_i32_0 = arith.constant 0 : i32
    %c0_i32_1 = arith.constant 0 : i32
    return %arg0, %c0_i32, %c0_i32_0 : i32, i32, i32
  }
  func.func @transform_3(%arg0: i32) -> (i32, i32) {
    %c0_i32 = arith.constant 0 : i32
    %c0_i32_0 = arith.constant 0 : i32
    %c0_i32_1 = arith.constant 0 : i32
    return %c0_i32, %c0_i32_0 : i32, i32
  }
  func.func @transform_4(%arg0: i32) -> (i32, i32) {
    %c0_i32 = arith.constant 0 : i32
    %c0_i32_0 = arith.constant 0 : i32
    %c0_i32_1 = arith.constant 0 : i32
    return %c0_i32, %c0_i32_0 : i32, i32
  }
  func.func @transform_5(%arg0: i32) -> (i32, i32) {
    %c0_i32 = arith.constant 0 : i32
    %c0_i32_0 = arith.constant 0 : i32
    %c0_i32_1 = arith.constant 0 : i32
    return %c0_i32, %c0_i32_0 : i32, i32
  }
  func.func @transform_6(%arg0: i32) -> (i32, i32) {
    %c0_i32 = arith.constant 0 : i32
    %c0_i32_0 = arith.constant 0 : i32
    %c0_i32_1 = arith.constant 0 : i32
    return %c0_i32, %c0_i32_0 : i32, i32
  }
  func.func @transform_7(%arg0: i32) -> (i32, i32) {
    %c0_i32 = arith.constant 0 : i32
    %c0_i32_0 = arith.constant 0 : i32
    %c0_i32_1 = arith.constant 0 : i32
    return %c0_i32, %c0_i32_0 : i32, i32
  }
  func.func @transform_8(%arg0: i32) -> (i32, i32) {
    %c0_i32 = arith.constant 0 : i32
    %c0_i32_0 = arith.constant 0 : i32
    %c0_i32_1 = arith.constant 0 : i32
    return %c0_i32, %c0_i32_0 : i32, i32
  }
  func.func @transform_9(%arg0: i32) -> (i32, i32) {
    %c0_i32 = arith.constant 0 : i32
    %c0_i32_0 = arith.constant 0 : i32
    %c0_i32_1 = arith.constant 0 : i32
    return %c0_i32, %c0_i32_0 : i32, i32
  }
  func.func @transform_10(%arg0: i32) -> (i32, i32) {
    %c0_i32 = arith.constant 0 : i32
    %c0_i32_0 = arith.constant 0 : i32
    %c0_i32_1 = arith.constant 0 : i32
    return %c0_i32, %c0_i32_0 : i32, i32
  }
  func.func @transform_11(%arg0: i32) -> (i32, i32) {
    %c0_i32 = arith.constant 0 : i32
    %c0_i32_0 = arith.constant 0 : i32
    %c0_i32_1 = arith.constant 0 : i32
    return %c0_i32, %c0_i32_0 : i32, i32
  }
  func.func @transform_12(%arg0: i32) -> (i32, i32) {
    %c0_i32 = arith.constant 0 : i32
    %c0_i32_0 = arith.constant 0 : i32
    return %arg0, %c0_i32 : i32, i32
  }
  func.func @transform_13(%arg0: i32) -> (i32, i32, i32, i32) {
    %c0_i32 = arith.constant 0 : i32
    %c0_i32_0 = arith.constant 0 : i32
    %c0_i32_1 = arith.constant 0 : i32
    %c0_i32_2 = arith.constant 0 : i32
    return %arg0, %c0_i32, %c0_i32_0, %c0_i32_1 : i32, i32, i32, i32
  }
  func.func @transform_14(%arg0: i32) -> (i32, i32, i32, i32, i32) {
    %c0_i32 = arith.constant 0 : i32
    %c0_i32_0 = arith.constant 0 : i32
    %c0_i32_1 = arith.constant 0 : i32
    %c0_i32_2 = arith.constant 0 : i32
    %c0_i32_3 = arith.constant 0 : i32
    return %arg0, %c0_i32, %c0_i32_0, %c0_i32_1, %c0_i32_2 : i32, i32, i32, i32, i32
  }
}

module attributes {stable_mosaic.version = 14 : i64} {
  func.func @_stage3(%arg0: i32, %arg1: memref<1x8x64x64xf32, #tpu.memory_space<vmem>>, %arg2: memref<512x768xf32, #tpu.memory_space<vmem>>, %arg3: memref<1x768xf32, #tpu.memory_space<vmem>>, %arg4: memref<1x64x768xf32, #tpu.memory_space<vmem>>) attributes {dimension_semantics = [#tpu.dimension_semantics<arbitrary>], iteration_bounds = array<i64: 4>, scalar_prefetch = 0 : i64, scratch_operands = 0 : i64, tpu.core_type = #tpu.core_type<tc>, window_params = [{transform_indices = @transform_0, window_bounds = array<i64: 1, 8, 64, 64>}, {pipeline_mode = #tpu.pipeline_mode<synchronous>, transform_indices = @transform_1, window_bounds = array<i64: 512, 768>}, {pipeline_mode = #tpu.pipeline_mode<synchronous>, transform_indices = @transform_2, window_bounds = array<i64: 1, 768>}, {transform_indices = @transform_3, window_bounds = array<i64: 1, 64, 768>}]} {
    %get3A = arith.constant 0 : index
    %get3A_0 = arith.constant 0 : index
    %get3A_1 = arith.constant 0 : index
    %get3A_2 = arith.constant 0 : index
    %get3A_3 = vector.load %arg1[%get3A, %get3A_0, %get3A_1, %get3A_2] : memref<1x8x64x64xf32, #tpu.memory_space<vmem>>, vector<1x1x64x64xf32>
    %get3A_4 = vector.shape_cast %get3A_3 : vector<1x1x64x64xf32> to vector<64x64xf32>
    %get3A_5 = arith.constant 0 : index
    %get3A_6 = arith.constant 0 : index
    %get3A_7 = vector.load %arg2[%get3A_5, %get3A_6] : memref<512x768xf32, #tpu.memory_space<vmem>>, vector<64x768xf32>
    %dot_general3A = arith.constant dense<0.000000e+00> : vector<64x768xf32>
    %dot_general3A_8 = tpu.matmul %get3A_4, %get3A_7, %dot_general3A {dimension_numbers = #tpu.dot_dimension_numbers<[1], [0], [0], [1], [0, 0, 1, 1], [], []>, transpose_lhs_hint = false} : vector<64x64xf32>, vector<64x768xf32>, vector<64x768xf32> -> vector<64x768xf32>
    %get3A_9 = arith.constant 0 : index
    %get3A_10 = arith.constant 1 : index
    %get3A_11 = arith.constant 0 : index
    %get3A_12 = arith.constant 0 : index
    %get3A_13 = vector.load %arg1[%get3A_9, %get3A_10, %get3A_11, %get3A_12] : memref<1x8x64x64xf32, #tpu.memory_space<vmem>>, vector<1x1x64x64xf32>
    %get3A_14 = vector.shape_cast %get3A_13 : vector<1x1x64x64xf32> to vector<64x64xf32>
    %get3A_15 = arith.constant 64 : index
    %get3A_16 = arith.constant 0 : index
    %get3A_17 = vector.load %arg2[%get3A_15, %get3A_16] : memref<512x768xf32, #tpu.memory_space<vmem>>, vector<64x768xf32>
    %dot_general3A_18 = arith.constant dense<0.000000e+00> : vector<64x768xf32>
    %dot_general3A_19 = tpu.matmul %get3A_14, %get3A_17, %dot_general3A_18 {dimension_numbers = #tpu.dot_dimension_numbers<[1], [0], [0], [1], [0, 0, 1, 1], [], []>, transpose_lhs_hint = false} : vector<64x64xf32>, vector<64x768xf32>, vector<64x768xf32> -> vector<64x768xf32>
    %add3A = arith.addf %dot_general3A_8, %dot_general3A_19 : vector<64x768xf32>
    %get3A_20 = arith.constant 0 : index
    %get3A_21 = arith.constant 2 : index
    %get3A_22 = arith.constant 0 : index
    %get3A_23 = arith.constant 0 : index
    %get3A_24 = vector.load %arg1[%get3A_20, %get3A_21, %get3A_22, %get3A_23] : memref<1x8x64x64xf32, #tpu.memory_space<vmem>>, vector<1x1x64x64xf32>
    %get3A_25 = vector.shape_cast %get3A_24 : vector<1x1x64x64xf32> to vector<64x64xf32>
    %get3A_26 = arith.constant 128 : index
    %get3A_27 = arith.constant 0 : index
    %get3A_28 = vector.load %arg2[%get3A_26, %get3A_27] : memref<512x768xf32, #tpu.memory_space<vmem>>, vector<64x768xf32>
    %dot_general3A_29 = arith.constant dense<0.000000e+00> : vector<64x768xf32>
    %dot_general3A_30 = tpu.matmul %get3A_25, %get3A_28, %dot_general3A_29 {dimension_numbers = #tpu.dot_dimension_numbers<[1], [0], [0], [1], [0, 0, 1, 1], [], []>, transpose_lhs_hint = false} : vector<64x64xf32>, vector<64x768xf32>, vector<64x768xf32> -> vector<64x768xf32>
    %add3A_31 = arith.addf %add3A, %dot_general3A_30 : vector<64x768xf32>
    %get3A_32 = arith.constant 0 : index
    %get3A_33 = arith.constant 3 : index
    %get3A_34 = arith.constant 0 : index
    %get3A_35 = arith.constant 0 : index
    %get3A_36 = vector.load %arg1[%get3A_32, %get3A_33, %get3A_34, %get3A_35] : memref<1x8x64x64xf32, #tpu.memory_space<vmem>>, vector<1x1x64x64xf32>
    %get3A_37 = vector.shape_cast %get3A_36 : vector<1x1x64x64xf32> to vector<64x64xf32>
    %get3A_38 = arith.constant 192 : index
    %get3A_39 = arith.constant 0 : index
    %get3A_40 = vector.load %arg2[%get3A_38, %get3A_39] : memref<512x768xf32, #tpu.memory_space<vmem>>, vector<64x768xf32>
    %dot_general3A_41 = arith.constant dense<0.000000e+00> : vector<64x768xf32>
    %dot_general3A_42 = tpu.matmul %get3A_37, %get3A_40, %dot_general3A_41 {dimension_numbers = #tpu.dot_dimension_numbers<[1], [0], [0], [1], [0, 0, 1, 1], [], []>, transpose_lhs_hint = false} : vector<64x64xf32>, vector<64x768xf32>, vector<64x768xf32> -> vector<64x768xf32>
    %add3A_43 = arith.addf %add3A_31, %dot_general3A_42 : vector<64x768xf32>
    %get3A_44 = arith.constant 0 : index
    %get3A_45 = arith.constant 4 : index
    %get3A_46 = arith.constant 0 : index
    %get3A_47 = arith.constant 0 : index
    %get3A_48 = vector.load %arg1[%get3A_44, %get3A_45, %get3A_46, %get3A_47] : memref<1x8x64x64xf32, #tpu.memory_space<vmem>>, vector<1x1x64x64xf32>
    %get3A_49 = vector.shape_cast %get3A_48 : vector<1x1x64x64xf32> to vector<64x64xf32>
    %get3A_50 = arith.constant 256 : index
    %get3A_51 = arith.constant 0 : index
    %get3A_52 = vector.load %arg2[%get3A_50, %get3A_51] : memref<512x768xf32, #tpu.memory_space<vmem>>, vector<64x768xf32>
    %dot_general3A_53 = arith.constant dense<0.000000e+00> : vector<64x768xf32>
    %dot_general3A_54 = tpu.matmul %get3A_49, %get3A_52, %dot_general3A_53 {dimension_numbers = #tpu.dot_dimension_numbers<[1], [0], [0], [1], [0, 0, 1, 1], [], []>, transpose_lhs_hint = false} : vector<64x64xf32>, vector<64x768xf32>, vector<64x768xf32> -> vector<64x768xf32>
    %add3A_55 = arith.addf %add3A_43, %dot_general3A_54 : vector<64x768xf32>
    %get3A_56 = arith.constant 0 : index
    %get3A_57 = arith.constant 5 : index
    %get3A_58 = arith.constant 0 : index
    %get3A_59 = arith.constant 0 : index
    %get3A_60 = vector.load %arg1[%get3A_56, %get3A_57, %get3A_58, %get3A_59] : memref<1x8x64x64xf32, #tpu.memory_space<vmem>>, vector<1x1x64x64xf32>
    %get3A_61 = vector.shape_cast %get3A_60 : vector<1x1x64x64xf32> to vector<64x64xf32>
    %get3A_62 = arith.constant 320 : index
    %get3A_63 = arith.constant 0 : index
    %get3A_64 = vector.load %arg2[%get3A_62, %get3A_63] : memref<512x768xf32, #tpu.memory_space<vmem>>, vector<64x768xf32>
    %dot_general3A_65 = arith.constant dense<0.000000e+00> : vector<64x768xf32>
    %dot_general3A_66 = tpu.matmul %get3A_61, %get3A_64, %dot_general3A_65 {dimension_numbers = #tpu.dot_dimension_numbers<[1], [0], [0], [1], [0, 0, 1, 1], [], []>, transpose_lhs_hint = false} : vector<64x64xf32>, vector<64x768xf32>, vector<64x768xf32> -> vector<64x768xf32>
    %add3A_67 = arith.addf %add3A_55, %dot_general3A_66 : vector<64x768xf32>
    %get3A_68 = arith.constant 0 : index
    %get3A_69 = arith.constant 6 : index
    %get3A_70 = arith.constant 0 : index
    %get3A_71 = arith.constant 0 : index
    %get3A_72 = vector.load %arg1[%get3A_68, %get3A_69, %get3A_70, %get3A_71] : memref<1x8x64x64xf32, #tpu.memory_space<vmem>>, vector<1x1x64x64xf32>
    %get3A_73 = vector.shape_cast %get3A_72 : vector<1x1x64x64xf32> to vector<64x64xf32>
    %get3A_74 = arith.constant 384 : index
    %get3A_75 = arith.constant 0 : index
    %get3A_76 = vector.load %arg2[%get3A_74, %get3A_75] : memref<512x768xf32, #tpu.memory_space<vmem>>, vector<64x768xf32>
    %dot_general3A_77 = arith.constant dense<0.000000e+00> : vector<64x768xf32>
    %dot_general3A_78 = tpu.matmul %get3A_73, %get3A_76, %dot_general3A_77 {dimension_numbers = #tpu.dot_dimension_numbers<[1], [0], [0], [1], [0, 0, 1, 1], [], []>, transpose_lhs_hint = false} : vector<64x64xf32>, vector<64x768xf32>, vector<64x768xf32> -> vector<64x768xf32>
    %add3A_79 = arith.addf %add3A_67, %dot_general3A_78 : vector<64x768xf32>
    %get3A_80 = arith.constant 0 : index
    %get3A_81 = arith.constant 7 : index
    %get3A_82 = arith.constant 0 : index
    %get3A_83 = arith.constant 0 : index
    %get3A_84 = vector.load %arg1[%get3A_80, %get3A_81, %get3A_82, %get3A_83] : memref<1x8x64x64xf32, #tpu.memory_space<vmem>>, vector<1x1x64x64xf32>
    %get3A_85 = vector.shape_cast %get3A_84 : vector<1x1x64x64xf32> to vector<64x64xf32>
    %get3A_86 = arith.constant 448 : index
    %get3A_87 = arith.constant 0 : index
    %get3A_88 = vector.load %arg2[%get3A_86, %get3A_87] : memref<512x768xf32, #tpu.memory_space<vmem>>, vector<64x768xf32>
    %dot_general3A_89 = arith.constant dense<0.000000e+00> : vector<64x768xf32>
    %dot_general3A_90 = tpu.matmul %get3A_85, %get3A_88, %dot_general3A_89 {dimension_numbers = #tpu.dot_dimension_numbers<[1], [0], [0], [1], [0, 0, 1, 1], [], []>, transpose_lhs_hint = false} : vector<64x64xf32>, vector<64x768xf32>, vector<64x768xf32> -> vector<64x768xf32>
    %add3A_91 = arith.addf %add3A_79, %dot_general3A_90 : vector<64x768xf32>
    %get3A_92 = arith.constant 0 : index
    %get3A_93 = arith.constant 0 : index
    %get3A_94 = vector.load %arg3[%get3A_92, %get3A_93] : memref<1x768xf32, #tpu.memory_space<vmem>>, vector<1x768xf32>
    %add3A_95 = vector.broadcast %get3A_94 : vector<1x768xf32> to vector<64x768xf32>
    %add3A_96 = arith.addf %add3A_91, %add3A_95 : vector<64x768xf32>
    %swap3A = arith.constant 0 : index
    %swap3A_97 = arith.constant 0 : index
    %swap3A_98 = arith.constant 0 : index
    %swap3A_99 = vector.load %arg4[%swap3A, %swap3A_97, %swap3A_98] : memref<1x64x768xf32, #tpu.memory_space<vmem>>, vector<1x64x768xf32>
    %swap3A_100 = vector.shape_cast %swap3A_99 : vector<1x64x768xf32> to vector<64x768xf32>
    %swap3A_101 = vector.shape_cast %add3A_96 : vector<64x768xf32> to vector<1x64x768xf32>
    tpu.vector_store %arg4[%swap3A, %swap3A_97, %swap3A_98], %swap3A_101 {strides = array<i32>} : memref<1x64x768xf32, #tpu.memory_space<vmem>>, vector<1x64x768xf32>,
    return
  }
  func.func @transform_0(%arg0: i32) -> (i32, i32, i32, i32) {
    %c0_i32 = arith.constant 0 : i32
    %c0_i32_0 = arith.constant 0 : i32
    %c0_i32_1 = arith.constant 0 : i32
    %c0_i32_2 = arith.constant 0 : i32
    return %arg0, %c0_i32, %c0_i32_0, %c0_i32_1 : i32, i32, i32, i32
  }
  func.func @transform_1(%arg0: i32) -> (i32, i32) {
    %c0_i32 = arith.constant 0 : i32
    %c0_i32_0 = arith.constant 0 : i32
    %c0_i32_1 = arith.constant 0 : i32
    return %c0_i32, %c0_i32_0 : i32, i32
  }
  func.func @transform_2(%arg0: i32) -> (i32, i32) {
    %c0_i32 = arith.constant 0 : i32
    %c0_i32_0 = arith.constant 0 : i32
    %c0_i32_1 = arith.constant 0 : i32
    return %c0_i32, %c0_i32_0 : i32, i32
  }
  func.func @transform_3(%arg0: i32) -> (i32, i32, i32) {
    %c0_i32 = arith.constant 0 : i32
    %c0_i32_0 = arith.constant 0 : i32
    %c0_i32_1 = arith.constant 0 : i32
    return %arg0, %c0_i32, %c0_i32_0 : i32, i32, i32
  }
}

</mosaic_0001>

<sc_bundles>
// kernel: kernel.5.cloned.1.call-start
scs
__scs_entry_jumppad:
0x0: {  	(pc) =	sbr.rel $0x88, $3  }
0x1: {  	(tag) =	ssettag $0x0;
	lr =	simm.s32 $0x1  }
0x2: {  	[smem:$0x3F94] =	sst lr;
	_ =	strace $0xD0000000  }
0x3: {  	_ = 	snop  }
0x4: {  	_ = 	snop  }
0x5: {  	_ = 	snop  }
0x6: {  	_ = 	snop  }
0x7: {  	_ = 	snop  }
__scs_overlays_trampoline_lowered:
0x8: {  	[smem:$0x3FA3] =	sst s0  }
0x9: {  	[smem:$0x3FA4] =	sst s1  }
0xa: {  	[smem:$0x3FA5] =	sst s2  }
0xb: {  	[smem:$0x3FA6] =	sst s3  }
0xc: {  	[smem:$0x3FA7] =	sst s4  }
0xd: {  	[smem:$0x3FA8] =	sst s5  }
0xe: {  	[smem:$0x3FA9] =	sst s6  }
0xf: {  	[smem:$0x3FAA] =	sst s7  }
0x10: {  	[smem:$0x3FAB] =	sst s8  }
0x11: {  	[smem:$0x3FAC] =	sst s9;
	s0 =	simm.s32 @!p0 $0x0  }
0x12: {  	s1 =	sld [smem:$0x3F92];
	s0 =	simm.s32 @p0 $0x1  }
0x13: {  	[smem:$0x3FAD] =	sst s0;
	s0 =	simm.s32 @!p1 $0x0  }
0x14: {  	s2 =	sld [smem:$0x3F91];
	s0 =	simm.s32 @p1 $0x1  }
0x15: {  	[smem:$0x3FAE] =	sst s0;
	s0 =	simm.s32 @!p2 $0x0  }
0x16: {  	s3 =	sld [smem:$0x3FDB];
	s0 =	simm.s32 @p2 $0x1  }
0x17: {  	s4 =	simm.s32 $0x1BF5;
	[smem:$0x3FB0] =	sst s0  }
0x18: {  	s0 =	sld [smem:$0x3F93];
	_ =	swait.ge [sflag:s4], $0x0  }
0x19: {  	s7 =	sld [smem:$0x3F94]  }
0x1a: {  	s8 =	sadd.s32 $0xFFFFE003, lr  }
0x1b: {  	s9 =	sadd.s32 $0xFFFFFEF7, lr;
	s5 =	simm.s32 $0xFFFFFFFF;
	p2 =	slt.u32 s8, $0xFFFFF086  }
0x1c: {  	p1 =	slt.u32 s9, $0xF7A;
	s5 =	simm.s32 @!p2 $0x0  }
0x1d: {  	s5 =	simm.s32 @p1 $0x1;
	p0 =	seq.s32 s7, s2  }
0x1e: {  	s7 =	smul.u32 @!p0 $0xF7A, s2;
	p2 =	seq.s32 @!p0 s5, $0x0  }
0x1f: {  	s9 =	smul.u32 $0xF7A, s1;
	s8 =	simm.s32 @!p0 $0x1BF5;
	p2 =	por !p2, p0  }
0x20: {  	[sflag:s8] =	ssyncset.s32 @!p0 $0xFFFFF086;
	s6 =	sadd.s32 @!p0 s3, s7;
	s7 =	simm.s32 @!p0 $0x108  }
0x21: {  	s3 =	sadd.s32 s3, s9;
	s6 =	sadd.s32 @!p0 $0x88, s6;
	s7 =	simm.s32 @p2 $0x1082  }
0x22: {  	[simem:s7], [sflag:s8] =	dma.local @!p0 [hbm:s6], $0xF7A  }
0x23: {  	s9 =	sor.u32 $0xD0000000, s2;
	s6 =	simm.s32 $0x108;
	_ =	swait.ge @!p0 [sflag:s8], $0x0  }
0x24: {  	s3 =	sadd.s32 $0x88, s3;
	s6 =	simm.s32 @!p1 $0x1082;
	[sflag:s4] =	ssyncset.s32 $0xFFFFF086  }
0x25: {  	[simem:s6], [sflag:s4] =	dma.local [hbm:s3], $0xF7A  }
0x26: {  	[smem:$0x3F94] =	sst s1;
	(tag) =	ssettag s2;
	_ =	strace s9  }
0x27: {  	s1 =	sld [smem:$0x3FA4]  }
0x28: {  	s2 =	sld [smem:$0x3FA5]  }
0x29: {  	s4 =	sld [smem:$0x3FA7]  }
0x2a: {  	p0 =	seq.s32 s5, $0x0;
	s5 =	sld [smem:$0x3FA8]  }
0x2b: {  	s6 =	sld [smem:$0x3FA9]  }
0x2c: {  	s7 =	sld [smem:$0x3FAA]  }
0x2d: {  	s3 =	simm.s32 $0x108;
	s8 =	sld [smem:$0x3FAB]  }
0x2e: {  	s3 =	simm.s32 @!p0 $0x1082;
	s9 =	sld [smem:$0x3FAC]  }
0x2f: {  	lr =	sadd.s32 s0, s3;
	s0 =	sld [smem:$0x3FA3]  }
0x30: {  	s3 =	sld [smem:$0x3FA6]  }
0x31: {  	[smem:$0x3FAF] =	sst s10  }
0x32: {  	s10 =	sld [smem:$0x3FAD];
	_ =	sdelay $0x3  }
0x33: {  	p0 =	seq.s32 s10, $0x1;
	s10 =	sld [smem:$0x3FAF];
	_ =	sdelay $0x3  }
0x34: {  	[smem:$0x3FAF] =	sst s10  }
0x35: {  	s10 =	sld [smem:$0x3FAE];
	_ =	sdelay $0x3  }
0x36: {  	p1 =	seq.s32 s10, $0x1;
	s10 =	sld [smem:$0x3FAF];
	_ =	sdelay $0x3  }
0x37: {  	[smem:$0x3FAF] =	sst s10  }
0x38: {  	s10 =	sld [smem:$0x3FB0]  }
0x39: {  	_ = 	snop;
	(pc) =	sbr.ind lr, $3  }
0x3a: {  	_ = 	snop  }
0x3b: {  	_ = 	snop  }
0x3c: {  	p2 =	seq.s32 s10, $0x1;
	s10 =	sld [smem:$0x3FAF]  }
0x3d: {  	_ =	shalt  }
0x3e: {  	_ =	shalt  }
0x3f: {  	_ =	shalt  }
0x40: {  	_ =	shalt  }
0x41: {  	_ =	shalt  }
0x42: {  	_ =	shalt  }
0x43: {  	_ =	shalt  }
0x44: {  	_ =	shalt  }
0x45: {  	_ =	shalt  }
0x46: {  	_ =	shalt  }
0x47: {  	_ =	shalt  }
0x48: {  	_ =	shalt  }
0x49: {  	_ =	shalt  }
0x4a: {  	_ =	shalt  }
0x4b: {  	_ =	shalt  }
0x4c: {  	_ =	shalt  }
0x4d: {  	_ =	shalt  }
0x4e: {  	_ =	shalt  }
0x4f: {  	_ =	shalt  }
0x50: {  	_ =	shalt  }
0x51: {  	_ =	shalt  }
0x52: {  	_ =	shalt  }
0x53: {  	_ =	shalt  }
0x54: {  	_ =	shalt  }
0x55: {  	_ =	shalt  }
0x56: {  	_ =	shalt  }
0x57: {  	_ =	shalt  }
0x58: {  	_ =	shalt  }
0x59: {  	_ =	shalt  }
0x5a: {  	_ =	shalt  }
0x5b: {  	_ =	shalt  }
0x5c: {  	_ =	shalt  }
0x5d: {  	_ =	shalt  }
0x5e: {  	_ =	shalt  }
0x5f: {  	_ =	shalt  }
0x60: {  	_ =	shalt  }
0x61: {  	_ =	shalt  }
0x62: {  	_ =	shalt  }
0x63: {  	_ =	shalt  }
0x64: {  	_ =	shalt  }
0x65: {  	_ =	shalt  }
0x66: {  	_ =	shalt  }
0x67: {  	_ =	shalt  }
0x68: {  	_ =	shalt  }
0x69: {  	_ =	shalt  }
0x6a: {  	_ =	shalt  }
0x6b: {  	_ =	shalt  }
0x6c: {  	_ =	shalt  }
0x6d: {  	_ =	shalt  }
0x6e: {  	_ =	shalt  }
0x6f: {  	_ =	shalt  }
0x70: {  	_ =	shalt  }
0x71: {  	_ =	shalt  }
0x72: {  	_ =	shalt  }
0x73: {  	_ =	shalt  }
0x74: {  	_ =	shalt  }
0x75: {  	_ =	shalt  }
0x76: {  	_ =	shalt  }
0x77: {  	_ =	shalt  }
0x78: {  	_ =	shalt  }
0x79: {  	_ =	shalt  }
0x7a: {  	_ =	shalt  }
0x7b: {  	_ =	shalt  }
0x7c: {  	_ =	shalt  }
0x7d: {  	_ =	shalt  }
0x7e: {  	_ =	shalt  }
0x7f: {  	_ =	shalt  }
0x80: {  	_ =	shalt  }
0x81: {  	_ =	shalt  }
0x82: {  	_ =	shalt  }
0x83: {  	_ =	shalt  }
0x84: {  	_ =	shalt  }
0x85: {  	_ =	shalt  }
0x86: {  	_ =	shalt  }
0x87: {  	_ =	shalt  }
.Lfunc_end0:
.L_simem_size_0:
called_computation_lowered:
.L_overlay_start_0:
0x88: {  	s2 =	sld [smem:$0x3FD9]  }
0x89: {  	s3 =	sld [smem:$0x3FFE];
	_ =	sdelay $0x1  }
0x8a: {  	s1 =	srdreg.scid  }
0x8b: {  	s0 =	sand.u32 $0x1, s1  }
0x8c: {  	s17 =	sshll.u32 s0, $0xA;
	s2 =	sadd.s32 s3, s2  }
0x8d: {  	s2 =	sadd.s32 s2, s17  }
0x8e: {  	[smem:$0x3FBB] =	sst s2  }
0x8f: {  	_ = 	snop  }
0x90: {  	s2 =	sld [smem:$0x3FD0];
	(tm) =	ssettm $0x1  }
0x91: {  	s18 =	sld [smem:$0x3FFB];
	_ =	sdelay $0x3  }
0x92: {  	_ =	strace s18  }
0x93: {  	s3 =	sld [smem:$0x3FFC];
	_ =	sdelay $0x3  }
0x94: {  	_ =	strace s3  }
0x95: {  	s3 =	sld [smem:$0x3FFD];
	_ =	sdelay $0x3  }
0x96: {  	_ =	strace s3  }
0x97: {  	_ =	strace $0x8FFFFFFF  }
0x98: {  	s19 =	sld [smem:$0x3FDB];
	_ =	sdelay $0x1  }
0x99: {  	s4 =	simm.s32 $_scs_section_size  }
0x9a: {  	s5 =	simm.s32 $_size__tile_overlayer_lowered;
	s6 =	simm.s32 $_tile_overlayer_lowered  }
0x9b: {  	s22 =	simm.s32 $0x1BFF;
	s21 =	sshll.u32 s6, $0x1;
	s3 =	sadd.s32 s4, s19  }
0x9c: {  	s7 =	simm.s32 $0x0;
	s20 =	sshll.u32 s5, $0x1;
	s5 =	sadd.s32 s21, s3  }
0x9d: {  	[timem:s7], [sflag:s22] =	dma.local [hbm:s5], s20  }
0x9e: {  	_ =	swait.ge [sflag:s22], s20  }
0x9f: {  	s4 =	ssub.s32 $0x0, s20;
	[sflag:s22] =	ssyncset.done $0x0  }
0xa0: {  	[sflag:s22] =	ssyncadd.s32 s4;
	_ =	sdelay $0x1  }
0xa1: {  	s23 =	simm.s32 $0x1B8B  }
0xa2: {  	_ =	swait.ge [sflag:s23], $0x1  }
0xa3: {  	[sflag:s23] =	ssyncset.done $0x0  }
0xa4: {  	s25 =	simm.s32 $0x1B8E;
	s24 =	sld [smem:$0x3FFE];
	[sflag:s23] =	ssyncadd.s32 $0xFFFFFFFF  }
0xa5: {  	s26 =	simm.s32 $execute0_lowered;
	[smem:$0x3FD2] =	sst s25  }
0xa6: {  	s5 =	sshll.u32 s26, $0x1;
	_ =	strace $0x80000046;
	[dreg:$0x1] =	wrdreg $0xFFFFFFFF  }
0xa7: {  	s28 =	simm.s32 $_size_execute0_lowered;
	s3 =	sadd.s32 s3, s5;
	[dreg:$0x0] =	wrdreg $0x0  }
0xa8: {  	s5 =	sshll.u32 s28, $0x1;
	[dreg:$0x2] =	wrdreg s3  }
0xa9: {  	[dreg:$0x3] =	wrdreg s5  }
0xaa: {  	[dreg:$0x4] =	wrdreg $0xC0  }
0xab: {  	_ =	task [dreg:s7], $0x5FFFF  }
0xac: {  	[dreg:$0x1] =	wrdreg $0xFFFFFFFF  }
0xad: {  	[dreg:$0x0] =	wrdreg $0x60  }
0xae: {  	[dreg:$0x2] =	wrdreg s24  }
0xaf: {  	[dreg:$0x3] =	wrdreg s2  }
0xb0: {  	[dreg:$0x4] =	wrdreg $0x9  }
0xb1: {  	_ =	task.clear_ibuf [dreg:s7], $0x5FFFF;
	_ =	strace $0x90000046  }
0xb2: {  	s29 =	simm.s32 $0x9;
	_ =	strace $0x80000048  }
0xb3: {  	_ =	swait.ge [sflag:s29], $0x1  }
0xb4: {  	[sflag:s29] =	ssyncadd.s32 $0xFFFFFFFF  }
0xb5: {  	_ =	strace $0x90000048  }
0xb6: {  	_ =	sfence  }
0xb7: {  	s30 =	sld [smem:$0x0];
	_ =	sdelay $0x2  }
0xb8: {  	s31 =	sshll.u32 s1, $0xD;
	s1 =	sshrl.u32 s1, $0x2  }
0xb9: {  	s3 =	sand.u32 $0x4000, s31;
	s1 =	sadd.s32 s1, s30  }
0xba: {  	s0 =	sor.u32 s3, s0;
	s1 =	sshll.u32 s1, $0x11  }
0xbb: {  	s0 =	sor.u32 s1, s0  }
0xbc: {  	s0 =	sadd.s32 $0x8F2B, s0  }
0xbd: {  	[sflag:s0] =	ssyncadd.remote.s32 $0x1  }
0xbe: {  	_ =	sfence.sel $0xFFFF  }
0xbf: {  	[dreg:$0x0] =	wrdreg $0xFFFFFFFF;
	(pc) =	sbr.abs _section_cstart, $3  }
0xc0: {  	[dreg:$0x1] =	wrdreg $0xFFFFFFFF  }
0xc1: {  	_ =	task.clear_ibuf [dreg:s7], $0x2FFFF;
	_ =	strace $0x9FFFFFFF  }
0xc2: {  	(tm) =	ssettm $0x7FFFFFFF  }
0xc3: {  	_ =	shalt  }
tec
execute0_lowered:
.L_overlay_start_1:
0x0: {  	(tag) =	ssettag $0x1  }
0x1: {  	s0 =	srdreg.scid  }
0x2: {  	s2 =	stileid.u32;
	s6 =	rddreg [dreg:$0x0];
	s3 =	simm.s32 $0x1  }
0x3: {  	s7 =	rddreg [dreg:$0x1];
	s4 =	simm.s32 $0x1;
	s15 =	simm.s32 $0x400  }
0x4: {  	s18 =	simm.s32 $0x40;
	s19 =	simm.s32 $0x2000;
	s21 =	simm.s32 $0x4000  }
0x5: {  	s23 =	simm.s32 $0x6000;
	s25 =	simm.s32 $0x8000;
	s28 =	simm.s32 $0xA000  }
0x6: {  	s30 =	simm.s32 $0xC000;
	s13 =	simm.s32 $0x10000;
	s14 =	simm.s32 $0x2  }
0x7: {  	s16 =	simm.s32 $0x1800;
	s24 =	simm.s32 $0x3;
	s0 =	sand.u32 $0x1, s0  }
0x8: {  	s17 =	simm.s32 $0x12000;
	s20 =	simm.s32 $0x4;
	s1 =	sshll.u32 s0, $0x4  }
0x9: {  	s22 =	simm.s32 $0x0;
	s5 =	sand.u32 $0x7, s2;
	s1 =	sor.u32 s2, s1  }
0xa: {  	p1 =	sne.s32 s5, $0x0;
	s8 =	sshll.u32 s5, $0xA;
	p0 =	seq.s32 s1, $0x0  }
0xb: {  	s5 =	sshll.u32 s5, $0xD;
	s0 =	ssub.s32 $0x2, s0;
	p0 =	por !p1, !p0  }
0xc: {  	s2 =	simm.s32 $0x0;
	s31 =	sshrl.u32 s0, $0x1;
	p0 =	por !p0, !p0  }
0xd: {  	s1 =	sshrl.u32 s1, $0x3;
	[smem:$0x7FF] =	sst s2;
	s3 =	simm.s32 @!p0 $0x0  }
0xe: {  	s0 =	ssub.s32 s0, s31;
	_ =	strace $0x80000047;
	s1 =	ssub.s32 s1, s3  }
0xf: {  	s12 =	smax.u32 s0, $0x1;
	s3 =	sshll.u32 s1, $0xE;
	s10 =	sshll.u32 s1, $0x10  }
0x10: {  	s1 =	sshll.u32 s1, $0xF;
	s9 =	sor.u32 s8, s3;
	s3 =	sadd.s32 $0x2600, s6  }
0x11: {  	s5 =	sor.u32 s5, s10;
	s1 =	sor.u32 s8, s1;
	s9 =	sshrl.u32 s9, $0x3  }
0x12: {  	s5 =	sshrl.u32 s5, $0x3;
	s1 =	sshrl.u32 s1, $0x3;
	s9 =	sadd.s32 s9, s6  }
0x13: {  	s11 =	sadd.s32 s5, s6;
	s5 =	sadd.s32 s7, s1;
	s1 =	simm.s32 $0xE000  }
0x14: {  	s6 =	sadd.s32 $0x82600, s9;
	s7 =	sadd.s32 $0x400, s5;
	s8 =	sadd.s32 $0x82A00, s9  }
0x15: {  	s9 =	sadd.s32 $0x800, s5;
	s10 =	sadd.s32 $0xC00, s5;
	s11 =	sadd.s32 $0x84600, s11  }
.LBB2_1:
0x16: {  	[tilespmem:s2], [sflag:$0x1] =	stream.linear.gather [hbm4b:s6+s2], $0x400, $0x38;
	[tilespmem:$0x14000] =	vst v63  }
0x17: {  	s0 =	simm.s32 $0x800  }
0x18: {  	[tilespmem:s0], [sflag:$0x1] =	stream.linear.gather [hbm4b:s5+s2], $0x400, $0x38;
	[tilespmem:$0x14000] =	vst v63  }
0x19: {  	s26 =	simm.s32 $0xC00  }
0x1a: {  	[tilespmem:s26], [sflag:$0x1] =	stream.linear.gather [hbm4b:s7+s2], $0x400, $0x38;
	[tilespmem:$0x14000] =	vst v63  }
0x1b: {  	_ = 	snop  }
0x1c: {  	[tilespmem:s15], [sflag:$0x1] =	stream.linear.gather [hbm4b:s8+s2], $0x400, $0x38;
	[tilespmem:$0x14000] =	vst v63  }
0x1d: {  	s26 =	simm.s32 $0x1000  }
0x1e: {  	[tilespmem:s26], [sflag:$0x1] =	stream.linear.gather [hbm4b:s9+s2], $0x400, $0x38;
	[tilespmem:$0x14000] =	vst v63  }
0x1f: {  	s26 =	simm.s32 $0x1400  }
0x20: {  	[tilespmem:s26], [sflag:$0x1] =	stream.linear.gather [hbm4b:s10+s2], $0x400, $0x38;
	[tilespmem:$0x14000] =	vst v63  }
0x21: {  	_ =	swait.ge [sflag:s4], $0x400  }
0x22: {  	[sflag:s4] =	ssyncset.done $0x0  }
0x23: {  	[sflag:s4] =	ssyncadd.s32 $0xFFFFFC00  }
0x24: {  	_ =	swait.ge [sflag:s4], $0x400  }
0x25: {  	[sflag:s4] =	ssyncset.done $0x0  }
0x26: {  	[sflag:s4] =	ssyncadd.s32 $0xFFFFFC00  }
0x27: {  	_ =	swait.ge [sflag:s4], $0x400  }
0x28: {  	[sflag:s4] =	ssyncset.done $0x0  }
0x29: {  	[sflag:s4] =	ssyncadd.s32 $0xFFFFFC00  }
0x2a: {  	_ =	swait.ge [sflag:s4], $0x400  }
0x2b: {  	[sflag:s4] =	ssyncset.done $0x0  }
0x2c: {  	[sflag:s4] =	ssyncadd.s32 $0xFFFFFC00  }
0x2d: {  	_ =	swait.ge [sflag:s4], $0x400  }
0x2e: {  	[sflag:s4] =	ssyncset.done $0x0  }
0x2f: {  	[sflag:s4] =	ssyncadd.s32 $0xFFFFFC00  }
0x30: {  	_ =	swait.ge [sflag:s4], $0x400  }
0x31: {  	[sflag:s4] =	ssyncset.done $0x0  }
0x32: {  	[sflag:s4] =	ssyncadd.s32 $0xFFFFFC00  }
0x33: {  	v0 =	vld [tilespmem:$0x800]  }
0x34: {  	v1 =	vld [tilespmem:$0x810]  }
0x35: {  	v2 =	vld [tilespmem:$0x820]  }
0x36: {  	v3 =	vld [tilespmem:$0x830]  }
0x37: {  	v4 =	vld [tilespmem:$0x880]  }
0x38: {  	[tilespmem:$0x1800] =	vst v0;
	v0 =	vld [tilespmem:$0x890]  }
0x39: {  	[tilespmem:$0x1810] =	vst v1;
	v1 =	vld [tilespmem:$0x8A0]  }
0x3a: {  	[tilespmem:$0x1820] =	vst v2;
	v2 =	vld [tilespmem:$0x8B0]  }
0x3b: {  	[tilespmem:$0x1830] =	vst v3;
	v3 =	vld [tilespmem:$0x900]  }
0x3c: {  	[tilespmem:$0x1840] =	vst v4;
	v4 =	vld [tilespmem:$0x910]  }
0x3d: {  	[tilespmem:$0x1850] =	vst v0;
	v0 =	vld [tilespmem:$0x920]  }
0x3e: {  	[tilespmem:$0x1860] =	vst v1;
	v1 =	vld [tilespmem:$0x930]  }
0x3f: {  	[tilespmem:$0x1870] =	vst v2;
	v2 =	vld [tilespmem:$0x980]  }
0x40: {  	[tilespmem:$0x1880] =	vst v3;
	v3 =	vld [tilespmem:$0x990]  }
0x41: {  	[tilespmem:$0x1890] =	vst v4;
	v4 =	vld [tilespmem:$0x9A0]  }
0x42: {  	[tilespmem:$0x18A0] =	vst v0;
	v0 =	vld [tilespmem:$0x9B0]  }
0x43: {  	[tilespmem:$0x18B0] =	vst v1;
	v1 =	vld [tilespmem:$0xA00]  }
0x44: {  	[tilespmem:$0x18C0] =	vst v2;
	v2 =	vld [tilespmem:$0xA10]  }
0x45: {  	[tilespmem:$0x18D0] =	vst v3;
	v3 =	vld [tilespmem:$0xA20]  }
0x46: {  	[tilespmem:$0x18E0] =	vst v4;
	v4 =	vld [tilespmem:$0xA30]  }
0x47: {  	[tilespmem:$0x18F0] =	vst v0;
	v0 =	vld [tilespmem:$0xA80]  }
0x48: {  	[tilespmem:$0x1900] =	vst v1;
	v1 =	vld [tilespmem:$0xA90]  }
0x49: {  	[tilespmem:$0x1910] =	vst v2;
	v2 =	vld [tilespmem:$0xAA0]  }
0x4a: {  	[tilespmem:$0x1920] =	vst v3;
	v3 =	vld [tilespmem:$0xAB0]  }
0x4b: {  	[tilespmem:$0x1930] =	vst v4;
	v4 =	vld [tilespmem:$0xB00]  }
0x4c: {  	[tilespmem:$0x1940] =	vst v0;
	v0 =	vld [tilespmem:$0xB10]  }
0x4d: {  	[tilespmem:$0x1950] =	vst v1;
	v1 =	vld [tilespmem:$0xB20]  }
0x4e: {  	[tilespmem:$0x1960] =	vst v2;
	v2 =	vld [tilespmem:$0xB30]  }
0x4f: {  	[tilespmem:$0x1970] =	vst v3;
	v3 =	vld [tilespmem:$0xB80]  }
0x50: {  	[tilespmem:$0x1980] =	vst v4;
	v4 =	vld [tilespmem:$0xB90]  }
0x51: {  	[tilespmem:$0x1990] =	vst v0;
	v0 =	vld [tilespmem:$0xBA0]  }
0x52: {  	[tilespmem:$0x19A0] =	vst v1;
	v1 =	vld [tilespmem:$0xBB0]  }
0x53: {  	[tilespmem:$0x19B0] =	vst v2;
	v2 =	vld [tilespmem:$0xC00]  }
0x54: {  	[tilespmem:$0x19C0] =	vst v3;
	v3 =	vld [tilespmem:$0xC10]  }
0x55: {  	[tilespmem:$0x19D0] =	vst v4;
	v4 =	vld [tilespmem:$0xC20]  }
0x56: {  	[tilespmem:$0x19E0] =	vst v0;
	v0 =	vld [tilespmem:$0xC30]  }
0x57: {  	[tilespmem:$0x19F0] =	vst v1;
	v1 =	vld [tilespmem:$0xC80]  }
0x58: {  	[tilespmem:$0x1A00] =	vst v2;
	v2 =	vld [tilespmem:$0xC90]  }
0x59: {  	[tilespmem:$0x1A10] =	vst v3;
	v3 =	vld [tilespmem:$0xCA0]  }
0x5a: {  	[tilespmem:$0x1A20] =	vst v4;
	v4 =	vld [tilespmem:$0xCB0]  }
0x5b: {  	[tilespmem:$0x1A30] =	vst v0;
	v0 =	vld [tilespmem:$0xD00]  }
0x5c: {  	[tilespmem:$0x1A40] =	vst v1;
	v1 =	vld [tilespmem:$0xD10]  }
0x5d: {  	[tilespmem:$0x1A50] =	vst v2;
	v2 =	vld [tilespmem:$0xD20]  }
0x5e: {  	[tilespmem:$0x1A60] =	vst v3;
	v3 =	vld [tilespmem:$0xD30]  }
0x5f: {  	[tilespmem:$0x1A70] =	vst v4;
	v4 =	vld [tilespmem:$0xD80]  }
0x60: {  	[tilespmem:$0x1A80] =	vst v0;
	v0 =	vld [tilespmem:$0xD90]  }
0x61: {  	[tilespmem:$0x1A90] =	vst v1;
	v1 =	vld [tilespmem:$0xDA0]  }
0x62: {  	[tilespmem:$0x1AA0] =	vst v2;
	v2 =	vld [tilespmem:$0xDB0]  }
0x63: {  	[tilespmem:$0x1AB0] =	vst v3;
	v3 =	vld [tilespmem:$0xE00]  }
0x64: {  	[tilespmem:$0x1AC0] =	vst v4;
	v4 =	vld [tilespmem:$0xE10]  }
0x65: {  	[tilespmem:$0x1AD0] =	vst v0;
	v0 =	vld [tilespmem:$0xE20]  }
0x66: {  	[tilespmem:$0x1AE0] =	vst v1;
	v1 =	vld [tilespmem:$0xE30]  }
0x67: {  	[tilespmem:$0x1AF0] =	vst v2;
	v2 =	vld [tilespmem:$0xE80]  }
0x68: {  	[tilespmem:$0x1B00] =	vst v3;
	v3 =	vld [tilespmem:$0xE90]  }
0x69: {  	[tilespmem:$0x1B10] =	vst v4;
	v4 =	vld [tilespmem:$0xEA0]  }
0x6a: {  	[tilespmem:$0x1B20] =	vst v0;
	v0 =	vld [tilespmem:$0xEB0]  }
0x6b: {  	[tilespmem:$0x1B30] =	vst v1;
	v1 =	vld [tilespmem:$0xF00]  }
0x6c: {  	[tilespmem:$0x1B40] =	vst v2;
	v2 =	vld [tilespmem:$0xF10]  }
0x6d: {  	[tilespmem:$0x1B50] =	vst v3;
	v3 =	vld [tilespmem:$0xF20]  }
0x6e: {  	[tilespmem:$0x1B60] =	vst v4;
	v4 =	vld [tilespmem:$0xF30]  }
0x6f: {  	[tilespmem:$0x1B70] =	vst v0;
	v0 =	vld [tilespmem:$0xF80]  }
0x70: {  	[tilespmem:$0x1B80] =	vst v1;
	v1 =	vld [tilespmem:$0xF90]  }
0x71: {  	[tilespmem:$0x1B90] =	vst v2;
	v2 =	vld [tilespmem:$0xFA0]  }
0x72: {  	[tilespmem:$0x1BA0] =	vst v3;
	v3 =	vld [tilespmem:$0xFB0]  }
0x73: {  	[tilespmem:$0x1BB0] =	vst v4;
	v4 =	vld [tilespmem:$0x1000]  }
0x74: {  	[tilespmem:$0x1BC0] =	vst v0;
	v0 =	vld [tilespmem:$0x1010]  }
0x75: {  	[tilespmem:$0x1BD0] =	vst v1;
	v1 =	vld [tilespmem:$0x1020]  }
0x76: {  	[tilespmem:$0x1BE0] =	vst v2;
	v2 =	vld [tilespmem:$0x1030]  }
0x77: {  	[tilespmem:$0x1BF0] =	vst v3;
	v3 =	vld [tilespmem:$0x1080]  }
0x78: {  	[tilespmem:$0x1C00] =	vst v4;
	v4 =	vld [tilespmem:$0x1090]  }
0x79: {  	[tilespmem:$0x1C10] =	vst v0;
	v0 =	vld [tilespmem:$0x10A0]  }
0x7a: {  	[tilespmem:$0x1C20] =	vst v1;
	v1 =	vld [tilespmem:$0x10B0]  }
0x7b: {  	[tilespmem:$0x1C30] =	vst v2;
	v2 =	vld [tilespmem:$0x1100]  }
0x7c: {  	[tilespmem:$0x1C40] =	vst v3;
	v3 =	vld [tilespmem:$0x1110]  }
0x7d: {  	[tilespmem:$0x1C50] =	vst v4;
	v4 =	vld [tilespmem:$0x1120]  }
0x7e: {  	[tilespmem:$0x1C60] =	vst v0;
	v0 =	vld [tilespmem:$0x1130]  }
0x7f: {  	[tilespmem:$0x1C70] =	vst v1;
	v1 =	vld [tilespmem:$0x1180]  }
0x80: {  	[tilespmem:$0x1C80] =	vst v2;
	v2 =	vld [tilespmem:$0x1190]  }
0x81: {  	[tilespmem:$0x1C90] =	vst v3;
	v3 =	vld [tilespmem:$0x11A0]  }
0x82: {  	[tilespmem:$0x1CA0] =	vst v4;
	v4 =	vld [tilespmem:$0x11B0]  }
0x83: {  	[tilespmem:$0x1CB0] =	vst v0;
	v0 =	vld [tilespmem:$0x1200]  }
0x84: {  	[tilespmem:$0x1CC0] =	vst v1;
	v1 =	vld [tilespmem:$0x1210]  }
0x85: {  	[tilespmem:$0x1CD0] =	vst v2;
	v2 =	vld [tilespmem:$0x1220]  }
0x86: {  	[tilespmem:$0x1CE0] =	vst v3;
	v3 =	vld [tilespmem:$0x1230]  }
0x87: {  	[tilespmem:$0x1CF0] =	vst v4;
	v4 =	vld [tilespmem:$0x1280]  }
0x88: {  	[tilespmem:$0x1D00] =	vst v0;
	v0 =	vld [tilespmem:$0x1290]  }
0x89: {  	[tilespmem:$0x1D10] =	vst v1;
	v1 =	vld [tilespmem:$0x12A0]  }
0x8a: {  	[tilespmem:$0x1D20] =	vst v2;
	v2 =	vld [tilespmem:$0x12B0]  }
0x8b: {  	[tilespmem:$0x1D30] =	vst v3;
	v3 =	vld [tilespmem:$0x1300]  }
0x8c: {  	[tilespmem:$0x1D40] =	vst v4;
	v4 =	vld [tilespmem:$0x1310]  }
0x8d: {  	[tilespmem:$0x1D50] =	vst v0;
	v0 =	vld [tilespmem:$0x1320]  }
0x8e: {  	[tilespmem:$0x1D60] =	vst v1;
	v1 =	vld [tilespmem:$0x1330]  }
0x8f: {  	[tilespmem:$0x1D70] =	vst v2;
	v2 =	vld [tilespmem:$0x1380]  }
0x90: {  	[tilespmem:$0x1D80] =	vst v3;
	v3 =	vld [tilespmem:$0x1390]  }
0x91: {  	[tilespmem:$0x1D90] =	vst v4;
	v4 =	vld [tilespmem:$0x13A0]  }
0x92: {  	[tilespmem:$0x1DA0] =	vst v0;
	v0 =	vld [tilespmem:$0x13B0]  }
0x93: {  	[tilespmem:$0x1DB0] =	vst v1;
	v1 =	vld [tilespmem:$0x1400]  }
0x94: {  	[tilespmem:$0x1DC0] =	vst v2;
	v2 =	vld [tilespmem:$0x1410]  }
0x95: {  	[tilespmem:$0x1DD0] =	vst v3;
	v3 =	vld [tilespmem:$0x1420]  }
0x96: {  	[tilespmem:$0x1DE0] =	vst v4;
	v4 =	vld [tilespmem:$0x1430]  }
0x97: {  	[tilespmem:$0x1DF0] =	vst v0;
	v0 =	vld [tilespmem:$0x1480]  }
0x98: {  	[tilespmem:$0x1E00] =	vst v1;
	v1 =	vld [tilespmem:$0x1490]  }
0x99: {  	[tilespmem:$0x1E10] =	vst v2;
	v2 =	vld [tilespmem:$0x14A0]  }
0x9a: {  	[tilespmem:$0x1E20] =	vst v3;
	v3 =	vld [tilespmem:$0x14B0]  }
0x9b: {  	[tilespmem:$0x1E30] =	vst v4;
	v4 =	vld [tilespmem:$0x1500]  }
0x9c: {  	[tilespmem:$0x1E40] =	vst v0;
	v0 =	vld [tilespmem:$0x1510]  }
0x9d: {  	[tilespmem:$0x1E50] =	vst v1;
	v1 =	vld [tilespmem:$0x1520]  }
0x9e: {  	[tilespmem:$0x1E60] =	vst v2;
	v2 =	vld [tilespmem:$0x1530]  }
0x9f: {  	[tilespmem:$0x1E70] =	vst v3;
	v3 =	vld [tilespmem:$0x1580]  }
0xa0: {  	[tilespmem:$0x1E80] =	vst v4;
	v4 =	vld [tilespmem:$0x1590]  }
0xa1: {  	[tilespmem:$0x1E90] =	vst v0;
	v0 =	vld [tilespmem:$0x15A0]  }
0xa2: {  	[tilespmem:$0x1EA0] =	vst v1;
	v1 =	vld [tilespmem:$0x15B0]  }
0xa3: {  	[tilespmem:$0x1EB0] =	vst v2;
	v2 =	vld [tilespmem:$0x1600]  }
0xa4: {  	[tilespmem:$0x1EC0] =	vst v3;
	v3 =	vld [tilespmem:$0x1610]  }
0xa5: {  	[tilespmem:$0x1ED0] =	vst v4;
	v4 =	vld [tilespmem:$0x1620]  }
0xa6: {  	[tilespmem:$0x1EE0] =	vst v0;
	v0 =	vld [tilespmem:$0x1630]  }
0xa7: {  	[tilespmem:$0x1EF0] =	vst v1;
	v1 =	vld [tilespmem:$0x1680]  }
0xa8: {  	[tilespmem:$0x1F00] =	vst v2;
	v2 =	vld [tilespmem:$0x1690]  }
0xa9: {  	[tilespmem:$0x1F10] =	vst v3;
	v3 =	vld [tilespmem:$0x16A0]  }
0xaa: {  	[tilespmem:$0x1F20] =	vst v4;
	v4 =	vld [tilespmem:$0x16B0]  }
0xab: {  	[tilespmem:$0x1F30] =	vst v0;
	v0 =	vld [tilespmem:$0x1700]  }
0xac: {  	[tilespmem:$0x1F40] =	vst v1;
	v1 =	vld [tilespmem:$0x1710]  }
0xad: {  	[tilespmem:$0x1F50] =	vst v2;
	v2 =	vld [tilespmem:$0x1720]  }
0xae: {  	[tilespmem:$0x1F60] =	vst v3;
	v3 =	vld [tilespmem:$0x1730]  }
0xaf: {  	[tilespmem:$0x1F70] =	vst v4;
	v4 =	vld [tilespmem:$0x1780]  }
0xb0: {  	[tilespmem:$0x1F80] =	vst v0;
	v0 =	vld [tilespmem:$0x1790]  }
0xb1: {  	[tilespmem:$0x1F90] =	vst v1;
	v1 =	vld [tilespmem:$0x17A0]  }
0xb2: {  	[tilespmem:$0x1FA0] =	vst v2;
	v2 =	vld [tilespmem:$0x17B0]  }
0xb3: {  	[tilespmem:$0x1FB0] =	vst v3  }
0xb4: {  	[tilespmem:$0x1FC0] =	vst v4  }
0xb5: {  	[tilespmem:$0x1FD0] =	vst v0  }
0xb6: {  	[tilespmem:$0x1FE0] =	vst v1  }
0xb7: {  	[tilespmem:$0x1FF0] =	vst v2  }
0xb8: {  	[tilespmem:s19], [sflag:$0x2] =	stream.indirect.gather [hbm4b:s3+s18], $0x80, s2, s18, $0xb8;
	[tilespmem:$0x14000] =	vst v63  }
0xb9: {  	s26 =	simm.s32 $0x80  }
0xba: {  	[tilespmem:s21], [sflag:$0x2] =	stream.indirect.gather [hbm4b:s3+s18], $0x80, s26, s18, $0xb8;
	[tilespmem:$0x14000] =	vst v63  }
0xbb: {  	s26 =	simm.s32 $0x100  }
0xbc: {  	[tilespmem:s23], [sflag:$0x2] =	stream.indirect.gather [hbm4b:s3+s18], $0x80, s26, s18, $0xb8;
	[tilespmem:$0x14000] =	vst v63  }
0xbd: {  	s26 =	simm.s32 $0x180  }
0xbe: {  	[tilespmem:s25], [sflag:$0x2] =	stream.indirect.gather [hbm4b:s3+s18], $0x80, s26, s18, $0xb8;
	[tilespmem:$0x14000] =	vst v63  }
0xbf: {  	s26 =	simm.s32 $0x200  }
0xc0: {  	[tilespmem:s28], [sflag:$0x3] =	stream.indirect.gather [hbm4b:s3+s18], $0x80, s26, s18, $0xb8;
	[tilespmem:$0x14000] =	vst v63  }
0xc1: {  	s26 =	simm.s32 $0x280  }
0xc2: {  	[tilespmem:s30], [sflag:$0x3] =	stream.indirect.gather [hbm4b:s3+s18], $0x80, s26, s18, $0xb8;
	[tilespmem:$0x14000] =	vst v63  }
0xc3: {  	s26 =	simm.s32 $0x300  }
0xc4: {  	[tilespmem:s1], [sflag:$0x3] =	stream.indirect.gather [hbm4b:s3+s18], $0x80, s26, s18, $0xb8;
	[tilespmem:$0x14000] =	vst v63  }
0xc5: {  	s26 =	simm.s32 $0x380  }
0xc6: {  	[tilespmem:s13], [sflag:$0x3] =	stream.indirect.gather [hbm4b:s3+s18], $0x80, s26, s18, $0xb8;
	[tilespmem:$0x14000] =	vst v63  }
0xc7: {  	_ =	swait.ge [sflag:s14], $0x2000  }
0xc8: {  	[sflag:s14] =	ssyncset.done $0x0  }
0xc9: {  	[sflag:s14] =	ssyncadd.s32 $0xFFFFE000  }
0xca: {  	_ =	swait.ge [sflag:s14], $0x2000  }
0xcb: {  	[sflag:s14] =	ssyncset.done $0x0  }
0xcc: {  	[sflag:s14] =	ssyncadd.s32 $0xFFFFE000  }
0xcd: {  	_ =	swait.ge [sflag:s14], $0x2000  }
0xce: {  	[sflag:s14] =	ssyncset.done $0x0  }
0xcf: {  	[sflag:s14] =	ssyncadd.s32 $0xFFFFE000  }
0xd0: {  	_ =	swait.ge [sflag:s14], $0x2000  }
0xd1: {  	[sflag:s14] =	ssyncset.done $0x0  }
0xd2: {  	s26 =	simm.s32 $0x0;
	[sflag:s14] =	ssyncadd.s32 $0xFFFFE000  }
0xd3: {  	v6 =	vld [tilespmem:s26+$0x8000]  }
0xd4: {  	v9 =	vld [tilespmem:s26+$0x6060]  }
0xd5: {  	v0 =	vld [tilespmem:s26+$0x2060]  }
0xd6: {  	v12 =	vld [tilespmem:s26+$0x4020]  }
0xd7: {  	v8 =	vld [tilespmem:s26+$0x8050]  }
0xd8: {  	v15 =	vld [tilespmem:s26+$0x8040]  }
0xd9: {  	v29 =	vld [tilespmem:s26+$0x4060]  }
0xda: {  	v16 =	vld [tilespmem:s26+$0x8070]  }
0xdb: {  	v4 =	vld [tilespmem:s26+$0x8030]  }
0xdc: {  	v7 =	vld [tilespmem:s26+$0x8020]  }
0xdd: {  	v11 =	vld [tilespmem:s26+$0x2020]  }
0xde: {  	v10 =	vld [tilespmem:s26+$0x8010]  }
0xdf: {  	v1 =	vmov s2;
	v17 =	vld [tilespmem:s26+$0x4000]  }
0xe0: {  	v2 =	vor.u32 $0x2C0, v1;
	v19 =	vld [tilespmem:s26+$0x6040]  }
0xe1: {  	v18 =	vld [tilespmem:s26+$0x2050]  }
0xe2: {  	v20 =	vld [tilespmem:s26+$0x2070]  }
0xe3: {  	v5 =	vor.u32 $0xC0, v1;
	v13 =	vld [tilespmem:s26+$0x2010]  }
0xe4: {  	v21 =	vld [tilespmem:s26+$0x2030]  }
0xe5: {  	v14 =	vor.u32 $0x200, v1;
	v3 =	vld.idx.msk [tilespmem:v2+s16+$0x0], $0xffff  }
0xe6: {  	v23 =	vor.u32 $0x240, v1;
	v22 =	vld [tilespmem:s26+$0x2000]  }
0xe7: {  	v25 =	vor.u32 $0x280, v1;
	v24 =	vld [tilespmem:s26+$0x2040]  }
0xe8: {  	v27 =	vor.u32 $0x80, v1;
	v26 =	vld.idx.msk [tilespmem:v5+s16+$0x0], $0xffff  }
0xe9: {  	v28 =	vld.idx.msk [tilespmem:v1+s16+$0x0], $0xffff  }
0xea: {  	v14 =	vld.idx.msk [tilespmem:v14+s16+$0x0], $0xffff  }
0xeb: {  	v5 =	vld.idx.msk [tilespmem:v23+s16+$0x0], $0xffff  }
0xec: {  	v2 =	vor.u32 $0x40, v1;
	v1 =	vld.idx.msk [tilespmem:v25+s16+$0x0], $0xffff  }
0xed: {  	v23 =	vld.idx.msk [tilespmem:v27+s16+$0x0], $0xffff;
	v25 =	vmul.f32 v10, v26  }
0xee: {  	v27 =	vld [tilespmem:s26+$0x6010];
	v10 =	vmul.f32 v7, v26;
	v22 =	vmul.f32 v22, v28  }
0xef: {  	v32 =	vld [tilespmem:s26+$0x6020];
	v30 =	vmul.f32 v4, v26;
	v24 =	vmul.f32 v24, v14  }
0xf0: {  	v34 =	vld [tilespmem:s26+$0x6000];
	v7 =	vmul.f32 v11, v28;
	v13 =	vmul.f32 v13, v28  }
0xf1: {  	v31 =	vld [tilespmem:s26+$0x6030];
	v33 =	vmul.f32 v6, v26;
	v16 =	vmul.f32 v16, v3  }
0xf2: {  	v2 =	vld.idx.msk [tilespmem:v2+s16+$0x0], $0xffff;
	v18 =	vmul.f32 v18, v14;
	v35 =	vmul.f32 v15, v3  }
0xf3: {  	v37 =	vld [tilespmem:s26+$0x4010];
	v36 =	vmul.f32 v21, v28;
	v6 =	vmul.f32 v8, v3  }
0xf4: {  	v4 =	vld [tilespmem:s26+$0x6050];
	v20 =	vmul.f32 v20, v14;
	v15 =	vmul.f32 v27, v23  }
0xf5: {  	v28 =	vmul.f32 v32, v23;
	v21 =	vmul.f32 v34, v23;
	v8 =	vadd.f32 v24, v22;
	v24 =	vld [tilespmem:s26+$0x4050]  }
0xf6: {  	v26 =	vld [tilespmem:s26+$0x8060];
	v9 =	vmul.f32 v9, v1;
	v29 =	vmul.f32 v29, v5  }
0xf7: {  	v6 =	vadd.f32 v6, v25;
	v25 =	vld [tilespmem:s26+$0x4070];
	v16 =	vadd.f32 v16, v30;
	v11 =	vmul.f32 v17, v2  }
0xf8: {  	v27 =	vld [tilespmem:s26+$0x4040];
	v20 =	vadd.f32 v20, v36;
	v17 =	vmul.f32 v19, v1;
	v19 =	vmul.f32 v31, v23  }
0xf9: {  	s29 =	simm.s32 $0x200;
	s31 =	simm.s32 $0x1;
	v22 =	vmul.f32 v12, v2;
	v12 =	vadd.f32 v35, v33;
	v23 =	vld [tilespmem:s26+$0x6070];
	v30 =	vmul.f32 v37, v2  }
.LBB2_2:
0xfa: {  	v31 =	vmov s31;
	s0 =	sshra.s32 s29, $0x2;
	p0 =	sne.s32 s29, $0x7E00;
	s29 =	sadd.s32 $0x200, s29;
	v14 =	vmul.f32 v0, v14;
	v0 =	vmul.f32 v24, v5;
	v24 =	vld [tilespmem:s26+$0x4030]  }
0xfb: {  	v28 =	vadd.f32 v9, v28;
	v32 =	vor.u32 $0x200, v31;
	v33 =	vld [tilespmem:s0+$0x8000];
	v3 =	vmul.f32 v26, v3  }
0xfc: {  	v26 =	vor.u32 $0x40, v31;
	v9 =	vld [tilespmem:s0+$0x6060];
	v30 =	vadd.f32 v0, v30;
	v25 =	vmul.f32 v25, v5  }
0xfd: {  	v34 =	vor.u32 $0x240, v31;
	v22 =	vadd.f32 v29, v22;
	v0 =	vld [tilespmem:s0+$0x2060];
	v3 =	vadd.f32 v3, v10  }
0xfe: {  	v10 =	vor.u32 $0x80, v31;
	v23 =	vmul.f32 v23, v1;
	v29 =	vld [tilespmem:s0+$0x4020];
	v5 =	vmul.f32 v27, v5  }
0xff: {  	v13 =	vadd.f32 v18, v13;
	v27 =	vor.u32 $0x280, v31;
	v35 =	vld [tilespmem:s0+$0x8050];
	v2 =	vmul.f32 v24, v2  }
0x100: {  	v18 =	vor.u32 $0xC0, v31;
	v24 =	vld [tilespmem:s0+$0x8040];
	v5 =	vadd.f32 v5, v11;
	v11 =	vadd.f32 v23, v19  }
0x101: {  	v7 =	vadd.f32 v14, v7;
	v19 =	vor.u32 $0x2C0, v31;
	v36 =	vld [tilespmem:s0+$0x4060];
	v2 =	vadd.f32 v25, v2  }
0x102: {  	v14 =	vadd.f32 v17, v21;
	v1 =	vmul.f32 v4, v1;
	v13 =	vadd.f32 v30, v13;
	v23 =	vld [tilespmem:s0+$0x8070]  }
0x103: {  	v7 =	vadd.f32 v22, v7;
	v5 =	vadd.f32 v5, v8;
	v4 =	vld [tilespmem:s0+$0x8030]  }
0x104: {  	v1 =	vadd.f32 v1, v15;
	v2 =	vadd.f32 v2, v20;
	v8 =	vld [tilespmem:s0+$0x8020]  }
0x105: {  	v7 =	vadd.f32 v28, v7;
	v5 =	vadd.f32 v14, v5;
	v15 =	vld [tilespmem:s0+$0x2020]  }
0x106: {  	v1 =	vadd.f32 v1, v13;
	v2 =	vadd.f32 v11, v2;
	v17 =	vld [tilespmem:s0+$0x8010]  }
0x107: {  	v3 =	vadd.f32 v3, v7;
	v5 =	vadd.f32 v12, v5;
	v11 =	vld [tilespmem:s0+$0x4000]  }
0x108: {  	v1 =	vadd.f32 v6, v1;
	v2 =	vadd.f32 v16, v2;
	v12 =	vld [tilespmem:s0+$0x6040]  }
0x109: {  	v6 =	vld [tilespmem:s0+$0x2050];
	[tilespmem:s26+$0x12020] =	vst v3  }
0x10a: {  	v16 =	vld [tilespmem:s0+$0x2070];
	[tilespmem:s26+$0x12000] =	vst v5  }
0x10b: {  	v13 =	vld [tilespmem:s0+$0x2010];
	[tilespmem:s26+$0x12030] =	vst v2  }
0x10c: {  	v20 =	vld [tilespmem:s0+$0x2030];
	[tilespmem:s26+$0x12010] =	vst v1;
	s26 =	smov.u32 s0  }
0x10d: {  	v3 =	vld.idx.msk [tilespmem:v19+s16+$0x0], $0xffff  }
0x10e: {  	v7 =	vld [tilespmem:s26+$0x2000]  }
0x10f: {  	v19 =	vld [tilespmem:s26+$0x2040]  }
0x110: {  	v18 =	vld.idx.msk [tilespmem:v18+s16+$0x0], $0xffff  }
0x111: {  	v21 =	vld.idx.msk [tilespmem:v31+s16+$0x0], $0xffff  }
0x112: {  	v14 =	vld.idx.msk [tilespmem:v32+s16+$0x0], $0xffff  }
0x113: {  	v2 =	vld.idx.msk [tilespmem:v26+s16+$0x0], $0xffff  }
0x114: {  	v5 =	vld.idx.msk [tilespmem:v34+s16+$0x0], $0xffff  }
0x115: {  	v1 =	vld.idx.msk [tilespmem:v27+s16+$0x0], $0xffff  }
0x116: {  	v22 =	vmul.f32 v17, v18;
	v27 =	vld.idx.msk [tilespmem:v10+s16+$0x0], $0xffff;
	v10 =	vmul.f32 v8, v18  }
0x117: {  	v30 =	vmul.f32 v4, v18;
	v8 =	vmul.f32 v7, v21;
	v25 =	vld [tilespmem:s26+$0x6010]  }
0x118: {  	v7 =	vmul.f32 v15, v21;
	v17 =	vmul.f32 v19, v14;
	v15 =	vld [tilespmem:s26+$0x6030]  }
0x119: {  	v13 =	vmul.f32 v13, v21;
	v11 =	vmul.f32 v11, v2;
	v4 =	vld [tilespmem:s26+$0x6050]  }
0x11a: {  	v32 =	vmul.f32 v23, v3;
	v31 =	vmul.f32 v33, v18;
	v8 =	vadd.f32 v17, v8;
	v28 =	vld [tilespmem:s26+$0x6020]  }
0x11b: {  	v33 =	vmul.f32 v24, v3;
	v18 =	vmul.f32 v6, v14;
	v23 =	vld [tilespmem:s26+$0x6000]  }
0x11c: {  	v20 =	vmul.f32 v20, v21;
	v6 =	vmul.f32 v35, v3;
	v34 =	vld [tilespmem:s26+$0x4010]  }
.Ltmp0:
0x11d: {  	v17 =	vmul.f32 v12, v1;
	v24 =	vld [tilespmem:s26+$0x4050];
	v19 =	vmul.f32 v15, v27;
	(pc) =	sbr.rel @p0 .LBB2_2-.Ltmp0, $4  }
0x11e: {  	v35 =	vmul.f32 v16, v14;
	v6 =	vadd.f32 v6, v22;
	v15 =	vmul.f32 v25, v27;
	v26 =	vld [tilespmem:s26+$0x8060]  }
0x11f: {  	v22 =	vmul.f32 v29, v2;
	v12 =	vadd.f32 v33, v31;
	v25 =	vld [tilespmem:s26+$0x4070];
	v28 =	vmul.f32 v28, v27  }
0x120: {  	v16 =	vadd.f32 v32, v30;
	v9 =	vmul.f32 v9, v1;
	v21 =	vmul.f32 v23, v27;
	v23 =	vld [tilespmem:s26+$0x6070]  }
0x121: {  	s31 =	sadd.s32 $0x1, s31;
	v20 =	vadd.f32 v35, v20;
	v29 =	vmul.f32 v36, v5;
	v27 =	vld [tilespmem:s26+$0x4040];
	v30 =	vmul.f32 v34, v2  }
0x122: {  	_ = 	snop  }
0x123: {  	v31 =	vld [tilespmem:s26+$0x4030];
	v0 =	vmul.f32 v0, v14;
	v9 =	vadd.f32 v9, v28;
	v3 =	vmul.f32 v26, v3  }
0x124: {  	v24 =	vmul.f32 v24, v5;
	v13 =	vadd.f32 v18, v13;
	v22 =	vadd.f32 v29, v22  }
0x125: {  	v0 =	vadd.f32 v0, v7;
	v3 =	vadd.f32 v3, v10;
	v10 =	vmul.f32 v23, v1  }
0x126: {  	v14 =	vadd.f32 v24, v30;
	v41 =	vmul.f32 v25, v5;
	v1 =	vmul.f32 v4, v1  }
0x127: {  	v5 =	vmul.f32 v27, v5;
	v0 =	vadd.f32 v22, v0;
	v7 =	vadd.f32 v10, v19  }
0x128: {  	v2 =	vmul.f32 v31, v2;
	v10 =	vadd.f32 v14, v13;
	v1 =	vadd.f32 v1, v15  }
0x129: {  	v5 =	vadd.f32 v5, v11;
	v11 =	vadd.f32 v17, v21  }
0x12a: {  	v0 =	vadd.f32 v9, v0;
	v2 =	vadd.f32 v41, v2  }
0x12b: {  	v1 =	vadd.f32 v1, v10;
	v4 =	vadd.f32 v5, v8  }
0x12c: {  	v0 =	vadd.f32 v3, v0;
	v2 =	vadd.f32 v2, v20  }
0x12d: {  	v4 =	vadd.f32 v11, v4  }
0x12e: {  	[tilespmem:s26+$0x12020] =	vst v0;
	v0 =	vadd.f32 v6, v1;
	v2 =	vadd.f32 v7, v2  }
0x12f: {  	v3 =	vadd.f32 v12, v4  }
0x130: {  	[tilespmem:s26+$0x12010] =	vst v0;
	v2 =	vadd.f32 v16, v2  }
0x131: {  	[tilespmem:s26+$0x12000] =	vst v3  }
0x132: {  	[tilespmem:s26+$0x12030] =	vst v2  }
0x133: {  	[tilespmem:s19], [sflag:$0x2] =	stream.indirect.gather [hbm4b:s3+s18], $0x80, s15, s18, $0xb8;
	[tilespmem:$0x14000] =	vst v63  }
0x134: {  	s0 =	simm.s32 $0x480  }
0x135: {  	[tilespmem:s21], [sflag:$0x2] =	stream.indirect.gather [hbm4b:s3+s18], $0x80, s0, s18, $0xb8;
	[tilespmem:$0x14000] =	vst v63  }
0x136: {  	s26 =	simm.s32 $0x500  }
0x137: {  	[tilespmem:s23], [sflag:$0x2] =	stream.indirect.gather [hbm4b:s3+s18], $0x80, s26, s18, $0xb8;
	[tilespmem:$0x14000] =	vst v63  }
0x138: {  	s26 =	simm.s32 $0x580  }
0x139: {  	[tilespmem:s25], [sflag:$0x2] =	stream.indirect.gather [hbm4b:s3+s18], $0x80, s26, s18, $0xb8;
	[tilespmem:$0x14000] =	vst v63  }
0x13a: {  	_ =	swait.ge [sflag:s24], $0x2000  }
0x13b: {  	[sflag:s24] =	ssyncset.done $0x0  }
0x13c: {  	[sflag:s24] =	ssyncadd.s32 $0xFFFFE000  }
0x13d: {  	_ =	swait.ge [sflag:s24], $0x2000  }
0x13e: {  	[sflag:s24] =	ssyncset.done $0x0  }
0x13f: {  	[sflag:s24] =	ssyncadd.s32 $0xFFFFE000  }
0x140: {  	_ =	swait.ge [sflag:s24], $0x2000  }
0x141: {  	[sflag:s24] =	ssyncset.done $0x0  }
0x142: {  	[sflag:s24] =	ssyncadd.s32 $0xFFFFE000  }
0x143: {  	_ =	swait.ge [sflag:s24], $0x2000  }
0x144: {  	[sflag:s24] =	ssyncset.done $0x0  }
0x145: {  	s26 =	simm.s32 $0x0;
	[sflag:s24] =	ssyncadd.s32 $0xFFFFE000  }
0x146: {  	v2 =	vld [tilespmem:s26+$0xE050]  }
0x147: {  	v3 =	vld [tilespmem:s26+$0x10030]  }
0x148: {  	v4 =	vld [tilespmem:s26+$0xE010]  }
0x149: {  	v6 =	vld [tilespmem:s26+$0xC070]  }
0x14a: {  	v5 =	vld [tilespmem:s26+$0x10040]  }
0x14b: {  	v7 =	vld [tilespmem:s26+$0xC030]  }
0x14c: {  	v8 =	vld [tilespmem:s26+$0xC020]  }
0x14d: {  	v9 =	vld [tilespmem:s26+$0xC060]  }
0x14e: {  	v10 =	vld [tilespmem:s26+$0x10020]  }
0x14f: {  	v1 =	vld [tilespmem:s26+$0xA030]  }
0x150: {  	v11 =	vld [tilespmem:s26+$0xA010]  }
0x151: {  	v12 =	vld [tilespmem:s26+$0x10060]  }
0x152: {  	v13 =	vld [tilespmem:s26+$0xA050]  }
0x153: {  	s0 =	simm.s32 $0x0;
	v14 =	vld [tilespmem:s26+$0xA020]  }
0x154: {  	v0 =	vmov s0;
	v15 =	vld [tilespmem:s26+$0xC040]  }
0x155: {  	v16 =	vor.u32 $0x100, v0;
	v17 =	vld [tilespmem:s26+$0xA040]  }
0x156: {  	v18 =	vor.u32 $0x300, v0;
	v19 =	vld [tilespmem:s26+$0xA070]  }
0x157: {  	v20 =	vor.u32 $0x140, v0;
	v42 =	vld [tilespmem:s26+$0xC000]  }
0x158: {  	v43 =	vor.u32 $0x340, v0;
	v44 =	vld [tilespmem:s26+$0xA000]  }
0x159: {  	v45 =	vor.u32 $0x180, v0;
	v46 =	vld [tilespmem:s26+$0xA060]  }
0x15a: {  	v47 =	vor.u32 $0x380, v0;
	v16 =	vld.idx.msk [tilespmem:v16+s16+$0x0], $0xffff  }
0x15b: {  	v49 =	vor.u32 $0x3C0, v0;
	v18 =	vld.idx.msk [tilespmem:v18+s16+$0x0], $0xffff  }
0x15c: {  	v20 =	vld.idx.msk [tilespmem:v20+s16+$0x0], $0xffff  }
0x15d: {  	v22 =	vld.idx.msk [tilespmem:v43+s16+$0x0], $0xffff  }
0x15e: {  	v48 =	vor.u32 $0x1C0, v0;
	v0 =	vld.idx.msk [tilespmem:v45+s16+$0x0], $0xffff  }
0x15f: {  	v50 =	vld.idx.msk [tilespmem:v47+s16+$0x0], $0xffff;
	v23 =	vmul.f32 v44, v16  }
0x160: {  	v52 =	vld.idx.msk [tilespmem:v49+s16+$0x0], $0xffff;
	v51 =	vmul.f32 v1, v16;
	v13 =	vmul.f32 v13, v18  }
0x161: {  	v53 =	vld [tilespmem:s26+$0xE000];
	v19 =	vmul.f32 v19, v18;
	v17 =	vmul.f32 v17, v18  }
0x162: {  	v54 =	vld [tilespmem:s26+$0xC050];
	v11 =	vmul.f32 v11, v16;
	v14 =	vmul.f32 v14, v16  }
0x163: {  	v15 =	vmul.f32 v15, v22;
	v16 =	vld [tilespmem:s26+$0xC010];
	v21 =	vmul.f32 v42, v20  }
0x164: {  	v1 =	vld.idx.msk [tilespmem:v48+s16+$0x0], $0xffff;
	v55 =	vmul.f32 v4, v0;
	v9 =	vmul.f32 v9, v22  }
0x165: {  	v57 =	vmul.f32 v2, v50;
	v4 =	vmul.f32 v46, v18;
	v56 =	vadd.f32 v13, v11;
	v13 =	vld [tilespmem:s26+$0xE040]  }
0x166: {  	v8 =	vmul.f32 v8, v20;
	v18 =	vmul.f32 v5, v52;
	v2 =	vadd.f32 v17, v23;
	v17 =	vld [tilespmem:s26+$0x10070]  }
0x167: {  	v58 =	vmul.f32 v54, v22;
	v19 =	vadd.f32 v19, v51;
	v11 =	vadd.f32 v15, v21;
	v15 =	vld [tilespmem:s26+$0x10000]  }
0x168: {  	v4 =	vadd.f32 v4, v14;
	v14 =	vmul.f32 v16, v20;
	v16 =	vmul.f32 v7, v20;
	v20 =	vld [tilespmem:s26+$0xE070]  }
0x169: {  	v6 =	vmul.f32 v6, v22;
	v62 =	vadd.f32 v57, v55;
	v7 =	vadd.f32 v9, v8;
	v9 =	vld [tilespmem:s26+$0xE030]  }
0x16a: {  	v61 =	vld [tilespmem:s26+$0xE060];
	v5 =	vadd.f32 v11, v2;
	v10 =	vmul.f32 v10, v1;
	v8 =	vmul.f32 v12, v52  }
0x16b: {  	v59 =	vld [tilespmem:s26+$0x10050];
	v11 =	vmul.f32 v53, v0;
	v60 =	vmul.f32 v3, v1;
	v12 =	vadd.f32 v58, v14  }
0x16c: {  	v2 =	vld [tilespmem:s26+$0x12020];
	v13 =	vmul.f32 v13, v50;
	v14 =	vmul.f32 v15, v1;
	v3 =	vadd.f32 v8, v10  }
0x16d: {  	v17 =	vmul.f32 v17, v52;
	v8 =	vld [tilespmem:s26+$0x12000];
	v16 =	vadd.f32 v6, v16;
	v15 =	vadd.f32 v12, v56  }
0x16e: {  	v10 =	vld [tilespmem:s26+$0x10010];
	v12 =	vadd.f32 v18, v14;
	v20 =	vmul.f32 v20, v50;
	v63 =	vmul.f32 v9, v0  }
0x16f: {  	v17 =	vadd.f32 v17, v60;
	v18 =	vadd.f32 v16, v19;
	v14 =	vmul.f32 v61, v50;
	v16 =	vld [tilespmem:s26+$0x12030]  }
0x170: {  	s29 =	simm.s32 $0x200;
	s31 =	simm.s32 $0x1;
	v9 =	vmul.f32 v59, v52;
	v6 =	vadd.f32 v62, v15;
	v15 =	vld [tilespmem:s26+$0xE020];
	v19 =	vadd.f32 v20, v63  }
.LBB2_4:
0x171: {  	v20 =	vmov s31;
	s0 =	sshra.s32 s29, $0x2;
	p0 =	sne.s32 s29, $0x7E00;
	s29 =	sadd.s32 $0x200, s29;
	v4 =	vadd.f32 v7, v4;
	v7 =	vadd.f32 v13, v11;
	v11 =	vld [tilespmem:s26+$0x12010]  }
0x172: {  	v13 =	vor.u32 $0x100, v20;
	v21 =	vld [tilespmem:s0+$0xE050];
	v18 =	vadd.f32 v19, v18  }
0x173: {  	v19 =	vor.u32 $0x300, v20;
	v22 =	vld [tilespmem:s0+$0x10030];
	v5 =	vadd.f32 v7, v5  }
0x174: {  	v7 =	vor.u32 $0x140, v20;
	v23 =	vld [tilespmem:s0+$0xE010];
	v17 =	vadd.f32 v17, v18  }
0x175: {  	v18 =	vor.u32 $0x340, v20;
	v24 =	vld [tilespmem:s0+$0xC070];
	v5 =	vadd.f32 v12, v5  }
0x176: {  	v12 =	vor.u32 $0x180, v20;
	v25 =	vld [tilespmem:s0+$0x10040];
	v16 =	vadd.f32 v16, v17  }
0x177: {  	v26 =	vor.u32 $0x380, v20;
	v0 =	vmul.f32 v15, v0;
	v17 =	vld [tilespmem:s0+$0xC030];
	v5 =	vadd.f32 v8, v5  }
0x178: {  	v1 =	vmul.f32 v10, v1;
	v15 =	vor.u32 $0x1C0, v20;
	v8 =	vld [tilespmem:s0+$0xC020];
	[tilespmem:s26+$0x12030] =	vst v16  }
0x179: {  	v0 =	vadd.f32 v14, v0;
	v16 =	vor.u32 $0x3C0, v20;
	v10 =	vld [tilespmem:s0+$0xC060];
	[tilespmem:s26+$0x12000] =	vst v5  }
0x17a: {  	v1 =	vadd.f32 v9, v1;
	v5 =	vld [tilespmem:s0+$0x10020]  }
0x17b: {  	v0 =	vadd.f32 v0, v4;
	v9 =	vld [tilespmem:s0+$0xA030]  }
0x17c: {  	v1 =	vadd.f32 v1, v6;
	v4 =	vld [tilespmem:s0+$0xA010]  }
0x17d: {  	v0 =	vadd.f32 v3, v0;
	v14 =	vld [tilespmem:s0+$0xE060]  }
0x17e: {  	v1 =	vadd.f32 v11, v1;
	v3 =	vld [tilespmem:s0+$0x10060]  }
0x17f: {  	v0 =	vadd.f32 v2, v0;
	v6 =	vld [tilespmem:s0+$0xA050]  }
0x180: {  	v2 =	vld [tilespmem:s0+$0xA020];
	[tilespmem:s26+$0x12010] =	vst v1  }
0x181: {  	v11 =	vld [tilespmem:s0+$0xC040];
	[tilespmem:s26+$0x12020] =	vst v0;
	s26 =	smov.u32 s0  }
0x182: {  	v20 =	vld [tilespmem:s26+$0xA040]  }
0x183: {  	v27 =	vld [tilespmem:s26+$0xA070]  }
0x184: {  	v28 =	vld [tilespmem:s26+$0xC000]  }
0x185: {  	v1 =	vld [tilespmem:s26+$0xA000]  }
0x186: {  	v29 =	vld [tilespmem:s26+$0xA060]  }
0x187: {  	v13 =	vld.idx.msk [tilespmem:v13+s16+$0x0], $0xffff  }
0x188: {  	v19 =	vld.idx.msk [tilespmem:v19+s16+$0x0], $0xffff  }
0x189: {  	v7 =	vld.idx.msk [tilespmem:v7+s16+$0x0], $0xffff  }
0x18a: {  	v18 =	vld.idx.msk [tilespmem:v18+s16+$0x0], $0xffff  }
0x18b: {  	v0 =	vld.idx.msk [tilespmem:v12+s16+$0x0], $0xffff  }
0x18c: {  	v26 =	vld.idx.msk [tilespmem:v26+s16+$0x0], $0xffff  }
0x18d: {  	v12 =	vmul.f32 v1, v13;
	v9 =	vmul.f32 v9, v13;
	v1 =	vld.idx.msk [tilespmem:v15+s16+$0x0], $0xffff  }
0x18e: {  	v6 =	vmul.f32 v6, v19;
	v15 =	vmul.f32 v27, v19;
	v16 =	vld.idx.msk [tilespmem:v16+s16+$0x0], $0xffff  }
0x18f: {  	v4 =	vmul.f32 v4, v13;
	v20 =	vmul.f32 v20, v19;
	v27 =	vld [tilespmem:s26+$0xE000]  }
0x190: {  	v2 =	vmul.f32 v2, v13;
	v30 =	vadd.f32 v15, v9;
	v9 =	vmul.f32 v11, v18;
	v11 =	vld [tilespmem:s26+$0xC010]  }
0x191: {  	v6 =	vadd.f32 v6, v4;
	v4 =	vmul.f32 v28, v7;
	v15 =	vmul.f32 v23, v0;
	v13 =	vld [tilespmem:s26+$0xC050]  }
0x192: {  	v12 =	vadd.f32 v20, v12;
	v10 =	vmul.f32 v10, v18;
	v21 =	vmul.f32 v21, v26;
	v20 =	vld [tilespmem:s26+$0xE040]  }
0x193: {  	v19 =	vmul.f32 v29, v19;
	v9 =	vadd.f32 v9, v4;
	v23 =	vmul.f32 v5, v1;
	v28 =	vld [tilespmem:s26+$0x10070]  }
0x194: {  	v5 =	vmul.f32 v8, v7;
	v25 =	vmul.f32 v25, v16;
	v8 =	vld [tilespmem:s26+$0x10000]  }
0x195: {  	v17 =	vmul.f32 v17, v7;
	v4 =	vadd.f32 v19, v2;
	v2 =	vmul.f32 v11, v7;
	v19 =	vld [tilespmem:s26+$0xE070]  }
0x196: {  	v3 =	vmul.f32 v3, v16;
	v7 =	vadd.f32 v10, v5;
	v11 =	vmul.f32 v13, v18;
	v10 =	vld [tilespmem:s26+$0xE030]  }
0x197: {  	v22 =	vmul.f32 v22, v1;
	v5 =	vadd.f32 v9, v12;
	v9 =	vmul.f32 v24, v18;
	v18 =	vld [tilespmem:s26+$0x10050]  }
0x198: {  	v13 =	vmul.f32 v20, v26;
	v12 =	vadd.f32 v11, v2;
	v11 =	vmul.f32 v27, v0  }
.Ltmp1:
0x199: {  	v3 =	vadd.f32 v3, v23;
	v23 =	vmul.f32 v28, v16;
	v20 =	vmul.f32 v8, v1;
	v2 =	vld [tilespmem:s26+$0x12020];
	(pc) =	sbr.rel @p0 .LBB2_4-.Ltmp1, $4  }
0x19a: {  	v15 =	vadd.f32 v21, v15;
	v6 =	vadd.f32 v12, v6;
	v19 =	vmul.f32 v19, v26;
	v8 =	vld [tilespmem:s26+$0x12000]  }
0x19b: {  	v21 =	vadd.f32 v9, v17;
	v24 =	vmul.f32 v10, v0;
	v12 =	vadd.f32 v25, v20;
	v10 =	vld [tilespmem:s26+$0x10010]  }
0x19c: {  	v17 =	vadd.f32 v23, v22;
	v6 =	vadd.f32 v15, v6;
	v15 =	vld [tilespmem:s26+$0xE020];
	v9 =	vmul.f32 v18, v16  }
0x19d: {  	s31 =	sadd.s32 $0x1, s31;
	v14 =	vmul.f32 v14, v26;
	v18 =	vadd.f32 v21, v30;
	v19 =	vadd.f32 v19, v24;
	v16 =	vld [tilespmem:s26+$0x12030]  }
0x19e: {  	_ =	sdelay $0x1  }
0x19f: {  	v11 =	vadd.f32 v13, v11  }
0x1a0: {  	v0 =	vmul.f32 v15, v0  }
0x1a1: {  	v4 =	vadd.f32 v7, v4;
	v1 =	vmul.f32 v10, v1;
	v5 =	vadd.f32 v11, v5  }
0x1a2: {  	v7 =	vadd.f32 v19, v18;
	v10 =	vld [tilespmem:s26+$0x12010];
	v0 =	vadd.f32 v14, v0  }
0x1a3: {  	v1 =	vadd.f32 v9, v1;
	v5 =	vadd.f32 v12, v5  }
0x1a4: {  	v7 =	vadd.f32 v17, v7;
	v0 =	vadd.f32 v0, v4  }
0x1a5: {  	v1 =	vadd.f32 v1, v6;
	v5 =	vadd.f32 v8, v5  }
0x1a6: {  	v4 =	vadd.f32 v16, v7;
	v0 =	vadd.f32 v3, v0  }
0x1a7: {  	v1 =	vadd.f32 v10, v1;
	[tilespmem:s26+$0x12000] =	vst v5  }
0x1a8: {  	[tilespmem:s26+$0x12030] =	vst v4;
	v0 =	vadd.f32 v2, v0  }
0x1a9: {  	[tilespmem:s26+$0x12010] =	vst v1  }
0x1aa: {  	s0 =	simm.s32 $0x600;
	[tilespmem:s26+$0x12020] =	vst v0  }
0x1ab: {  	[tilespmem:s28], [sflag:$0x3] =	stream.indirect.gather [hbm4b:s3+s18], $0x80, s0, s18, $0xb8;
	[tilespmem:$0x14000] =	vst v63  }
0x1ac: {  	s26 =	simm.s32 $0x680  }
0x1ad: {  	[tilespmem:s30], [sflag:$0x3] =	stream.indirect.gather [hbm4b:s3+s18], $0x80, s26, s18, $0xb8;
	[tilespmem:$0x14000] =	vst v63  }
0x1ae: {  	s26 =	simm.s32 $0x700  }
0x1af: {  	[tilespmem:s1], [sflag:$0x3] =	stream.indirect.gather [hbm4b:s3+s18], $0x80, s26, s18, $0xb8;
	[tilespmem:$0x14000] =	vst v63  }
0x1b0: {  	s26 =	simm.s32 $0x780  }
0x1b1: {  	[tilespmem:s13], [sflag:$0x3] =	stream.indirect.gather [hbm4b:s3+s18], $0x80, s26, s18, $0xb8;
	[tilespmem:$0x14000] =	vst v63  }
0x1b2: {  	_ =	swait.ge [sflag:s14], $0x2000  }
0x1b3: {  	[sflag:s14] =	ssyncset.done $0x0  }
0x1b4: {  	[sflag:s14] =	ssyncadd.s32 $0xFFFFE000  }
0x1b5: {  	_ =	swait.ge [sflag:s14], $0x2000  }
0x1b6: {  	[sflag:s14] =	ssyncset.done $0x0  }
0x1b7: {  	[sflag:s14] =	ssyncadd.s32 $0xFFFFE000  }
0x1b8: {  	_ =	swait.ge [sflag:s14], $0x2000  }
0x1b9: {  	[sflag:s14] =	ssyncset.done $0x0  }
0x1ba: {  	[sflag:s14] =	ssyncadd.s32 $0xFFFFE000  }
0x1bb: {  	_ =	swait.ge [sflag:s14], $0x2000  }
0x1bc: {  	[sflag:s14] =	ssyncset.done $0x0  }
0x1bd: {  	s26 =	simm.s32 $0x0;
	[sflag:s14] =	ssyncadd.s32 $0xFFFFE000  }
0x1be: {  	v2 =	vld [tilespmem:s26+$0x6050]  }
0x1bf: {  	v3 =	vld [tilespmem:s26+$0x8030]  }
0x1c0: {  	v4 =	vld [tilespmem:s26+$0x6010]  }
0x1c1: {  	v6 =	vld [tilespmem:s26+$0x4070]  }
0x1c2: {  	v5 =	vld [tilespmem:s26+$0x8040]  }
0x1c3: {  	v7 =	vld [tilespmem:s26+$0x4030]  }
0x1c4: {  	v8 =	vld [tilespmem:s26+$0x4020]  }
0x1c5: {  	v9 =	vld [tilespmem:s26+$0x4060]  }
0x1c6: {  	v10 =	vld [tilespmem:s26+$0x8020]  }
0x1c7: {  	v1 =	vld [tilespmem:s26+$0x2030]  }
0x1c8: {  	v11 =	vld [tilespmem:s26+$0x2010]  }
0x1c9: {  	v12 =	vld [tilespmem:s26+$0x8060]  }
0x1ca: {  	v13 =	vld [tilespmem:s26+$0x2050]  }
0x1cb: {  	s0 =	simm.s32 $0x0;
	v14 =	vld [tilespmem:s26+$0x2020]  }
0x1cc: {  	v0 =	vmov s0;
	v15 =	vld [tilespmem:s26+$0x4040]  }
0x1cd: {  	v16 =	vor.u32 $0x400, v0;
	v17 =	vld [tilespmem:s26+$0x2040]  }
0x1ce: {  	v18 =	vor.u32 $0x600, v0;
	v19 =	vld [tilespmem:s26+$0x2070]  }
0x1cf: {  	v20 =	vor.u32 $0x440, v0;
	v21 =	vld [tilespmem:s26+$0x4000]  }
0x1d0: {  	v22 =	vor.u32 $0x640, v0;
	v23 =	vld [tilespmem:s26+$0x2000]  }
0x1d1: {  	v24 =	vor.u32 $0x480, v0;
	v25 =	vld [tilespmem:s26+$0x2060]  }
0x1d2: {  	v26 =	vor.u32 $0x680, v0;
	v16 =	vld.idx.msk [tilespmem:v16+s16+$0x0], $0xffff  }
0x1d3: {  	v28 =	vor.u32 $0x6C0, v0;
	v18 =	vld.idx.msk [tilespmem:v18+s16+$0x0], $0xffff  }
0x1d4: {  	v20 =	vld.idx.msk [tilespmem:v20+s16+$0x0], $0xffff  }
0x1d5: {  	v22 =	vld.idx.msk [tilespmem:v22+s16+$0x0], $0xffff  }
0x1d6: {  	v27 =	vor.u32 $0x4C0, v0;
	v0 =	vld.idx.msk [tilespmem:v24+s16+$0x0], $0xffff  }
0x1d7: {  	v53 =	vld.idx.msk [tilespmem:v26+s16+$0x0], $0xffff;
	v23 =	vmul.f32 v23, v16  }
0x1d8: {  	v55 =	vld.idx.msk [tilespmem:v28+s16+$0x0], $0xffff;
	v54 =	vmul.f32 v1, v16;
	v13 =	vmul.f32 v13, v18  }
0x1d9: {  	v56 =	vld [tilespmem:s26+$0x6000];
	v19 =	vmul.f32 v19, v18;
	v17 =	vmul.f32 v17, v18  }
0x1da: {  	v57 =	vld [tilespmem:s26+$0x4050];
	v11 =	vmul.f32 v11, v16;
	v14 =	vmul.f32 v14, v16  }
0x1db: {  	v15 =	vmul.f32 v15, v22;
	v16 =	vld [tilespmem:s26+$0x4010];
	v21 =	vmul.f32 v21, v20  }
0x1dc: {  	v1 =	vld.idx.msk [tilespmem:v27+s16+$0x0], $0xffff;
	v29 =	vmul.f32 v4, v0;
	v9 =	vmul.f32 v9, v22  }
0x1dd: {  	v31 =	vmul.f32 v2, v53;
	v4 =	vmul.f32 v25, v18;
	v30 =	vadd.f32 v13, v11;
	v13 =	vld [tilespmem:s26+$0x6040]  }
0x1de: {  	v8 =	vmul.f32 v8, v20;
	v18 =	vmul.f32 v5, v55;
	v2 =	vadd.f32 v17, v23;
	v17 =	vld [tilespmem:s26+$0x8070]  }
0x1df: {  	v58 =	vmul.f32 v57, v22;
	v19 =	vadd.f32 v19, v54;
	v11 =	vadd.f32 v15, v21;
	v15 =	vld [tilespmem:s26+$0x8000]  }
0x1e0: {  	v4 =	vadd.f32 v4, v14;
	v14 =	vmul.f32 v16, v20;
	v16 =	vmul.f32 v7, v20;
	v20 =	vld [tilespmem:s26+$0x6070]  }
0x1e1: {  	v6 =	vmul.f32 v6, v22;
	v62 =	vadd.f32 v31, v29;
	v7 =	vadd.f32 v9, v8;
	v9 =	vld [tilespmem:s26+$0x6030]  }
0x1e2: {  	v61 =	vld [tilespmem:s26+$0x6060];
	v5 =	vadd.f32 v11, v2;
	v10 =	vmul.f32 v10, v1;
	v8 =	vmul.f32 v12, v55  }
0x1e3: {  	v59 =	vld [tilespmem:s26+$0x8050];
	v11 =	vmul.f32 v56, v0;
	v60 =	vmul.f32 v3, v1;
	v12 =	vadd.f32 v58, v14  }
0x1e4: {  	v2 =	vld [tilespmem:s26+$0x12020];
	v13 =	vmul.f32 v13, v53;
	v14 =	vmul.f32 v15, v1;
	v3 =	vadd.f32 v8, v10  }
0x1e5: {  	v17 =	vmul.f32 v17, v55;
	v8 =	vld [tilespmem:s26+$0x12000];
	v16 =	vadd.f32 v6, v16;
	v15 =	vadd.f32 v12, v30  }
0x1e6: {  	v10 =	vld [tilespmem:s26+$0x8010];
	v12 =	vadd.f32 v18, v14;
	v20 =	vmul.f32 v20, v53;
	v63 =	vmul.f32 v9, v0  }
0x1e7: {  	v17 =	vadd.f32 v17, v60;
	v18 =	vadd.f32 v16, v19;
	v14 =	vmul.f32 v61, v53;
	v16 =	vld [tilespmem:s26+$0x12030]  }
0x1e8: {  	s29 =	simm.s32 $0x200;
	s31 =	simm.s32 $0x1;
	v9 =	vmul.f32 v59, v55;
	v6 =	vadd.f32 v62, v15;
	v15 =	vld [tilespmem:s26+$0x6020];
	v19 =	vadd.f32 v20, v63  }
.LBB2_6:
0x1e9: {  	v20 =	vmov s31;
	s0 =	sshra.s32 s29, $0x2;
	p0 =	sne.s32 s29, $0x7E00;
	s29 =	sadd.s32 $0x200, s29;
	v4 =	vadd.f32 v7, v4;
	v7 =	vadd.f32 v13, v11;
	v11 =	vld [tilespmem:s26+$0x12010]  }
0x1ea: {  	v13 =	vor.u32 $0x400, v20;
	v21 =	vld [tilespmem:s0+$0x6050];
	v18 =	vadd.f32 v19, v18  }
0x1eb: {  	v19 =	vor.u32 $0x600, v20;
	v22 =	vld [tilespmem:s0+$0x8030];
	v5 =	vadd.f32 v7, v5  }
0x1ec: {  	v7 =	vor.u32 $0x440, v20;
	v23 =	vld [tilespmem:s0+$0x6010];
	v17 =	vadd.f32 v17, v18  }
0x1ed: {  	v18 =	vor.u32 $0x640, v20;
	v24 =	vld [tilespmem:s0+$0x4070];
	v5 =	vadd.f32 v12, v5  }
0x1ee: {  	v12 =	vor.u32 $0x480, v20;
	v25 =	vld [tilespmem:s0+$0x8040];
	v16 =	vadd.f32 v16, v17  }
0x1ef: {  	v26 =	vor.u32 $0x680, v20;
	v0 =	vmul.f32 v15, v0;
	v17 =	vld [tilespmem:s0+$0x4030];
	v5 =	vadd.f32 v8, v5  }
0x1f0: {  	v1 =	vmul.f32 v10, v1;
	v15 =	vor.u32 $0x4C0, v20;
	v8 =	vld [tilespmem:s0+$0x4020];
	[tilespmem:s26+$0x12030] =	vst v16  }
0x1f1: {  	v0 =	vadd.f32 v14, v0;
	v16 =	vor.u32 $0x6C0, v20;
	v10 =	vld [tilespmem:s0+$0x4060];
	[tilespmem:s26+$0x12000] =	vst v5  }
0x1f2: {  	v1 =	vadd.f32 v9, v1;
	v5 =	vld [tilespmem:s0+$0x8020]  }
0x1f3: {  	v0 =	vadd.f32 v0, v4;
	v9 =	vld [tilespmem:s0+$0x2030]  }
0x1f4: {  	v1 =	vadd.f32 v1, v6;
	v4 =	vld [tilespmem:s0+$0x2010]  }
0x1f5: {  	v0 =	vadd.f32 v3, v0;
	v14 =	vld [tilespmem:s0+$0x6060]  }
0x1f6: {  	v1 =	vadd.f32 v11, v1;
	v3 =	vld [tilespmem:s0+$0x8060]  }
0x1f7: {  	v0 =	vadd.f32 v2, v0;
	v6 =	vld [tilespmem:s0+$0x2050]  }
0x1f8: {  	v2 =	vld [tilespmem:s0+$0x2020];
	[tilespmem:s26+$0x12010] =	vst v1  }
0x1f9: {  	v11 =	vld [tilespmem:s0+$0x4040];
	[tilespmem:s26+$0x12020] =	vst v0;
	s26 =	smov.u32 s0  }
0x1fa: {  	v20 =	vld [tilespmem:s26+$0x2040]  }
0x1fb: {  	v27 =	vld [tilespmem:s26+$0x2070]  }
0x1fc: {  	v28 =	vld [tilespmem:s26+$0x4000]  }
0x1fd: {  	v1 =	vld [tilespmem:s26+$0x2000]  }
0x1fe: {  	v29 =	vld [tilespmem:s26+$0x2060]  }
0x1ff: {  	v13 =	vld.idx.msk [tilespmem:v13+s16+$0x0], $0xffff  }
0x200: {  	v19 =	vld.idx.msk [tilespmem:v19+s16+$0x0], $0xffff  }
0x201: {  	v7 =	vld.idx.msk [tilespmem:v7+s16+$0x0], $0xffff  }
0x202: {  	v18 =	vld.idx.msk [tilespmem:v18+s16+$0x0], $0xffff  }
0x203: {  	v0 =	vld.idx.msk [tilespmem:v12+s16+$0x0], $0xffff  }
0x204: {  	v26 =	vld.idx.msk [tilespmem:v26+s16+$0x0], $0xffff  }
0x205: {  	v12 =	vmul.f32 v1, v13;
	v9 =	vmul.f32 v9, v13;
	v1 =	vld.idx.msk [tilespmem:v15+s16+$0x0], $0xffff  }
0x206: {  	v6 =	vmul.f32 v6, v19;
	v15 =	vmul.f32 v27, v19;
	v16 =	vld.idx.msk [tilespmem:v16+s16+$0x0], $0xffff  }
0x207: {  	v4 =	vmul.f32 v4, v13;
	v20 =	vmul.f32 v20, v19;
	v27 =	vld [tilespmem:s26+$0x6000]  }
0x208: {  	v2 =	vmul.f32 v2, v13;
	v30 =	vadd.f32 v15, v9;
	v9 =	vmul.f32 v11, v18;
	v11 =	vld [tilespmem:s26+$0x4010]  }
0x209: {  	v6 =	vadd.f32 v6, v4;
	v4 =	vmul.f32 v28, v7;
	v15 =	vmul.f32 v23, v0;
	v13 =	vld [tilespmem:s26+$0x4050]  }
0x20a: {  	v12 =	vadd.f32 v20, v12;
	v10 =	vmul.f32 v10, v18;
	v21 =	vmul.f32 v21, v26;
	v20 =	vld [tilespmem:s26+$0x6040]  }
0x20b: {  	v19 =	vmul.f32 v29, v19;
	v9 =	vadd.f32 v9, v4;
	v23 =	vmul.f32 v5, v1;
	v28 =	vld [tilespmem:s26+$0x8070]  }
0x20c: {  	v5 =	vmul.f32 v8, v7;
	v25 =	vmul.f32 v25, v16;
	v8 =	vld [tilespmem:s26+$0x8000]  }
0x20d: {  	v17 =	vmul.f32 v17, v7;
	v4 =	vadd.f32 v19, v2;
	v2 =	vmul.f32 v11, v7;
	v19 =	vld [tilespmem:s26+$0x6070]  }
0x20e: {  	v3 =	vmul.f32 v3, v16;
	v7 =	vadd.f32 v10, v5;
	v11 =	vmul.f32 v13, v18;
	v10 =	vld [tilespmem:s26+$0x6030]  }
0x20f: {  	v22 =	vmul.f32 v22, v1;
	v5 =	vadd.f32 v9, v12;
	v9 =	vmul.f32 v24, v18;
	v18 =	vld [tilespmem:s26+$0x8050]  }
0x210: {  	v13 =	vmul.f32 v20, v26;
	v12 =	vadd.f32 v11, v2;
	v11 =	vmul.f32 v27, v0  }
.Ltmp2:
0x211: {  	v3 =	vadd.f32 v3, v23;
	v23 =	vmul.f32 v28, v16;
	v20 =	vmul.f32 v8, v1;
	v2 =	vld [tilespmem:s26+$0x12020];
	(pc) =	sbr.rel @p0 .LBB2_6-.Ltmp2, $4  }
0x212: {  	v15 =	vadd.f32 v21, v15;
	v6 =	vadd.f32 v12, v6;
	v19 =	vmul.f32 v19, v26;
	v8 =	vld [tilespmem:s26+$0x12000]  }
0x213: {  	v21 =	vadd.f32 v9, v17;
	v24 =	vmul.f32 v10, v0;
	v12 =	vadd.f32 v25, v20;
	v10 =	vld [tilespmem:s26+$0x8010]  }
0x214: {  	v17 =	vadd.f32 v23, v22;
	v6 =	vadd.f32 v15, v6;
	v15 =	vld [tilespmem:s26+$0x6020];
	v9 =	vmul.f32 v18, v16  }
0x215: {  	s31 =	sadd.s32 $0x1, s31;
	v14 =	vmul.f32 v14, v26;
	v18 =	vadd.f32 v21, v30;
	v19 =	vadd.f32 v19, v24;
	v16 =	vld [tilespmem:s26+$0x12030]  }
0x216: {  	_ =	sdelay $0x1  }
0x217: {  	v11 =	vadd.f32 v13, v11  }
0x218: {  	v0 =	vmul.f32 v15, v0  }
0x219: {  	v4 =	vadd.f32 v7, v4;
	v1 =	vmul.f32 v10, v1;
	v5 =	vadd.f32 v11, v5  }
0x21a: {  	v7 =	vadd.f32 v19, v18;
	v10 =	vld [tilespmem:s26+$0x12010];
	v0 =	vadd.f32 v14, v0  }
0x21b: {  	v1 =	vadd.f32 v9, v1;
	v5 =	vadd.f32 v12, v5  }
0x21c: {  	v7 =	vadd.f32 v17, v7;
	v0 =	vadd.f32 v0, v4  }
0x21d: {  	v1 =	vadd.f32 v1, v6;
	v5 =	vadd.f32 v8, v5  }
0x21e: {  	v4 =	vadd.f32 v16, v7;
	v0 =	vadd.f32 v3, v0  }
0x21f: {  	v1 =	vadd.f32 v10, v1;
	[tilespmem:s26+$0x12000] =	vst v5  }
0x220: {  	[tilespmem:s26+$0x12030] =	vst v4;
	v0 =	vadd.f32 v2, v0  }
0x221: {  	[tilespmem:s26+$0x12010] =	vst v1  }
0x222: {  	[tilespmem:s26+$0x12020] =	vst v0  }
0x223: {  	_ =	swait.ge [sflag:s24], $0x2000  }
0x224: {  	[sflag:s24] =	ssyncset.done $0x0  }
0x225: {  	[sflag:s24] =	ssyncadd.s32 $0xFFFFE000  }
0x226: {  	_ =	swait.ge [sflag:s24], $0x2000  }
0x227: {  	[sflag:s24] =	ssyncset.done $0x0  }
0x228: {  	[sflag:s24] =	ssyncadd.s32 $0xFFFFE000  }
0x229: {  	_ =	swait.ge [sflag:s24], $0x2000  }
0x22a: {  	[sflag:s24] =	ssyncset.done $0x0  }
0x22b: {  	[sflag:s24] =	ssyncadd.s32 $0xFFFFE000  }
0x22c: {  	_ =	swait.ge [sflag:s24], $0x2000  }
0x22d: {  	[sflag:s24] =	ssyncset.done $0x0  }
0x22e: {  	s26 =	simm.s32 $0x0;
	[sflag:s24] =	ssyncadd.s32 $0xFFFFE000  }
0x22f: {  	v2 =	vld [tilespmem:s26+$0xE050]  }
0x230: {  	v3 =	vld [tilespmem:s26+$0x10030]  }
0x231: {  	v4 =	vld [tilespmem:s26+$0xE010]  }
0x232: {  	v6 =	vld [tilespmem:s26+$0xC070]  }
0x233: {  	v5 =	vld [tilespmem:s26+$0x10040]  }
0x234: {  	v7 =	vld [tilespmem:s26+$0xC030]  }
0x235: {  	v8 =	vld [tilespmem:s26+$0xC020]  }
0x236: {  	v9 =	vld [tilespmem:s26+$0xC060]  }
0x237: {  	v10 =	vld [tilespmem:s26+$0x10020]  }
0x238: {  	v1 =	vld [tilespmem:s26+$0xA030]  }
0x239: {  	v11 =	vld [tilespmem:s26+$0xA010]  }
0x23a: {  	v12 =	vld [tilespmem:s26+$0x10060]  }
0x23b: {  	v13 =	vld [tilespmem:s26+$0xA050]  }
0x23c: {  	s0 =	simm.s32 $0x0;
	v14 =	vld [tilespmem:s26+$0xA020]  }
0x23d: {  	v0 =	vmov s0;
	v15 =	vld [tilespmem:s26+$0xC040]  }
0x23e: {  	v16 =	vor.u32 $0x500, v0;
	v17 =	vld [tilespmem:s26+$0xA040]  }
0x23f: {  	v18 =	vor.u32 $0x700, v0;
	v19 =	vld [tilespmem:s26+$0xA070]  }
0x240: {  	v20 =	vor.u32 $0x540, v0;
	v21 =	vld [tilespmem:s26+$0xC000]  }
0x241: {  	v22 =	vor.u32 $0x740, v0;
	v23 =	vld [tilespmem:s26+$0xA000]  }
0x242: {  	v24 =	vor.u32 $0x580, v0;
	v25 =	vld [tilespmem:s26+$0xA060]  }
0x243: {  	v26 =	vor.u32 $0x780, v0;
	v16 =	vld.idx.msk [tilespmem:v16+s16+$0x0], $0xffff  }
0x244: {  	v28 =	vor.u32 $0x7C0, v0;
	v18 =	vld.idx.msk [tilespmem:v18+s16+$0x0], $0xffff  }
0x245: {  	v20 =	vld.idx.msk [tilespmem:v20+s16+$0x0], $0xffff  }
0x246: {  	v22 =	vld.idx.msk [tilespmem:v22+s16+$0x0], $0xffff  }
0x247: {  	v27 =	vor.u32 $0x5C0, v0;
	v0 =	vld.idx.msk [tilespmem:v24+s16+$0x0], $0xffff  }
0x248: {  	v53 =	vld.idx.msk [tilespmem:v26+s16+$0x0], $0xffff;
	v23 =	vmul.f32 v23, v16  }
0x249: {  	v55 =	vld.idx.msk [tilespmem:v28+s16+$0x0], $0xffff;
	v54 =	vmul.f32 v1, v16;
	v13 =	vmul.f32 v13, v18  }
0x24a: {  	v56 =	vld [tilespmem:s26+$0xE000];
	v19 =	vmul.f32 v19, v18;
	v17 =	vmul.f32 v17, v18  }
0x24b: {  	v57 =	vld [tilespmem:s26+$0xC050];
	v11 =	vmul.f32 v11, v16;
	v14 =	vmul.f32 v14, v16  }
0x24c: {  	v15 =	vmul.f32 v15, v22;
	v16 =	vld [tilespmem:s26+$0xC010];
	v21 =	vmul.f32 v21, v20  }
0x24d: {  	v1 =	vld.idx.msk [tilespmem:v27+s16+$0x0], $0xffff;
	v29 =	vmul.f32 v4, v0;
	v9 =	vmul.f32 v9, v22  }
0x24e: {  	v31 =	vmul.f32 v2, v53;
	v4 =	vmul.f32 v25, v18;
	v30 =	vadd.f32 v13, v11;
	v13 =	vld [tilespmem:s26+$0xE040]  }
0x24f: {  	v8 =	vmul.f32 v8, v20;
	v18 =	vmul.f32 v5, v55;
	v2 =	vadd.f32 v17, v23;
	v17 =	vld [tilespmem:s26+$0x10070]  }
0x250: {  	v58 =	vmul.f32 v57, v22;
	v19 =	vadd.f32 v19, v54;
	v11 =	vadd.f32 v15, v21;
	v15 =	vld [tilespmem:s26+$0x10000]  }
0x251: {  	v4 =	vadd.f32 v4, v14;
	v14 =	vmul.f32 v16, v20;
	v16 =	vmul.f32 v7, v20;
	v20 =	vld [tilespmem:s26+$0xE070]  }
0x252: {  	v6 =	vmul.f32 v6, v22;
	v62 =	vadd.f32 v31, v29;
	v7 =	vadd.f32 v9, v8;
	v9 =	vld [tilespmem:s26+$0xE030]  }
0x253: {  	v61 =	vld [tilespmem:s26+$0xE060];
	v5 =	vadd.f32 v11, v2;
	v10 =	vmul.f32 v10, v1;
	v8 =	vmul.f32 v12, v55  }
0x254: {  	v59 =	vld [tilespmem:s26+$0x10050];
	v11 =	vmul.f32 v56, v0;
	v60 =	vmul.f32 v3, v1;
	v12 =	vadd.f32 v58, v14  }
0x255: {  	v2 =	vld [tilespmem:s26+$0x12020];
	v13 =	vmul.f32 v13, v53;
	v14 =	vmul.f32 v15, v1;
	v3 =	vadd.f32 v8, v10  }
0x256: {  	v17 =	vmul.f32 v17, v55;
	v8 =	vld [tilespmem:s26+$0x12000];
	v16 =	vadd.f32 v6, v16;
	v15 =	vadd.f32 v12, v30  }
0x257: {  	v10 =	vld [tilespmem:s26+$0x10010];
	v12 =	vadd.f32 v18, v14;
	v20 =	vmul.f32 v20, v53;
	v63 =	vmul.f32 v9, v0  }
0x258: {  	v17 =	vadd.f32 v17, v60;
	v18 =	vadd.f32 v16, v19;
	v14 =	vmul.f32 v61, v53;
	v16 =	vld [tilespmem:s26+$0x12030]  }
0x259: {  	s29 =	simm.s32 $0x200;
	s31 =	simm.s32 $0x1;
	v9 =	vmul.f32 v59, v55;
	v6 =	vadd.f32 v62, v15;
	v15 =	vld [tilespmem:s26+$0xE020];
	v19 =	vadd.f32 v20, v63  }
.LBB2_8:
0x25a: {  	v20 =	vmov s31;
	s0 =	sshra.s32 s29, $0x2;
	p0 =	sne.s32 s29, $0x7E00;
	s29 =	sadd.s32 $0x200, s29;
	v4 =	vadd.f32 v7, v4;
	v7 =	vadd.f32 v13, v11;
	v11 =	vld [tilespmem:s26+$0x12010]  }
0x25b: {  	v13 =	vor.u32 $0x500, v20;
	v21 =	vld [tilespmem:s0+$0xE050];
	v18 =	vadd.f32 v19, v18  }
0x25c: {  	v19 =	vor.u32 $0x700, v20;
	v22 =	vld [tilespmem:s0+$0x10030];
	v5 =	vadd.f32 v7, v5  }
0x25d: {  	v7 =	vor.u32 $0x540, v20;
	v23 =	vld [tilespmem:s0+$0xE010];
	v17 =	vadd.f32 v17, v18  }
0x25e: {  	v18 =	vor.u32 $0x740, v20;
	v24 =	vld [tilespmem:s0+$0xC070];
	v5 =	vadd.f32 v12, v5  }
0x25f: {  	v12 =	vor.u32 $0x580, v20;
	v25 =	vld [tilespmem:s0+$0x10040];
	v16 =	vadd.f32 v16, v17  }
0x260: {  	v26 =	vor.u32 $0x780, v20;
	v0 =	vmul.f32 v15, v0;
	v17 =	vld [tilespmem:s0+$0xC030];
	v5 =	vadd.f32 v8, v5  }
0x261: {  	v1 =	vmul.f32 v10, v1;
	v15 =	vor.u32 $0x5C0, v20;
	v8 =	vld [tilespmem:s0+$0xC020];
	[tilespmem:s26+$0x12030] =	vst v16  }
0x262: {  	v0 =	vadd.f32 v14, v0;
	v16 =	vor.u32 $0x7C0, v20;
	v10 =	vld [tilespmem:s0+$0xC060];
	[tilespmem:s26+$0x12000] =	vst v5  }
0x263: {  	v1 =	vadd.f32 v9, v1;
	v5 =	vld [tilespmem:s0+$0x10020]  }
0x264: {  	v0 =	vadd.f32 v0, v4;
	v9 =	vld [tilespmem:s0+$0xA030]  }
0x265: {  	v1 =	vadd.f32 v1, v6;
	v4 =	vld [tilespmem:s0+$0xA010]  }
0x266: {  	v0 =	vadd.f32 v3, v0;
	v14 =	vld [tilespmem:s0+$0xE060]  }
0x267: {  	v1 =	vadd.f32 v11, v1;
	v3 =	vld [tilespmem:s0+$0x10060]  }
0x268: {  	v0 =	vadd.f32 v2, v0;
	v6 =	vld [tilespmem:s0+$0xA050]  }
0x269: {  	v2 =	vld [tilespmem:s0+$0xA020];
	[tilespmem:s26+$0x12010] =	vst v1  }
0x26a: {  	v11 =	vld [tilespmem:s0+$0xC040];
	[tilespmem:s26+$0x12020] =	vst v0;
	s26 =	smov.u32 s0  }
0x26b: {  	v20 =	vld [tilespmem:s26+$0xA040]  }
0x26c: {  	v27 =	vld [tilespmem:s26+$0xA070]  }
0x26d: {  	v28 =	vld [tilespmem:s26+$0xC000]  }
0x26e: {  	v1 =	vld [tilespmem:s26+$0xA000]  }
0x26f: {  	v29 =	vld [tilespmem:s26+$0xA060]  }
0x270: {  	v13 =	vld.idx.msk [tilespmem:v13+s16+$0x0], $0xffff  }
0x271: {  	v19 =	vld.idx.msk [tilespmem:v19+s16+$0x0], $0xffff  }
0x272: {  	v7 =	vld.idx.msk [tilespmem:v7+s16+$0x0], $0xffff  }
0x273: {  	v18 =	vld.idx.msk [tilespmem:v18+s16+$0x0], $0xffff  }
0x274: {  	v0 =	vld.idx.msk [tilespmem:v12+s16+$0x0], $0xffff  }
0x275: {  	v26 =	vld.idx.msk [tilespmem:v26+s16+$0x0], $0xffff  }
0x276: {  	v12 =	vmul.f32 v1, v13;
	v9 =	vmul.f32 v9, v13;
	v1 =	vld.idx.msk [tilespmem:v15+s16+$0x0], $0xffff  }
0x277: {  	v6 =	vmul.f32 v6, v19;
	v15 =	vmul.f32 v27, v19;
	v16 =	vld.idx.msk [tilespmem:v16+s16+$0x0], $0xffff  }
0x278: {  	v4 =	vmul.f32 v4, v13;
	v20 =	vmul.f32 v20, v19;
	v27 =	vld [tilespmem:s26+$0xE000]  }
0x279: {  	v2 =	vmul.f32 v2, v13;
	v30 =	vadd.f32 v15, v9;
	v9 =	vmul.f32 v11, v18;
	v11 =	vld [tilespmem:s26+$0xC010]  }
0x27a: {  	v6 =	vadd.f32 v6, v4;
	v4 =	vmul.f32 v28, v7;
	v15 =	vmul.f32 v23, v0;
	v13 =	vld [tilespmem:s26+$0xC050]  }
0x27b: {  	v12 =	vadd.f32 v20, v12;
	v10 =	vmul.f32 v10, v18;
	v21 =	vmul.f32 v21, v26;
	v20 =	vld [tilespmem:s26+$0xE040]  }
0x27c: {  	v19 =	vmul.f32 v29, v19;
	v9 =	vadd.f32 v9, v4;
	v23 =	vmul.f32 v5, v1;
	v28 =	vld [tilespmem:s26+$0x10070]  }
0x27d: {  	v5 =	vmul.f32 v8, v7;
	v25 =	vmul.f32 v25, v16;
	v8 =	vld [tilespmem:s26+$0x10000]  }
0x27e: {  	v17 =	vmul.f32 v17, v7;
	v4 =	vadd.f32 v19, v2;
	v2 =	vmul.f32 v11, v7;
	v19 =	vld [tilespmem:s26+$0xE070]  }
0x27f: {  	v3 =	vmul.f32 v3, v16;
	v7 =	vadd.f32 v10, v5;
	v11 =	vmul.f32 v13, v18;
	v10 =	vld [tilespmem:s26+$0xE030]  }
0x280: {  	v22 =	vmul.f32 v22, v1;
	v5 =	vadd.f32 v9, v12;
	v9 =	vmul.f32 v24, v18;
	v18 =	vld [tilespmem:s26+$0x10050]  }
0x281: {  	v13 =	vmul.f32 v20, v26;
	v12 =	vadd.f32 v11, v2;
	v11 =	vmul.f32 v27, v0  }
.Ltmp3:
0x282: {  	v3 =	vadd.f32 v3, v23;
	v23 =	vmul.f32 v28, v16;
	v20 =	vmul.f32 v8, v1;
	v2 =	vld [tilespmem:s26+$0x12020];
	(pc) =	sbr.rel @p0 .LBB2_8-.Ltmp3, $4  }
0x283: {  	v15 =	vadd.f32 v21, v15;
	v6 =	vadd.f32 v12, v6;
	v19 =	vmul.f32 v19, v26;
	v8 =	vld [tilespmem:s26+$0x12000]  }
0x284: {  	v21 =	vadd.f32 v9, v17;
	v24 =	vmul.f32 v10, v0;
	v12 =	vadd.f32 v25, v20;
	v10 =	vld [tilespmem:s26+$0x10010]  }
0x285: {  	v17 =	vadd.f32 v23, v22;
	v6 =	vadd.f32 v15, v6;
	v15 =	vld [tilespmem:s26+$0xE020];
	v9 =	vmul.f32 v18, v16  }
0x286: {  	s31 =	sadd.s32 $0x1, s31;
	v14 =	vmul.f32 v14, v26;
	v18 =	vadd.f32 v21, v30;
	v19 =	vadd.f32 v19, v24;
	v16 =	vld [tilespmem:s26+$0x12030]  }
0x287: {  	_ =	sdelay $0x2  }
0x288: {  	v11 =	vadd.f32 v13, v11;
	v0 =	vmul.f32 v15, v0  }
0x289: {  	v4 =	vadd.f32 v7, v4;
	v61 =	vadd.f32 v19, v18;
	v1 =	vmul.f32 v10, v1  }
0x28a: {  	v62 =	vld [tilespmem:s26+$0x12010];
	v5 =	vadd.f32 v11, v5;
	v0 =	vadd.f32 v14, v0  }
0x28b: {  	v7 =	vadd.f32 v17, v61;
	v1 =	vadd.f32 v9, v1  }
0x28c: {  	v5 =	vadd.f32 v12, v5;
	v0 =	vadd.f32 v0, v4  }
0x28d: {  	v63 =	vadd.f32 v16, v7;
	v1 =	vadd.f32 v1, v6  }
0x28e: {  	v5 =	vadd.f32 v8, v5;
	v0 =	vadd.f32 v3, v0  }
0x28f: {  	[tilespmem:s26+$0x12030] =	vst v63;
	v1 =	vadd.f32 v62, v1  }
0x290: {  	s22 =	sadd.s32 $0x1, s22;
	[tilespmem:s26+$0x12000] =	vst v5;
	v0 =	vadd.f32 v2, v0  }
0x291: {  	p0 =	sne.s32 s22, s12;
	[tilespmem:s26+$0x12010] =	vst v1  }
.Ltmp4:
0x292: {  	[tilespmem:s26+$0x12020] =	vst v0;
	(pc) =	sbr.rel @p0 .LBB2_1-.Ltmp4, $4  }
0x293: {  	[hbm4b:s11+s2] =	stream.linear.scatter [tilespmem:s17], [sflag:$0x4], $0x2000, $0x38;
	[tilespmem:$0x14000] =	vst v63  }
0x294: {  	_ =	swait.ge [sflag:s20], $0x2000  }
0x295: {  	[sflag:s20] =	ssyncset.done $0x0  }
0x296: {  	[sflag:s20] =	ssyncadd.s32 $0xFFFFE000  }
0x297: {  	_ =	sfence.sel $0x180000  }
0x298: {  	[bflag:$0x0] =	sbarrier.arrive $0xFFFF  }
0x299: {  	_ =	strace $0x90000047  }
0x29a: {  	s0 =	stileid.u32;
	[bflag:$0x2] =	sbarrier.arrive $0xFFFF  }
0x29b: {  	p0 =	sne.s32 s0, $0x0;
	s0 =	rddreg [dreg:$0x2]  }
0x29c: {  	s0 =	sadd.s32 @!p0 $0x100000, s0  }
0x29d: {  	[sflag:s0] =	ssyncadd.tile.s32 @!p0 $0x1;
	_ =	shalt  }
.Lfunc_end2:
_tile_overlayer_lowered:
.L_overlay_start_2:
0x29e: {  	(tag) =	ssettag $0x2  }
0x29f: {  	s0 =	rddreg [dreg:$0x0];
	s2 =	stileid.u32  }
0x2a0: {  	s1 =	rddreg [dreg:$0x1];
	p0 =	sne.s32 s2, $0x0  }
0x2a1: {  	s3 =	rddreg [dreg:$0x2];
	[bflag:$0x3] =	sbarrier.arrive $0xFFFF;
	s2 =	simm.s32 @!p0 $0x1C04  }
0x2a2: {  	[timem:s3], [sflag:s2] =	dma.local @!p0 [hbm:s0], s1  }
0x2a3: {  	s0 =	simm.s32 @!p0 $0x4  }
0x2a4: {  	_ =	swait.ge @!p0 [sflag:s0], s1  }
0x2a5: {  	s1 =	ssub.s32 @!p0 $0x0, s1;
	[sflag:s0] =	ssyncset.done @!p0 $0x0  }
0x2a6: {  	[sflag:s0] =	ssyncadd.s32 @!p0 s1  }
0x2a7: {  	[bflag:$0x3] =	sbarrier.arrive $0xFFFF  }
0x2a8: {  	_ =	shalt  }

</sc_bundles>
